<compile_context>
chip_gen: v7x
topology: tpu7x:2x2x1
jax: 0.10.2.dev20260603
libtpu: 0.0.44.dev20260713+nightly
codegen_flags: <defaults>
</compile_context>

<pallas_src>
import jax
import jax.numpy as jnp
from jax import lax
from jax.experimental import pallas as pl
from jax.experimental.pallas import tpu as pltpu
from jax.experimental.pallas import tpu_sc as plsc

N_NODES = 50000
NPAD = 51200
EPAD = 1605632
R_EDGE = EPAD // 128
RPW = 392
CH = 4
NCH = RPW // CH
DCH = 28
DNCH = RPW // DCH
SLICE = NPAD // 16

_mesh = plsc.VectorSubcoreMesh(core_axis_name="c", subcore_axis_name="s")


def _splat(vec16, lane):
    return jnp.zeros((16,), jnp.float32) + vec16[lane]



def _deg_body(col_ref, ew_ref, out_ref, zb, col_v, ew_v, deg_sp, sem, sem2):
    c = lax.axis_index("c")
    s = lax.axis_index("s")
    w = s * 2 + c

    def zloop(i, _):
        zb[pl.ds(i * 16, 16)] = jnp.zeros((16,), jnp.float32)
        return 0
    lax.fori_loop(0, SLICE // 16, zloop, 0)
    pltpu.sync_copy(zb, deg_sp.at[pl.ds(s * SLICE, SLICE)])
    plsc.subcore_barrier()

    base = w * RPW

    def chunk(i, _):
        r0 = base + i * DCH
        din = [pltpu.async_copy(col_ref.at[pl.ds(r0, DCH), :], col_v, sem2),
               pltpu.async_copy(ew_ref.at[pl.ds(r0, DCH), :], ew_v, sem2)]
        for d in din:
            d.wait()
        descs = [pltpu.async_copy(ew_v.at[j], deg_sp.at[col_v.at[j]],
                                  sem, add=True) for j in range(DCH)]
        for d in descs:
            d.wait()
        return 0
    lax.fori_loop(0, DNCH, chunk, 0)
    plsc.subcore_barrier()

    pltpu.sync_copy(deg_sp.at[pl.ds(s * SLICE, SLICE)],
                    out_ref.at[pl.ds(c * NPAD + s * SLICE, SLICE)])


def _deg_call(col_p, ew_p):
    return pl.kernel(
        _deg_body,
        out_type=jax.ShapeDtypeStruct((2 * NPAD,), jnp.float32),
        mesh=_mesh,
        compiler_params=pltpu.CompilerParams(use_tc_tiling_on_sc=False),
        scratch_types=[
            pltpu.VMEM((SLICE,), jnp.float32),
            pltpu.VMEM((DCH, 128), jnp.int32),
            pltpu.VMEM((DCH, 128), jnp.float32),
            pltpu.VMEM_SHARED((NPAD,), jnp.float32),
            pltpu.SemaphoreType.DMA,
            pltpu.SemaphoreType.DMA,
        ],
    )(col_p, ew_p)



def _agg_body(row_ref, col_ref, ew_ref, y_ref, out_ref,
              row_v, col_v, ew_v, rows_v, zb, acc_sp, sem, sem2):
    c = lax.axis_index("c")
    s = lax.axis_index("s")
    w = s * 2 + c

    def z1(i, _):
        zb[i, pl.ds(0, 16)] = jnp.zeros((16,), jnp.float32)
        zb[i, pl.ds(16, 16)] = jnp.zeros((16,), jnp.float32)
        return 0
    lax.fori_loop(0, 128, z1, 0)

    dz = [pltpu.async_copy(zb, acc_sp.at[pl.ds(s * SLICE + i * 128, 128), :],
                           sem) for i in range(SLICE // 128)]
    for d in dz:
        d.wait()
    plsc.subcore_barrier()

    base = w * RPW

    def chunk(i, _):
        r0 = base + i * CH
        din = [pltpu.async_copy(row_ref.at[pl.ds(r0, CH), :], row_v, sem2),
               pltpu.async_copy(col_ref.at[pl.ds(r0, CH), :], col_v, sem2),
               pltpu.async_copy(ew_ref.at[pl.ds(r0, CH), :], ew_v, sem2)]
        for d in din:
            d.wait()
        descs = [pltpu.async_copy(y_ref.at[row_v.at[j]], rows_v.at[j], sem)
                 for j in range(CH)]
        descs2 = []
        for j in range(CH):
            descs[j].wait()

            def grp(g, _):
                ewv = ew_v[j, pl.ds(g * 16, 16)]
                for l in range(16):
                    sv = _splat(ewv, l)
                    e = g * 16 + l
                    rows_v[j, e, pl.ds(0, 16)] = rows_v[j, e, pl.ds(0, 16)] * sv
                    rows_v[j, e, pl.ds(16, 16)] = rows_v[j, e, pl.ds(16, 16)] * sv
                return 0
            lax.fori_loop(0, 8, grp, 0)
            descs2.append(pltpu.async_copy(rows_v.at[j], acc_sp.at[col_v.at[j]],
                                           sem2, add=True))
        for d in descs2:
            d.wait()
        return 0
    lax.fori_loop(0, NCH, chunk, 0)
    plsc.subcore_barrier()

    pltpu.sync_copy(acc_sp.at[pl.ds(s * SLICE, SLICE), :],
                    out_ref.at[c, pl.ds(s * SLICE, SLICE), :])


def _agg_call(row_p, col_p, ew_p, y):
    return pl.kernel(
        _agg_body,
        out_type=jax.ShapeDtypeStruct((2, NPAD, 32), jnp.float32),
        mesh=_mesh,
        compiler_params=pltpu.CompilerParams(use_tc_tiling_on_sc=False),
        scratch_types=[
            pltpu.VMEM((CH, 128), jnp.int32),
            pltpu.VMEM((CH, 128), jnp.int32),
            pltpu.VMEM((CH, 128), jnp.float32),
            pltpu.VMEM((CH, 128, 32), jnp.float32),
            pltpu.VMEM((128, 32), jnp.float32),
            pltpu.VMEM_SHARED((NPAD, 32), jnp.float32),
            pltpu.SemaphoreType.DMA,
            pltpu.SemaphoreType.DMA,
        ],
    )(row_p, col_p, ew_p, y)



def _mid_body(degp_ref, h_ref, wc_ref, xw_ref, y_ref):
    deg = 1.0 + jnp.sum(degp_ref[...], axis=0)
    dis = lax.rsqrt(deg)[:, None]
    xw = jnp.dot(h_ref[...], wc_ref[...], preferred_element_type=jnp.float32)
    xw_ref[...] = xw
    y_ref[...] = jnp.concatenate(
        [xw * dis, dis, jnp.zeros((xw.shape[0], 1), jnp.float32)], axis=1)


def _mid_call(degp, h_pad, Wc):
    BLK = 1024
    return pl.pallas_call(
        _mid_body,
        grid=(NPAD // BLK,),
        in_specs=[
            pl.BlockSpec((2, BLK), lambda i: (0, i)),
            pl.BlockSpec((BLK, 30), lambda i: (i, 0)),
            pl.BlockSpec((30, 30), lambda i: (0, 0)),
        ],
        out_specs=[
            pl.BlockSpec((BLK, 30), lambda i: (i, 0)),
            pl.BlockSpec((BLK, 32), lambda i: (i, 0)),
        ],
        out_shape=[
            jax.ShapeDtypeStruct((NPAD, 30), jnp.float32),
            jax.ShapeDtypeStruct((NPAD, 32), jnp.float32),
        ],
    )(degp, h_pad, Wc)



def _head_body(accp_ref, xw_ref, y_ref, bc_ref,
               w1_ref, b1_ref, w2_ref, b2_ref, w3_ref, b3_ref, o_ref):
    acc = accp_ref[0] + accp_ref[1]
    d = y_ref[:, 30:31]
    x = d * acc[:, :30] + (d * d) * xw_ref[...] + bc_ref[...]
    x = jnp.maximum(x, 0.0)
    y = jnp.maximum(jnp.dot(x, w1_ref[...], preferred_element_type=jnp.float32) + b1_ref[...], 0.0)
    y = jnp.maximum(jnp.dot(y, w2_ref[...], preferred_element_type=jnp.float32) + b2_ref[...], 0.0)
    o_ref[...] = jnp.dot(y, w3_ref[...], preferred_element_type=jnp.float32) + b3_ref[...]


def _head_call(accp, xw_p, y_p, bc, W1, b1, W2, b2, W3, b3):
    BLK = 1024
    full = lambda shape: pl.BlockSpec(shape, lambda i: (0,) * len(shape))
    return pl.pallas_call(
        _head_body,
        grid=(NPAD // BLK,),
        in_specs=[
            pl.BlockSpec((2, BLK, 32), lambda i: (0, i, 0)),
            pl.BlockSpec((BLK, 30), lambda i: (i, 0)),
            pl.BlockSpec((BLK, 32), lambda i: (i, 0)),
            full((1, 30)),
            full((30, 10)), full((1, 10)),
            full((10, 10)), full((1, 10)),
            full((10, 10)), full((1, 10)),
        ],
        out_specs=pl.BlockSpec((BLK, 10), lambda i: (i, 0)),
        out_shape=jax.ShapeDtypeStruct((NPAD, 10), jnp.float32),
    )(accp, xw_p, y_p, bc.reshape(1, 30), W1, b1.reshape(1, 10),
      W2, b2.reshape(1, 10), W3, b3.reshape(1, 10))



def kernel(h, edge_index, edge_weight, Wc, bc, W1, b1, W2, b2, W3, b3):
    N = h.shape[0]
    E = edge_weight.shape[0]
    pad = EPAD - E
    pidx = (lax.iota(jnp.int32, pad) * 97) % N
    row_p = jnp.concatenate([edge_index[0], pidx]).reshape(R_EDGE, 128)
    col_p = jnp.concatenate([edge_index[1], pidx]).reshape(R_EDGE, 128)
    ew_p = jnp.concatenate(
        [edge_weight, jnp.zeros((pad,), jnp.float32)]).reshape(R_EDGE, 128)

    degp = _deg_call(col_p, ew_p).reshape(2, NPAD)
    h_pad = jnp.pad(h, ((0, NPAD - N), (0, 0)))
    xw_p, y_p = _mid_call(degp, h_pad, Wc)
    accp = _agg_call(row_p, col_p, ew_p, y_p)
    out = _head_call(accp, xw_p, y_p, bc, W1, b1, W2, b2, W3, b3)
    return out[:N]

# --- scband reference (transcript-rebuilt; emitter-appended) ---
"""Pipeline reference for scband-gcn-15375982919976 (READ-ONLY COPY).

The authoritative reference and input builder live on the scoring server;
editing this copy changes nothing except your own understanding.
"""

import jax, jax.numpy as jnp
import numpy as np

N_NODES = 50000
N_EDGES = 1600000


def setup_inputs(seed: int = 0) -> dict:
    key = jax.random.key(seed)
    ks = jax.random.split(key, 12)
    h = jax.random.normal(ks[0], (N_NODES, 30), dtype=jnp.float32)
    edge_index = jax.random.randint(ks[1], (2, N_EDGES), 0, N_NODES, dtype=jnp.int64 if jax.config.jax_enable_x64 else jnp.int32).astype(jnp.int32)
    edge_weight = jax.random.uniform(ks[2], (N_EDGES,), dtype=jnp.float32)
    # GCNConv(30, 30) weight + bias
    Wc = jax.random.normal(ks[3], (30, 30), dtype=jnp.float32) * (1.0 / np.sqrt(30))
    bc = jnp.zeros((30,), dtype=jnp.float32)
    # fc layers
    W1 = jax.random.normal(ks[4], (30, 10), dtype=jnp.float32) * (1.0 / np.sqrt(30))
    b1 = jnp.zeros((10,), dtype=jnp.float32)
    W2 = jax.random.normal(ks[5], (10, 10), dtype=jnp.float32) * (1.0 / np.sqrt(10))
    b2 = jnp.zeros((10,), dtype=jnp.float32)
    W3 = jax.random.normal(ks[6], (10, 10), dtype=jnp.float32) * (1.0 / np.sqrt(10))
    b3 = jnp.zeros((10,), dtype=jnp.float32)
    return {"h": h, "edge_index": edge_index, "edge_weight": edge_weight,
            "Wc": Wc, "bc": bc, "W1": W1, "b1": b1, "W2": W2, "b2": b2, "W3": W3, "b3": b3}


def gcn_conv(x, edge_index, edge_weight, Wc, bc):
    # PyG GCNConv with add_self_loops=True, normalize=True, improved=False
    N = x.shape[0]
    row = edge_index[0]
    col = edge_index[1]
    loop = jnp.arange(N, dtype=row.dtype)
    row = jnp.concatenate([row, loop])
    col = jnp.concatenate([col, loop])
    ew = jnp.concatenate([edge_weight, jnp.ones((N,), dtype=edge_weight.dtype)])
    # symmetric normalization: deg computed on target (col)
    deg = jnp.zeros((N,), dtype=ew.dtype).at[col].add(ew)
    deg_inv_sqrt = jnp.where(deg > 0, deg ** -0.5, 0.0)
    norm = deg_inv_sqrt[row] * ew * deg_inv_sqrt[col]
    # linear transform then propagate (scatter-add messages from source row to target col)
    xw = x @ Wc
    msgs = xw[row] * norm[:, None]
    out = jnp.zeros_like(xw).at[col].add(msgs)
    return out + bc


def reference(h, edge_index, edge_weight, Wc, bc, W1, b1, W2, b2, W3, b3):
    x = gcn_conv(h, edge_index, edge_weight, Wc, bc)
    x = jax.nn.relu(x)
    x = jax.nn.relu(x @ W1 + b1)
    x = jax.nn.relu(x @ W2 + b2)
    x = x @ W3 + b3
    return x

if __name__ == "__main__":
    import jax
    _d = setup_inputs()
    print(jax.jit(kernel)(*tuple(_d.values())))

</pallas_src>

<mosaic_0001>
#map = affine_map<(d0, d1) -> (0, 0)>
#map1 = affine_map<(d0, d1) -> (0)>
module attributes {stable_mosaic.version = 14 : i64} {
  func.func @_deg_body(%arg0: i32, %arg1: i32, %arg2: memref<12544x128xi32, #tpu.memory_space<hbm>>, %arg3: memref<12544x128xf32, #tpu.memory_space<hbm>>, %arg4: memref<102400xf32, #tpu.memory_space<hbm>>, %arg5: memref<3200xf32, #tpu.memory_space<vmem>>, %arg6: memref<28x128xi32, #tpu.memory_space<vmem>>, %arg7: memref<28x128xf32, #tpu.memory_space<vmem>>, %arg8: memref<51200xf32, #tpu.memory_space<vmem_shared>>, %arg9: memref<!tpu.dma_semaphore, #tpu.memory_space<semaphore_mem>>, %arg10: memref<!tpu.dma_semaphore, #tpu.memory_space<semaphore_mem>>) attributes {dimension_semantics = [#tpu.dimension_semantics<core_parallel>, #tpu.dimension_semantics<subcore_parallel>], iteration_bounds = array<i64: 2, 16>, scalar_prefetch = 0 : i64, scratch_operands = 6 : i64, tpu.core_type = #tpu.core_type<sc_vector_subcore>, window_params = [{transform_indices = #map}, {transform_indices = #map}, {transform_indices = #map1}]} {
    %mul3A = arith.constant 2 : i32
    %mul3A_0 = arith.muli %arg1, %mul3A : i32
    %add3A = arith.addi %mul3A_0, %arg0 : i32
    %scan3A = arith.constant 0 : i32
    %scan3A_1 = arith.constant 0 : i32
    %scan3A_2 = arith.constant 200 : i32
    %scan3A_3 = arith.addi %scan3A_1, %scan3A_2 : i32
    %scan3A_4 = arith.constant 1 : i32
    %scan3A_5 = scf.for %scan3A_26 = %scan3A_1 to %scan3A_3 step %scan3A_4 iter_args(%scan3A_27 = %scan3A) -> (i32)  : i32 {
      %broadcast_in_dim3A = arith.constant 0.000000e+00 : f32
      %broadcast_in_dim3A_28 = vector.broadcast %broadcast_in_dim3A : f32 to vector<16xf32>
      %mul3A_29 = arith.constant 16 : i32
      %mul3A_30 = arith.muli %scan3A_26, %mul3A_29 : i32
      %swap3A = arith.index_cast %mul3A_30 : i32 to index
      %swap3A_31 = tpu.vector_load %arg5[%swap3A] {strides = array<i32>} : memref<3200xf32, #tpu.memory_space<vmem>>, vector<16xf32>,
      %swap3A_32 = vector.shape_cast %swap3A_31 : vector<16xf32> to vector<16xf32>
      %swap3A_33 = vector.shape_cast %broadcast_in_dim3A_28 : vector<16xf32> to vector<16xf32>
      tpu.vector_store %arg5[%swap3A], %swap3A_33 {strides = array<i32>} : memref<3200xf32, #tpu.memory_space<vmem>>, vector<16xf32>,
      %scan3A_34 = arith.constant 0 : i32
      scf.yield %scan3A_34 : i32
    }
    %scan3A_6 = arith.constant 200 : i32
    %mul3A_7 = arith.constant 3200 : i32
    %mul3A_8 = arith.muli %arg1, %mul3A_7 : i32
    "tpu.region"() ({
      %run_scoped3A = tpu.sem_alloc : memref<!tpu.dma_semaphore, #tpu.memory_space<semaphore_mem>>
      %dma_start3A = tpu.memref_slice %arg8[%mul3A_8] : memref<51200xf32, #tpu.memory_space<vmem_shared>> -> memref<3200xf32, #tpu.memory_space<vmem_shared>>
      %dma_start3A_26 = tpu.memref_slice %arg8[%mul3A_8] : memref<51200xf32, #tpu.memory_space<vmem_shared>> -> memref<3200xf32, #tpu.memory_space<vmem_shared>>
      tpu.enqueue_dma source(%arg5 : memref<3200xf32, #tpu.memory_space<vmem>>) target(%dma_start3A_26 : memref<3200xf32, #tpu.memory_space<vmem_shared>>) target_semaphore(%run_scoped3A : memref<!tpu.dma_semaphore, #tpu.memory_space<semaphore_mem>>)
      %dma_wait3A = tpu.memref_slice %arg8[%mul3A_8] : memref<51200xf32, #tpu.memory_space<vmem_shared>> -> memref<3200xf32, #tpu.memory_space<vmem_shared>>
      %dma_wait3A_27 = tpu.memref_slice %arg8[%mul3A_8] : memref<51200xf32, #tpu.memory_space<vmem_shared>> -> memref<3200xf32, #tpu.memory_space<vmem_shared>>
      tpu.wait_dma2 semaphore(%run_scoped3A : memref<!tpu.dma_semaphore, #tpu.memory_space<semaphore_mem>>) src(%arg5 : memref<3200xf32, #tpu.memory_space<vmem>>) dst(%dma_wait3A_27 : memref<3200xf32, #tpu.memory_space<vmem_shared>>)
      tpu.yield
    }) : () -> ()
    %barrier3A = arith.constant 0 : index
    tpu.barrier barrier_id(%barrier3A)
    %mul3A_9 = arith.constant 392 : i32
    %mul3A_10 = arith.muli %add3A, %mul3A_9 : i32
    %scan3A_11 = arith.constant 0 : i32
    %scan3A_12 = arith.constant 0 : i32
    %scan3A_13 = arith.constant 14 : i32
    %scan3A_14 = arith.addi %scan3A_12, %scan3A_13 : i32
    %scan3A_15 = arith.constant 1 : i32
    %scan3A_16 = scf.for %scan3A_26 = %scan3A_12 to %scan3A_14 step %scan3A_15 iter_args(%scan3A_27 = %scan3A_11) -> (i32)  : i32 {
      %mul3A_28 = arith.constant 28 : i32
      %mul3A_29 = arith.muli %scan3A_26, %mul3A_28 : i32
      %add3A_30 = arith.addi %mul3A_10, %mul3A_29 : i32
      %dma_start3A = arith.constant 0 : i32
      %dma_start3A_31 = tpu.memref_slice %arg2[%add3A_30, %dma_start3A] : memref<12544x128xi32, #tpu.memory_space<hbm>> -> memref<28x128xi32, #tpu.memory_space<hbm>>
      %dma_start3A_32 = arith.constant 0 : i32
      %dma_start3A_33 = tpu.memref_slice %arg2[%add3A_30, %dma_start3A_32] : memref<12544x128xi32, #tpu.memory_space<hbm>> -> memref<28x128xi32, #tpu.memory_space<hbm>>
      tpu.enqueue_dma source(%dma_start3A_33 : memref<28x128xi32, #tpu.memory_space<hbm>>) target(%arg6 : memref<28x128xi32, #tpu.memory_space<vmem>>) target_semaphore(%arg10 : memref<!tpu.dma_semaphore, #tpu.memory_space<semaphore_mem>>)
      %dma_start3A_34 = arith.constant 0 : i32
      %dma_start3A_35 = tpu.memref_slice %arg3[%add3A_30, %dma_start3A_34] : memref<12544x128xf32, #tpu.memory_space<hbm>> -> memref<28x128xf32, #tpu.memory_space<hbm>>
      %dma_start3A_36 = arith.constant 0 : i32
      %dma_start3A_37 = tpu.memref_slice %arg3[%add3A_30, %dma_start3A_36] : memref<12544x128xf32, #tpu.memory_space<hbm>> -> memref<28x128xf32, #tpu.memory_space<hbm>>
      tpu.enqueue_dma source(%dma_start3A_37 : memref<28x128xf32, #tpu.memory_space<hbm>>) target(%arg7 : memref<28x128xf32, #tpu.memory_space<vmem>>) target_semaphore(%arg10 : memref<!tpu.dma_semaphore, #tpu.memory_space<semaphore_mem>>)
      %dma_wait3A = arith.constant 0 : i32
      %dma_wait3A_38 = tpu.memref_slice %arg2[%add3A_30, %dma_wait3A] : memref<12544x128xi32, #tpu.memory_space<hbm>> -> memref<28x128xi32, #tpu.memory_space<hbm>>
      %dma_wait3A_39 = arith.constant 0 : i32
      %dma_wait3A_40 = tpu.memref_slice %arg2[%add3A_30, %dma_wait3A_39] : memref<12544x128xi32, #tpu.memory_space<hbm>> -> memref<28x128xi32, #tpu.memory_space<hbm>>
      tpu.wait_dma2 semaphore(%arg10 : memref<!tpu.dma_semaphore, #tpu.memory_space<semaphore_mem>>) src(%dma_wait3A_40 : memref<28x128xi32, #tpu.memory_space<hbm>>) dst(%arg6 : memref<28x128xi32, #tpu.memory_space<vmem>>)
      %dma_wait3A_41 = arith.constant 0 : i32
      %dma_wait3A_42 = tpu.memref_slice %arg3[%add3A_30, %dma_wait3A_41] : memref<12544x128xf32, #tpu.memory_space<hbm>> -> memref<28x128xf32, #tpu.memory_space<hbm>>
      %dma_wait3A_43 = arith.constant 0 : i32
      %dma_wait3A_44 = tpu.memref_slice %arg3[%add3A_30, %dma_wait3A_43] : memref<12544x128xf32, #tpu.memory_space<hbm>> -> memref<28x128xf32, #tpu.memory_space<hbm>>
      tpu.wait_dma2 semaphore(%arg10 : memref<!tpu.dma_semaphore, #tpu.memory_space<semaphore_mem>>) src(%dma_wait3A_44 : memref<28x128xf32, #tpu.memory_space<hbm>>) dst(%arg7 : memref<28x128xf32, #tpu.memory_space<vmem>>)
      %dma_start3A_45 = arith.constant 0 : i32
      %dma_start3A_46 = arith.constant 0 : i32
      %dma_start3A_47 = arith.constant 0 : i32
      %dma_start3A_48 = tpu.memref_slice %arg7[%dma_start3A_45, %dma_start3A_47] : memref<28x128xf32, #tpu.memory_space<vmem>> -> memref<1x128xf32, #tpu.memory_space<vmem>>
      %dma_start3A_49 = tpu.memref_squeeze %dma_start3A_48 : memref<1x128xf32, #tpu.memory_space<vmem>> -> memref<128xf32, #tpu.memory_space<vmem>>
      %dma_start3A_50 = arith.constant 0 : i32
      %dma_start3A_51 = tpu.memref_slice %arg6[%dma_start3A_46, %dma_start3A_50] : memref<28x128xi32, #tpu.memory_space<vmem>> -> memref<1x128xi32, #tpu.memory_space<vmem>>
      %dma_start3A_52 = tpu.memref_squeeze %dma_start3A_51 : memref<1x128xi32, #tpu.memory_space<vmem>> -> memref<128xi32, #tpu.memory_space<vmem>>
      %dma_start3A_53 = arith.constant 0 : i32
      %dma_start3A_54 = tpu.memref_slice %arg8[%dma_start3A_53] : memref<51200xf32, #tpu.memory_space<vmem_shared>> -> memref<51200xf32, #tpu.memory_space<vmem_shared>>
      tpu.enqueue_indirect_dma source(%dma_start3A_49 : memref<128xf32, #tpu.memory_space<vmem>>) target(%dma_start3A_54 : memref<51200xf32, #tpu.memory_space<vmem_shared>>) offsets(%dma_start3A_52 : memref<128xi32, #tpu.memory_space<vmem>>) semaphore(%arg9 : memref<!tpu.dma_semaphore, #tpu.memory_space<semaphore_mem>>) {add = true}
      %dma_start3A_55 = arith.constant 1 : i32
      %dma_start3A_56 = arith.constant 1 : i32
      %dma_start3A_57 = arith.constant 0 : i32
      %dma_start3A_58 = tpu.memref_slice %arg7[%dma_start3A_55, %dma_start3A_57] : memref<28x128xf32, #tpu.memory_space<vmem>> -> memref<1x128xf32, #tpu.memory_space<vmem>>
      %dma_start3A_59 = tpu.memref_squeeze %dma_start3A_58 : memref<1x128xf32, #tpu.memory_space<vmem>> -> memref<128xf32, #tpu.memory_space<vmem>>
      %dma_start3A_60 = arith.constant 0 : i32
      %dma_start3A_61 = tpu.memref_slice %arg6[%dma_start3A_56, %dma_start3A_60] : memref<28x128xi32, #tpu.memory_space<vmem>> -> memref<1x128xi32, #tpu.memory_space<vmem>>
      %dma_start3A_62 = tpu.memref_squeeze %dma_start3A_61 : memref<1x128xi32, #tpu.memory_space<vmem>> -> memref<128xi32, #tpu.memory_space<vmem>>
      %dma_start3A_63 = arith.constant 0 : i32
      %dma_start3A_64 = tpu.memref_slice %arg8[%dma_start3A_63] : memref<51200xf32, #tpu.memory_space<vmem_shared>> -> memref<51200xf32, #tpu.memory_space<vmem_shared>>
      tpu.enqueue_indirect_dma source(%dma_start3A_59 : memref<128xf32, #tpu.memory_space<vmem>>) target(%dma_start3A_64 : memref<51200xf32, #tpu.memory_space<vmem_shared>>) offsets(%dma_start3A_62 : memref<128xi32, #tpu.memory_space<vmem>>) semaphore(%arg9 : memref<!tpu.dma_semaphore, #tpu.memory_space<semaphore_mem>>) {add = true}
      %dma_start3A_65 = arith.constant 2 : i32
      %dma_start3A_66 = arith.constant 2 : i32
      %dma_start3A_67 = arith.constant 0 : i32
      %dma_start3A_68 = tpu.memref_slice %arg7[%dma_start3A_65, %dma_start3A_67] : memref<28x128xf32, #tpu.memory_space<vmem>> -> memref<1x128xf32, #tpu.memory_space<vmem>>
      %dma_start3A_69 = tpu.memref_squeeze %dma_start3A_68 : memref<1x128xf32, #tpu.memory_space<vmem>> -> memref<128xf32, #tpu.memory_space<vmem>>
      %dma_start3A_70 = arith.constant 0 : i32
      %dma_start3A_71 = tpu.memref_slice %arg6[%dma_start3A_66, %dma_start3A_70] : memref<28x128xi32, #tpu.memory_space<vmem>> -> memref<1x128xi32, #tpu.memory_space<vmem>>
      %dma_start3A_72 = tpu.memref_squeeze %dma_start3A_71 : memref<1x128xi32, #tpu.memory_space<vmem>> -> memref<128xi32, #tpu.memory_space<vmem>>
      %dma_start3A_73 = arith.constant 0 : i32
      %dma_start3A_74 = tpu.memref_slice %arg8[%dma_start3A_73] : memref<51200xf32, #tpu.memory_space<vmem_shared>> -> memref<51200xf32, #tpu.memory_space<vmem_shared>>
      tpu.enqueue_indirect_dma source(%dma_start3A_69 : memref<128xf32, #tpu.memory_space<vmem>>) target(%dma_start3A_74 : memref<51200xf32, #tpu.memory_space<vmem_shared>>) offsets(%dma_start3A_72 : memref<128xi32, #tpu.memory_space<vmem>>) semaphore(%arg9 : memref<!tpu.dma_semaphore, #tpu.memory_space<semaphore_mem>>) {add = true}
      %dma_start3A_75 = arith.constant 3 : i32
      %dma_start3A_76 = arith.constant 3 : i32
      %dma_start3A_77 = arith.constant 0 : i32
      %dma_start3A_78 = tpu.memref_slice %arg7[%dma_start3A_75, %dma_start3A_77] : memref<28x128xf32, #tpu.memory_space<vmem>> -> memref<1x128xf32, #tpu.memory_space<vmem>>
      %dma_start3A_79 = tpu.memref_squeeze %dma_start3A_78 : memref<1x128xf32, #tpu.memory_space<vmem>> -> memref<128xf32, #tpu.memory_space<vmem>>
      %dma_start3A_80 = arith.constant 0 : i32
      %dma_start3A_81 = tpu.memref_slice %arg6[%dma_start3A_76, %dma_start3A_80] : memref<28x128xi32, #tpu.memory_space<vmem>> -> memref<1x128xi32, #tpu.memory_space<vmem>>
      %dma_start3A_82 = tpu.memref_squeeze %dma_start3A_81 : memref<1x128xi32, #tpu.memory_space<vmem>> -> memref<128xi32, #tpu.memory_space<vmem>>
      %dma_start3A_83 = arith.constant 0 : i32
      %dma_start3A_84 = tpu.memref_slice %arg8[%dma_start3A_83] : memref<51200xf32, #tpu.memory_space<vmem_shared>> -> memref<51200xf32, #tpu.memory_space<vmem_shared>>
      tpu.enqueue_indirect_dma source(%dma_start3A_79 : memref<128xf32, #tpu.memory_space<vmem>>) target(%dma_start3A_84 : memref<51200xf32, #tpu.memory_space<vmem_shared>>) offsets(%dma_start3A_82 : memref<128xi32, #tpu.memory_space<vmem>>) semaphore(%arg9 : memref<!tpu.dma_semaphore, #tpu.memory_space<semaphore_mem>>) {add = true}
      %dma_start3A_85 = arith.constant 4 : i32
      %dma_start3A_86 = arith.constant 4 : i32
      %dma_start3A_87 = arith.constant 0 : i32
      %dma_start3A_88 = tpu.memref_slice %arg7[%dma_start3A_85, %dma_start3A_87] : memref<28x128xf32, #tpu.memory_space<vmem>> -> memref<1x128xf32, #tpu.memory_space<vmem>>
      %dma_start3A_89 = tpu.memref_squeeze %dma_start3A_88 : memref<1x128xf32, #tpu.memory_space<vmem>> -> memref<128xf32, #tpu.memory_space<vmem>>
      %dma_start3A_90 = arith.constant 0 : i32
      %dma_start3A_91 = tpu.memref_slice %arg6[%dma_start3A_86, %dma_start3A_90] : memref<28x128xi32, #tpu.memory_space<vmem>> -> memref<1x128xi32, #tpu.memory_space<vmem>>
      %dma_start3A_92 = tpu.memref_squeeze %dma_start3A_91 : memref<1x128xi32, #tpu.memory_space<vmem>> -> memref<128xi32, #tpu.memory_space<vmem>>
      %dma_start3A_93 = arith.constant 0 : i32
      %dma_start3A_94 = tpu.memref_slice %arg8[%dma_start3A_93] : memref<51200xf32, #tpu.memory_space<vmem_shared>> -> memref<51200xf32, #tpu.memory_space<vmem_shared>>
      tpu.enqueue_indirect_dma source(%dma_start3A_89 : memref<128xf32, #tpu.memory_space<vmem>>) target(%dma_start3A_94 : memref<51200xf32, #tpu.memory_space<vmem_shared>>) offsets(%dma_start3A_92 : memref<128xi32, #tpu.memory_space<vmem>>) semaphore(%arg9 : memref<!tpu.dma_semaphore, #tpu.memory_space<semaphore_mem>>) {add = true}
      %dma_start3A_95 = arith.constant 5 : i32
      %dma_start3A_96 = arith.constant 5 : i32
      %dma_start3A_97 = arith.constant 0 : i32
      %dma_start3A_98 = tpu.memref_slice %arg7[%dma_start3A_95, %dma_start3A_97] : memref<28x128xf32, #tpu.memory_space<vmem>> -> memref<1x128xf32, #tpu.memory_space<vmem>>
      %dma_start3A_99 = tpu.memref_squeeze %dma_start3A_98 : memref<1x128xf32, #tpu.memory_space<vmem>> -> memref<128xf32, #tpu.memory_space<vmem>>
      %dma_start3A_100 = arith.constant 0 : i32
      %dma_start3A_101 = tpu.memref_slice %arg6[%dma_start3A_96, %dma_start3A_100] : memref<28x128xi32, #tpu.memory_space<vmem>> -> memref<1x128xi32, #tpu.memory_space<vmem>>
      %dma_start3A_102 = tpu.memref_squeeze %dma_start3A_101 : memref<1x128xi32, #tpu.memory_space<vmem>> -> memref<128xi32, #tpu.memory_space<vmem>>
      %dma_start3A_103 = arith.constant 0 : i32
      %dma_start3A_104 = tpu.memref_slice %arg8[%dma_start3A_103] : memref<51200xf32, #tpu.memory_space<vmem_shared>> -> memref<51200xf32, #tpu.memory_space<vmem_shared>>
      tpu.enqueue_indirect_dma source(%dma_start3A_99 : memref<128xf32, #tpu.memory_space<vmem>>) target(%dma_start3A_104 : memref<51200xf32, #tpu.memory_space<vmem_shared>>) offsets(%dma_start3A_102 : memref<128xi32, #tpu.memory_space<vmem>>) semaphore(%arg9 : memref<!tpu.dma_semaphore, #tpu.memory_space<semaphore_mem>>) {add = true}
      %dma_start3A_105 = arith.constant 6 : i32
      %dma_start3A_106 = arith.constant 6 : i32
      %dma_start3A_107 = arith.constant 0 : i32
      %dma_start3A_108 = tpu.memref_slice %arg7[%dma_start3A_105, %dma_start3A_107] : memref<28x128xf32, #tpu.memory_space<vmem>> -> memref<1x128xf32, #tpu.memory_space<vmem>>
      %dma_start3A_109 = tpu.memref_squeeze %dma_start3A_108 : memref<1x128xf32, #tpu.memory_space<vmem>> -> memref<128xf32, #tpu.memory_space<vmem>>
      %dma_start3A_110 = arith.constant 0 : i32
      %dma_start3A_111 = tpu.memref_slice %arg6[%dma_start3A_106, %dma_start3A_110] : memref<28x128xi32, #tpu.memory_space<vmem>> -> memref<1x128xi32, #tpu.memory_space<vmem>>
      %dma_start3A_112 = tpu.memref_squeeze %dma_start3A_111 : memref<1x128xi32, #tpu.memory_space<vmem>> -> memref<128xi32, #tpu.memory_space<vmem>>
      %dma_start3A_113 = arith.constant 0 : i32
      %dma_start3A_114 = tpu.memref_slice %arg8[%dma_start3A_113] : memref<51200xf32, #tpu.memory_space<vmem_shared>> -> memref<51200xf32, #tpu.memory_space<vmem_shared>>
      tpu.enqueue_indirect_dma source(%dma_start3A_109 : memref<128xf32, #tpu.memory_space<vmem>>) target(%dma_start3A_114 : memref<51200xf32, #tpu.memory_space<vmem_shared>>) offsets(%dma_start3A_112 : memref<128xi32, #tpu.memory_space<vmem>>) semaphore(%arg9 : memref<!tpu.dma_semaphore, #tpu.memory_space<semaphore_mem>>) {add = true}
      %dma_start3A_115 = arith.constant 7 : i32
      %dma_start3A_116 = arith.constant 7 : i32
      %dma_start3A_117 = arith.constant 0 : i32
      %dma_start3A_118 = tpu.memref_slice %arg7[%dma_start3A_115, %dma_start3A_117] : memref<28x128xf32, #tpu.memory_space<vmem>> -> memref<1x128xf32, #tpu.memory_space<vmem>>
      %dma_start3A_119 = tpu.memref_squeeze %dma_start3A_118 : memref<1x128xf32, #tpu.memory_space<vmem>> -> memref<128xf32, #tpu.memory_space<vmem>>
      %dma_start3A_120 = arith.constant 0 : i32
      %dma_start3A_121 = tpu.memref_slice %arg6[%dma_start3A_116, %dma_start3A_120] : memref<28x128xi32, #tpu.memory_space<vmem>> -> memref<1x128xi32, #tpu.memory_space<vmem>>
      %dma_start3A_122 = tpu.memref_squeeze %dma_start3A_121 : memref<1x128xi32, #tpu.memory_space<vmem>> -> memref<128xi32, #tpu.memory_space<vmem>>
      %dma_start3A_123 = arith.constant 0 : i32
      %dma_start3A_124 = tpu.memref_slice %arg8[%dma_start3A_123] : memref<51200xf32, #tpu.memory_space<vmem_shared>> -> memref<51200xf32, #tpu.memory_space<vmem_shared>>
      tpu.enqueue_indirect_dma source(%dma_start3A_119 : memref<128xf32, #tpu.memory_space<vmem>>) target(%dma_start3A_124 : memref<51200xf32, #tpu.memory_space<vmem_shared>>) offsets(%dma_start3A_122 : memref<128xi32, #tpu.memory_space<vmem>>) semaphore(%arg9 : memref<!tpu.dma_semaphore, #tpu.memory_space<semaphore_mem>>) {add = true}
      %dma_start3A_125 = arith.constant 8 : i32
      %dma_start3A_126 = arith.constant 8 : i32
      %dma_start3A_127 = arith.constant 0 : i32
      %dma_start3A_128 = tpu.memref_slice %arg7[%dma_start3A_125, %dma_start3A_127] : memref<28x128xf32, #tpu.memory_space<vmem>> -> memref<1x128xf32, #tpu.memory_space<vmem>>
      %dma_start3A_129 = tpu.memref_squeeze %dma_start3A_128 : memref<1x128xf32, #tpu.memory_space<vmem>> -> memref<128xf32, #tpu.memory_space<vmem>>
      %dma_start3A_130 = arith.constant 0 : i32
      %dma_start3A_131 = tpu.memref_slice %arg6[%dma_start3A_126, %dma_start3A_130] : memref<28x128xi32, #tpu.memory_space<vmem>> -> memref<1x128xi32, #tpu.memory_space<vmem>>
      %dma_start3A_132 = tpu.memref_squeeze %dma_start3A_131 : memref<1x128xi32, #tpu.memory_space<vmem>> -> memref<128xi32, #tpu.memory_space<vmem>>
      %dma_start3A_133 = arith.constant 0 : i32
      %dma_start3A_134 = tpu.memref_slice %arg8[%dma_start3A_133] : memref<51200xf32, #tpu.memory_space<vmem_shared>> -> memref<51200xf32, #tpu.memory_space<vmem_shared>>
      tpu.enqueue_indirect_dma source(%dma_start3A_129 : memref<128xf32, #tpu.memory_space<vmem>>) target(%dma_start3A_134 : memref<51200xf32, #tpu.memory_space<vmem_shared>>) offsets(%dma_start3A_132 : memref<128xi32, #tpu.memory_space<vmem>>) semaphore(%arg9 : memref<!tpu.dma_semaphore, #tpu.memory_space<semaphore_mem>>) {add = true}
      %dma_start3A_135 = arith.constant 9 : i32
      %dma_start3A_136 = arith.constant 9 : i32
      %dma_start3A_137 = arith.constant 0 : i32
      %dma_start3A_138 = tpu.memref_slice %arg7[%dma_start3A_135, %dma_start3A_137] : memref<28x128xf32, #tpu.memory_space<vmem>> -> memref<1x128xf32, #tpu.memory_space<vmem>>
      %dma_start3A_139 = tpu.memref_squeeze %dma_start3A_138 : memref<1x128xf32, #tpu.memory_space<vmem>> -> memref<128xf32, #tpu.memory_space<vmem>>
      %dma_start3A_140 = arith.constant 0 : i32
      %dma_start3A_141 = tpu.memref_slice %arg6[%dma_start3A_136, %dma_start3A_140] : memref<28x128xi32, #tpu.memory_space<vmem>> -> memref<1x128xi32, #tpu.memory_space<vmem>>
      %dma_start3A_142 = tpu.memref_squeeze %dma_start3A_141 : memref<1x128xi32, #tpu.memory_space<vmem>> -> memref<128xi32, #tpu.memory_space<vmem>>
      %dma_start3A_143 = arith.constant 0 : i32
      %dma_start3A_144 = tpu.memref_slice %arg8[%dma_start3A_143] : memref<51200xf32, #tpu.memory_space<vmem_shared>> -> memref<51200xf32, #tpu.memory_space<vmem_shared>>
      tpu.enqueue_indirect_dma source(%dma_start3A_139 : memref<128xf32, #tpu.memory_space<vmem>>) target(%dma_start3A_144 : memref<51200xf32, #tpu.memory_space<vmem_shared>>) offsets(%dma_start3A_142 : memref<128xi32, #tpu.memory_space<vmem>>) semaphore(%arg9 : memref<!tpu.dma_semaphore, #tpu.memory_space<semaphore_mem>>) {add = true}
      %dma_start3A_145 = arith.constant 10 : i32
      %dma_start3A_146 = arith.constant 10 : i32
      %dma_start3A_147 = arith.constant 0 : i32
      %dma_start3A_148 = tpu.memref_slice %arg7[%dma_start3A_145, %dma_start3A_147] : memref<28x128xf32, #tpu.memory_space<vmem>> -> memref<1x128xf32, #tpu.memory_space<vmem>>
      %dma_start3A_149 = tpu.memref_squeeze %dma_start3A_148 : memref<1x128xf32, #tpu.memory_space<vmem>> -> memref<128xf32, #tpu.memory_space<vmem>>
      %dma_start3A_150 = arith.constant 0 : i32
      %dma_start3A_151 = tpu.memref_slice %arg6[%dma_start3A_146, %dma_start3A_150] : memref<28x128xi32, #tpu.memory_space<vmem>> -> memref<1x128xi32, #tpu.memory_space<vmem>>
      %dma_start3A_152 = tpu.memref_squeeze %dma_start3A_151 : memref<1x128xi32, #tpu.memory_space<vmem>> -> memref<128xi32, #tpu.memory_space<vmem>>
      %dma_start3A_153 = arith.constant 0 : i32
      %dma_start3A_154 = tpu.memref_slice %arg8[%dma_start3A_153] : memref<51200xf32, #tpu.memory_space<vmem_shared>> -> memref<51200xf32, #tpu.memory_space<vmem_shared>>
      tpu.enqueue_indirect_dma source(%dma_start3A_149 : memref<128xf32, #tpu.memory_space<vmem>>) target(%dma_start3A_154 : memref<51200xf32, #tpu.memory_space<vmem_shared>>) offsets(%dma_start3A_152 : memref<128xi32, #tpu.memory_space<vmem>>) semaphore(%arg9 : memref<!tpu.dma_semaphore, #tpu.memory_space<semaphore_mem>>) {add = true}
      %dma_start3A_155 = arith.constant 11 : i32
      %dma_start3A_156 = arith.constant 11 : i32
      %dma_start3A_157 = arith.constant 0 : i32
      %dma_start3A_158 = tpu.memref_slice %arg7[%dma_start3A_155, %dma_start3A_157] : memref<28x128xf32, #tpu.memory_space<vmem>> -> memref<1x128xf32, #tpu.memory_space<vmem>>
      %dma_start3A_159 = tpu.memref_squeeze %dma_start3A_158 : memref<1x128xf32, #tpu.memory_space<vmem>> -> memref<128xf32, #tpu.memory_space<vmem>>
      %dma_start3A_160 = arith.constant 0 : i32
      %dma_start3A_161 = tpu.memref_slice %arg6[%dma_start3A_156, %dma_start3A_160] : memref<28x128xi32, #tpu.memory_space<vmem>> -> memref<1x128xi32, #tpu.memory_space<vmem>>
      %dma_start3A_162 = tpu.memref_squeeze %dma_start3A_161 : memref<1x128xi32, #tpu.memory_space<vmem>> -> memref<128xi32, #tpu.memory_space<vmem>>
      %dma_start3A_163 = arith.constant 0 : i32
      %dma_start3A_164 = tpu.memref_slice %arg8[%dma_start3A_163] : memref<51200xf32, #tpu.memory_space<vmem_shared>> -> memref<51200xf32, #tpu.memory_space<vmem_shared>>
      tpu.enqueue_indirect_dma source(%dma_start3A_159 : memref<128xf32, #tpu.memory_space<vmem>>) target(%dma_start3A_164 : memref<51200xf32, #tpu.memory_space<vmem_shared>>) offsets(%dma_start3A_162 : memref<128xi32, #tpu.memory_space<vmem>>) semaphore(%arg9 : memref<!tpu.dma_semaphore, #tpu.memory_space<semaphore_mem>>) {add = true}
      %dma_start3A_165 = arith.constant 12 : i32
      %dma_start3A_166 = arith.constant 12 : i32
      %dma_start3A_167 = arith.constant 0 : i32
      %dma_start3A_168 = tpu.memref_slice %arg7[%dma_start3A_165, %dma_start3A_167] : memref<28x128xf32, #tpu.memory_space<vmem>> -> memref<1x128xf32, #tpu.memory_space<vmem>>
      %dma_start3A_169 = tpu.memref_squeeze %dma_start3A_168 : memref<1x128xf32, #tpu.memory_space<vmem>> -> memref<128xf32, #tpu.memory_space<vmem>>
      %dma_start3A_170 = arith.constant 0 : i32
      %dma_start3A_171 = tpu.memref_slice %arg6[%dma_start3A_166, %dma_start3A_170] : memref<28x128xi32, #tpu.memory_space<vmem>> -> memref<1x128xi32, #tpu.memory_space<vmem>>
      %dma_start3A_172 = tpu.memref_squeeze %dma_start3A_171 : memref<1x128xi32, #tpu.memory_space<vmem>> -> memref<128xi32, #tpu.memory_space<vmem>>
      %dma_start3A_173 = arith.constant 0 : i32
      %dma_start3A_174 = tpu.memref_slice %arg8[%dma_start3A_173] : memref<51200xf32, #tpu.memory_space<vmem_shared>> -> memref<51200xf32, #tpu.memory_space<vmem_shared>>
      tpu.enqueue_indirect_dma source(%dma_start3A_169 : memref<128xf32, #tpu.memory_space<vmem>>) target(%dma_start3A_174 : memref<51200xf32, #tpu.memory_space<vmem_shared>>) offsets(%dma_start3A_172 : memref<128xi32, #tpu.memory_space<vmem>>) semaphore(%arg9 : memref<!tpu.dma_semaphore, #tpu.memory_space<semaphore_mem>>) {add = true}
      %dma_start3A_175 = arith.constant 13 : i32
      %dma_start3A_176 = arith.constant 13 : i32
      %dma_start3A_177 = arith.constant 0 : i32
      %dma_start3A_178 = tpu.memref_slice %arg7[%dma_start3A_175, %dma_start3A_177] : memref<28x128xf32, #tpu.memory_space<vmem>> -> memref<1x128xf32, #tpu.memory_space<vmem>>
      %dma_start3A_179 = tpu.memref_squeeze %dma_start3A_178 : memref<1x128xf32, #tpu.memory_space<vmem>> -> memref<128xf32, #tpu.memory_space<vmem>>
      %dma_start3A_180 = arith.constant 0 : i32
      %dma_start3A_181 = tpu.memref_slice %arg6[%dma_start3A_176, %dma_start3A_180] : memref<28x128xi32, #tpu.memory_space<vmem>> -> memref<1x128xi32, #tpu.memory_space<vmem>>
      %dma_start3A_182 = tpu.memref_squeeze %dma_start3A_181 : memref<1x128xi32, #tpu.memory_space<vmem>> -> memref<128xi32, #tpu.memory_space<vmem>>
      %dma_start3A_183 = arith.constant 0 : i32
      %dma_start3A_184 = tpu.memref_slice %arg8[%dma_start3A_183] : memref<51200xf32, #tpu.memory_space<vmem_shared>> -> memref<51200xf32, #tpu.memory_space<vmem_shared>>
      tpu.enqueue_indirect_dma source(%dma_start3A_179 : memref<128xf32, #tpu.memory_space<vmem>>) target(%dma_start3A_184 : memref<51200xf32, #tpu.memory_space<vmem_shared>>) offsets(%dma_start3A_182 : memref<128xi32, #tpu.memory_space<vmem>>) semaphore(%arg9 : memref<!tpu.dma_semaphore, #tpu.memory_space<semaphore_mem>>) {add = true}
      %dma_start3A_185 = arith.constant 14 : i32
      %dma_start3A_186 = arith.constant 14 : i32
      %dma_start3A_187 = arith.constant 0 : i32
      %dma_start3A_188 = tpu.memref_slice %arg7[%dma_start3A_185, %dma_start3A_187] : memref<28x128xf32, #tpu.memory_space<vmem>> -> memref<1x128xf32, #tpu.memory_space<vmem>>
      %dma_start3A_189 = tpu.memref_squeeze %dma_start3A_188 : memref<1x128xf32, #tpu.memory_space<vmem>> -> memref<128xf32, #tpu.memory_space<vmem>>
      %dma_start3A_190 = arith.constant 0 : i32
      %dma_start3A_191 = tpu.memref_slice %arg6[%dma_start3A_186, %dma_start3A_190] : memref<28x128xi32, #tpu.memory_space<vmem>> -> memref<1x128xi32, #tpu.memory_space<vmem>>
      %dma_start3A_192 = tpu.memref_squeeze %dma_start3A_191 : memref<1x128xi32, #tpu.memory_space<vmem>> -> memref<128xi32, #tpu.memory_space<vmem>>
      %dma_start3A_193 = arith.constant 0 : i32
      %dma_start3A_194 = tpu.memref_slice %arg8[%dma_start3A_193] : memref<51200xf32, #tpu.memory_space<vmem_shared>> -> memref<51200xf32, #tpu.memory_space<vmem_shared>>
      tpu.enqueue_indirect_dma source(%dma_start3A_189 : memref<128xf32, #tpu.memory_space<vmem>>) target(%dma_start3A_194 : memref<51200xf32, #tpu.memory_space<vmem_shared>>) offsets(%dma_start3A_192 : memref<128xi32, #tpu.memory_space<vmem>>) semaphore(%arg9 : memref<!tpu.dma_semaphore, #tpu.memory_space<semaphore_mem>>) {add = true}
      %dma_start3A_195 = arith.constant 15 : i32
      %dma_start3A_196 = arith.constant 15 : i32
      %dma_start3A_197 = arith.constant 0 : i32
      %dma_start3A_198 = tpu.memref_slice %arg7[%dma_start3A_195, %dma_start3A_197] : memref<28x128xf32, #tpu.memory_space<vmem>> -> memref<1x128xf32, #tpu.memory_space<vmem>>
      %dma_start3A_199 = tpu.memref_squeeze %dma_start3A_198 : memref<1x128xf32, #tpu.memory_space<vmem>> -> memref<128xf32, #tpu.memory_space<vmem>>
      %dma_start3A_200 = arith.constant 0 : i32
      %dma_start3A_201 = tpu.memref_slice %arg6[%dma_start3A_196, %dma_start3A_200] : memref<28x128xi32, #tpu.memory_space<vmem>> -> memref<1x128xi32, #tpu.memory_space<vmem>>
      %dma_start3A_202 = tpu.memref_squeeze %dma_start3A_201 : memref<1x128xi32, #tpu.memory_space<vmem>> -> memref<128xi32, #tpu.memory_space<vmem>>
      %dma_start3A_203 = arith.constant 0 : i32
      %dma_start3A_204 = tpu.memref_slice %arg8[%dma_start3A_203] : memref<51200xf32, #tpu.memory_space<vmem_shared>> -> memref<51200xf32, #tpu.memory_space<vmem_shared>>
      tpu.enqueue_indirect_dma source(%dma_start3A_199 : memref<128xf32, #tpu.memory_space<vmem>>) target(%dma_start3A_204 : memref<51200xf32, #tpu.memory_space<vmem_shared>>) offsets(%dma_start3A_202 : memref<128xi32, #tpu.memory_space<vmem>>) semaphore(%arg9 : memref<!tpu.dma_semaphore, #tpu.memory_space<semaphore_mem>>) {add = true}
      %dma_start3A_205 = arith.constant 16 : i32
      %dma_start3A_206 = arith.constant 16 : i32
      %dma_start3A_207 = arith.constant 0 : i32
      %dma_start3A_208 = tpu.memref_slice %arg7[%dma_start3A_205, %dma_start3A_207] : memref<28x128xf32, #tpu.memory_space<vmem>> -> memref<1x128xf32, #tpu.memory_space<vmem>>
      %dma_start3A_209 = tpu.memref_squeeze %dma_start3A_208 : memref<1x128xf32, #tpu.memory_space<vmem>> -> memref<128xf32, #tpu.memory_space<vmem>>
      %dma_start3A_210 = arith.constant 0 : i32
      %dma_start3A_211 = tpu.memref_slice %arg6[%dma_start3A_206, %dma_start3A_210] : memref<28x128xi32, #tpu.memory_space<vmem>> -> memref<1x128xi32, #tpu.memory_space<vmem>>
      %dma_start3A_212 = tpu.memref_squeeze %dma_start3A_211 : memref<1x128xi32, #tpu.memory_space<vmem>> -> memref<128xi32, #tpu.memory_space<vmem>>
      %dma_start3A_213 = arith.constant 0 : i32
      %dma_start3A_214 = tpu.memref_slice %arg8[%dma_start3A_213] : memref<51200xf32, #tpu.memory_space<vmem_shared>> -> memref<51200xf32, #tpu.memory_space<vmem_shared>>
      tpu.enqueue_indirect_dma source(%dma_start3A_209 : memref<128xf32, #tpu.memory_space<vmem>>) target(%dma_start3A_214 : memref<51200xf32, #tpu.memory_space<vmem_shared>>) offsets(%dma_start3A_212 : memref<128xi32, #tpu.memory_space<vmem>>) semaphore(%arg9 : memref<!tpu.dma_semaphore, #tpu.memory_space<semaphore_mem>>) {add = true}
      %dma_start3A_215 = arith.constant 17 : i32
      %dma_start3A_216 = arith.constant 17 : i32
      %dma_start3A_217 = arith.constant 0 : i32
      %dma_start3A_218 = tpu.memref_slice %arg7[%dma_start3A_215, %dma_start3A_217] : memref<28x128xf32, #tpu.memory_space<vmem>> -> memref<1x128xf32, #tpu.memory_space<vmem>>
      %dma_start3A_219 = tpu.memref_squeeze %dma_start3A_218 : memref<1x128xf32, #tpu.memory_space<vmem>> -> memref<128xf32, #tpu.memory_space<vmem>>
      %dma_start3A_220 = arith.constant 0 : i32
      %dma_start3A_221 = tpu.memref_slice %arg6[%dma_start3A_216, %dma_start3A_220] : memref<28x128xi32, #tpu.memory_space<vmem>> -> memref<1x128xi32, #tpu.memory_space<vmem>>
      %dma_start3A_222 = tpu.memref_squeeze %dma_start3A_221 : memref<1x128xi32, #tpu.memory_space<vmem>> -> memref<128xi32, #tpu.memory_space<vmem>>
      %dma_start3A_223 = arith.constant 0 : i32
      %dma_start3A_224 = tpu.memref_slice %arg8[%dma_start3A_223] : memref<51200xf32, #tpu.memory_space<vmem_shared>> -> memref<51200xf32, #tpu.memory_space<vmem_shared>>
      tpu.enqueue_indirect_dma source(%dma_start3A_219 : memref<128xf32, #tpu.memory_space<vmem>>) target(%dma_start3A_224 : memref<51200xf32, #tpu.memory_space<vmem_shared>>) offsets(%dma_start3A_222 : memref<128xi32, #tpu.memory_space<vmem>>) semaphore(%arg9 : memref<!tpu.dma_semaphore, #tpu.memory_space<semaphore_mem>>) {add = true}
      %dma_start3A_225 = arith.constant 18 : i32
      %dma_start3A_226 = arith.constant 18 : i32
      %dma_start3A_227 = arith.constant 0 : i32
      %dma_start3A_228 = tpu.memref_slice %arg7[%dma_start3A_225, %dma_start3A_227] : memref<28x128xf32, #tpu.memory_space<vmem>> -> memref<1x128xf32, #tpu.memory_space<vmem>>
      %dma_start3A_229 = tpu.memref_squeeze %dma_start3A_228 : memref<1x128xf32, #tpu.memory_space<vmem>> -> memref<128xf32, #tpu.memory_space<vmem>>
      %dma_start3A_230 = arith.constant 0 : i32
      %dma_start3A_231 = tpu.memref_slice %arg6[%dma_start3A_226, %dma_start3A_230] : memref<28x128xi32, #tpu.memory_space<vmem>> -> memref<1x128xi32, #tpu.memory_space<vmem>>
      %dma_start3A_232 = tpu.memref_squeeze %dma_start3A_231 : memref<1x128xi32, #tpu.memory_space<vmem>> -> memref<128xi32, #tpu.memory_space<vmem>>
      %dma_start3A_233 = arith.constant 0 : i32
      %dma_start3A_234 = tpu.memref_slice %arg8[%dma_start3A_233] : memref<51200xf32, #tpu.memory_space<vmem_shared>> -> memref<51200xf32, #tpu.memory_space<vmem_shared>>
      tpu.enqueue_indirect_dma source(%dma_start3A_229 : memref<128xf32, #tpu.memory_space<vmem>>) target(%dma_start3A_234 : memref<51200xf32, #tpu.memory_space<vmem_shared>>) offsets(%dma_start3A_232 : memref<128xi32, #tpu.memory_space<vmem>>) semaphore(%arg9 : memref<!tpu.dma_semaphore, #tpu.memory_space<semaphore_mem>>) {add = true}
      %dma_start3A_235 = arith.constant 19 : i32
      %dma_start3A_236 = arith.constant 19 : i32
      %dma_start3A_237 = arith.constant 0 : i32
      %dma_start3A_238 = tpu.memref_slice %arg7[%dma_start3A_235, %dma_start3A_237] : memref<28x128xf32, #tpu.memory_space<vmem>> -> memref<1x128xf32, #tpu.memory_space<vmem>>
      %dma_start3A_239 = tpu.memref_squeeze %dma_start3A_238 : memref<1x128xf32, #tpu.memory_space<vmem>> -> memref<128xf32, #tpu.memory_space<vmem>>
      %dma_start3A_240 = arith.constant 0 : i32
      %dma_start3A_241 = tpu.memref_slice %arg6[%dma_start3A_236, %dma_start3A_240] : memref<28x128xi32, #tpu.memory_space<vmem>> -> memref<1x128xi32, #tpu.memory_space<vmem>>
      %dma_start3A_242 = tpu.memref_squeeze %dma_start3A_241 : memref<1x128xi32, #tpu.memory_space<vmem>> -> memref<128xi32, #tpu.memory_space<vmem>>
      %dma_start3A_243 = arith.constant 0 : i32
      %dma_start3A_244 = tpu.memref_slice %arg8[%dma_start3A_243] : memref<51200xf32, #tpu.memory_space<vmem_shared>> -> memref<51200xf32, #tpu.memory_space<vmem_shared>>
      tpu.enqueue_indirect_dma source(%dma_start3A_239 : memref<128xf32, #tpu.memory_space<vmem>>) target(%dma_start3A_244 : memref<51200xf32, #tpu.memory_space<vmem_shared>>) offsets(%dma_start3A_242 : memref<128xi32, #tpu.memory_space<vmem>>) semaphore(%arg9 : memref<!tpu.dma_semaphore, #tpu.memory_space<semaphore_mem>>) {add = true}
      %dma_start3A_245 = arith.constant 20 : i32
      %dma_start3A_246 = arith.constant 20 : i32
      %dma_start3A_247 = arith.constant 0 : i32
      %dma_start3A_248 = tpu.memref_slice %arg7[%dma_start3A_245, %dma_start3A_247] : memref<28x128xf32, #tpu.memory_space<vmem>> -> memref<1x128xf32, #tpu.memory_space<vmem>>
      %dma_start3A_249 = tpu.memref_squeeze %dma_start3A_248 : memref<1x128xf32, #tpu.memory_space<vmem>> -> memref<128xf32, #tpu.memory_space<vmem>>
      %dma_start3A_250 = arith.constant 0 : i32
      %dma_start3A_251 = tpu.memref_slice %arg6[%dma_start3A_246, %dma_start3A_250] : memref<28x128xi32, #tpu.memory_space<vmem>> -> memref<1x128xi32, #tpu.memory_space<vmem>>
      %dma_start3A_252 = tpu.memref_squeeze %dma_start3A_251 : memref<1x128xi32, #tpu.memory_space<vmem>> -> memref<128xi32, #tpu.memory_space<vmem>>
      %dma_start3A_253 = arith.constant 0 : i32
      %dma_start3A_254 = tpu.memref_slice %arg8[%dma_start3A_253] : memref<51200xf32, #tpu.memory_space<vmem_shared>> -> memref<51200xf32, #tpu.memory_space<vmem_shared>>
      tpu.enqueue_indirect_dma source(%dma_start3A_249 : memref<128xf32, #tpu.memory_space<vmem>>) target(%dma_start3A_254 : memref<51200xf32, #tpu.memory_space<vmem_shared>>) offsets(%dma_start3A_252 : memref<128xi32, #tpu.memory_space<vmem>>) semaphore(%arg9 : memref<!tpu.dma_semaphore, #tpu.memory_space<semaphore_mem>>) {add = true}
      %dma_start3A_255 = arith.constant 21 : i32
      %dma_start3A_256 = arith.constant 21 : i32
      %dma_start3A_257 = arith.constant 0 : i32
      %dma_start3A_258 = tpu.memref_slice %arg7[%dma_start3A_255, %dma_start3A_257] : memref<28x128xf32, #tpu.memory_space<vmem>> -> memref<1x128xf32, #tpu.memory_space<vmem>>
      %dma_start3A_259 = tpu.memref_squeeze %dma_start3A_258 : memref<1x128xf32, #tpu.memory_space<vmem>> -> memref<128xf32, #tpu.memory_space<vmem>>
      %dma_start3A_260 = arith.constant 0 : i32
      %dma_start3A_261 = tpu.memref_slice %arg6[%dma_start3A_256, %dma_start3A_260] : memref<28x128xi32, #tpu.memory_space<vmem>> -> memref<1x128xi32, #tpu.memory_space<vmem>>
      %dma_start3A_262 = tpu.memref_squeeze %dma_start3A_261 : memref<1x128xi32, #tpu.memory_space<vmem>> -> memref<128xi32, #tpu.memory_space<vmem>>
      %dma_start3A_263 = arith.constant 0 : i32
      %dma_start3A_264 = tpu.memref_slice %arg8[%dma_start3A_263] : memref<51200xf32, #tpu.memory_space<vmem_shared>> -> memref<51200xf32, #tpu.memory_space<vmem_shared>>
      tpu.enqueue_indirect_dma source(%dma_start3A_259 : memref<128xf32, #tpu.memory_space<vmem>>) target(%dma_start3A_264 : memref<51200xf32, #tpu.memory_space<vmem_shared>>) offsets(%dma_start3A_262 : memref<128xi32, #tpu.memory_space<vmem>>) semaphore(%arg9 : memref<!tpu.dma_semaphore, #tpu.memory_space<semaphore_mem>>) {add = true}
      %dma_start3A_265 = arith.constant 22 : i32
      %dma_start3A_266 = arith.constant 22 : i32
      %dma_start3A_267 = arith.constant 0 : i32
      %dma_start3A_268 = tpu.memref_slice %arg7[%dma_start3A_265, %dma_start3A_267] : memref<28x128xf32, #tpu.memory_space<vmem>> -> memref<1x128xf32, #tpu.memory_space<vmem>>
      %dma_start3A_269 = tpu.memref_squeeze %dma_start3A_268 : memref<1x128xf32, #tpu.memory_space<vmem>> -> memref<128xf32, #tpu.memory_space<vmem>>
      %dma_start3A_270 = arith.constant 0 : i32
      %dma_start3A_271 = tpu.memref_slice %arg6[%dma_start3A_266, %dma_start3A_270] : memref<28x128xi32, #tpu.memory_space<vmem>> -> memref<1x128xi32, #tpu.memory_space<vmem>>
      %dma_start3A_272 = tpu.memref_squeeze %dma_start3A_271 : memref<1x128xi32, #tpu.memory_space<vmem>> -> memref<128xi32, #tpu.memory_space<vmem>>
      %dma_start3A_273 = arith.constant 0 : i32
      %dma_start3A_274 = tpu.memref_slice %arg8[%dma_start3A_273] : memref<51200xf32, #tpu.memory_space<vmem_shared>> -> memref<51200xf32, #tpu.memory_space<vmem_shared>>
      tpu.enqueue_indirect_dma source(%dma_start3A_269 : memref<128xf32, #tpu.memory_space<vmem>>) target(%dma_start3A_274 : memref<51200xf32, #tpu.memory_space<vmem_shared>>) offsets(%dma_start3A_272 : memref<128xi32, #tpu.memory_space<vmem>>) semaphore(%arg9 : memref<!tpu.dma_semaphore, #tpu.memory_space<semaphore_mem>>) {add = true}
      %dma_start3A_275 = arith.constant 23 : i32
      %dma_start3A_276 = arith.constant 23 : i32
      %dma_start3A_277 = arith.constant 0 : i32
      %dma_start3A_278 = tpu.memref_slice %arg7[%dma_start3A_275, %dma_start3A_277] : memref<28x128xf32, #tpu.memory_space<vmem>> -> memref<1x128xf32, #tpu.memory_space<vmem>>
      %dma_start3A_279 = tpu.memref_squeeze %dma_start3A_278 : memref<1x128xf32, #tpu.memory_space<vmem>> -> memref<128xf32, #tpu.memory_space<vmem>>
      %dma_start3A_280 = arith.constant 0 : i32
      %dma_start3A_281 = tpu.memref_slice %arg6[%dma_start3A_276, %dma_start3A_280] : memref<28x128xi32, #tpu.memory_space<vmem>> -> memref<1x128xi32, #tpu.memory_space<vmem>>
      %dma_start3A_282 = tpu.memref_squeeze %dma_start3A_281 : memref<1x128xi32, #tpu.memory_space<vmem>> -> memref<128xi32, #tpu.memory_space<vmem>>
      %dma_start3A_283 = arith.constant 0 : i32
      %dma_start3A_284 = tpu.memref_slice %arg8[%dma_start3A_283] : memref<51200xf32, #tpu.memory_space<vmem_shared>> -> memref<51200xf32, #tpu.memory_space<vmem_shared>>
      tpu.enqueue_indirect_dma source(%dma_start3A_279 : memref<128xf32, #tpu.memory_space<vmem>>) target(%dma_start3A_284 : memref<51200xf32, #tpu.memory_space<vmem_shared>>) offsets(%dma_start3A_282 : memref<128xi32, #tpu.memory_space<vmem>>) semaphore(%arg9 : memref<!tpu.dma_semaphore, #tpu.memory_space<semaphore_mem>>) {add = true}
      %dma_start3A_285 = arith.constant 24 : i32
      %dma_start3A_286 = arith.constant 24 : i32
      %dma_start3A_287 = arith.constant 0 : i32
      %dma_start3A_288 = tpu.memref_slice %arg7[%dma_start3A_285, %dma_start3A_287] : memref<28x128xf32, #tpu.memory_space<vmem>> -> memref<1x128xf32, #tpu.memory_space<vmem>>
      %dma_start3A_289 = tpu.memref_squeeze %dma_start3A_288 : memref<1x128xf32, #tpu.memory_space<vmem>> -> memref<128xf32, #tpu.memory_space<vmem>>
      %dma_start3A_290 = arith.constant 0 : i32
      %dma_start3A_291 = tpu.memref_slice %arg6[%dma_start3A_286, %dma_start3A_290] : memref<28x128xi32, #tpu.memory_space<vmem>> -> memref<1x128xi32, #tpu.memory_space<vmem>>
      %dma_start3A_292 = tpu.memref_squeeze %dma_start3A_291 : memref<1x128xi32, #tpu.memory_space<vmem>> -> memref<128xi32, #tpu.memory_space<vmem>>
      %dma_start3A_293 = arith.constant 0 : i32
      %dma_start3A_294 = tpu.memref_slice %arg8[%dma_start3A_293] : memref<51200xf32, #tpu.memory_space<vmem_shared>> -> memref<51200xf32, #tpu.memory_space<vmem_shared>>
      tpu.enqueue_indirect_dma source(%dma_start3A_289 : memref<128xf32, #tpu.memory_space<vmem>>) target(%dma_start3A_294 : memref<51200xf32, #tpu.memory_space<vmem_shared>>) offsets(%dma_start3A_292 : memref<128xi32, #tpu.memory_space<vmem>>) semaphore(%arg9 : memref<!tpu.dma_semaphore, #tpu.memory_space<semaphore_mem>>) {add = true}
      %dma_start3A_295 = arith.constant 25 : i32
      %dma_start3A_296 = arith.constant 25 : i32
      %dma_start3A_297 = arith.constant 0 : i32
      %dma_start3A_298 = tpu.memref_slice %arg7[%dma_start3A_295, %dma_start3A_297] : memref<28x128xf32, #tpu.memory_space<vmem>> -> memref<1x128xf32, #tpu.memory_space<vmem>>
      %dma_start3A_299 = tpu.memref_squeeze %dma_start3A_298 : memref<1x128xf32, #tpu.memory_space<vmem>> -> memref<128xf32, #tpu.memory_space<vmem>>
      %dma_start3A_300 = arith.constant 0 : i32
      %dma_start3A_301 = tpu.memref_slice %arg6[%dma_start3A_296, %dma_start3A_300] : memref<28x128xi32, #tpu.memory_space<vmem>> -> memref<1x128xi32, #tpu.memory_space<vmem>>
      %dma_start3A_302 = tpu.memref_squeeze %dma_start3A_301 : memref<1x128xi32, #tpu.memory_space<vmem>> -> memref<128xi32, #tpu.memory_space<vmem>>
      %dma_start3A_303 = arith.constant 0 : i32
      %dma_start3A_304 = tpu.memref_slice %arg8[%dma_start3A_303] : memref<51200xf32, #tpu.memory_space<vmem_shared>> -> memref<51200xf32, #tpu.memory_space<vmem_shared>>
      tpu.enqueue_indirect_dma source(%dma_start3A_299 : memref<128xf32, #tpu.memory_space<vmem>>) target(%dma_start3A_304 : memref<51200xf32, #tpu.memory_space<vmem_shared>>) offsets(%dma_start3A_302 : memref<128xi32, #tpu.memory_space<vmem>>) semaphore(%arg9 : memref<!tpu.dma_semaphore, #tpu.memory_space<semaphore_mem>>) {add = true}
      %dma_start3A_305 = arith.constant 26 : i32
      %dma_start3A_306 = arith.constant 26 : i32
      %dma_start3A_307 = arith.constant 0 : i32
      %dma_start3A_308 = tpu.memref_slice %arg7[%dma_start3A_305, %dma_start3A_307] : memref<28x128xf32, #tpu.memory_space<vmem>> -> memref<1x128xf32, #tpu.memory_space<vmem>>
      %dma_start3A_309 = tpu.memref_squeeze %dma_start3A_308 : memref<1x128xf32, #tpu.memory_space<vmem>> -> memref<128xf32, #tpu.memory_space<vmem>>
      %dma_start3A_310 = arith.constant 0 : i32
      %dma_start3A_311 = tpu.memref_slice %arg6[%dma_start3A_306, %dma_start3A_310] : memref<28x128xi32, #tpu.memory_space<vmem>> -> memref<1x128xi32, #tpu.memory_space<vmem>>
      %dma_start3A_312 = tpu.memref_squeeze %dma_start3A_311 : memref<1x128xi32, #tpu.memory_space<vmem>> -> memref<128xi32, #tpu.memory_space<vmem>>
      %dma_start3A_313 = arith.constant 0 : i32
      %dma_start3A_314 = tpu.memref_slice %arg8[%dma_start3A_313] : memref<51200xf32, #tpu.memory_space<vmem_shared>> -> memref<51200xf32, #tpu.memory_space<vmem_shared>>
      tpu.enqueue_indirect_dma source(%dma_start3A_309 : memref<128xf32, #tpu.memory_space<vmem>>) target(%dma_start3A_314 : memref<51200xf32, #tpu.memory_space<vmem_shared>>) offsets(%dma_start3A_312 : memref<128xi32, #tpu.memory_space<vmem>>) semaphore(%arg9 : memref<!tpu.dma_semaphore, #tpu.memory_space<semaphore_mem>>) {add = true}
      %dma_start3A_315 = arith.constant 27 : i32
      %dma_start3A_316 = arith.constant 27 : i32
      %dma_start3A_317 = arith.constant 0 : i32
      %dma_start3A_318 = tpu.memref_slice %arg7[%dma_start3A_315, %dma_start3A_317] : memref<28x128xf32, #tpu.memory_space<vmem>> -> memref<1x128xf32, #tpu.memory_space<vmem>>
      %dma_start3A_319 = tpu.memref_squeeze %dma_start3A_318 : memref<1x128xf32, #tpu.memory_space<vmem>> -> memref<128xf32, #tpu.memory_space<vmem>>
      %dma_start3A_320 = arith.constant 0 : i32
      %dma_start3A_321 = tpu.memref_slice %arg6[%dma_start3A_316, %dma_start3A_320] : memref<28x128xi32, #tpu.memory_space<vmem>> -> memref<1x128xi32, #tpu.memory_space<vmem>>
      %dma_start3A_322 = tpu.memref_squeeze %dma_start3A_321 : memref<1x128xi32, #tpu.memory_space<vmem>> -> memref<128xi32, #tpu.memory_space<vmem>>
      %dma_start3A_323 = arith.constant 0 : i32
      %dma_start3A_324 = tpu.memref_slice %arg8[%dma_start3A_323] : memref<51200xf32, #tpu.memory_space<vmem_shared>> -> memref<51200xf32, #tpu.memory_space<vmem_shared>>
      tpu.enqueue_indirect_dma source(%dma_start3A_319 : memref<128xf32, #tpu.memory_space<vmem>>) target(%dma_start3A_324 : memref<51200xf32, #tpu.memory_space<vmem_shared>>) offsets(%dma_start3A_322 : memref<128xi32, #tpu.memory_space<vmem>>) semaphore(%arg9 : memref<!tpu.dma_semaphore, #tpu.memory_space<semaphore_mem>>) {add = true}
      %dma_wait3A_325 = arith.constant 0 : i32
      %dma_wait3A_326 = arith.constant 0 : i32
      %dma_wait3A_327 = arith.constant 0 : i32
      %dma_wait3A_328 = tpu.memref_slice %arg7[%dma_wait3A_325, %dma_wait3A_327] : memref<28x128xf32, #tpu.memory_space<vmem>> -> memref<1x128xf32, #tpu.memory_space<vmem>>
      %dma_wait3A_329 = tpu.memref_squeeze %dma_wait3A_328 : memref<1x128xf32, #tpu.memory_space<vmem>> -> memref<128xf32, #tpu.memory_space<vmem>>
      %dma_wait3A_330 = arith.constant 0 : i32
      %dma_wait3A_331 = tpu.memref_slice %arg6[%dma_wait3A_326, %dma_wait3A_330] : memref<28x128xi32, #tpu.memory_space<vmem>> -> memref<1x128xi32, #tpu.memory_space<vmem>>
      %dma_wait3A_332 = tpu.memref_squeeze %dma_wait3A_331 : memref<1x128xi32, #tpu.memory_space<vmem>> -> memref<128xi32, #tpu.memory_space<vmem>>
      %dma_wait3A_333 = arith.constant 0 : i32
      %dma_wait3A_334 = tpu.memref_slice %arg8[%dma_wait3A_333] : memref<51200xf32, #tpu.memory_space<vmem_shared>> -> memref<51200xf32, #tpu.memory_space<vmem_shared>>
      tpu.wait_indirect_dma semaphore(%arg9 : memref<!tpu.dma_semaphore, #tpu.memory_space<semaphore_mem>>) src(%dma_wait3A_329 : memref<128xf32, #tpu.memory_space<vmem>>) dst(%dma_wait3A_334 : memref<51200xf32, #tpu.memory_space<vmem_shared>>)
      %dma_wait3A_335 = arith.constant 1 : i32
      %dma_wait3A_336 = arith.constant 1 : i32
      %dma_wait3A_337 = arith.constant 0 : i32
      %dma_wait3A_338 = tpu.memref_slice %arg7[%dma_wait3A_335, %dma_wait3A_337] : memref<28x128xf32, #tpu.memory_space<vmem>> -> memref<1x128xf32, #tpu.memory_space<vmem>>
      %dma_wait3A_339 = tpu.memref_squeeze %dma_wait3A_338 : memref<1x128xf32, #tpu.memory_space<vmem>> -> memref<128xf32, #tpu.memory_space<vmem>>
      %dma_wait3A_340 = arith.constant 0 : i32
      %dma_wait3A_341 = tpu.memref_slice %arg6[%dma_wait3A_336, %dma_wait3A_340] : memref<28x128xi32, #tpu.memory_space<vmem>> -> memref<1x128xi32, #tpu.memory_space<vmem>>
      %dma_wait3A_342 = tpu.memref_squeeze %dma_wait3A_341 : memref<1x128xi32, #tpu.memory_space<vmem>> -> memref<128xi32, #tpu.memory_space<vmem>>
      %dma_wait3A_343 = arith.constant 0 : i32
      %dma_wait3A_344 = tpu.memref_slice %arg8[%dma_wait3A_343] : memref<51200xf32, #tpu.memory_space<vmem_shared>> -> memref<51200xf32, #tpu.memory_space<vmem_shared>>
      tpu.wait_indirect_dma semaphore(%arg9 : memref<!tpu.dma_semaphore, #tpu.memory_space<semaphore_mem>>) src(%dma_wait3A_339 : memref<128xf32, #tpu.memory_space<vmem>>) dst(%dma_wait3A_344 : memref<51200xf32, #tpu.memory_space<vmem_shared>>)
      %dma_wait3A_345 = arith.constant 2 : i32
      %dma_wait3A_346 = arith.constant 2 : i32
      %dma_wait3A_347 = arith.constant 0 : i32
      %dma_wait3A_348 = tpu.memref_slice %arg7[%dma_wait3A_345, %dma_wait3A_347] : memref<28x128xf32, #tpu.memory_space<vmem>> -> memref<1x128xf32, #tpu.memory_space<vmem>>
      %dma_wait3A_349 = tpu.memref_squeeze %dma_wait3A_348 : memref<1x128xf32, #tpu.memory_space<vmem>> -> memref<128xf32, #tpu.memory_space<vmem>>
      %dma_wait3A_350 = arith.constant 0 : i32
      %dma_wait3A_351 = tpu.memref_slice %arg6[%dma_wait3A_346, %dma_wait3A_350] : memref<28x128xi32, #tpu.memory_space<vmem>> -> memref<1x128xi32, #tpu.memory_space<vmem>>
      %dma_wait3A_352 = tpu.memref_squeeze %dma_wait3A_351 : memref<1x128xi32, #tpu.memory_space<vmem>> -> memref<128xi32, #tpu.memory_space<vmem>>
      %dma_wait3A_353 = arith.constant 0 : i32
      %dma_wait3A_354 = tpu.memref_slice %arg8[%dma_wait3A_353] : memref<51200xf32, #tpu.memory_space<vmem_shared>> -> memref<51200xf32, #tpu.memory_space<vmem_shared>>
      tpu.wait_indirect_dma semaphore(%arg9 : memref<!tpu.dma_semaphore, #tpu.memory_space<semaphore_mem>>) src(%dma_wait3A_349 : memref<128xf32, #tpu.memory_space<vmem>>) dst(%dma_wait3A_354 : memref<51200xf32, #tpu.memory_space<vmem_shared>>)
      %dma_wait3A_355 = arith.constant 3 : i32
      %dma_wait3A_356 = arith.constant 3 : i32
      %dma_wait3A_357 = arith.constant 0 : i32
      %dma_wait3A_358 = tpu.memref_slice %arg7[%dma_wait3A_355, %dma_wait3A_357] : memref<28x128xf32, #tpu.memory_space<vmem>> -> memref<1x128xf32, #tpu.memory_space<vmem>>
      %dma_wait3A_359 = tpu.memref_squeeze %dma_wait3A_358 : memref<1x128xf32, #tpu.memory_space<vmem>> -> memref<128xf32, #tpu.memory_space<vmem>>
      %dma_wait3A_360 = arith.constant 0 : i32
      %dma_wait3A_361 = tpu.memref_slice %arg6[%dma_wait3A_356, %dma_wait3A_360] : memref<28x128xi32, #tpu.memory_space<vmem>> -> memref<1x128xi32, #tpu.memory_space<vmem>>
      %dma_wait3A_362 = tpu.memref_squeeze %dma_wait3A_361 : memref<1x128xi32, #tpu.memory_space<vmem>> -> memref<128xi32, #tpu.memory_space<vmem>>
      %dma_wait3A_363 = arith.constant 0 : i32
      %dma_wait3A_364 = tpu.memref_slice %arg8[%dma_wait3A_363] : memref<51200xf32, #tpu.memory_space<vmem_shared>> -> memref<51200xf32, #tpu.memory_space<vmem_shared>>
      tpu.wait_indirect_dma semaphore(%arg9 : memref<!tpu.dma_semaphore, #tpu.memory_space<semaphore_mem>>) src(%dma_wait3A_359 : memref<128xf32, #tpu.memory_space<vmem>>) dst(%dma_wait3A_364 : memref<51200xf32, #tpu.memory_space<vmem_shared>>)
      %dma_wait3A_365 = arith.constant 4 : i32
      %dma_wait3A_366 = arith.constant 4 : i32
      %dma_wait3A_367 = arith.constant 0 : i32
      %dma_wait3A_368 = tpu.memref_slice %arg7[%dma_wait3A_365, %dma_wait3A_367] : memref<28x128xf32, #tpu.memory_space<vmem>> -> memref<1x128xf32, #tpu.memory_space<vmem>>
      %dma_wait3A_369 = tpu.memref_squeeze %dma_wait3A_368 : memref<1x128xf32, #tpu.memory_space<vmem>> -> memref<128xf32, #tpu.memory_space<vmem>>
      %dma_wait3A_370 = arith.constant 0 : i32
      %dma_wait3A_371 = tpu.memref_slice %arg6[%dma_wait3A_366, %dma_wait3A_370] : memref<28x128xi32, #tpu.memory_space<vmem>> -> memref<1x128xi32, #tpu.memory_space<vmem>>
      %dma_wait3A_372 = tpu.memref_squeeze %dma_wait3A_371 : memref<1x128xi32, #tpu.memory_space<vmem>> -> memref<128xi32, #tpu.memory_space<vmem>>
      %dma_wait3A_373 = arith.constant 0 : i32
      %dma_wait3A_374 = tpu.memref_slice %arg8[%dma_wait3A_373] : memref<51200xf32, #tpu.memory_space<vmem_shared>> -> memref<51200xf32, #tpu.memory_space<vmem_shared>>
      tpu.wait_indirect_dma semaphore(%arg9 : memref<!tpu.dma_semaphore, #tpu.memory_space<semaphore_mem>>) src(%dma_wait3A_369 : memref<128xf32, #tpu.memory_space<vmem>>) dst(%dma_wait3A_374 : memref<51200xf32, #tpu.memory_space<vmem_shared>>)
      %dma_wait3A_375 = arith.constant 5 : i32
      %dma_wait3A_376 = arith.constant 5 : i32
      %dma_wait3A_377 = arith.constant 0 : i32
      %dma_wait3A_378 = tpu.memref_slice %arg7[%dma_wait3A_375, %dma_wait3A_377] : memref<28x128xf32, #tpu.memory_space<vmem>> -> memref<1x128xf32, #tpu.memory_space<vmem>>
      %dma_wait3A_379 = tpu.memref_squeeze %dma_wait3A_378 : memref<1x128xf32, #tpu.memory_space<vmem>> -> memref<128xf32, #tpu.memory_space<vmem>>
      %dma_wait3A_380 = arith.constant 0 : i32
      %dma_wait3A_381 = tpu.memref_slice %arg6[%dma_wait3A_376, %dma_wait3A_380] : memref<28x128xi32, #tpu.memory_space<vmem>> -> memref<1x128xi32, #tpu.memory_space<vmem>>
      %dma_wait3A_382 = tpu.memref_squeeze %dma_wait3A_381 : memref<1x128xi32, #tpu.memory_space<vmem>> -> memref<128xi32, #tpu.memory_space<vmem>>
      %dma_wait3A_383 = arith.constant 0 : i32
      %dma_wait3A_384 = tpu.memref_slice %arg8[%dma_wait3A_383] : memref<51200xf32, #tpu.memory_space<vmem_shared>> -> memref<51200xf32, #tpu.memory_space<vmem_shared>>
      tpu.wait_indirect_dma semaphore(%arg9 : memref<!tpu.dma_semaphore, #tpu.memory_space<semaphore_mem>>) src(%dma_wait3A_379 : memref<128xf32, #tpu.memory_space<vmem>>) dst(%dma_wait3A_384 : memref<51200xf32, #tpu.memory_space<vmem_shared>>)
      %dma_wait3A_385 = arith.constant 6 : i32
      %dma_wait3A_386 = arith.constant 6 : i32
      %dma_wait3A_387 = arith.constant 0 : i32
      %dma_wait3A_388 = tpu.memref_slice %arg7[%dma_wait3A_385, %dma_wait3A_387] : memref<28x128xf32, #tpu.memory_space<vmem>> -> memref<1x128xf32, #tpu.memory_space<vmem>>
      %dma_wait3A_389 = tpu.memref_squeeze %dma_wait3A_388 : memref<1x128xf32, #tpu.memory_space<vmem>> -> memref<128xf32, #tpu.memory_space<vmem>>
      %dma_wait3A_390 = arith.constant 0 : i32
      %dma_wait3A_391 = tpu.memref_slice %arg6[%dma_wait3A_386, %dma_wait3A_390] : memref<28x128xi32, #tpu.memory_space<vmem>> -> memref<1x128xi32, #tpu.memory_space<vmem>>
      %dma_wait3A_392 = tpu.memref_squeeze %dma_wait3A_391 : memref<1x128xi32, #tpu.memory_space<vmem>> -> memref<128xi32, #tpu.memory_space<vmem>>
      %dma_wait3A_393 = arith.constant 0 : i32
      %dma_wait3A_394 = tpu.memref_slice %arg8[%dma_wait3A_393] : memref<51200xf32, #tpu.memory_space<vmem_shared>> -> memref<51200xf32, #tpu.memory_space<vmem_shared>>
      tpu.wait_indirect_dma semaphore(%arg9 : memref<!tpu.dma_semaphore, #tpu.memory_space<semaphore_mem>>) src(%dma_wait3A_389 : memref<128xf32, #tpu.memory_space<vmem>>) dst(%dma_wait3A_394 : memref<51200xf32, #tpu.memory_space<vmem_shared>>)
      %dma_wait3A_395 = arith.constant 7 : i32
      %dma_wait3A_396 = arith.constant 7 : i32
      %dma_wait3A_397 = arith.constant 0 : i32
      %dma_wait3A_398 = tpu.memref_slice %arg7[%dma_wait3A_395, %dma_wait3A_397] : memref<28x128xf32, #tpu.memory_space<vmem>> -> memref<1x128xf32, #tpu.memory_space<vmem>>
      %dma_wait3A_399 = tpu.memref_squeeze %dma_wait3A_398 : memref<1x128xf32, #tpu.memory_space<vmem>> -> memref<128xf32, #tpu.memory_space<vmem>>
      %dma_wait3A_400 = arith.constant 0 : i32
      %dma_wait3A_401 = tpu.memref_slice %arg6[%dma_wait3A_396, %dma_wait3A_400] : memref<28x128xi32, #tpu.memory_space<vmem>> -> memref<1x128xi32, #tpu.memory_space<vmem>>
      %dma_wait3A_402 = tpu.memref_squeeze %dma_wait3A_401 : memref<1x128xi32, #tpu.memory_space<vmem>> -> memref<128xi32, #tpu.memory_space<vmem>>
      %dma_wait3A_403 = arith.constant 0 : i32
      %dma_wait3A_404 = tpu.memref_slice %arg8[%dma_wait3A_403] : memref<51200xf32, #tpu.memory_space<vmem_shared>> -> memref<51200xf32, #tpu.memory_space<vmem_shared>>
      tpu.wait_indirect_dma semaphore(%arg9 : memref<!tpu.dma_semaphore, #tpu.memory_space<semaphore_mem>>) src(%dma_wait3A_399 : memref<128xf32, #tpu.memory_space<vmem>>) dst(%dma_wait3A_404 : memref<51200xf32, #tpu.memory_space<vmem_shared>>)
      %dma_wait3A_405 = arith.constant 8 : i32
      %dma_wait3A_406 = arith.constant 8 : i32
      %dma_wait3A_407 = arith.constant 0 : i32
      %dma_wait3A_408 = tpu.memref_slice %arg7[%dma_wait3A_405, %dma_wait3A_407] : memref<28x128xf32, #tpu.memory_space<vmem>> -> memref<1x128xf32, #tpu.memory_space<vmem>>
      %dma_wait3A_409 = tpu.memref_squeeze %dma_wait3A_408 : memref<1x128xf32, #tpu.memory_space<vmem>> -> memref<128xf32, #tpu.memory_space<vmem>>
      %dma_wait3A_410 = arith.constant 0 : i32
      %dma_wait3A_411 = tpu.memref_slice %arg6[%dma_wait3A_406, %dma_wait3A_410] : memref<28x128xi32, #tpu.memory_space<vmem>> -> memref<1x128xi32, #tpu.memory_space<vmem>>
      %dma_wait3A_412 = tpu.memref_squeeze %dma_wait3A_411 : memref<1x128xi32, #tpu.memory_space<vmem>> -> memref<128xi32, #tpu.memory_space<vmem>>
      %dma_wait3A_413 = arith.constant 0 : i32
      %dma_wait3A_414 = tpu.memref_slice %arg8[%dma_wait3A_413] : memref<51200xf32, #tpu.memory_space<vmem_shared>> -> memref<51200xf32, #tpu.memory_space<vmem_shared>>
      tpu.wait_indirect_dma semaphore(%arg9 : memref<!tpu.dma_semaphore, #tpu.memory_space<semaphore_mem>>) src(%dma_wait3A_409 : memref<128xf32, #tpu.memory_space<vmem>>) dst(%dma_wait3A_414 : memref<51200xf32, #tpu.memory_space<vmem_shared>>)
      %dma_wait3A_415 = arith.constant 9 : i32
      %dma_wait3A_416 = arith.constant 9 : i32
      %dma_wait3A_417 = arith.constant 0 : i32
      %dma_wait3A_418 = tpu.memref_slice %arg7[%dma_wait3A_415, %dma_wait3A_417] : memref<28x128xf32, #tpu.memory_space<vmem>> -> memref<1x128xf32, #tpu.memory_space<vmem>>
      %dma_wait3A_419 = tpu.memref_squeeze %dma_wait3A_418 : memref<1x128xf32, #tpu.memory_space<vmem>> -> memref<128xf32, #tpu.memory_space<vmem>>
      %dma_wait3A_420 = arith.constant 0 : i32
      %dma_wait3A_421 = tpu.memref_slice %arg6[%dma_wait3A_416, %dma_wait3A_420] : memref<28x128xi32, #tpu.memory_space<vmem>> -> memref<1x128xi32, #tpu.memory_space<vmem>>
      %dma_wait3A_422 = tpu.memref_squeeze %dma_wait3A_421 : memref<1x128xi32, #tpu.memory_space<vmem>> -> memref<128xi32, #tpu.memory_space<vmem>>
      %dma_wait3A_423 = arith.constant 0 : i32
      %dma_wait3A_424 = tpu.memref_slice %arg8[%dma_wait3A_423] : memref<51200xf32, #tpu.memory_space<vmem_shared>> -> memref<51200xf32, #tpu.memory_space<vmem_shared>>
      tpu.wait_indirect_dma semaphore(%arg9 : memref<!tpu.dma_semaphore, #tpu.memory_space<semaphore_mem>>) src(%dma_wait3A_419 : memref<128xf32, #tpu.memory_space<vmem>>) dst(%dma_wait3A_424 : memref<51200xf32, #tpu.memory_space<vmem_shared>>)
      %dma_wait3A_425 = arith.constant 10 : i32
      %dma_wait3A_426 = arith.constant 10 : i32
      %dma_wait3A_427 = arith.constant 0 : i32
      %dma_wait3A_428 = tpu.memref_slice %arg7[%dma_wait3A_425, %dma_wait3A_427] : memref<28x128xf32, #tpu.memory_space<vmem>> -> memref<1x128xf32, #tpu.memory_space<vmem>>
      %dma_wait3A_429 = tpu.memref_squeeze %dma_wait3A_428 : memref<1x128xf32, #tpu.memory_space<vmem>> -> memref<128xf32, #tpu.memory_space<vmem>>
      %dma_wait3A_430 = arith.constant 0 : i32
      %dma_wait3A_431 = tpu.memref_slice %arg6[%dma_wait3A_426, %dma_wait3A_430] : memref<28x128xi32, #tpu.memory_space<vmem>> -> memref<1x128xi32, #tpu.memory_space<vmem>>
      %dma_wait3A_432 = tpu.memref_squeeze %dma_wait3A_431 : memref<1x128xi32, #tpu.memory_space<vmem>> -> memref<128xi32, #tpu.memory_space<vmem>>
      %dma_wait3A_433 = arith.constant 0 : i32
      %dma_wait3A_434 = tpu.memref_slice %arg8[%dma_wait3A_433] : memref<51200xf32, #tpu.memory_space<vmem_shared>> -> memref<51200xf32, #tpu.memory_space<vmem_shared>>
      tpu.wait_indirect_dma semaphore(%arg9 : memref<!tpu.dma_semaphore, #tpu.memory_space<semaphore_mem>>) src(%dma_wait3A_429 : memref<128xf32, #tpu.memory_space<vmem>>) dst(%dma_wait3A_434 : memref<51200xf32, #tpu.memory_space<vmem_shared>>)
      %dma_wait3A_435 = arith.constant 11 : i32
      %dma_wait3A_436 = arith.constant 11 : i32
      %dma_wait3A_437 = arith.constant 0 : i32
      %dma_wait3A_438 = tpu.memref_slice %arg7[%dma_wait3A_435, %dma_wait3A_437] : memref<28x128xf32, #tpu.memory_space<vmem>> -> memref<1x128xf32, #tpu.memory_space<vmem>>
      %dma_wait3A_439 = tpu.memref_squeeze %dma_wait3A_438 : memref<1x128xf32, #tpu.memory_space<vmem>> -> memref<128xf32, #tpu.memory_space<vmem>>
      %dma_wait3A_440 = arith.constant 0 : i32
      %dma_wait3A_441 = tpu.memref_slice %arg6[%dma_wait3A_436, %dma_wait3A_440] : memref<28x128xi32, #tpu.memory_space<vmem>> -> memref<1x128xi32, #tpu.memory_space<vmem>>
      %dma_wait3A_442 = tpu.memref_squeeze %dma_wait3A_441 : memref<1x128xi32, #tpu.memory_space<vmem>> -> memref<128xi32, #tpu.memory_space<vmem>>
      %dma_wait3A_443 = arith.constant 0 : i32
      %dma_wait3A_444 = tpu.memref_slice %arg8[%dma_wait3A_443] : memref<51200xf32, #tpu.memory_space<vmem_shared>> -> memref<51200xf32, #tpu.memory_space<vmem_shared>>
      tpu.wait_indirect_dma semaphore(%arg9 : memref<!tpu.dma_semaphore, #tpu.memory_space<semaphore_mem>>) src(%dma_wait3A_439 : memref<128xf32, #tpu.memory_space<vmem>>) dst(%dma_wait3A_444 : memref<51200xf32, #tpu.memory_space<vmem_shared>>)
      %dma_wait3A_445 = arith.constant 12 : i32
      %dma_wait3A_446 = arith.constant 12 : i32
      %dma_wait3A_447 = arith.constant 0 : i32
      %dma_wait3A_448 = tpu.memref_slice %arg7[%dma_wait3A_445, %dma_wait3A_447] : memref<28x128xf32, #tpu.memory_space<vmem>> -> memref<1x128xf32, #tpu.memory_space<vmem>>
      %dma_wait3A_449 = tpu.memref_squeeze %dma_wait3A_448 : memref<1x128xf32, #tpu.memory_space<vmem>> -> memref<128xf32, #tpu.memory_space<vmem>>
      %dma_wait3A_450 = arith.constant 0 : i32
      %dma_wait3A_451 = tpu.memref_slice %arg6[%dma_wait3A_446, %dma_wait3A_450] : memref<28x128xi32, #tpu.memory_space<vmem>> -> memref<1x128xi32, #tpu.memory_space<vmem>>
      %dma_wait3A_452 = tpu.memref_squeeze %dma_wait3A_451 : memref<1x128xi32, #tpu.memory_space<vmem>> -> memref<128xi32, #tpu.memory_space<vmem>>
      %dma_wait3A_453 = arith.constant 0 : i32
      %dma_wait3A_454 = tpu.memref_slice %arg8[%dma_wait3A_453] : memref<51200xf32, #tpu.memory_space<vmem_shared>> -> memref<51200xf32, #tpu.memory_space<vmem_shared>>
      tpu.wait_indirect_dma semaphore(%arg9 : memref<!tpu.dma_semaphore, #tpu.memory_space<semaphore_mem>>) src(%dma_wait3A_449 : memref<128xf32, #tpu.memory_space<vmem>>) dst(%dma_wait3A_454 : memref<51200xf32, #tpu.memory_space<vmem_shared>>)
      %dma_wait3A_455 = arith.constant 13 : i32
      %dma_wait3A_456 = arith.constant 13 : i32
      %dma_wait3A_457 = arith.constant 0 : i32
      %dma_wait3A_458 = tpu.memref_slice %arg7[%dma_wait3A_455, %dma_wait3A_457] : memref<28x128xf32, #tpu.memory_space<vmem>> -> memref<1x128xf32, #tpu.memory_space<vmem>>
      %dma_wait3A_459 = tpu.memref_squeeze %dma_wait3A_458 : memref<1x128xf32, #tpu.memory_space<vmem>> -> memref<128xf32, #tpu.memory_space<vmem>>
      %dma_wait3A_460 = arith.constant 0 : i32
      %dma_wait3A_461 = tpu.memref_slice %arg6[%dma_wait3A_456, %dma_wait3A_460] : memref<28x128xi32, #tpu.memory_space<vmem>> -> memref<1x128xi32, #tpu.memory_space<vmem>>
      %dma_wait3A_462 = tpu.memref_squeeze %dma_wait3A_461 : memref<1x128xi32, #tpu.memory_space<vmem>> -> memref<128xi32, #tpu.memory_space<vmem>>
      %dma_wait3A_463 = arith.constant 0 : i32
      %dma_wait3A_464 = tpu.memref_slice %arg8[%dma_wait3A_463] : memref<51200xf32, #tpu.memory_space<vmem_shared>> -> memref<51200xf32, #tpu.memory_space<vmem_shared>>
      tpu.wait_indirect_dma semaphore(%arg9 : memref<!tpu.dma_semaphore, #tpu.memory_space<semaphore_mem>>) src(%dma_wait3A_459 : memref<128xf32, #tpu.memory_space<vmem>>) dst(%dma_wait3A_464 : memref<51200xf32, #tpu.memory_space<vmem_shared>>)
      %dma_wait3A_465 = arith.constant 14 : i32
      %dma_wait3A_466 = arith.constant 14 : i32
      %dma_wait3A_467 = arith.constant 0 : i32
      %dma_wait3A_468 = tpu.memref_slice %arg7[%dma_wait3A_465, %dma_wait3A_467] : memref<28x128xf32, #tpu.memory_space<vmem>> -> memref<1x128xf32, #tpu.memory_space<vmem>>
      %dma_wait3A_469 = tpu.memref_squeeze %dma_wait3A_468 : memref<1x128xf32, #tpu.memory_space<vmem>> -> memref<128xf32, #tpu.memory_space<vmem>>
      %dma_wait3A_470 = arith.constant 0 : i32
      %dma_wait3A_471 = tpu.memref_slice %arg6[%dma_wait3A_466, %dma_wait3A_470] : memref<28x128xi32, #tpu.memory_space<vmem>> -> memref<1x128xi32, #tpu.memory_space<vmem>>
      %dma_wait3A_472 = tpu.memref_squeeze %dma_wait3A_471 : memref<1x128xi32, #tpu.memory_space<vmem>> -> memref<128xi32, #tpu.memory_space<vmem>>
      %dma_wait3A_473 = arith.constant 0 : i32
      %dma_wait3A_474 = tpu.memref_slice %arg8[%dma_wait3A_473] : memref<51200xf32, #tpu.memory_space<vmem_shared>> -> memref<51200xf32, #tpu.memory_space<vmem_shared>>
      tpu.wait_indirect_dma semaphore(%arg9 : memref<!tpu.dma_semaphore, #tpu.memory_space<semaphore_mem>>) src(%dma_wait3A_469 : memref<128xf32, #tpu.memory_space<vmem>>) dst(%dma_wait3A_474 : memref<51200xf32, #tpu.memory_space<vmem_shared>>)
      %dma_wait3A_475 = arith.constant 15 : i32
      %dma_wait3A_476 = arith.constant 15 : i32
      %dma_wait3A_477 = arith.constant 0 : i32
      %dma_wait3A_478 = tpu.memref_slice %arg7[%dma_wait3A_475, %dma_wait3A_477] : memref<28x128xf32, #tpu.memory_space<vmem>> -> memref<1x128xf32, #tpu.memory_space<vmem>>
      %dma_wait3A_479 = tpu.memref_squeeze %dma_wait3A_478 : memref<1x128xf32, #tpu.memory_space<vmem>> -> memref<128xf32, #tpu.memory_space<vmem>>
      %dma_wait3A_480 = arith.constant 0 : i32
      %dma_wait3A_481 = tpu.memref_slice %arg6[%dma_wait3A_476, %dma_wait3A_480] : memref<28x128xi32, #tpu.memory_space<vmem>> -> memref<1x128xi32, #tpu.memory_space<vmem>>
      %dma_wait3A_482 = tpu.memref_squeeze %dma_wait3A_481 : memref<1x128xi32, #tpu.memory_space<vmem>> -> memref<128xi32, #tpu.memory_space<vmem>>
      %dma_wait3A_483 = arith.constant 0 : i32
      %dma_wait3A_484 = tpu.memref_slice %arg8[%dma_wait3A_483] : memref<51200xf32, #tpu.memory_space<vmem_shared>> -> memref<51200xf32, #tpu.memory_space<vmem_shared>>
      tpu.wait_indirect_dma semaphore(%arg9 : memref<!tpu.dma_semaphore, #tpu.memory_space<semaphore_mem>>) src(%dma_wait3A_479 : memref<128xf32, #tpu.memory_space<vmem>>) dst(%dma_wait3A_484 : memref<51200xf32, #tpu.memory_space<vmem_shared>>)
      %dma_wait3A_485 = arith.constant 16 : i32
      %dma_wait3A_486 = arith.constant 16 : i32
      %dma_wait3A_487 = arith.constant 0 : i32
      %dma_wait3A_488 = tpu.memref_slice %arg7[%dma_wait3A_485, %dma_wait3A_487] : memref<28x128xf32, #tpu.memory_space<vmem>> -> memref<1x128xf32, #tpu.memory_space<vmem>>
      %dma_wait3A_489 = tpu.memref_squeeze %dma_wait3A_488 : memref<1x128xf32, #tpu.memory_space<vmem>> -> memref<128xf32, #tpu.memory_space<vmem>>
      %dma_wait3A_490 = arith.constant 0 : i32
      %dma_wait3A_491 = tpu.memref_slice %arg6[%dma_wait3A_486, %dma_wait3A_490] : memref<28x128xi32, #tpu.memory_space<vmem>> -> memref<1x128xi32, #tpu.memory_space<vmem>>
      %dma_wait3A_492 = tpu.memref_squeeze %dma_wait3A_491 : memref<1x128xi32, #tpu.memory_space<vmem>> -> memref<128xi32, #tpu.memory_space<vmem>>
      %dma_wait3A_493 = arith.constant 0 : i32
      %dma_wait3A_494 = tpu.memref_slice %arg8[%dma_wait3A_493] : memref<51200xf32, #tpu.memory_space<vmem_shared>> -> memref<51200xf32, #tpu.memory_space<vmem_shared>>
      tpu.wait_indirect_dma semaphore(%arg9 : memref<!tpu.dma_semaphore, #tpu.memory_space<semaphore_mem>>) src(%dma_wait3A_489 : memref<128xf32, #tpu.memory_space<vmem>>) dst(%dma_wait3A_494 : memref<51200xf32, #tpu.memory_space<vmem_shared>>)
      %dma_wait3A_495 = arith.constant 17 : i32
      %dma_wait3A_496 = arith.constant 17 : i32
      %dma_wait3A_497 = arith.constant 0 : i32
      %dma_wait3A_498 = tpu.memref_slice %arg7[%dma_wait3A_495, %dma_wait3A_497] : memref<28x128xf32, #tpu.memory_space<vmem>> -> memref<1x128xf32, #tpu.memory_space<vmem>>
      %dma_wait3A_499 = tpu.memref_squeeze %dma_wait3A_498 : memref<1x128xf32, #tpu.memory_space<vmem>> -> memref<128xf32, #tpu.memory_space<vmem>>
      %dma_wait3A_500 = arith.constant 0 : i32
      %dma_wait3A_501 = tpu.memref_slice %arg6[%dma_wait3A_496, %dma_wait3A_500] : memref<28x128xi32, #tpu.memory_space<vmem>> -> memref<1x128xi32, #tpu.memory_space<vmem>>
      %dma_wait3A_502 = tpu.memref_squeeze %dma_wait3A_501 : memref<1x128xi32, #tpu.memory_space<vmem>> -> memref<128xi32, #tpu.memory_space<vmem>>
      %dma_wait3A_503 = arith.constant 0 : i32
      %dma_wait3A_504 = tpu.memref_slice %arg8[%dma_wait3A_503] : memref<51200xf32, #tpu.memory_space<vmem_shared>> -> memref<51200xf32, #tpu.memory_space<vmem_shared>>
      tpu.wait_indirect_dma semaphore(%arg9 : memref<!tpu.dma_semaphore, #tpu.memory_space<semaphore_mem>>) src(%dma_wait3A_499 : memref<128xf32, #tpu.memory_space<vmem>>) dst(%dma_wait3A_504 : memref<51200xf32, #tpu.memory_space<vmem_shared>>)
      %dma_wait3A_505 = arith.constant 18 : i32
      %dma_wait3A_506 = arith.constant 18 : i32
      %dma_wait3A_507 = arith.constant 0 : i32
      %dma_wait3A_508 = tpu.memref_slice %arg7[%dma_wait3A_505, %dma_wait3A_507] : memref<28x128xf32, #tpu.memory_space<vmem>> -> memref<1x128xf32, #tpu.memory_space<vmem>>
      %dma_wait3A_509 = tpu.memref_squeeze %dma_wait3A_508 : memref<1x128xf32, #tpu.memory_space<vmem>> -> memref<128xf32, #tpu.memory_space<vmem>>
      %dma_wait3A_510 = arith.constant 0 : i32
      %dma_wait3A_511 = tpu.memref_slice %arg6[%dma_wait3A_506, %dma_wait3A_510] : memref<28x128xi32, #tpu.memory_space<vmem>> -> memref<1x128xi32, #tpu.memory_space<vmem>>
      %dma_wait3A_512 = tpu.memref_squeeze %dma_wait3A_511 : memref<1x128xi32, #tpu.memory_space<vmem>> -> memref<128xi32, #tpu.memory_space<vmem>>
      %dma_wait3A_513 = arith.constant 0 : i32
      %dma_wait3A_514 = tpu.memref_slice %arg8[%dma_wait3A_513] : memref<51200xf32, #tpu.memory_space<vmem_shared>> -> memref<51200xf32, #tpu.memory_space<vmem_shared>>
      tpu.wait_indirect_dma semaphore(%arg9 : memref<!tpu.dma_semaphore, #tpu.memory_space<semaphore_mem>>) src(%dma_wait3A_509 : memref<128xf32, #tpu.memory_space<vmem>>) dst(%dma_wait3A_514 : memref<51200xf32, #tpu.memory_space<vmem_shared>>)
      %dma_wait3A_515 = arith.constant 19 : i32
      %dma_wait3A_516 = arith.constant 19 : i32
      %dma_wait3A_517 = arith.constant 0 : i32
      %dma_wait3A_518 = tpu.memref_slice %arg7[%dma_wait3A_515, %dma_wait3A_517] : memref<28x128xf32, #tpu.memory_space<vmem>> -> memref<1x128xf32, #tpu.memory_space<vmem>>
      %dma_wait3A_519 = tpu.memref_squeeze %dma_wait3A_518 : memref<1x128xf32, #tpu.memory_space<vmem>> -> memref<128xf32, #tpu.memory_space<vmem>>
      %dma_wait3A_520 = arith.constant 0 : i32
      %dma_wait3A_521 = tpu.memref_slice %arg6[%dma_wait3A_516, %dma_wait3A_520] : memref<28x128xi32, #tpu.memory_space<vmem>> -> memref<1x128xi32, #tpu.memory_space<vmem>>
      %dma_wait3A_522 = tpu.memref_squeeze %dma_wait3A_521 : memref<1x128xi32, #tpu.memory_space<vmem>> -> memref<128xi32, #tpu.memory_space<vmem>>
      %dma_wait3A_523 = arith.constant 0 : i32
      %dma_wait3A_524 = tpu.memref_slice %arg8[%dma_wait3A_523] : memref<51200xf32, #tpu.memory_space<vmem_shared>> -> memref<51200xf32, #tpu.memory_space<vmem_shared>>
      tpu.wait_indirect_dma semaphore(%arg9 : memref<!tpu.dma_semaphore, #tpu.memory_space<semaphore_mem>>) src(%dma_wait3A_519 : memref<128xf32, #tpu.memory_space<vmem>>) dst(%dma_wait3A_524 : memref<51200xf32, #tpu.memory_space<vmem_shared>>)
      %dma_wait3A_525 = arith.constant 20 : i32
      %dma_wait3A_526 = arith.constant 20 : i32
      %dma_wait3A_527 = arith.constant 0 : i32
      %dma_wait3A_528 = tpu.memref_slice %arg7[%dma_wait3A_525, %dma_wait3A_527] : memref<28x128xf32, #tpu.memory_space<vmem>> -> memref<1x128xf32, #tpu.memory_space<vmem>>
      %dma_wait3A_529 = tpu.memref_squeeze %dma_wait3A_528 : memref<1x128xf32, #tpu.memory_space<vmem>> -> memref<128xf32, #tpu.memory_space<vmem>>
      %dma_wait3A_530 = arith.constant 0 : i32
      %dma_wait3A_531 = tpu.memref_slice %arg6[%dma_wait3A_526, %dma_wait3A_530] : memref<28x128xi32, #tpu.memory_space<vmem>> -> memref<1x128xi32, #tpu.memory_space<vmem>>
      %dma_wait3A_532 = tpu.memref_squeeze %dma_wait3A_531 : memref<1x128xi32, #tpu.memory_space<vmem>> -> memref<128xi32, #tpu.memory_space<vmem>>
      %dma_wait3A_533 = arith.constant 0 : i32
      %dma_wait3A_534 = tpu.memref_slice %arg8[%dma_wait3A_533] : memref<51200xf32, #tpu.memory_space<vmem_shared>> -> memref<51200xf32, #tpu.memory_space<vmem_shared>>
      tpu.wait_indirect_dma semaphore(%arg9 : memref<!tpu.dma_semaphore, #tpu.memory_space<semaphore_mem>>) src(%dma_wait3A_529 : memref<128xf32, #tpu.memory_space<vmem>>) dst(%dma_wait3A_534 : memref<51200xf32, #tpu.memory_space<vmem_shared>>)
      %dma_wait3A_535 = arith.constant 21 : i32
      %dma_wait3A_536 = arith.constant 21 : i32
      %dma_wait3A_537 = arith.constant 0 : i32
      %dma_wait3A_538 = tpu.memref_slice %arg7[%dma_wait3A_535, %dma_wait3A_537] : memref<28x128xf32, #tpu.memory_space<vmem>> -> memref<1x128xf32, #tpu.memory_space<vmem>>
      %dma_wait3A_539 = tpu.memref_squeeze %dma_wait3A_538 : memref<1x128xf32, #tpu.memory_space<vmem>> -> memref<128xf32, #tpu.memory_space<vmem>>
      %dma_wait3A_540 = arith.constant 0 : i32
      %dma_wait3A_541 = tpu.memref_slice %arg6[%dma_wait3A_536, %dma_wait3A_540] : memref<28x128xi32, #tpu.memory_space<vmem>> -> memref<1x128xi32, #tpu.memory_space<vmem>>
      %dma_wait3A_542 = tpu.memref_squeeze %dma_wait3A_541 : memref<1x128xi32, #tpu.memory_space<vmem>> -> memref<128xi32, #tpu.memory_space<vmem>>
      %dma_wait3A_543 = arith.constant 0 : i32
      %dma_wait3A_544 = tpu.memref_slice %arg8[%dma_wait3A_543] : memref<51200xf32, #tpu.memory_space<vmem_shared>> -> memref<51200xf32, #tpu.memory_space<vmem_shared>>
      tpu.wait_indirect_dma semaphore(%arg9 : memref<!tpu.dma_semaphore, #tpu.memory_space<semaphore_mem>>) src(%dma_wait3A_539 : memref<128xf32, #tpu.memory_space<vmem>>) dst(%dma_wait3A_544 : memref<51200xf32, #tpu.memory_space<vmem_shared>>)
      %dma_wait3A_545 = arith.constant 22 : i32
      %dma_wait3A_546 = arith.constant 22 : i32
      %dma_wait3A_547 = arith.constant 0 : i32
      %dma_wait3A_548 = tpu.memref_slice %arg7[%dma_wait3A_545, %dma_wait3A_547] : memref<28x128xf32, #tpu.memory_space<vmem>> -> memref<1x128xf32, #tpu.memory_space<vmem>>
      %dma_wait3A_549 = tpu.memref_squeeze %dma_wait3A_548 : memref<1x128xf32, #tpu.memory_space<vmem>> -> memref<128xf32, #tpu.memory_space<vmem>>
      %dma_wait3A_550 = arith.constant 0 : i32
      %dma_wait3A_551 = tpu.memref_slice %arg6[%dma_wait3A_546, %dma_wait3A_550] : memref<28x128xi32, #tpu.memory_space<vmem>> -> memref<1x128xi32, #tpu.memory_space<vmem>>
      %dma_wait3A_552 = tpu.memref_squeeze %dma_wait3A_551 : memref<1x128xi32, #tpu.memory_space<vmem>> -> memref<128xi32, #tpu.memory_space<vmem>>
      %dma_wait3A_553 = arith.constant 0 : i32
      %dma_wait3A_554 = tpu.memref_slice %arg8[%dma_wait3A_553] : memref<51200xf32, #tpu.memory_space<vmem_shared>> -> memref<51200xf32, #tpu.memory_space<vmem_shared>>
      tpu.wait_indirect_dma semaphore(%arg9 : memref<!tpu.dma_semaphore, #tpu.memory_space<semaphore_mem>>) src(%dma_wait3A_549 : memref<128xf32, #tpu.memory_space<vmem>>) dst(%dma_wait3A_554 : memref<51200xf32, #tpu.memory_space<vmem_shared>>)
      %dma_wait3A_555 = arith.constant 23 : i32
      %dma_wait3A_556 = arith.constant 23 : i32
      %dma_wait3A_557 = arith.constant 0 : i32
      %dma_wait3A_558 = tpu.memref_slice %arg7[%dma_wait3A_555, %dma_wait3A_557] : memref<28x128xf32, #tpu.memory_space<vmem>> -> memref<1x128xf32, #tpu.memory_space<vmem>>
      %dma_wait3A_559 = tpu.memref_squeeze %dma_wait3A_558 : memref<1x128xf32, #tpu.memory_space<vmem>> -> memref<128xf32, #tpu.memory_space<vmem>>
      %dma_wait3A_560 = arith.constant 0 : i32
      %dma_wait3A_561 = tpu.memref_slice %arg6[%dma_wait3A_556, %dma_wait3A_560] : memref<28x128xi32, #tpu.memory_space<vmem>> -> memref<1x128xi32, #tpu.memory_space<vmem>>
      %dma_wait3A_562 = tpu.memref_squeeze %dma_wait3A_561 : memref<1x128xi32, #tpu.memory_space<vmem>> -> memref<128xi32, #tpu.memory_space<vmem>>
      %dma_wait3A_563 = arith.constant 0 : i32
      %dma_wait3A_564 = tpu.memref_slice %arg8[%dma_wait3A_563] : memref<51200xf32, #tpu.memory_space<vmem_shared>> -> memref<51200xf32, #tpu.memory_space<vmem_shared>>
      tpu.wait_indirect_dma semaphore(%arg9 : memref<!tpu.dma_semaphore, #tpu.memory_space<semaphore_mem>>) src(%dma_wait3A_559 : memref<128xf32, #tpu.memory_space<vmem>>) dst(%dma_wait3A_564 : memref<51200xf32, #tpu.memory_space<vmem_shared>>)
      %dma_wait3A_565 = arith.constant 24 : i32
      %dma_wait3A_566 = arith.constant 24 : i32
      %dma_wait3A_567 = arith.constant 0 : i32
      %dma_wait3A_568 = tpu.memref_slice %arg7[%dma_wait3A_565, %dma_wait3A_567] : memref<28x128xf32, #tpu.memory_space<vmem>> -> memref<1x128xf32, #tpu.memory_space<vmem>>
      %dma_wait3A_569 = tpu.memref_squeeze %dma_wait3A_568 : memref<1x128xf32, #tpu.memory_space<vmem>> -> memref<128xf32, #tpu.memory_space<vmem>>
      %dma_wait3A_570 = arith.constant 0 : i32
      %dma_wait3A_571 = tpu.memref_slice %arg6[%dma_wait3A_566, %dma_wait3A_570] : memref<28x128xi32, #tpu.memory_space<vmem>> -> memref<1x128xi32, #tpu.memory_space<vmem>>
      %dma_wait3A_572 = tpu.memref_squeeze %dma_wait3A_571 : memref<1x128xi32, #tpu.memory_space<vmem>> -> memref<128xi32, #tpu.memory_space<vmem>>
      %dma_wait3A_573 = arith.constant 0 : i32
      %dma_wait3A_574 = tpu.memref_slice %arg8[%dma_wait3A_573] : memref<51200xf32, #tpu.memory_space<vmem_shared>> -> memref<51200xf32, #tpu.memory_space<vmem_shared>>
      tpu.wait_indirect_dma semaphore(%arg9 : memref<!tpu.dma_semaphore, #tpu.memory_space<semaphore_mem>>) src(%dma_wait3A_569 : memref<128xf32, #tpu.memory_space<vmem>>) dst(%dma_wait3A_574 : memref<51200xf32, #tpu.memory_space<vmem_shared>>)
      %dma_wait3A_575 = arith.constant 25 : i32
      %dma_wait3A_576 = arith.constant 25 : i32
      %dma_wait3A_577 = arith.constant 0 : i32
      %dma_wait3A_578 = tpu.memref_slice %arg7[%dma_wait3A_575, %dma_wait3A_577] : memref<28x128xf32, #tpu.memory_space<vmem>> -> memref<1x128xf32, #tpu.memory_space<vmem>>
      %dma_wait3A_579 = tpu.memref_squeeze %dma_wait3A_578 : memref<1x128xf32, #tpu.memory_space<vmem>> -> memref<128xf32, #tpu.memory_space<vmem>>
      %dma_wait3A_580 = arith.constant 0 : i32
      %dma_wait3A_581 = tpu.memref_slice %arg6[%dma_wait3A_576, %dma_wait3A_580] : memref<28x128xi32, #tpu.memory_space<vmem>> -> memref<1x128xi32, #tpu.memory_space<vmem>>
      %dma_wait3A_582 = tpu.memref_squeeze %dma_wait3A_581 : memref<1x128xi32, #tpu.memory_space<vmem>> -> memref<128xi32, #tpu.memory_space<vmem>>
      %dma_wait3A_583 = arith.constant 0 : i32
      %dma_wait3A_584 = tpu.memref_slice %arg8[%dma_wait3A_583] : memref<51200xf32, #tpu.memory_space<vmem_shared>> -> memref<51200xf32, #tpu.memory_space<vmem_shared>>
      tpu.wait_indirect_dma semaphore(%arg9 : memref<!tpu.dma_semaphore, #tpu.memory_space<semaphore_mem>>) src(%dma_wait3A_579 : memref<128xf32, #tpu.memory_space<vmem>>) dst(%dma_wait3A_584 : memref<51200xf32, #tpu.memory_space<vmem_shared>>)
      %dma_wait3A_585 = arith.constant 26 : i32
      %dma_wait3A_586 = arith.constant 26 : i32
      %dma_wait3A_587 = arith.constant 0 : i32
      %dma_wait3A_588 = tpu.memref_slice %arg7[%dma_wait3A_585, %dma_wait3A_587] : memref<28x128xf32, #tpu.memory_space<vmem>> -> memref<1x128xf32, #tpu.memory_space<vmem>>
      %dma_wait3A_589 = tpu.memref_squeeze %dma_wait3A_588 : memref<1x128xf32, #tpu.memory_space<vmem>> -> memref<128xf32, #tpu.memory_space<vmem>>
      %dma_wait3A_590 = arith.constant 0 : i32
      %dma_wait3A_591 = tpu.memref_slice %arg6[%dma_wait3A_586, %dma_wait3A_590] : memref<28x128xi32, #tpu.memory_space<vmem>> -> memref<1x128xi32, #tpu.memory_space<vmem>>
      %dma_wait3A_592 = tpu.memref_squeeze %dma_wait3A_591 : memref<1x128xi32, #tpu.memory_space<vmem>> -> memref<128xi32, #tpu.memory_space<vmem>>
      %dma_wait3A_593 = arith.constant 0 : i32
      %dma_wait3A_594 = tpu.memref_slice %arg8[%dma_wait3A_593] : memref<51200xf32, #tpu.memory_space<vmem_shared>> -> memref<51200xf32, #tpu.memory_space<vmem_shared>>
      tpu.wait_indirect_dma semaphore(%arg9 : memref<!tpu.dma_semaphore, #tpu.memory_space<semaphore_mem>>) src(%dma_wait3A_589 : memref<128xf32, #tpu.memory_space<vmem>>) dst(%dma_wait3A_594 : memref<51200xf32, #tpu.memory_space<vmem_shared>>)
      %dma_wait3A_595 = arith.constant 27 : i32
      %dma_wait3A_596 = arith.constant 27 : i32
      %dma_wait3A_597 = arith.constant 0 : i32
      %dma_wait3A_598 = tpu.memref_slice %arg7[%dma_wait3A_595, %dma_wait3A_597] : memref<28x128xf32, #tpu.memory_space<vmem>> -> memref<1x128xf32, #tpu.memory_space<vmem>>
      %dma_wait3A_599 = tpu.memref_squeeze %dma_wait3A_598 : memref<1x128xf32, #tpu.memory_space<vmem>> -> memref<128xf32, #tpu.memory_space<vmem>>
      %dma_wait3A_600 = arith.constant 0 : i32
      %dma_wait3A_601 = tpu.memref_slice %arg6[%dma_wait3A_596, %dma_wait3A_600] : memref<28x128xi32, #tpu.memory_space<vmem>> -> memref<1x128xi32, #tpu.memory_space<vmem>>
      %dma_wait3A_602 = tpu.memref_squeeze %dma_wait3A_601 : memref<1x128xi32, #tpu.memory_space<vmem>> -> memref<128xi32, #tpu.memory_space<vmem>>
      %dma_wait3A_603 = arith.constant 0 : i32
      %dma_wait3A_604 = tpu.memref_slice %arg8[%dma_wait3A_603] : memref<51200xf32, #tpu.memory_space<vmem_shared>> -> memref<51200xf32, #tpu.memory_space<vmem_shared>>
      tpu.wait_indirect_dma semaphore(%arg9 : memref<!tpu.dma_semaphore, #tpu.memory_space<semaphore_mem>>) src(%dma_wait3A_599 : memref<128xf32, #tpu.memory_space<vmem>>) dst(%dma_wait3A_604 : memref<51200xf32, #tpu.memory_space<vmem_shared>>)
      %scan3A_605 = arith.constant 0 : i32
      scf.yield %scan3A_605 : i32
    }
    %scan3A_17 = arith.constant 14 : i32
    %barrier3A_18 = arith.constant 0 : index
    tpu.barrier barrier_id(%barrier3A_18)
    %mul3A_19 = arith.constant 3200 : i32
    %mul3A_20 = arith.muli %arg1, %mul3A_19 : i32
    %mul3A_21 = arith.constant 51200 : i32
    %mul3A_22 = arith.muli %arg0, %mul3A_21 : i32
    %mul3A_23 = arith.constant 3200 : i32
    %mul3A_24 = arith.muli %arg1, %mul3A_23 : i32
    %add3A_25 = arith.addi %mul3A_22, %mul3A_24 : i32
    "tpu.region"() ({
      %run_scoped3A = tpu.sem_alloc : memref<!tpu.dma_semaphore, #tpu.memory_space<semaphore_mem>>
      %dma_start3A = tpu.memref_slice %arg4[%add3A_25] : memref<102400xf32, #tpu.memory_space<hbm>> -> memref<3200xf32, #tpu.memory_space<hbm>>
      %dma_start3A_26 = tpu.memref_slice %arg8[%mul3A_20] : memref<51200xf32, #tpu.memory_space<vmem_shared>> -> memref<3200xf32, #tpu.memory_space<vmem_shared>>
      tpu.enqueue_dma source(%dma_start3A_26 : memref<3200xf32, #tpu.memory_space<vmem_shared>>) target(%dma_start3A : memref<3200xf32, #tpu.memory_space<hbm>>) target_semaphore(%run_scoped3A : memref<!tpu.dma_semaphore, #tpu.memory_space<semaphore_mem>>)
      %dma_wait3A = tpu.memref_slice %arg4[%add3A_25] : memref<102400xf32, #tpu.memory_space<hbm>> -> memref<3200xf32, #tpu.memory_space<hbm>>
      %dma_wait3A_27 = tpu.memref_slice %arg8[%mul3A_20] : memref<51200xf32, #tpu.memory_space<vmem_shared>> -> memref<3200xf32, #tpu.memory_space<vmem_shared>>
      tpu.wait_dma2 semaphore(%run_scoped3A : memref<!tpu.dma_semaphore, #tpu.memory_space<semaphore_mem>>) src(%dma_wait3A_27 : memref<3200xf32, #tpu.memory_space<vmem_shared>>) dst(%dma_wait3A : memref<3200xf32, #tpu.memory_space<hbm>>)
      tpu.yield
    }) : () -> ()
    return
  }
}

#map = affine_map<(d0, d1) -> (0, 0)>
#map1 = affine_map<(d0, d1) -> (0, 0, 0)>
module attributes {stable_mosaic.version = 14 : i64} {
  func.func @_agg_body(%arg0: i32, %arg1: i32, %arg2: memref<12544x128xi32, #tpu.memory_space<hbm>>, %arg3: memref<12544x128xi32, #tpu.memory_space<hbm>>, %arg4: memref<12544x128xf32, #tpu.memory_space<hbm>>, %arg5: memref<51200x32xf32, #tpu.memory_space<hbm>>, %arg6: memref<2x51200x32xf32, #tpu.memory_space<hbm>>, %arg7: memref<4x128xi32, #tpu.memory_space<vmem>>, %arg8: memref<4x128xi32, #tpu.memory_space<vmem>>, %arg9: memref<4x128xf32, #tpu.memory_space<vmem>>, %arg10: memref<4x128x32xf32, #tpu.memory_space<vmem>>, %arg11: memref<128x32xf32, #tpu.memory_space<vmem>>, %arg12: memref<51200x32xf32, #tpu.memory_space<vmem_shared>>, %arg13: memref<!tpu.dma_semaphore, #tpu.memory_space<semaphore_mem>>, %arg14: memref<!tpu.dma_semaphore, #tpu.memory_space<semaphore_mem>>) attributes {dimension_semantics = [#tpu.dimension_semantics<core_parallel>, #tpu.dimension_semantics<subcore_parallel>], iteration_bounds = array<i64: 2, 16>, scalar_prefetch = 0 : i64, scratch_operands = 8 : i64, tpu.core_type = #tpu.core_type<sc_vector_subcore>, window_params = [{transform_indices = #map}, {transform_indices = #map}, {transform_indices = #map}, {transform_indices = #map}, {transform_indices = #map1}]} {
    %mul3A = arith.constant 2 : i32
    %mul3A_0 = arith.muli %arg1, %mul3A : i32
    %add3A = arith.addi %mul3A_0, %arg0 : i32
    %scan3A = arith.constant 0 : i32
    %scan3A_1 = arith.constant 0 : i32
    %scan3A_2 = arith.constant 128 : i32
    %scan3A_3 = arith.addi %scan3A_1, %scan3A_2 : i32
    %scan3A_4 = arith.constant 1 : i32
    %scan3A_5 = scf.for %scan3A_319 = %scan3A_1 to %scan3A_3 step %scan3A_4 iter_args(%scan3A_320 = %scan3A) -> (i32)  : i32 {
      %broadcast_in_dim3A = arith.constant 0.000000e+00 : f32
      %broadcast_in_dim3A_321 = vector.broadcast %broadcast_in_dim3A : f32 to vector<16xf32>
      %swap3A = arith.index_cast %scan3A_319 : i32 to index
      %swap3A_322 = arith.constant 0 : index
      %swap3A_323 = tpu.vector_load %arg11[%swap3A, %swap3A_322] {strides = array<i32>} : memref<128x32xf32, #tpu.memory_space<vmem>>, vector<1x16xf32>,
      %swap3A_324 = vector.shape_cast %swap3A_323 : vector<1x16xf32> to vector<16xf32>
      %swap3A_325 = vector.shape_cast %broadcast_in_dim3A_321 : vector<16xf32> to vector<1x16xf32>
      tpu.vector_store %arg11[%swap3A, %swap3A_322], %swap3A_325 {strides = array<i32>} : memref<128x32xf32, #tpu.memory_space<vmem>>, vector<1x16xf32>,
      %broadcast_in_dim3A_326 = arith.constant 0.000000e+00 : f32
      %broadcast_in_dim3A_327 = vector.broadcast %broadcast_in_dim3A_326 : f32 to vector<16xf32>
      %swap3A_328 = arith.index_cast %scan3A_319 : i32 to index
      %swap3A_329 = arith.constant 16 : index
      %swap3A_330 = tpu.vector_load %arg11[%swap3A_328, %swap3A_329] {strides = array<i32>} : memref<128x32xf32, #tpu.memory_space<vmem>>, vector<1x16xf32>,
      %swap3A_331 = vector.shape_cast %swap3A_330 : vector<1x16xf32> to vector<16xf32>
      %swap3A_332 = vector.shape_cast %broadcast_in_dim3A_327 : vector<16xf32> to vector<1x16xf32>
      tpu.vector_store %arg11[%swap3A_328, %swap3A_329], %swap3A_332 {strides = array<i32>} : memref<128x32xf32, #tpu.memory_space<vmem>>, vector<1x16xf32>,
      %scan3A_333 = arith.constant 0 : i32
      scf.yield %scan3A_333 : i32
    }
    %scan3A_6 = arith.constant 128 : i32
    %mul3A_7 = arith.constant 3200 : i32
    %mul3A_8 = arith.muli %arg1, %mul3A_7 : i32
    %add3A_9 = arith.constant 0 : i32
    %add3A_10 = arith.addi %mul3A_8, %add3A_9 : i32
    %dma_start3A = arith.constant 0 : i32
    %dma_start3A_11 = tpu.memref_slice %arg12[%add3A_10, %dma_start3A] : memref<51200x32xf32, #tpu.memory_space<vmem_shared>> -> memref<128x32xf32, #tpu.memory_space<vmem_shared>>
    %dma_start3A_12 = arith.constant 0 : i32
    %dma_start3A_13 = tpu.memref_slice %arg12[%add3A_10, %dma_start3A_12] : memref<51200x32xf32, #tpu.memory_space<vmem_shared>> -> memref<128x32xf32, #tpu.memory_space<vmem_shared>>
    tpu.enqueue_dma source(%arg11 : memref<128x32xf32, #tpu.memory_space<vmem>>) target(%dma_start3A_13 : memref<128x32xf32, #tpu.memory_space<vmem_shared>>) target_semaphore(%arg13 : memref<!tpu.dma_semaphore, #tpu.memory_space<semaphore_mem>>)
    %mul3A_14 = arith.constant 3200 : i32
    %mul3A_15 = arith.muli %arg1, %mul3A_14 : i32
    %add3A_16 = arith.constant 128 : i32
    %add3A_17 = arith.addi %mul3A_15, %add3A_16 : i32
    %dma_start3A_18 = arith.constant 0 : i32
    %dma_start3A_19 = tpu.memref_slice %arg12[%add3A_17, %dma_start3A_18] : memref<51200x32xf32, #tpu.memory_space<vmem_shared>> -> memref<128x32xf32, #tpu.memory_space<vmem_shared>>
    %dma_start3A_20 = arith.constant 0 : i32
    %dma_start3A_21 = tpu.memref_slice %arg12[%add3A_17, %dma_start3A_20] : memref<51200x32xf32, #tpu.memory_space<vmem_shared>> -> memref<128x32xf32, #tpu.memory_space<vmem_shared>>
    tpu.enqueue_dma source(%arg11 : memref<128x32xf32, #tpu.memory_space<vmem>>) target(%dma_start3A_21 : memref<128x32xf32, #tpu.memory_space<vmem_shared>>) target_semaphore(%arg13 : memref<!tpu.dma_semaphore, #tpu.memory_space<semaphore_mem>>)
    %mul3A_22 = arith.constant 3200 : i32
    %mul3A_23 = arith.muli %arg1, %mul3A_22 : i32
    %add3A_24 = arith.constant 256 : i32
    %add3A_25 = arith.addi %mul3A_23, %add3A_24 : i32
    %dma_start3A_26 = arith.constant 0 : i32
    %dma_start3A_27 = tpu.memref_slice %arg12[%add3A_25, %dma_start3A_26] : memref<51200x32xf32, #tpu.memory_space<vmem_shared>> -> memref<128x32xf32, #tpu.memory_space<vmem_shared>>
    %dma_start3A_28 = arith.constant 0 : i32
    %dma_start3A_29 = tpu.memref_slice %arg12[%add3A_25, %dma_start3A_28] : memref<51200x32xf32, #tpu.memory_space<vmem_shared>> -> memref<128x32xf32, #tpu.memory_space<vmem_shared>>
    tpu.enqueue_dma source(%arg11 : memref<128x32xf32, #tpu.memory_space<vmem>>) target(%dma_start3A_29 : memref<128x32xf32, #tpu.memory_space<vmem_shared>>) target_semaphore(%arg13 : memref<!tpu.dma_semaphore, #tpu.memory_space<semaphore_mem>>)
    %mul3A_30 = arith.constant 3200 : i32
    %mul3A_31 = arith.muli %arg1, %mul3A_30 : i32
    %add3A_32 = arith.constant 384 : i32
    %add3A_33 = arith.addi %mul3A_31, %add3A_32 : i32
    %dma_start3A_34 = arith.constant 0 : i32
    %dma_start3A_35 = tpu.memref_slice %arg12[%add3A_33, %dma_start3A_34] : memref<51200x32xf32, #tpu.memory_space<vmem_shared>> -> memref<128x32xf32, #tpu.memory_space<vmem_shared>>
    %dma_start3A_36 = arith.constant 0 : i32
    %dma_start3A_37 = tpu.memref_slice %arg12[%add3A_33, %dma_start3A_36] : memref<51200x32xf32, #tpu.memory_space<vmem_shared>> -> memref<128x32xf32, #tpu.memory_space<vmem_shared>>
    tpu.enqueue_dma source(%arg11 : memref<128x32xf32, #tpu.memory_space<vmem>>) target(%dma_start3A_37 : memref<128x32xf32, #tpu.memory_space<vmem_shared>>) target_semaphore(%arg13 : memref<!tpu.dma_semaphore, #tpu.memory_space<semaphore_mem>>)
    %mul3A_38 = arith.constant 3200 : i32
    %mul3A_39 = arith.muli %arg1, %mul3A_38 : i32
    %add3A_40 = arith.constant 512 : i32
    %add3A_41 = arith.addi %mul3A_39, %add3A_40 : i32
    %dma_start3A_42 = arith.constant 0 : i32
    %dma_start3A_43 = tpu.memref_slice %arg12[%add3A_41, %dma_start3A_42] : memref<51200x32xf32, #tpu.memory_space<vmem_shared>> -> memref<128x32xf32, #tpu.memory_space<vmem_shared>>
    %dma_start3A_44 = arith.constant 0 : i32
    %dma_start3A_45 = tpu.memref_slice %arg12[%add3A_41, %dma_start3A_44] : memref<51200x32xf32, #tpu.memory_space<vmem_shared>> -> memref<128x32xf32, #tpu.memory_space<vmem_shared>>
    tpu.enqueue_dma source(%arg11 : memref<128x32xf32, #tpu.memory_space<vmem>>) target(%dma_start3A_45 : memref<128x32xf32, #tpu.memory_space<vmem_shared>>) target_semaphore(%arg13 : memref<!tpu.dma_semaphore, #tpu.memory_space<semaphore_mem>>)
    %mul3A_46 = arith.constant 3200 : i32
    %mul3A_47 = arith.muli %arg1, %mul3A_46 : i32
    %add3A_48 = arith.constant 640 : i32
    %add3A_49 = arith.addi %mul3A_47, %add3A_48 : i32
    %dma_start3A_50 = arith.constant 0 : i32
    %dma_start3A_51 = tpu.memref_slice %arg12[%add3A_49, %dma_start3A_50] : memref<51200x32xf32, #tpu.memory_space<vmem_shared>> -> memref<128x32xf32, #tpu.memory_space<vmem_shared>>
    %dma_start3A_52 = arith.constant 0 : i32
    %dma_start3A_53 = tpu.memref_slice %arg12[%add3A_49, %dma_start3A_52] : memref<51200x32xf32, #tpu.memory_space<vmem_shared>> -> memref<128x32xf32, #tpu.memory_space<vmem_shared>>
    tpu.enqueue_dma source(%arg11 : memref<128x32xf32, #tpu.memory_space<vmem>>) target(%dma_start3A_53 : memref<128x32xf32, #tpu.memory_space<vmem_shared>>) target_semaphore(%arg13 : memref<!tpu.dma_semaphore, #tpu.memory_space<semaphore_mem>>)
    %mul3A_54 = arith.constant 3200 : i32
    %mul3A_55 = arith.muli %arg1, %mul3A_54 : i32
    %add3A_56 = arith.constant 768 : i32
    %add3A_57 = arith.addi %mul3A_55, %add3A_56 : i32
    %dma_start3A_58 = arith.constant 0 : i32
    %dma_start3A_59 = tpu.memref_slice %arg12[%add3A_57, %dma_start3A_58] : memref<51200x32xf32, #tpu.memory_space<vmem_shared>> -> memref<128x32xf32, #tpu.memory_space<vmem_shared>>
    %dma_start3A_60 = arith.constant 0 : i32
    %dma_start3A_61 = tpu.memref_slice %arg12[%add3A_57, %dma_start3A_60] : memref<51200x32xf32, #tpu.memory_space<vmem_shared>> -> memref<128x32xf32, #tpu.memory_space<vmem_shared>>
    tpu.enqueue_dma source(%arg11 : memref<128x32xf32, #tpu.memory_space<vmem>>) target(%dma_start3A_61 : memref<128x32xf32, #tpu.memory_space<vmem_shared>>) target_semaphore(%arg13 : memref<!tpu.dma_semaphore, #tpu.memory_space<semaphore_mem>>)
    %mul3A_62 = arith.constant 3200 : i32
    %mul3A_63 = arith.muli %arg1, %mul3A_62 : i32
    %add3A_64 = arith.constant 896 : i32
    %add3A_65 = arith.addi %mul3A_63, %add3A_64 : i32
    %dma_start3A_66 = arith.constant 0 : i32
    %dma_start3A_67 = tpu.memref_slice %arg12[%add3A_65, %dma_start3A_66] : memref<51200x32xf32, #tpu.memory_space<vmem_shared>> -> memref<128x32xf32, #tpu.memory_space<vmem_shared>>
    %dma_start3A_68 = arith.constant 0 : i32
    %dma_start3A_69 = tpu.memref_slice %arg12[%add3A_65, %dma_start3A_68] : memref<51200x32xf32, #tpu.memory_space<vmem_shared>> -> memref<128x32xf32, #tpu.memory_space<vmem_shared>>
    tpu.enqueue_dma source(%arg11 : memref<128x32xf32, #tpu.memory_space<vmem>>) target(%dma_start3A_69 : memref<128x32xf32, #tpu.memory_space<vmem_shared>>) target_semaphore(%arg13 : memref<!tpu.dma_semaphore, #tpu.memory_space<semaphore_mem>>)
    %mul3A_70 = arith.constant 3200 : i32
    %mul3A_71 = arith.muli %arg1, %mul3A_70 : i32
    %add3A_72 = arith.constant 1024 : i32
    %add3A_73 = arith.addi %mul3A_71, %add3A_72 : i32
    %dma_start3A_74 = arith.constant 0 : i32
    %dma_start3A_75 = tpu.memref_slice %arg12[%add3A_73, %dma_start3A_74] : memref<51200x32xf32, #tpu.memory_space<vmem_shared>> -> memref<128x32xf32, #tpu.memory_space<vmem_shared>>
    %dma_start3A_76 = arith.constant 0 : i32
    %dma_start3A_77 = tpu.memref_slice %arg12[%add3A_73, %dma_start3A_76] : memref<51200x32xf32, #tpu.memory_space<vmem_shared>> -> memref<128x32xf32, #tpu.memory_space<vmem_shared>>
    tpu.enqueue_dma source(%arg11 : memref<128x32xf32, #tpu.memory_space<vmem>>) target(%dma_start3A_77 : memref<128x32xf32, #tpu.memory_space<vmem_shared>>) target_semaphore(%arg13 : memref<!tpu.dma_semaphore, #tpu.memory_space<semaphore_mem>>)
    %mul3A_78 = arith.constant 3200 : i32
    %mul3A_79 = arith.muli %arg1, %mul3A_78 : i32
    %add3A_80 = arith.constant 1152 : i32
    %add3A_81 = arith.addi %mul3A_79, %add3A_80 : i32
    %dma_start3A_82 = arith.constant 0 : i32
    %dma_start3A_83 = tpu.memref_slice %arg12[%add3A_81, %dma_start3A_82] : memref<51200x32xf32, #tpu.memory_space<vmem_shared>> -> memref<128x32xf32, #tpu.memory_space<vmem_shared>>
    %dma_start3A_84 = arith.constant 0 : i32
    %dma_start3A_85 = tpu.memref_slice %arg12[%add3A_81, %dma_start3A_84] : memref<51200x32xf32, #tpu.memory_space<vmem_shared>> -> memref<128x32xf32, #tpu.memory_space<vmem_shared>>
    tpu.enqueue_dma source(%arg11 : memref<128x32xf32, #tpu.memory_space<vmem>>) target(%dma_start3A_85 : memref<128x32xf32, #tpu.memory_space<vmem_shared>>) target_semaphore(%arg13 : memref<!tpu.dma_semaphore, #tpu.memory_space<semaphore_mem>>)
    %mul3A_86 = arith.constant 3200 : i32
    %mul3A_87 = arith.muli %arg1, %mul3A_86 : i32
    %add3A_88 = arith.constant 1280 : i32
    %add3A_89 = arith.addi %mul3A_87, %add3A_88 : i32
    %dma_start3A_90 = arith.constant 0 : i32
    %dma_start3A_91 = tpu.memref_slice %arg12[%add3A_89, %dma_start3A_90] : memref<51200x32xf32, #tpu.memory_space<vmem_shared>> -> memref<128x32xf32, #tpu.memory_space<vmem_shared>>
    %dma_start3A_92 = arith.constant 0 : i32
    %dma_start3A_93 = tpu.memref_slice %arg12[%add3A_89, %dma_start3A_92] : memref<51200x32xf32, #tpu.memory_space<vmem_shared>> -> memref<128x32xf32, #tpu.memory_space<vmem_shared>>
    tpu.enqueue_dma source(%arg11 : memref<128x32xf32, #tpu.memory_space<vmem>>) target(%dma_start3A_93 : memref<128x32xf32, #tpu.memory_space<vmem_shared>>) target_semaphore(%arg13 : memref<!tpu.dma_semaphore, #tpu.memory_space<semaphore_mem>>)
    %mul3A_94 = arith.constant 3200 : i32
    %mul3A_95 = arith.muli %arg1, %mul3A_94 : i32
    %add3A_96 = arith.constant 1408 : i32
    %add3A_97 = arith.addi %mul3A_95, %add3A_96 : i32
    %dma_start3A_98 = arith.constant 0 : i32
    %dma_start3A_99 = tpu.memref_slice %arg12[%add3A_97, %dma_start3A_98] : memref<51200x32xf32, #tpu.memory_space<vmem_shared>> -> memref<128x32xf32, #tpu.memory_space<vmem_shared>>
    %dma_start3A_100 = arith.constant 0 : i32
    %dma_start3A_101 = tpu.memref_slice %arg12[%add3A_97, %dma_start3A_100] : memref<51200x32xf32, #tpu.memory_space<vmem_shared>> -> memref<128x32xf32, #tpu.memory_space<vmem_shared>>
    tpu.enqueue_dma source(%arg11 : memref<128x32xf32, #tpu.memory_space<vmem>>) target(%dma_start3A_101 : memref<128x32xf32, #tpu.memory_space<vmem_shared>>) target_semaphore(%arg13 : memref<!tpu.dma_semaphore, #tpu.memory_space<semaphore_mem>>)
    %mul3A_102 = arith.constant 3200 : i32
    %mul3A_103 = arith.muli %arg1, %mul3A_102 : i32
    %add3A_104 = arith.constant 1536 : i32
    %add3A_105 = arith.addi %mul3A_103, %add3A_104 : i32
    %dma_start3A_106 = arith.constant 0 : i32
    %dma_start3A_107 = tpu.memref_slice %arg12[%add3A_105, %dma_start3A_106] : memref<51200x32xf32, #tpu.memory_space<vmem_shared>> -> memref<128x32xf32, #tpu.memory_space<vmem_shared>>
    %dma_start3A_108 = arith.constant 0 : i32
    %dma_start3A_109 = tpu.memref_slice %arg12[%add3A_105, %dma_start3A_108] : memref<51200x32xf32, #tpu.memory_space<vmem_shared>> -> memref<128x32xf32, #tpu.memory_space<vmem_shared>>
    tpu.enqueue_dma source(%arg11 : memref<128x32xf32, #tpu.memory_space<vmem>>) target(%dma_start3A_109 : memref<128x32xf32, #tpu.memory_space<vmem_shared>>) target_semaphore(%arg13 : memref<!tpu.dma_semaphore, #tpu.memory_space<semaphore_mem>>)
    %mul3A_110 = arith.constant 3200 : i32
    %mul3A_111 = arith.muli %arg1, %mul3A_110 : i32
    %add3A_112 = arith.constant 1664 : i32
    %add3A_113 = arith.addi %mul3A_111, %add3A_112 : i32
    %dma_start3A_114 = arith.constant 0 : i32
    %dma_start3A_115 = tpu.memref_slice %arg12[%add3A_113, %dma_start3A_114] : memref<51200x32xf32, #tpu.memory_space<vmem_shared>> -> memref<128x32xf32, #tpu.memory_space<vmem_shared>>
    %dma_start3A_116 = arith.constant 0 : i32
    %dma_start3A_117 = tpu.memref_slice %arg12[%add3A_113, %dma_start3A_116] : memref<51200x32xf32, #tpu.memory_space<vmem_shared>> -> memref<128x32xf32, #tpu.memory_space<vmem_shared>>
    tpu.enqueue_dma source(%arg11 : memref<128x32xf32, #tpu.memory_space<vmem>>) target(%dma_start3A_117 : memref<128x32xf32, #tpu.memory_space<vmem_shared>>) target_semaphore(%arg13 : memref<!tpu.dma_semaphore, #tpu.memory_space<semaphore_mem>>)
    %mul3A_118 = arith.constant 3200 : i32
    %mul3A_119 = arith.muli %arg1, %mul3A_118 : i32
    %add3A_120 = arith.constant 1792 : i32
    %add3A_121 = arith.addi %mul3A_119, %add3A_120 : i32
    %dma_start3A_122 = arith.constant 0 : i32
    %dma_start3A_123 = tpu.memref_slice %arg12[%add3A_121, %dma_start3A_122] : memref<51200x32xf32, #tpu.memory_space<vmem_shared>> -> memref<128x32xf32, #tpu.memory_space<vmem_shared>>
    %dma_start3A_124 = arith.constant 0 : i32
    %dma_start3A_125 = tpu.memref_slice %arg12[%add3A_121, %dma_start3A_124] : memref<51200x32xf32, #tpu.memory_space<vmem_shared>> -> memref<128x32xf32, #tpu.memory_space<vmem_shared>>
    tpu.enqueue_dma source(%arg11 : memref<128x32xf32, #tpu.memory_space<vmem>>) target(%dma_start3A_125 : memref<128x32xf32, #tpu.memory_space<vmem_shared>>) target_semaphore(%arg13 : memref<!tpu.dma_semaphore, #tpu.memory_space<semaphore_mem>>)
    %mul3A_126 = arith.constant 3200 : i32
    %mul3A_127 = arith.muli %arg1, %mul3A_126 : i32
    %add3A_128 = arith.constant 1920 : i32
    %add3A_129 = arith.addi %mul3A_127, %add3A_128 : i32
    %dma_start3A_130 = arith.constant 0 : i32
    %dma_start3A_131 = tpu.memref_slice %arg12[%add3A_129, %dma_start3A_130] : memref<51200x32xf32, #tpu.memory_space<vmem_shared>> -> memref<128x32xf32, #tpu.memory_space<vmem_shared>>
    %dma_start3A_132 = arith.constant 0 : i32
    %dma_start3A_133 = tpu.memref_slice %arg12[%add3A_129, %dma_start3A_132] : memref<51200x32xf32, #tpu.memory_space<vmem_shared>> -> memref<128x32xf32, #tpu.memory_space<vmem_shared>>
    tpu.enqueue_dma source(%arg11 : memref<128x32xf32, #tpu.memory_space<vmem>>) target(%dma_start3A_133 : memref<128x32xf32, #tpu.memory_space<vmem_shared>>) target_semaphore(%arg13 : memref<!tpu.dma_semaphore, #tpu.memory_space<semaphore_mem>>)
    %mul3A_134 = arith.constant 3200 : i32
    %mul3A_135 = arith.muli %arg1, %mul3A_134 : i32
    %add3A_136 = arith.constant 2048 : i32
    %add3A_137 = arith.addi %mul3A_135, %add3A_136 : i32
    %dma_start3A_138 = arith.constant 0 : i32
    %dma_start3A_139 = tpu.memref_slice %arg12[%add3A_137, %dma_start3A_138] : memref<51200x32xf32, #tpu.memory_space<vmem_shared>> -> memref<128x32xf32, #tpu.memory_space<vmem_shared>>
    %dma_start3A_140 = arith.constant 0 : i32
    %dma_start3A_141 = tpu.memref_slice %arg12[%add3A_137, %dma_start3A_140] : memref<51200x32xf32, #tpu.memory_space<vmem_shared>> -> memref<128x32xf32, #tpu.memory_space<vmem_shared>>
    tpu.enqueue_dma source(%arg11 : memref<128x32xf32, #tpu.memory_space<vmem>>) target(%dma_start3A_141 : memref<128x32xf32, #tpu.memory_space<vmem_shared>>) target_semaphore(%arg13 : memref<!tpu.dma_semaphore, #tpu.memory_space<semaphore_mem>>)
    %mul3A_142 = arith.constant 3200 : i32
    %mul3A_143 = arith.muli %arg1, %mul3A_142 : i32
    %add3A_144 = arith.constant 2176 : i32
    %add3A_145 = arith.addi %mul3A_143, %add3A_144 : i32
    %dma_start3A_146 = arith.constant 0 : i32
    %dma_start3A_147 = tpu.memref_slice %arg12[%add3A_145, %dma_start3A_146] : memref<51200x32xf32, #tpu.memory_space<vmem_shared>> -> memref<128x32xf32, #tpu.memory_space<vmem_shared>>
    %dma_start3A_148 = arith.constant 0 : i32
    %dma_start3A_149 = tpu.memref_slice %arg12[%add3A_145, %dma_start3A_148] : memref<51200x32xf32, #tpu.memory_space<vmem_shared>> -> memref<128x32xf32, #tpu.memory_space<vmem_shared>>
    tpu.enqueue_dma source(%arg11 : memref<128x32xf32, #tpu.memory_space<vmem>>) target(%dma_start3A_149 : memref<128x32xf32, #tpu.memory_space<vmem_shared>>) target_semaphore(%arg13 : memref<!tpu.dma_semaphore, #tpu.memory_space<semaphore_mem>>)
    %mul3A_150 = arith.constant 3200 : i32
    %mul3A_151 = arith.muli %arg1, %mul3A_150 : i32
    %add3A_152 = arith.constant 2304 : i32
    %add3A_153 = arith.addi %mul3A_151, %add3A_152 : i32
    %dma_start3A_154 = arith.constant 0 : i32
    %dma_start3A_155 = tpu.memref_slice %arg12[%add3A_153, %dma_start3A_154] : memref<51200x32xf32, #tpu.memory_space<vmem_shared>> -> memref<128x32xf32, #tpu.memory_space<vmem_shared>>
    %dma_start3A_156 = arith.constant 0 : i32
    %dma_start3A_157 = tpu.memref_slice %arg12[%add3A_153, %dma_start3A_156] : memref<51200x32xf32, #tpu.memory_space<vmem_shared>> -> memref<128x32xf32, #tpu.memory_space<vmem_shared>>
    tpu.enqueue_dma source(%arg11 : memref<128x32xf32, #tpu.memory_space<vmem>>) target(%dma_start3A_157 : memref<128x32xf32, #tpu.memory_space<vmem_shared>>) target_semaphore(%arg13 : memref<!tpu.dma_semaphore, #tpu.memory_space<semaphore_mem>>)
    %mul3A_158 = arith.constant 3200 : i32
    %mul3A_159 = arith.muli %arg1, %mul3A_158 : i32
    %add3A_160 = arith.constant 2432 : i32
    %add3A_161 = arith.addi %mul3A_159, %add3A_160 : i32
    %dma_start3A_162 = arith.constant 0 : i32
    %dma_start3A_163 = tpu.memref_slice %arg12[%add3A_161, %dma_start3A_162] : memref<51200x32xf32, #tpu.memory_space<vmem_shared>> -> memref<128x32xf32, #tpu.memory_space<vmem_shared>>
    %dma_start3A_164 = arith.constant 0 : i32
    %dma_start3A_165 = tpu.memref_slice %arg12[%add3A_161, %dma_start3A_164] : memref<51200x32xf32, #tpu.memory_space<vmem_shared>> -> memref<128x32xf32, #tpu.memory_space<vmem_shared>>
    tpu.enqueue_dma source(%arg11 : memref<128x32xf32, #tpu.memory_space<vmem>>) target(%dma_start3A_165 : memref<128x32xf32, #tpu.memory_space<vmem_shared>>) target_semaphore(%arg13 : memref<!tpu.dma_semaphore, #tpu.memory_space<semaphore_mem>>)
    %mul3A_166 = arith.constant 3200 : i32
    %mul3A_167 = arith.muli %arg1, %mul3A_166 : i32
    %add3A_168 = arith.constant 2560 : i32
    %add3A_169 = arith.addi %mul3A_167, %add3A_168 : i32
    %dma_start3A_170 = arith.constant 0 : i32
    %dma_start3A_171 = tpu.memref_slice %arg12[%add3A_169, %dma_start3A_170] : memref<51200x32xf32, #tpu.memory_space<vmem_shared>> -> memref<128x32xf32, #tpu.memory_space<vmem_shared>>
    %dma_start3A_172 = arith.constant 0 : i32
    %dma_start3A_173 = tpu.memref_slice %arg12[%add3A_169, %dma_start3A_172] : memref<51200x32xf32, #tpu.memory_space<vmem_shared>> -> memref<128x32xf32, #tpu.memory_space<vmem_shared>>
    tpu.enqueue_dma source(%arg11 : memref<128x32xf32, #tpu.memory_space<vmem>>) target(%dma_start3A_173 : memref<128x32xf32, #tpu.memory_space<vmem_shared>>) target_semaphore(%arg13 : memref<!tpu.dma_semaphore, #tpu.memory_space<semaphore_mem>>)
    %mul3A_174 = arith.constant 3200 : i32
    %mul3A_175 = arith.muli %arg1, %mul3A_174 : i32
    %add3A_176 = arith.constant 2688 : i32
    %add3A_177 = arith.addi %mul3A_175, %add3A_176 : i32
    %dma_start3A_178 = arith.constant 0 : i32
    %dma_start3A_179 = tpu.memref_slice %arg12[%add3A_177, %dma_start3A_178] : memref<51200x32xf32, #tpu.memory_space<vmem_shared>> -> memref<128x32xf32, #tpu.memory_space<vmem_shared>>
    %dma_start3A_180 = arith.constant 0 : i32
    %dma_start3A_181 = tpu.memref_slice %arg12[%add3A_177, %dma_start3A_180] : memref<51200x32xf32, #tpu.memory_space<vmem_shared>> -> memref<128x32xf32, #tpu.memory_space<vmem_shared>>
    tpu.enqueue_dma source(%arg11 : memref<128x32xf32, #tpu.memory_space<vmem>>) target(%dma_start3A_181 : memref<128x32xf32, #tpu.memory_space<vmem_shared>>) target_semaphore(%arg13 : memref<!tpu.dma_semaphore, #tpu.memory_space<semaphore_mem>>)
    %mul3A_182 = arith.constant 3200 : i32
    %mul3A_183 = arith.muli %arg1, %mul3A_182 : i32
    %add3A_184 = arith.constant 2816 : i32
    %add3A_185 = arith.addi %mul3A_183, %add3A_184 : i32
    %dma_start3A_186 = arith.constant 0 : i32
    %dma_start3A_187 = tpu.memref_slice %arg12[%add3A_185, %dma_start3A_186] : memref<51200x32xf32, #tpu.memory_space<vmem_shared>> -> memref<128x32xf32, #tpu.memory_space<vmem_shared>>
    %dma_start3A_188 = arith.constant 0 : i32
    %dma_start3A_189 = tpu.memref_slice %arg12[%add3A_185, %dma_start3A_188] : memref<51200x32xf32, #tpu.memory_space<vmem_shared>> -> memref<128x32xf32, #tpu.memory_space<vmem_shared>>
    tpu.enqueue_dma source(%arg11 : memref<128x32xf32, #tpu.memory_space<vmem>>) target(%dma_start3A_189 : memref<128x32xf32, #tpu.memory_space<vmem_shared>>) target_semaphore(%arg13 : memref<!tpu.dma_semaphore, #tpu.memory_space<semaphore_mem>>)
    %mul3A_190 = arith.constant 3200 : i32
    %mul3A_191 = arith.muli %arg1, %mul3A_190 : i32
    %add3A_192 = arith.constant 2944 : i32
    %add3A_193 = arith.addi %mul3A_191, %add3A_192 : i32
    %dma_start3A_194 = arith.constant 0 : i32
    %dma_start3A_195 = tpu.memref_slice %arg12[%add3A_193, %dma_start3A_194] : memref<51200x32xf32, #tpu.memory_space<vmem_shared>> -> memref<128x32xf32, #tpu.memory_space<vmem_shared>>
    %dma_start3A_196 = arith.constant 0 : i32
    %dma_start3A_197 = tpu.memref_slice %arg12[%add3A_193, %dma_start3A_196] : memref<51200x32xf32, #tpu.memory_space<vmem_shared>> -> memref<128x32xf32, #tpu.memory_space<vmem_shared>>
    tpu.enqueue_dma source(%arg11 : memref<128x32xf32, #tpu.memory_space<vmem>>) target(%dma_start3A_197 : memref<128x32xf32, #tpu.memory_space<vmem_shared>>) target_semaphore(%arg13 : memref<!tpu.dma_semaphore, #tpu.memory_space<semaphore_mem>>)
    %mul3A_198 = arith.constant 3200 : i32
    %mul3A_199 = arith.muli %arg1, %mul3A_198 : i32
    %add3A_200 = arith.constant 3072 : i32
    %add3A_201 = arith.addi %mul3A_199, %add3A_200 : i32
    %dma_start3A_202 = arith.constant 0 : i32
    %dma_start3A_203 = tpu.memref_slice %arg12[%add3A_201, %dma_start3A_202] : memref<51200x32xf32, #tpu.memory_space<vmem_shared>> -> memref<128x32xf32, #tpu.memory_space<vmem_shared>>
    %dma_start3A_204 = arith.constant 0 : i32
    %dma_start3A_205 = tpu.memref_slice %arg12[%add3A_201, %dma_start3A_204] : memref<51200x32xf32, #tpu.memory_space<vmem_shared>> -> memref<128x32xf32, #tpu.memory_space<vmem_shared>>
    tpu.enqueue_dma source(%arg11 : memref<128x32xf32, #tpu.memory_space<vmem>>) target(%dma_start3A_205 : memref<128x32xf32, #tpu.memory_space<vmem_shared>>) target_semaphore(%arg13 : memref<!tpu.dma_semaphore, #tpu.memory_space<semaphore_mem>>)
    %dma_wait3A = arith.constant 0 : i32
    %dma_wait3A_206 = tpu.memref_slice %arg12[%add3A_10, %dma_wait3A] : memref<51200x32xf32, #tpu.memory_space<vmem_shared>> -> memref<128x32xf32, #tpu.memory_space<vmem_shared>>
    %dma_wait3A_207 = arith.constant 0 : i32
    %dma_wait3A_208 = tpu.memref_slice %arg12[%add3A_10, %dma_wait3A_207] : memref<51200x32xf32, #tpu.memory_space<vmem_shared>> -> memref<128x32xf32, #tpu.memory_space<vmem_shared>>
    tpu.wait_dma2 semaphore(%arg13 : memref<!tpu.dma_semaphore, #tpu.memory_space<semaphore_mem>>) src(%arg11 : memref<128x32xf32, #tpu.memory_space<vmem>>) dst(%dma_wait3A_208 : memref<128x32xf32, #tpu.memory_space<vmem_shared>>)
    %dma_wait3A_209 = arith.constant 0 : i32
    %dma_wait3A_210 = tpu.memref_slice %arg12[%add3A_17, %dma_wait3A_209] : memref<51200x32xf32, #tpu.memory_space<vmem_shared>> -> memref<128x32xf32, #tpu.memory_space<vmem_shared>>
    %dma_wait3A_211 = arith.constant 0 : i32
    %dma_wait3A_212 = tpu.memref_slice %arg12[%add3A_17, %dma_wait3A_211] : memref<51200x32xf32, #tpu.memory_space<vmem_shared>> -> memref<128x32xf32, #tpu.memory_space<vmem_shared>>
    tpu.wait_dma2 semaphore(%arg13 : memref<!tpu.dma_semaphore, #tpu.memory_space<semaphore_mem>>) src(%arg11 : memref<128x32xf32, #tpu.memory_space<vmem>>) dst(%dma_wait3A_212 : memref<128x32xf32, #tpu.memory_space<vmem_shared>>)
    %dma_wait3A_213 = arith.constant 0 : i32
    %dma_wait3A_214 = tpu.memref_slice %arg12[%add3A_25, %dma_wait3A_213] : memref<51200x32xf32, #tpu.memory_space<vmem_shared>> -> memref<128x32xf32, #tpu.memory_space<vmem_shared>>
    %dma_wait3A_215 = arith.constant 0 : i32
    %dma_wait3A_216 = tpu.memref_slice %arg12[%add3A_25, %dma_wait3A_215] : memref<51200x32xf32, #tpu.memory_space<vmem_shared>> -> memref<128x32xf32, #tpu.memory_space<vmem_shared>>
    tpu.wait_dma2 semaphore(%arg13 : memref<!tpu.dma_semaphore, #tpu.memory_space<semaphore_mem>>) src(%arg11 : memref<128x32xf32, #tpu.memory_space<vmem>>) dst(%dma_wait3A_216 : memref<128x32xf32, #tpu.memory_space<vmem_shared>>)
    %dma_wait3A_217 = arith.constant 0 : i32
    %dma_wait3A_218 = tpu.memref_slice %arg12[%add3A_33, %dma_wait3A_217] : memref<51200x32xf32, #tpu.memory_space<vmem_shared>> -> memref<128x32xf32, #tpu.memory_space<vmem_shared>>
    %dma_wait3A_219 = arith.constant 0 : i32
    %dma_wait3A_220 = tpu.memref_slice %arg12[%add3A_33, %dma_wait3A_219] : memref<51200x32xf32, #tpu.memory_space<vmem_shared>> -> memref<128x32xf32, #tpu.memory_space<vmem_shared>>
    tpu.wait_dma2 semaphore(%arg13 : memref<!tpu.dma_semaphore, #tpu.memory_space<semaphore_mem>>) src(%arg11 : memref<128x32xf32, #tpu.memory_space<vmem>>) dst(%dma_wait3A_220 : memref<128x32xf32, #tpu.memory_space<vmem_shared>>)
    %dma_wait3A_221 = arith.constant 0 : i32
    %dma_wait3A_222 = tpu.memref_slice %arg12[%add3A_41, %dma_wait3A_221] : memref<51200x32xf32, #tpu.memory_space<vmem_shared>> -> memref<128x32xf32, #tpu.memory_space<vmem_shared>>
    %dma_wait3A_223 = arith.constant 0 : i32
    %dma_wait3A_224 = tpu.memref_slice %arg12[%add3A_41, %dma_wait3A_223] : memref<51200x32xf32, #tpu.memory_space<vmem_shared>> -> memref<128x32xf32, #tpu.memory_space<vmem_shared>>
    tpu.wait_dma2 semaphore(%arg13 : memref<!tpu.dma_semaphore, #tpu.memory_space<semaphore_mem>>) src(%arg11 : memref<128x32xf32, #tpu.memory_space<vmem>>) dst(%dma_wait3A_224 : memref<128x32xf32, #tpu.memory_space<vmem_shared>>)
    %dma_wait3A_225 = arith.constant 0 : i32
    %dma_wait3A_226 = tpu.memref_slice %arg12[%add3A_49, %dma_wait3A_225] : memref<51200x32xf32, #tpu.memory_space<vmem_shared>> -> memref<128x32xf32, #tpu.memory_space<vmem_shared>>
    %dma_wait3A_227 = arith.constant 0 : i32
    %dma_wait3A_228 = tpu.memref_slice %arg12[%add3A_49, %dma_wait3A_227] : memref<51200x32xf32, #tpu.memory_space<vmem_shared>> -> memref<128x32xf32, #tpu.memory_space<vmem_shared>>
    tpu.wait_dma2 semaphore(%arg13 : memref<!tpu.dma_semaphore, #tpu.memory_space<semaphore_mem>>) src(%arg11 : memref<128x32xf32, #tpu.memory_space<vmem>>) dst(%dma_wait3A_228 : memref<128x32xf32, #tpu.memory_space<vmem_shared>>)
    %dma_wait3A_229 = arith.constant 0 : i32
    %dma_wait3A_230 = tpu.memref_slice %arg12[%add3A_57, %dma_wait3A_229] : memref<51200x32xf32, #tpu.memory_space<vmem_shared>> -> memref<128x32xf32, #tpu.memory_space<vmem_shared>>
    %dma_wait3A_231 = arith.constant 0 : i32
    %dma_wait3A_232 = tpu.memref_slice %arg12[%add3A_57, %dma_wait3A_231] : memref<51200x32xf32, #tpu.memory_space<vmem_shared>> -> memref<128x32xf32, #tpu.memory_space<vmem_shared>>
    tpu.wait_dma2 semaphore(%arg13 : memref<!tpu.dma_semaphore, #tpu.memory_space<semaphore_mem>>) src(%arg11 : memref<128x32xf32, #tpu.memory_space<vmem>>) dst(%dma_wait3A_232 : memref<128x32xf32, #tpu.memory_space<vmem_shared>>)
    %dma_wait3A_233 = arith.constant 0 : i32
    %dma_wait3A_234 = tpu.memref_slice %arg12[%add3A_65, %dma_wait3A_233] : memref<51200x32xf32, #tpu.memory_space<vmem_shared>> -> memref<128x32xf32, #tpu.memory_space<vmem_shared>>
    %dma_wait3A_235 = arith.constant 0 : i32
    %dma_wait3A_236 = tpu.memref_slice %arg12[%add3A_65, %dma_wait3A_235] : memref<51200x32xf32, #tpu.memory_space<vmem_shared>> -> memref<128x32xf32, #tpu.memory_space<vmem_shared>>
    tpu.wait_dma2 semaphore(%arg13 : memref<!tpu.dma_semaphore, #tpu.memory_space<semaphore_mem>>) src(%arg11 : memref<128x32xf32, #tpu.memory_space<vmem>>) dst(%dma_wait3A_236 : memref<128x32xf32, #tpu.memory_space<vmem_shared>>)
    %dma_wait3A_237 = arith.constant 0 : i32
    %dma_wait3A_238 = tpu.memref_slice %arg12[%add3A_73, %dma_wait3A_237] : memref<51200x32xf32, #tpu.memory_space<vmem_shared>> -> memref<128x32xf32, #tpu.memory_space<vmem_shared>>
    %dma_wait3A_239 = arith.constant 0 : i32
    %dma_wait3A_240 = tpu.memref_slice %arg12[%add3A_73, %dma_wait3A_239] : memref<51200x32xf32, #tpu.memory_space<vmem_shared>> -> memref<128x32xf32, #tpu.memory_space<vmem_shared>>
    tpu.wait_dma2 semaphore(%arg13 : memref<!tpu.dma_semaphore, #tpu.memory_space<semaphore_mem>>) src(%arg11 : memref<128x32xf32, #tpu.memory_space<vmem>>) dst(%dma_wait3A_240 : memref<128x32xf32, #tpu.memory_space<vmem_shared>>)
    %dma_wait3A_241 = arith.constant 0 : i32
    %dma_wait3A_242 = tpu.memref_slice %arg12[%add3A_81, %dma_wait3A_241] : memref<51200x32xf32, #tpu.memory_space<vmem_shared>> -> memref<128x32xf32, #tpu.memory_space<vmem_shared>>
    %dma_wait3A_243 = arith.constant 0 : i32
    %dma_wait3A_244 = tpu.memref_slice %arg12[%add3A_81, %dma_wait3A_243] : memref<51200x32xf32, #tpu.memory_space<vmem_shared>> -> memref<128x32xf32, #tpu.memory_space<vmem_shared>>
    tpu.wait_dma2 semaphore(%arg13 : memref<!tpu.dma_semaphore, #tpu.memory_space<semaphore_mem>>) src(%arg11 : memref<128x32xf32, #tpu.memory_space<vmem>>) dst(%dma_wait3A_244 : memref<128x32xf32, #tpu.memory_space<vmem_shared>>)
    %dma_wait3A_245 = arith.constant 0 : i32
    %dma_wait3A_246 = tpu.memref_slice %arg12[%add3A_89, %dma_wait3A_245] : memref<51200x32xf32, #tpu.memory_space<vmem_shared>> -> memref<128x32xf32, #tpu.memory_space<vmem_shared>>
    %dma_wait3A_247 = arith.constant 0 : i32
    %dma_wait3A_248 = tpu.memref_slice %arg12[%add3A_89, %dma_wait3A_247] : memref<51200x32xf32, #tpu.memory_space<vmem_shared>> -> memref<128x32xf32, #tpu.memory_space<vmem_shared>>
    tpu.wait_dma2 semaphore(%arg13 : memref<!tpu.dma_semaphore, #tpu.memory_space<semaphore_mem>>) src(%arg11 : memref<128x32xf32, #tpu.memory_space<vmem>>) dst(%dma_wait3A_248 : memref<128x32xf32, #tpu.memory_space<vmem_shared>>)
    %dma_wait3A_249 = arith.constant 0 : i32
    %dma_wait3A_250 = tpu.memref_slice %arg12[%add3A_97, %dma_wait3A_249] : memref<51200x32xf32, #tpu.memory_space<vmem_shared>> -> memref<128x32xf32, #tpu.memory_space<vmem_shared>>
    %dma_wait3A_251 = arith.constant 0 : i32
    %dma_wait3A_252 = tpu.memref_slice %arg12[%add3A_97, %dma_wait3A_251] : memref<51200x32xf32, #tpu.memory_space<vmem_shared>> -> memref<128x32xf32, #tpu.memory_space<vmem_shared>>
    tpu.wait_dma2 semaphore(%arg13 : memref<!tpu.dma_semaphore, #tpu.memory_space<semaphore_mem>>) src(%arg11 : memref<128x32xf32, #tpu.memory_space<vmem>>) dst(%dma_wait3A_252 : memref<128x32xf32, #tpu.memory_space<vmem_shared>>)
    %dma_wait3A_253 = arith.constant 0 : i32
    %dma_wait3A_254 = tpu.memref_slice %arg12[%add3A_105, %dma_wait3A_253] : memref<51200x32xf32, #tpu.memory_space<vmem_shared>> -> memref<128x32xf32, #tpu.memory_space<vmem_shared>>
    %dma_wait3A_255 = arith.constant 0 : i32
    %dma_wait3A_256 = tpu.memref_slice %arg12[%add3A_105, %dma_wait3A_255] : memref<51200x32xf32, #tpu.memory_space<vmem_shared>> -> memref<128x32xf32, #tpu.memory_space<vmem_shared>>
    tpu.wait_dma2 semaphore(%arg13 : memref<!tpu.dma_semaphore, #tpu.memory_space<semaphore_mem>>) src(%arg11 : memref<128x32xf32, #tpu.memory_space<vmem>>) dst(%dma_wait3A_256 : memref<128x32xf32, #tpu.memory_space<vmem_shared>>)
    %dma_wait3A_257 = arith.constant 0 : i32
    %dma_wait3A_258 = tpu.memref_slice %arg12[%add3A_113, %dma_wait3A_257] : memref<51200x32xf32, #tpu.memory_space<vmem_shared>> -> memref<128x32xf32, #tpu.memory_space<vmem_shared>>
    %dma_wait3A_259 = arith.constant 0 : i32
    %dma_wait3A_260 = tpu.memref_slice %arg12[%add3A_113, %dma_wait3A_259] : memref<51200x32xf32, #tpu.memory_space<vmem_shared>> -> memref<128x32xf32, #tpu.memory_space<vmem_shared>>
    tpu.wait_dma2 semaphore(%arg13 : memref<!tpu.dma_semaphore, #tpu.memory_space<semaphore_mem>>) src(%arg11 : memref<128x32xf32, #tpu.memory_space<vmem>>) dst(%dma_wait3A_260 : memref<128x32xf32, #tpu.memory_space<vmem_shared>>)
    %dma_wait3A_261 = arith.constant 0 : i32
    %dma_wait3A_262 = tpu.memref_slice %arg12[%add3A_121, %dma_wait3A_261] : memref<51200x32xf32, #tpu.memory_space<vmem_shared>> -> memref<128x32xf32, #tpu.memory_space<vmem_shared>>
    %dma_wait3A_263 = arith.constant 0 : i32
    %dma_wait3A_264 = tpu.memref_slice %arg12[%add3A_121, %dma_wait3A_263] : memref<51200x32xf32, #tpu.memory_space<vmem_shared>> -> memref<128x32xf32, #tpu.memory_space<vmem_shared>>
    tpu.wait_dma2 semaphore(%arg13 : memref<!tpu.dma_semaphore, #tpu.memory_space<semaphore_mem>>) src(%arg11 : memref<128x32xf32, #tpu.memory_space<vmem>>) dst(%dma_wait3A_264 : memref<128x32xf32, #tpu.memory_space<vmem_shared>>)
    %dma_wait3A_265 = arith.constant 0 : i32
    %dma_wait3A_266 = tpu.memref_slice %arg12[%add3A_129, %dma_wait3A_265] : memref<51200x32xf32, #tpu.memory_space<vmem_shared>> -> memref<128x32xf32, #tpu.memory_space<vmem_shared>>
    %dma_wait3A_267 = arith.constant 0 : i32
    %dma_wait3A_268 = tpu.memref_slice %arg12[%add3A_129, %dma_wait3A_267] : memref<51200x32xf32, #tpu.memory_space<vmem_shared>> -> memref<128x32xf32, #tpu.memory_space<vmem_shared>>
    tpu.wait_dma2 semaphore(%arg13 : memref<!tpu.dma_semaphore, #tpu.memory_space<semaphore_mem>>) src(%arg11 : memref<128x32xf32, #tpu.memory_space<vmem>>) dst(%dma_wait3A_268 : memref<128x32xf32, #tpu.memory_space<vmem_shared>>)
    %dma_wait3A_269 = arith.constant 0 : i32
    %dma_wait3A_270 = tpu.memref_slice %arg12[%add3A_137, %dma_wait3A_269] : memref<51200x32xf32, #tpu.memory_space<vmem_shared>> -> memref<128x32xf32, #tpu.memory_space<vmem_shared>>
    %dma_wait3A_271 = arith.constant 0 : i32
    %dma_wait3A_272 = tpu.memref_slice %arg12[%add3A_137, %dma_wait3A_271] : memref<51200x32xf32, #tpu.memory_space<vmem_shared>> -> memref<128x32xf32, #tpu.memory_space<vmem_shared>>
    tpu.wait_dma2 semaphore(%arg13 : memref<!tpu.dma_semaphore, #tpu.memory_space<semaphore_mem>>) src(%arg11 : memref<128x32xf32, #tpu.memory_space<vmem>>) dst(%dma_wait3A_272 : memref<128x32xf32, #tpu.memory_space<vmem_shared>>)
    %dma_wait3A_273 = arith.constant 0 : i32
    %dma_wait3A_274 = tpu.memref_slice %arg12[%add3A_145, %dma_wait3A_273] : memref<51200x32xf32, #tpu.memory_space<vmem_shared>> -> memref<128x32xf32, #tpu.memory_space<vmem_shared>>
    %dma_wait3A_275 = arith.constant 0 : i32
    %dma_wait3A_276 = tpu.memref_slice %arg12[%add3A_145, %dma_wait3A_275] : memref<51200x32xf32, #tpu.memory_space<vmem_shared>> -> memref<128x32xf32, #tpu.memory_space<vmem_shared>>
    tpu.wait_dma2 semaphore(%arg13 : memref<!tpu.dma_semaphore, #tpu.memory_space<semaphore_mem>>) src(%arg11 : memref<128x32xf32, #tpu.memory_space<vmem>>) dst(%dma_wait3A_276 : memref<128x32xf32, #tpu.memory_space<vmem_shared>>)
    %dma_wait3A_277 = arith.constant 0 : i32
    %dma_wait3A_278 = tpu.memref_slice %arg12[%add3A_153, %dma_wait3A_277] : memref<51200x32xf32, #tpu.memory_space<vmem_shared>> -> memref<128x32xf32, #tpu.memory_space<vmem_shared>>
    %dma_wait3A_279 = arith.constant 0 : i32
    %dma_wait3A_280 = tpu.memref_slice %arg12[%add3A_153, %dma_wait3A_279] : memref<51200x32xf32, #tpu.memory_space<vmem_shared>> -> memref<128x32xf32, #tpu.memory_space<vmem_shared>>
    tpu.wait_dma2 semaphore(%arg13 : memref<!tpu.dma_semaphore, #tpu.memory_space<semaphore_mem>>) src(%arg11 : memref<128x32xf32, #tpu.memory_space<vmem>>) dst(%dma_wait3A_280 : memref<128x32xf32, #tpu.memory_space<vmem_shared>>)
    %dma_wait3A_281 = arith.constant 0 : i32
    %dma_wait3A_282 = tpu.memref_slice %arg12[%add3A_161, %dma_wait3A_281] : memref<51200x32xf32, #tpu.memory_space<vmem_shared>> -> memref<128x32xf32, #tpu.memory_space<vmem_shared>>
    %dma_wait3A_283 = arith.constant 0 : i32
    %dma_wait3A_284 = tpu.memref_slice %arg12[%add3A_161, %dma_wait3A_283] : memref<51200x32xf32, #tpu.memory_space<vmem_shared>> -> memref<128x32xf32, #tpu.memory_space<vmem_shared>>
    tpu.wait_dma2 semaphore(%arg13 : memref<!tpu.dma_semaphore, #tpu.memory_space<semaphore_mem>>) src(%arg11 : memref<128x32xf32, #tpu.memory_space<vmem>>) dst(%dma_wait3A_284 : memref<128x32xf32, #tpu.memory_space<vmem_shared>>)
    %dma_wait3A_285 = arith.constant 0 : i32
    %dma_wait3A_286 = tpu.memref_slice %arg12[%add3A_169, %dma_wait3A_285] : memref<51200x32xf32, #tpu.memory_space<vmem_shared>> -> memref<128x32xf32, #tpu.memory_space<vmem_shared>>
    %dma_wait3A_287 = arith.constant 0 : i32
    %dma_wait3A_288 = tpu.memref_slice %arg12[%add3A_169, %dma_wait3A_287] : memref<51200x32xf32, #tpu.memory_space<vmem_shared>> -> memref<128x32xf32, #tpu.memory_space<vmem_shared>>
    tpu.wait_dma2 semaphore(%arg13 : memref<!tpu.dma_semaphore, #tpu.memory_space<semaphore_mem>>) src(%arg11 : memref<128x32xf32, #tpu.memory_space<vmem>>) dst(%dma_wait3A_288 : memref<128x32xf32, #tpu.memory_space<vmem_shared>>)
    %dma_wait3A_289 = arith.constant 0 : i32
    %dma_wait3A_290 = tpu.memref_slice %arg12[%add3A_177, %dma_wait3A_289] : memref<51200x32xf32, #tpu.memory_space<vmem_shared>> -> memref<128x32xf32, #tpu.memory_space<vmem_shared>>
    %dma_wait3A_291 = arith.constant 0 : i32
    %dma_wait3A_292 = tpu.memref_slice %arg12[%add3A_177, %dma_wait3A_291] : memref<51200x32xf32, #tpu.memory_space<vmem_shared>> -> memref<128x32xf32, #tpu.memory_space<vmem_shared>>
    tpu.wait_dma2 semaphore(%arg13 : memref<!tpu.dma_semaphore, #tpu.memory_space<semaphore_mem>>) src(%arg11 : memref<128x32xf32, #tpu.memory_space<vmem>>) dst(%dma_wait3A_292 : memref<128x32xf32, #tpu.memory_space<vmem_shared>>)
    %dma_wait3A_293 = arith.constant 0 : i32
    %dma_wait3A_294 = tpu.memref_slice %arg12[%add3A_185, %dma_wait3A_293] : memref<51200x32xf32, #tpu.memory_space<vmem_shared>> -> memref<128x32xf32, #tpu.memory_space<vmem_shared>>
    %dma_wait3A_295 = arith.constant 0 : i32
    %dma_wait3A_296 = tpu.memref_slice %arg12[%add3A_185, %dma_wait3A_295] : memref<51200x32xf32, #tpu.memory_space<vmem_shared>> -> memref<128x32xf32, #tpu.memory_space<vmem_shared>>
    tpu.wait_dma2 semaphore(%arg13 : memref<!tpu.dma_semaphore, #tpu.memory_space<semaphore_mem>>) src(%arg11 : memref<128x32xf32, #tpu.memory_space<vmem>>) dst(%dma_wait3A_296 : memref<128x32xf32, #tpu.memory_space<vmem_shared>>)
    %dma_wait3A_297 = arith.constant 0 : i32
    %dma_wait3A_298 = tpu.memref_slice %arg12[%add3A_193, %dma_wait3A_297] : memref<51200x32xf32, #tpu.memory_space<vmem_shared>> -> memref<128x32xf32, #tpu.memory_space<vmem_shared>>
    %dma_wait3A_299 = arith.constant 0 : i32
    %dma_wait3A_300 = tpu.memref_slice %arg12[%add3A_193, %dma_wait3A_299] : memref<51200x32xf32, #tpu.memory_space<vmem_shared>> -> memref<128x32xf32, #tpu.memory_space<vmem_shared>>
    tpu.wait_dma2 semaphore(%arg13 : memref<!tpu.dma_semaphore, #tpu.memory_space<semaphore_mem>>) src(%arg11 : memref<128x32xf32, #tpu.memory_space<vmem>>) dst(%dma_wait3A_300 : memref<128x32xf32, #tpu.memory_space<vmem_shared>>)
    %dma_wait3A_301 = arith.constant 0 : i32
    %dma_wait3A_302 = tpu.memref_slice %arg12[%add3A_201, %dma_wait3A_301] : memref<51200x32xf32, #tpu.memory_space<vmem_shared>> -> memref<128x32xf32, #tpu.memory_space<vmem_shared>>
    %dma_wait3A_303 = arith.constant 0 : i32
    %dma_wait3A_304 = tpu.memref_slice %arg12[%add3A_201, %dma_wait3A_303] : memref<51200x32xf32, #tpu.memory_space<vmem_shared>> -> memref<128x32xf32, #tpu.memory_space<vmem_shared>>
    tpu.wait_dma2 semaphore(%arg13 : memref<!tpu.dma_semaphore, #tpu.memory_space<semaphore_mem>>) src(%arg11 : memref<128x32xf32, #tpu.memory_space<vmem>>) dst(%dma_wait3A_304 : memref<128x32xf32, #tpu.memory_space<vmem_shared>>)
    %barrier3A = arith.constant 0 : index
    tpu.barrier barrier_id(%barrier3A)
    %mul3A_305 = arith.constant 392 : i32
    %mul3A_306 = arith.muli %add3A, %mul3A_305 : i32
    %scan3A_307 = arith.constant 0 : i32
    %scan3A_308 = arith.constant 0 : i32
    %scan3A_309 = arith.constant 98 : i32
    %scan3A_310 = arith.addi %scan3A_308, %scan3A_309 : i32
    %scan3A_311 = arith.constant 1 : i32
    %scan3A_312 = scf.for %scan3A_319 = %scan3A_308 to %scan3A_310 step %scan3A_311 iter_args(%scan3A_320 = %scan3A_307) -> (i32)  : i32 {
      %mul3A_321 = arith.constant 4 : i32
      %mul3A_322 = arith.muli %scan3A_319, %mul3A_321 : i32
      %add3A_323 = arith.addi %mul3A_306, %mul3A_322 : i32
      %dma_start3A_324 = arith.constant 0 : i32
      %dma_start3A_325 = tpu.memref_slice %arg2[%add3A_323, %dma_start3A_324] : memref<12544x128xi32, #tpu.memory_space<hbm>> -> memref<4x128xi32, #tpu.memory_space<hbm>>
      %dma_start3A_326 = arith.constant 0 : i32
      %dma_start3A_327 = tpu.memref_slice %arg2[%add3A_323, %dma_start3A_326] : memref<12544x128xi32, #tpu.memory_space<hbm>> -> memref<4x128xi32, #tpu.memory_space<hbm>>
      tpu.enqueue_dma source(%dma_start3A_327 : memref<4x128xi32, #tpu.memory_space<hbm>>) target(%arg7 : memref<4x128xi32, #tpu.memory_space<vmem>>) target_semaphore(%arg14 : memref<!tpu.dma_semaphore, #tpu.memory_space<semaphore_mem>>)
      %dma_start3A_328 = arith.constant 0 : i32
      %dma_start3A_329 = tpu.memref_slice %arg3[%add3A_323, %dma_start3A_328] : memref<12544x128xi32, #tpu.memory_space<hbm>> -> memref<4x128xi32, #tpu.memory_space<hbm>>
      %dma_start3A_330 = arith.constant 0 : i32
      %dma_start3A_331 = tpu.memref_slice %arg3[%add3A_323, %dma_start3A_330] : memref<12544x128xi32, #tpu.memory_space<hbm>> -> memref<4x128xi32, #tpu.memory_space<hbm>>
      tpu.enqueue_dma source(%dma_start3A_331 : memref<4x128xi32, #tpu.memory_space<hbm>>) target(%arg8 : memref<4x128xi32, #tpu.memory_space<vmem>>) target_semaphore(%arg14 : memref<!tpu.dma_semaphore, #tpu.memory_space<semaphore_mem>>)
      %dma_start3A_332 = arith.constant 0 : i32
      %dma_start3A_333 = tpu.memref_slice %arg4[%add3A_323, %dma_start3A_332] : memref<12544x128xf32, #tpu.memory_space<hbm>> -> memref<4x128xf32, #tpu.memory_space<hbm>>
      %dma_start3A_334 = arith.constant 0 : i32
      %dma_start3A_335 = tpu.memref_slice %arg4[%add3A_323, %dma_start3A_334] : memref<12544x128xf32, #tpu.memory_space<hbm>> -> memref<4x128xf32, #tpu.memory_space<hbm>>
      tpu.enqueue_dma source(%dma_start3A_335 : memref<4x128xf32, #tpu.memory_space<hbm>>) target(%arg9 : memref<4x128xf32, #tpu.memory_space<vmem>>) target_semaphore(%arg14 : memref<!tpu.dma_semaphore, #tpu.memory_space<semaphore_mem>>)
      %dma_wait3A_336 = arith.constant 0 : i32
      %dma_wait3A_337 = tpu.memref_slice %arg2[%add3A_323, %dma_wait3A_336] : memref<12544x128xi32, #tpu.memory_space<hbm>> -> memref<4x128xi32, #tpu.memory_space<hbm>>
      %dma_wait3A_338 = arith.constant 0 : i32
      %dma_wait3A_339 = tpu.memref_slice %arg2[%add3A_323, %dma_wait3A_338] : memref<12544x128xi32, #tpu.memory_space<hbm>> -> memref<4x128xi32, #tpu.memory_space<hbm>>
      tpu.wait_dma2 semaphore(%arg14 : memref<!tpu.dma_semaphore, #tpu.memory_space<semaphore_mem>>) src(%dma_wait3A_339 : memref<4x128xi32, #tpu.memory_space<hbm>>) dst(%arg7 : memref<4x128xi32, #tpu.memory_space<vmem>>)
      %dma_wait3A_340 = arith.constant 0 : i32
      %dma_wait3A_341 = tpu.memref_slice %arg3[%add3A_323, %dma_wait3A_340] : memref<12544x128xi32, #tpu.memory_space<hbm>> -> memref<4x128xi32, #tpu.memory_space<hbm>>
      %dma_wait3A_342 = arith.constant 0 : i32
      %dma_wait3A_343 = tpu.memref_slice %arg3[%add3A_323, %dma_wait3A_342] : memref<12544x128xi32, #tpu.memory_space<hbm>> -> memref<4x128xi32, #tpu.memory_space<hbm>>
      tpu.wait_dma2 semaphore(%arg14 : memref<!tpu.dma_semaphore, #tpu.memory_space<semaphore_mem>>) src(%dma_wait3A_343 : memref<4x128xi32, #tpu.memory_space<hbm>>) dst(%arg8 : memref<4x128xi32, #tpu.memory_space<vmem>>)
      %dma_wait3A_344 = arith.constant 0 : i32
      %dma_wait3A_345 = tpu.memref_slice %arg4[%add3A_323, %dma_wait3A_344] : memref<12544x128xf32, #tpu.memory_space<hbm>> -> memref<4x128xf32, #tpu.memory_space<hbm>>
      %dma_wait3A_346 = arith.constant 0 : i32
      %dma_wait3A_347 = tpu.memref_slice %arg4[%add3A_323, %dma_wait3A_346] : memref<12544x128xf32, #tpu.memory_space<hbm>> -> memref<4x128xf32, #tpu.memory_space<hbm>>
      tpu.wait_dma2 semaphore(%arg14 : memref<!tpu.dma_semaphore, #tpu.memory_space<semaphore_mem>>) src(%dma_wait3A_347 : memref<4x128xf32, #tpu.memory_space<hbm>>) dst(%arg9 : memref<4x128xf32, #tpu.memory_space<vmem>>)
      %dma_start3A_348 = arith.constant 0 : i32
      %dma_start3A_349 = arith.constant 0 : i32
      %dma_start3A_350 = arith.constant 0 : i32
      %dma_start3A_351 = arith.constant 0 : i32
      %dma_start3A_352 = tpu.memref_slice %arg10[%dma_start3A_349, %dma_start3A_350, %dma_start3A_351] : memref<4x128x32xf32, #tpu.memory_space<vmem>> -> memref<1x128x32xf32, #tpu.memory_space<vmem>>
      %dma_start3A_353 = tpu.memref_squeeze %dma_start3A_352 : memref<1x128x32xf32, #tpu.memory_space<vmem>> -> memref<128x32xf32, #tpu.memory_space<vmem>>
      %dma_start3A_354 = arith.constant 0 : i32
      %dma_start3A_355 = tpu.memref_slice %arg7[%dma_start3A_348, %dma_start3A_354] : memref<4x128xi32, #tpu.memory_space<vmem>> -> memref<1x128xi32, #tpu.memory_space<vmem>>
      %dma_start3A_356 = tpu.memref_squeeze %dma_start3A_355 : memref<1x128xi32, #tpu.memory_space<vmem>> -> memref<128xi32, #tpu.memory_space<vmem>>
      %dma_start3A_357 = arith.constant 0 : i32
      %dma_start3A_358 = arith.constant 0 : i32
      %dma_start3A_359 = tpu.memref_slice %arg5[%dma_start3A_357, %dma_start3A_358] : memref<51200x32xf32, #tpu.memory_space<hbm>> -> memref<51200x32xf32, #tpu.memory_space<hbm>>
      tpu.enqueue_indirect_dma source(%dma_start3A_359 : memref<51200x32xf32, #tpu.memory_space<hbm>>) target(%dma_start3A_353 : memref<128x32xf32, #tpu.memory_space<vmem>>) offsets(%dma_start3A_356 : memref<128xi32, #tpu.memory_space<vmem>>) semaphore(%arg13 : memref<!tpu.dma_semaphore, #tpu.memory_space<semaphore_mem>>)
      %dma_start3A_360 = arith.constant 1 : i32
      %dma_start3A_361 = arith.constant 1 : i32
      %dma_start3A_362 = arith.constant 0 : i32
      %dma_start3A_363 = arith.constant 0 : i32
      %dma_start3A_364 = tpu.memref_slice %arg10[%dma_start3A_361, %dma_start3A_362, %dma_start3A_363] : memref<4x128x32xf32, #tpu.memory_space<vmem>> -> memref<1x128x32xf32, #tpu.memory_space<vmem>>
      %dma_start3A_365 = tpu.memref_squeeze %dma_start3A_364 : memref<1x128x32xf32, #tpu.memory_space<vmem>> -> memref<128x32xf32, #tpu.memory_space<vmem>>
      %dma_start3A_366 = arith.constant 0 : i32
      %dma_start3A_367 = tpu.memref_slice %arg7[%dma_start3A_360, %dma_start3A_366] : memref<4x128xi32, #tpu.memory_space<vmem>> -> memref<1x128xi32, #tpu.memory_space<vmem>>
      %dma_start3A_368 = tpu.memref_squeeze %dma_start3A_367 : memref<1x128xi32, #tpu.memory_space<vmem>> -> memref<128xi32, #tpu.memory_space<vmem>>
      %dma_start3A_369 = arith.constant 0 : i32
      %dma_start3A_370 = arith.constant 0 : i32
      %dma_start3A_371 = tpu.memref_slice %arg5[%dma_start3A_369, %dma_start3A_370] : memref<51200x32xf32, #tpu.memory_space<hbm>> -> memref<51200x32xf32, #tpu.memory_space<hbm>>
      tpu.enqueue_indirect_dma source(%dma_start3A_371 : memref<51200x32xf32, #tpu.memory_space<hbm>>) target(%dma_start3A_365 : memref<128x32xf32, #tpu.memory_space<vmem>>) offsets(%dma_start3A_368 : memref<128xi32, #tpu.memory_space<vmem>>) semaphore(%arg13 : memref<!tpu.dma_semaphore, #tpu.memory_space<semaphore_mem>>)
      %dma_start3A_372 = arith.constant 2 : i32
      %dma_start3A_373 = arith.constant 2 : i32
      %dma_start3A_374 = arith.constant 0 : i32
      %dma_start3A_375 = arith.constant 0 : i32
      %dma_start3A_376 = tpu.memref_slice %arg10[%dma_start3A_373, %dma_start3A_374, %dma_start3A_375] : memref<4x128x32xf32, #tpu.memory_space<vmem>> -> memref<1x128x32xf32, #tpu.memory_space<vmem>>
      %dma_start3A_377 = tpu.memref_squeeze %dma_start3A_376 : memref<1x128x32xf32, #tpu.memory_space<vmem>> -> memref<128x32xf32, #tpu.memory_space<vmem>>
      %dma_start3A_378 = arith.constant 0 : i32
      %dma_start3A_379 = tpu.memref_slice %arg7[%dma_start3A_372, %dma_start3A_378] : memref<4x128xi32, #tpu.memory_space<vmem>> -> memref<1x128xi32, #tpu.memory_space<vmem>>
      %dma_start3A_380 = tpu.memref_squeeze %dma_start3A_379 : memref<1x128xi32, #tpu.memory_space<vmem>> -> memref<128xi32, #tpu.memory_space<vmem>>
      %dma_start3A_381 = arith.constant 0 : i32
      %dma_start3A_382 = arith.constant 0 : i32
      %dma_start3A_383 = tpu.memref_slice %arg5[%dma_start3A_381, %dma_start3A_382] : memref<51200x32xf32, #tpu.memory_space<hbm>> -> memref<51200x32xf32, #tpu.memory_space<hbm>>
      tpu.enqueue_indirect_dma source(%dma_start3A_383 : memref<51200x32xf32, #tpu.memory_space<hbm>>) target(%dma_start3A_377 : memref<128x32xf32, #tpu.memory_space<vmem>>) offsets(%dma_start3A_380 : memref<128xi32, #tpu.memory_space<vmem>>) semaphore(%arg13 : memref<!tpu.dma_semaphore, #tpu.memory_space<semaphore_mem>>)
      %dma_start3A_384 = arith.constant 3 : i32
      %dma_start3A_385 = arith.constant 3 : i32
      %dma_start3A_386 = arith.constant 0 : i32
      %dma_start3A_387 = arith.constant 0 : i32
      %dma_start3A_388 = tpu.memref_slice %arg10[%dma_start3A_385, %dma_start3A_386, %dma_start3A_387] : memref<4x128x32xf32, #tpu.memory_space<vmem>> -> memref<1x128x32xf32, #tpu.memory_space<vmem>>
      %dma_start3A_389 = tpu.memref_squeeze %dma_start3A_388 : memref<1x128x32xf32, #tpu.memory_space<vmem>> -> memref<128x32xf32, #tpu.memory_space<vmem>>
      %dma_start3A_390 = arith.constant 0 : i32
      %dma_start3A_391 = tpu.memref_slice %arg7[%dma_start3A_384, %dma_start3A_390] : memref<4x128xi32, #tpu.memory_space<vmem>> -> memref<1x128xi32, #tpu.memory_space<vmem>>
      %dma_start3A_392 = tpu.memref_squeeze %dma_start3A_391 : memref<1x128xi32, #tpu.memory_space<vmem>> -> memref<128xi32, #tpu.memory_space<vmem>>
      %dma_start3A_393 = arith.constant 0 : i32
      %dma_start3A_394 = arith.constant 0 : i32
      %dma_start3A_395 = tpu.memref_slice %arg5[%dma_start3A_393, %dma_start3A_394] : memref<51200x32xf32, #tpu.memory_space<hbm>> -> memref<51200x32xf32, #tpu.memory_space<hbm>>
      tpu.enqueue_indirect_dma source(%dma_start3A_395 : memref<51200x32xf32, #tpu.memory_space<hbm>>) target(%dma_start3A_389 : memref<128x32xf32, #tpu.memory_space<vmem>>) offsets(%dma_start3A_392 : memref<128xi32, #tpu.memory_space<vmem>>) semaphore(%arg13 : memref<!tpu.dma_semaphore, #tpu.memory_space<semaphore_mem>>)
      %dma_wait3A_396 = arith.constant 0 : i32
      %dma_wait3A_397 = arith.constant 0 : i32
      %dma_wait3A_398 = arith.constant 0 : i32
      %dma_wait3A_399 = arith.constant 0 : i32
      %dma_wait3A_400 = tpu.memref_slice %arg10[%dma_wait3A_397, %dma_wait3A_398, %dma_wait3A_399] : memref<4x128x32xf32, #tpu.memory_space<vmem>> -> memref<1x128x32xf32, #tpu.memory_space<vmem>>
      %dma_wait3A_401 = tpu.memref_squeeze %dma_wait3A_400 : memref<1x128x32xf32, #tpu.memory_space<vmem>> -> memref<128x32xf32, #tpu.memory_space<vmem>>
      %dma_wait3A_402 = arith.constant 0 : i32
      %dma_wait3A_403 = tpu.memref_slice %arg7[%dma_wait3A_396, %dma_wait3A_402] : memref<4x128xi32, #tpu.memory_space<vmem>> -> memref<1x128xi32, #tpu.memory_space<vmem>>
      %dma_wait3A_404 = tpu.memref_squeeze %dma_wait3A_403 : memref<1x128xi32, #tpu.memory_space<vmem>> -> memref<128xi32, #tpu.memory_space<vmem>>
      %dma_wait3A_405 = arith.constant 0 : i32
      %dma_wait3A_406 = arith.constant 0 : i32
      %dma_wait3A_407 = tpu.memref_slice %arg5[%dma_wait3A_405, %dma_wait3A_406] : memref<51200x32xf32, #tpu.memory_space<hbm>> -> memref<51200x32xf32, #tpu.memory_space<hbm>>
      tpu.wait_indirect_dma semaphore(%arg13 : memref<!tpu.dma_semaphore, #tpu.memory_space<semaphore_mem>>) src(%dma_wait3A_407 : memref<51200x32xf32, #tpu.memory_space<hbm>>) dst(%dma_wait3A_401 : memref<128x32xf32, #tpu.memory_space<vmem>>)
      %scan3A_408 = arith.constant 0 : i32
      %scan3A_409 = arith.constant 0 : i32
      %scan3A_410 = arith.constant 8 : i32
      %scan3A_411 = arith.addi %scan3A_409, %scan3A_410 : i32
      %scan3A_412 = arith.constant 1 : i32
      %scan3A_413 = scf.for %scan3A_569 = %scan3A_409 to %scan3A_411 step %scan3A_412 iter_args(%scan3A_570 = %scan3A_408) -> (i32)  : i32 {
        %mul3A_571 = arith.constant 16 : i32
        %mul3A_572 = arith.muli %scan3A_569, %mul3A_571 : i32
        %get3A = arith.constant 0 : i32
        %get3A_573 = arith.index_cast %get3A : i32 to index
        %get3A_574 = arith.index_cast %mul3A_572 : i32 to index
        %get3A_575 = tpu.vector_load %arg9[%get3A_573, %get3A_574] {strides = array<i32>} : memref<4x128xf32, #tpu.memory_space<vmem>>, vector<1x16xf32>,
        %get3A_576 = vector.shape_cast %get3A_575 : vector<1x16xf32> to vector<16xf32>
        %broadcast_in_dim3A = arith.constant 0.000000e+00 : f32
        %broadcast_in_dim3A_577 = vector.broadcast %broadcast_in_dim3A : f32 to vector<16xf32>
        %slice3A = vector.extract_strided_slice %get3A_576 {offsets = [0], sizes = [1], strides = [1]} : vector<16xf32> to vector<1xf32>
        %squeeze3A = vector.extract %slice3A[0] : f32 from vector<1xf32>
        %add3A_578 = vector.broadcast %squeeze3A : f32 to vector<16xf32>
        %add3A_579 = arith.addf %broadcast_in_dim3A_577, %add3A_578 : vector<16xf32>
        %mul3A_580 = arith.constant 16 : i32
        %mul3A_581 = arith.muli %scan3A_569, %mul3A_580 : i32
        %add3A_582 = arith.constant 0 : i32
        %add3A_583 = arith.addi %mul3A_581, %add3A_582 : i32
        %get3A_584 = arith.constant 0 : i32
        %get3A_585 = arith.index_cast %get3A_584 : i32 to index
        %get3A_586 = arith.index_cast %add3A_583 : i32 to index
        %get3A_587 = arith.constant 0 : index
        %get3A_588 = tpu.vector_load %arg10[%get3A_585, %get3A_586, %get3A_587] {strides = array<i32>} : memref<4x128x32xf32, #tpu.memory_space<vmem>>, vector<1x1x16xf32>,
        %get3A_589 = vector.shape_cast %get3A_588 : vector<1x1x16xf32> to vector<16xf32>
        %mul3A_590 = arith.mulf %get3A_589, %add3A_579 : vector<16xf32>
        %swap3A = arith.constant 0 : i32
        %swap3A_591 = arith.index_cast %swap3A : i32 to index
        %swap3A_592 = arith.index_cast %add3A_583 : i32 to index
        %swap3A_593 = arith.constant 0 : index
        %swap3A_594 = tpu.vector_load %arg10[%swap3A_591, %swap3A_592, %swap3A_593] {strides = array<i32>} : memref<4x128x32xf32, #tpu.memory_space<vmem>>, vector<1x1x16xf32>,
        %swap3A_595 = vector.shape_cast %swap3A_594 : vector<1x1x16xf32> to vector<16xf32>
        %swap3A_596 = vector.shape_cast %mul3A_590 : vector<16xf32> to vector<1x1x16xf32>
        tpu.vector_store %arg10[%swap3A_591, %swap3A_592, %swap3A_593], %swap3A_596 {strides = array<i32>} : memref<4x128x32xf32, #tpu.memory_space<vmem>>, vector<1x1x16xf32>,
        %get3A_597 = arith.constant 0 : i32
        %get3A_598 = arith.index_cast %get3A_597 : i32 to index
        %get3A_599 = arith.index_cast %add3A_583 : i32 to index
        %get3A_600 = arith.constant 16 : index
        %get3A_601 = tpu.vector_load %arg10[%get3A_598, %get3A_599, %get3A_600] {strides = array<i32>} : memref<4x128x32xf32, #tpu.memory_space<vmem>>, vector<1x1x16xf32>,
        %get3A_602 = vector.shape_cast %get3A_601 : vector<1x1x16xf32> to vector<16xf32>
        %mul3A_603 = arith.mulf %get3A_602, %add3A_579 : vector<16xf32>
        %swap3A_604 = arith.constant 0 : i32
        %swap3A_605 = arith.index_cast %swap3A_604 : i32 to index
        %swap3A_606 = arith.index_cast %add3A_583 : i32 to index
        %swap3A_607 = arith.constant 16 : index
        %swap3A_608 = tpu.vector_load %arg10[%swap3A_605, %swap3A_606, %swap3A_607] {strides = array<i32>} : memref<4x128x32xf32, #tpu.memory_space<vmem>>, vector<1x1x16xf32>,
        %swap3A_609 = vector.shape_cast %swap3A_608 : vector<1x1x16xf32> to vector<16xf32>
        %swap3A_610 = vector.shape_cast %mul3A_603 : vector<16xf32> to vector<1x1x16xf32>
        tpu.vector_store %arg10[%swap3A_605, %swap3A_606, %swap3A_607], %swap3A_610 {strides = array<i32>} : memref<4x128x32xf32, #tpu.memory_space<vmem>>, vector<1x1x16xf32>,
        %broadcast_in_dim3A_611 = arith.constant 0.000000e+00 : f32
        %broadcast_in_dim3A_612 = vector.broadcast %broadcast_in_dim3A_611 : f32 to vector<16xf32>
        %slice3A_613 = vector.extract_strided_slice %get3A_576 {offsets = [1], sizes = [1], strides = [1]} : vector<16xf32> to vector<1xf32>
        %squeeze3A_614 = vector.extract %slice3A_613[0] : f32 from vector<1xf32>
        %add3A_615 = vector.broadcast %squeeze3A_614 : f32 to vector<16xf32>
        %add3A_616 = arith.addf %broadcast_in_dim3A_612, %add3A_615 : vector<16xf32>
        %mul3A_617 = arith.constant 16 : i32
        %mul3A_618 = arith.muli %scan3A_569, %mul3A_617 : i32
        %add3A_619 = arith.constant 1 : i32
        %add3A_620 = arith.addi %mul3A_618, %add3A_619 : i32
        %get3A_621 = arith.constant 0 : i32
        %get3A_622 = arith.index_cast %get3A_621 : i32 to index
        %get3A_623 = arith.index_cast %add3A_620 : i32 to index
        %get3A_624 = arith.constant 0 : index
        %get3A_625 = tpu.vector_load %arg10[%get3A_622, %get3A_623, %get3A_624] {strides = array<i32>} : memref<4x128x32xf32, #tpu.memory_space<vmem>>, vector<1x1x16xf32>,
        %get3A_626 = vector.shape_cast %get3A_625 : vector<1x1x16xf32> to vector<16xf32>
        %mul3A_627 = arith.mulf %get3A_626, %add3A_616 : vector<16xf32>
        %swap3A_628 = arith.constant 0 : i32
        %swap3A_629 = arith.index_cast %swap3A_628 : i32 to index
        %swap3A_630 = arith.index_cast %add3A_620 : i32 to index
        %swap3A_631 = arith.constant 0 : index
        %swap3A_632 = tpu.vector_load %arg10[%swap3A_629, %swap3A_630, %swap3A_631] {strides = array<i32>} : memref<4x128x32xf32, #tpu.memory_space<vmem>>, vector<1x1x16xf32>,
        %swap3A_633 = vector.shape_cast %swap3A_632 : vector<1x1x16xf32> to vector<16xf32>
        %swap3A_634 = vector.shape_cast %mul3A_627 : vector<16xf32> to vector<1x1x16xf32>
        tpu.vector_store %arg10[%swap3A_629, %swap3A_630, %swap3A_631], %swap3A_634 {strides = array<i32>} : memref<4x128x32xf32, #tpu.memory_space<vmem>>, vector<1x1x16xf32>,
        %get3A_635 = arith.constant 0 : i32
        %get3A_636 = arith.index_cast %get3A_635 : i32 to index
        %get3A_637 = arith.index_cast %add3A_620 : i32 to index
        %get3A_638 = arith.constant 16 : index
        %get3A_639 = tpu.vector_load %arg10[%get3A_636, %get3A_637, %get3A_638] {strides = array<i32>} : memref<4x128x32xf32, #tpu.memory_space<vmem>>, vector<1x1x16xf32>,
        %get3A_640 = vector.shape_cast %get3A_639 : vector<1x1x16xf32> to vector<16xf32>
        %mul3A_641 = arith.mulf %get3A_640, %add3A_616 : vector<16xf32>
        %swap3A_642 = arith.constant 0 : i32
        %swap3A_643 = arith.index_cast %swap3A_642 : i32 to index
        %swap3A_644 = arith.index_cast %add3A_620 : i32 to index
        %swap3A_645 = arith.constant 16 : index
        %swap3A_646 = tpu.vector_load %arg10[%swap3A_643, %swap3A_644, %swap3A_645] {strides = array<i32>} : memref<4x128x32xf32, #tpu.memory_space<vmem>>, vector<1x1x16xf32>,
        %swap3A_647 = vector.shape_cast %swap3A_646 : vector<1x1x16xf32> to vector<16xf32>
        %swap3A_648 = vector.shape_cast %mul3A_641 : vector<16xf32> to vector<1x1x16xf32>
        tpu.vector_store %arg10[%swap3A_643, %swap3A_644, %swap3A_645], %swap3A_648 {strides = array<i32>} : memref<4x128x32xf32, #tpu.memory_space<vmem>>, vector<1x1x16xf32>,
        %broadcast_in_dim3A_649 = arith.constant 0.000000e+00 : f32
        %broadcast_in_dim3A_650 = vector.broadcast %broadcast_in_dim3A_649 : f32 to vector<16xf32>
        %slice3A_651 = vector.extract_strided_slice %get3A_576 {offsets = [2], sizes = [1], strides = [1]} : vector<16xf32> to vector<1xf32>
        %squeeze3A_652 = vector.extract %slice3A_651[0] : f32 from vector<1xf32>
        %add3A_653 = vector.broadcast %squeeze3A_652 : f32 to vector<16xf32>
        %add3A_654 = arith.addf %broadcast_in_dim3A_650, %add3A_653 : vector<16xf32>
        %mul3A_655 = arith.constant 16 : i32
        %mul3A_656 = arith.muli %scan3A_569, %mul3A_655 : i32
        %add3A_657 = arith.constant 2 : i32
        %add3A_658 = arith.addi %mul3A_656, %add3A_657 : i32
        %get3A_659 = arith.constant 0 : i32
        %get3A_660 = arith.index_cast %get3A_659 : i32 to index
        %get3A_661 = arith.index_cast %add3A_658 : i32 to index
        %get3A_662 = arith.constant 0 : index
        %get3A_663 = tpu.vector_load %arg10[%get3A_660, %get3A_661, %get3A_662] {strides = array<i32>} : memref<4x128x32xf32, #tpu.memory_space<vmem>>, vector<1x1x16xf32>,
        %get3A_664 = vector.shape_cast %get3A_663 : vector<1x1x16xf32> to vector<16xf32>
        %mul3A_665 = arith.mulf %get3A_664, %add3A_654 : vector<16xf32>
        %swap3A_666 = arith.constant 0 : i32
        %swap3A_667 = arith.index_cast %swap3A_666 : i32 to index
        %swap3A_668 = arith.index_cast %add3A_658 : i32 to index
        %swap3A_669 = arith.constant 0 : index
        %swap3A_670 = tpu.vector_load %arg10[%swap3A_667, %swap3A_668, %swap3A_669] {strides = array<i32>} : memref<4x128x32xf32, #tpu.memory_space<vmem>>, vector<1x1x16xf32>,
        %swap3A_671 = vector.shape_cast %swap3A_670 : vector<1x1x16xf32> to vector<16xf32>
        %swap3A_672 = vector.shape_cast %mul3A_665 : vector<16xf32> to vector<1x1x16xf32>
        tpu.vector_store %arg10[%swap3A_667, %swap3A_668, %swap3A_669], %swap3A_672 {strides = array<i32>} : memref<4x128x32xf32, #tpu.memory_space<vmem>>, vector<1x1x16xf32>,
        %get3A_673 = arith.constant 0 : i32
        %get3A_674 = arith.index_cast %get3A_673 : i32 to index
        %get3A_675 = arith.index_cast %add3A_658 : i32 to index
        %get3A_676 = arith.constant 16 : index
        %get3A_677 = tpu.vector_load %arg10[%get3A_674, %get3A_675, %get3A_676] {strides = array<i32>} : memref<4x128x32xf32, #tpu.memory_space<vmem>>, vector<1x1x16xf32>,
        %get3A_678 = vector.shape_cast %get3A_677 : vector<1x1x16xf32> to vector<16xf32>
        %mul3A_679 = arith.mulf %get3A_678, %add3A_654 : vector<16xf32>
        %swap3A_680 = arith.constant 0 : i32
        %swap3A_681 = arith.index_cast %swap3A_680 : i32 to index
        %swap3A_682 = arith.index_cast %add3A_658 : i32 to index
        %swap3A_683 = arith.constant 16 : index
        %swap3A_684 = tpu.vector_load %arg10[%swap3A_681, %swap3A_682, %swap3A_683] {strides = array<i32>} : memref<4x128x32xf32, #tpu.memory_space<vmem>>, vector<1x1x16xf32>,
        %swap3A_685 = vector.shape_cast %swap3A_684 : vector<1x1x16xf32> to vector<16xf32>
        %swap3A_686 = vector.shape_cast %mul3A_679 : vector<16xf32> to vector<1x1x16xf32>
        tpu.vector_store %arg10[%swap3A_681, %swap3A_682, %swap3A_683], %swap3A_686 {strides = array<i32>} : memref<4x128x32xf32, #tpu.memory_space<vmem>>, vector<1x1x16xf32>,
        %broadcast_in_dim3A_687 = arith.constant 0.000000e+00 : f32
        %broadcast_in_dim3A_688 = vector.broadcast %broadcast_in_dim3A_687 : f32 to vector<16xf32>
        %slice3A_689 = vector.extract_strided_slice %get3A_576 {offsets = [3], sizes = [1], strides = [1]} : vector<16xf32> to vector<1xf32>
        %squeeze3A_690 = vector.extract %slice3A_689[0] : f32 from vector<1xf32>
        %add3A_691 = vector.broadcast %squeeze3A_690 : f32 to vector<16xf32>
        %add3A_692 = arith.addf %broadcast_in_dim3A_688, %add3A_691 : vector<16xf32>
        %mul3A_693 = arith.constant 16 : i32
        %mul3A_694 = arith.muli %scan3A_569, %mul3A_693 : i32
        %add3A_695 = arith.constant 3 : i32
        %add3A_696 = arith.addi %mul3A_694, %add3A_695 : i32
        %get3A_697 = arith.constant 0 : i32
        %get3A_698 = arith.index_cast %get3A_697 : i32 to index
        %get3A_699 = arith.index_cast %add3A_696 : i32 to index
        %get3A_700 = arith.constant 0 : index
        %get3A_701 = tpu.vector_load %arg10[%get3A_698, %get3A_699, %get3A_700] {strides = array<i32>} : memref<4x128x32xf32, #tpu.memory_space<vmem>>, vector<1x1x16xf32>,
        %get3A_702 = vector.shape_cast %get3A_701 : vector<1x1x16xf32> to vector<16xf32>
        %mul3A_703 = arith.mulf %get3A_702, %add3A_692 : vector<16xf32>
        %swap3A_704 = arith.constant 0 : i32
        %swap3A_705 = arith.index_cast %swap3A_704 : i32 to index
        %swap3A_706 = arith.index_cast %add3A_696 : i32 to index
        %swap3A_707 = arith.constant 0 : index
        %swap3A_708 = tpu.vector_load %arg10[%swap3A_705, %swap3A_706, %swap3A_707] {strides = array<i32>} : memref<4x128x32xf32, #tpu.memory_space<vmem>>, vector<1x1x16xf32>,
        %swap3A_709 = vector.shape_cast %swap3A_708 : vector<1x1x16xf32> to vector<16xf32>
        %swap3A_710 = vector.shape_cast %mul3A_703 : vector<16xf32> to vector<1x1x16xf32>
        tpu.vector_store %arg10[%swap3A_705, %swap3A_706, %swap3A_707], %swap3A_710 {strides = array<i32>} : memref<4x128x32xf32, #tpu.memory_space<vmem>>, vector<1x1x16xf32>,
        %get3A_711 = arith.constant 0 : i32
        %get3A_712 = arith.index_cast %get3A_711 : i32 to index
        %get3A_713 = arith.index_cast %add3A_696 : i32 to index
        %get3A_714 = arith.constant 16 : index
        %get3A_715 = tpu.vector_load %arg10[%get3A_712, %get3A_713, %get3A_714] {strides = array<i32>} : memref<4x128x32xf32, #tpu.memory_space<vmem>>, vector<1x1x16xf32>,
        %get3A_716 = vector.shape_cast %get3A_715 : vector<1x1x16xf32> to vector<16xf32>
        %mul3A_717 = arith.mulf %get3A_716, %add3A_692 : vector<16xf32>
        %swap3A_718 = arith.constant 0 : i32
        %swap3A_719 = arith.index_cast %swap3A_718 : i32 to index
        %swap3A_720 = arith.index_cast %add3A_696 : i32 to index
        %swap3A_721 = arith.constant 16 : index
        %swap3A_722 = tpu.vector_load %arg10[%swap3A_719, %swap3A_720, %swap3A_721] {strides = array<i32>} : memref<4x128x32xf32, #tpu.memory_space<vmem>>, vector<1x1x16xf32>,
        %swap3A_723 = vector.shape_cast %swap3A_722 : vector<1x1x16xf32> to vector<16xf32>
        %swap3A_724 = vector.shape_cast %mul3A_717 : vector<16xf32> to vector<1x1x16xf32>
        tpu.vector_store %arg10[%swap3A_719, %swap3A_720, %swap3A_721], %swap3A_724 {strides = array<i32>} : memref<4x128x32xf32, #tpu.memory_space<vmem>>, vector<1x1x16xf32>,
        %broadcast_in_dim3A_725 = arith.constant 0.000000e+00 : f32
        %broadcast_in_dim3A_726 = vector.broadcast %broadcast_in_dim3A_725 : f32 to vector<16xf32>
        %slice3A_727 = vector.extract_strided_slice %get3A_576 {offsets = [4], sizes = [1], strides = [1]} : vector<16xf32> to vector<1xf32>
        %squeeze3A_728 = vector.extract %slice3A_727[0] : f32 from vector<1xf32>
        %add3A_729 = vector.broadcast %squeeze3A_728 : f32 to vector<16xf32>
        %add3A_730 = arith.addf %broadcast_in_dim3A_726, %add3A_729 : vector<16xf32>
        %mul3A_731 = arith.constant 16 : i32
        %mul3A_732 = arith.muli %scan3A_569, %mul3A_731 : i32
        %add3A_733 = arith.constant 4 : i32
        %add3A_734 = arith.addi %mul3A_732, %add3A_733 : i32
        %get3A_735 = arith.constant 0 : i32
        %get3A_736 = arith.index_cast %get3A_735 : i32 to index
        %get3A_737 = arith.index_cast %add3A_734 : i32 to index
        %get3A_738 = arith.constant 0 : index
        %get3A_739 = tpu.vector_load %arg10[%get3A_736, %get3A_737, %get3A_738] {strides = array<i32>} : memref<4x128x32xf32, #tpu.memory_space<vmem>>, vector<1x1x16xf32>,
        %get3A_740 = vector.shape_cast %get3A_739 : vector<1x1x16xf32> to vector<16xf32>
        %mul3A_741 = arith.mulf %get3A_740, %add3A_730 : vector<16xf32>
        %swap3A_742 = arith.constant 0 : i32
        %swap3A_743 = arith.index_cast %swap3A_742 : i32 to index
        %swap3A_744 = arith.index_cast %add3A_734 : i32 to index
        %swap3A_745 = arith.constant 0 : index
        %swap3A_746 = tpu.vector_load %arg10[%swap3A_743, %swap3A_744, %swap3A_745] {strides = array<i32>} : memref<4x128x32xf32, #tpu.memory_space<vmem>>, vector<1x1x16xf32>,
        %swap3A_747 = vector.shape_cast %swap3A_746 : vector<1x1x16xf32> to vector<16xf32>
        %swap3A_748 = vector.shape_cast %mul3A_741 : vector<16xf32> to vector<1x1x16xf32>
        tpu.vector_store %arg10[%swap3A_743, %swap3A_744, %swap3A_745], %swap3A_748 {strides = array<i32>} : memref<4x128x32xf32, #tpu.memory_space<vmem>>, vector<1x1x16xf32>,
        %get3A_749 = arith.constant 0 : i32
        %get3A_750 = arith.index_cast %get3A_749 : i32 to index
        %get3A_751 = arith.index_cast %add3A_734 : i32 to index
        %get3A_752 = arith.constant 16 : index
        %get3A_753 = tpu.vector_load %arg10[%get3A_750, %get3A_751, %get3A_752] {strides = array<i32>} : memref<4x128x32xf32, #tpu.memory_space<vmem>>, vector<1x1x16xf32>,
        %get3A_754 = vector.shape_cast %get3A_753 : vector<1x1x16xf32> to vector<16xf32>
        %mul3A_755 = arith.mulf %get3A_754, %add3A_730 : vector<16xf32>
        %swap3A_756 = arith.constant 0 : i32
        %swap3A_757 = arith.index_cast %swap3A_756 : i32 to index
        %swap3A_758 = arith.index_cast %add3A_734 : i32 to index
        %swap3A_759 = arith.constant 16 : index
        %swap3A_760 = tpu.vector_load %arg10[%swap3A_757, %swap3A_758, %swap3A_759] {strides = array<i32>} : memref<4x128x32xf32, #tpu.memory_space<vmem>>, vector<1x1x16xf32>,
        %swap3A_761 = vector.shape_cast %swap3A_760 : vector<1x1x16xf32> to vector<16xf32>
        %swap3A_762 = vector.shape_cast %mul3A_755 : vector<16xf32> to vector<1x1x16xf32>
        tpu.vector_store %arg10[%swap3A_757, %swap3A_758, %swap3A_759], %swap3A_762 {strides = array<i32>} : memref<4x128x32xf32, #tpu.memory_space<vmem>>, vector<1x1x16xf32>,
        %broadcast_in_dim3A_763 = arith.constant 0.000000e+00 : f32
        %broadcast_in_dim3A_764 = vector.broadcast %broadcast_in_dim3A_763 : f32 to vector<16xf32>
        %slice3A_765 = vector.extract_strided_slice %get3A_576 {offsets = [5], sizes = [1], strides = [1]} : vector<16xf32> to vector<1xf32>
        %squeeze3A_766 = vector.extract %slice3A_765[0] : f32 from vector<1xf32>
        %add3A_767 = vector.broadcast %squeeze3A_766 : f32 to vector<16xf32>
        %add3A_768 = arith.addf %broadcast_in_dim3A_764, %add3A_767 : vector<16xf32>
        %mul3A_769 = arith.constant 16 : i32
        %mul3A_770 = arith.muli %scan3A_569, %mul3A_769 : i32
        %add3A_771 = arith.constant 5 : i32
        %add3A_772 = arith.addi %mul3A_770, %add3A_771 : i32
        %get3A_773 = arith.constant 0 : i32
        %get3A_774 = arith.index_cast %get3A_773 : i32 to index
        %get3A_775 = arith.index_cast %add3A_772 : i32 to index
        %get3A_776 = arith.constant 0 : index
        %get3A_777 = tpu.vector_load %arg10[%get3A_774, %get3A_775, %get3A_776] {strides = array<i32>} : memref<4x128x32xf32, #tpu.memory_space<vmem>>, vector<1x1x16xf32>,
        %get3A_778 = vector.shape_cast %get3A_777 : vector<1x1x16xf32> to vector<16xf32>
        %mul3A_779 = arith.mulf %get3A_778, %add3A_768 : vector<16xf32>
        %swap3A_780 = arith.constant 0 : i32
        %swap3A_781 = arith.index_cast %swap3A_780 : i32 to index
        %swap3A_782 = arith.index_cast %add3A_772 : i32 to index
        %swap3A_783 = arith.constant 0 : index
        %swap3A_784 = tpu.vector_load %arg10[%swap3A_781, %swap3A_782, %swap3A_783] {strides = array<i32>} : memref<4x128x32xf32, #tpu.memory_space<vmem>>, vector<1x1x16xf32>,
        %swap3A_785 = vector.shape_cast %swap3A_784 : vector<1x1x16xf32> to vector<16xf32>
        %swap3A_786 = vector.shape_cast %mul3A_779 : vector<16xf32> to vector<1x1x16xf32>
        tpu.vector_store %arg10[%swap3A_781, %swap3A_782, %swap3A_783], %swap3A_786 {strides = array<i32>} : memref<4x128x32xf32, #tpu.memory_space<vmem>>, vector<1x1x16xf32>,
        %get3A_787 = arith.constant 0 : i32
        %get3A_788 = arith.index_cast %get3A_787 : i32 to index
        %get3A_789 = arith.index_cast %add3A_772 : i32 to index
        %get3A_790 = arith.constant 16 : index
        %get3A_791 = tpu.vector_load %arg10[%get3A_788, %get3A_789, %get3A_790] {strides = array<i32>} : memref<4x128x32xf32, #tpu.memory_space<vmem>>, vector<1x1x16xf32>,
        %get3A_792 = vector.shape_cast %get3A_791 : vector<1x1x16xf32> to vector<16xf32>
        %mul3A_793 = arith.mulf %get3A_792, %add3A_768 : vector<16xf32>
        %swap3A_794 = arith.constant 0 : i32
        %swap3A_795 = arith.index_cast %swap3A_794 : i32 to index
        %swap3A_796 = arith.index_cast %add3A_772 : i32 to index
        %swap3A_797 = arith.constant 16 : index
        %swap3A_798 = tpu.vector_load %arg10[%swap3A_795, %swap3A_796, %swap3A_797] {strides = array<i32>} : memref<4x128x32xf32, #tpu.memory_space<vmem>>, vector<1x1x16xf32>,
        %swap3A_799 = vector.shape_cast %swap3A_798 : vector<1x1x16xf32> to vector<16xf32>
        %swap3A_800 = vector.shape_cast %mul3A_793 : vector<16xf32> to vector<1x1x16xf32>
        tpu.vector_store %arg10[%swap3A_795, %swap3A_796, %swap3A_797], %swap3A_800 {strides = array<i32>} : memref<4x128x32xf32, #tpu.memory_space<vmem>>, vector<1x1x16xf32>,
        %broadcast_in_dim3A_801 = arith.constant 0.000000e+00 : f32
        %broadcast_in_dim3A_802 = vector.broadcast %broadcast_in_dim3A_801 : f32 to vector<16xf32>
        %slice3A_803 = vector.extract_strided_slice %get3A_576 {offsets = [6], sizes = [1], strides = [1]} : vector<16xf32> to vector<1xf32>
        %squeeze3A_804 = vector.extract %slice3A_803[0] : f32 from vector<1xf32>
        %add3A_805 = vector.broadcast %squeeze3A_804 : f32 to vector<16xf32>
        %add3A_806 = arith.addf %broadcast_in_dim3A_802, %add3A_805 : vector<16xf32>
        %mul3A_807 = arith.constant 16 : i32
        %mul3A_808 = arith.muli %scan3A_569, %mul3A_807 : i32
        %add3A_809 = arith.constant 6 : i32
        %add3A_810 = arith.addi %mul3A_808, %add3A_809 : i32
        %get3A_811 = arith.constant 0 : i32
        %get3A_812 = arith.index_cast %get3A_811 : i32 to index
        %get3A_813 = arith.index_cast %add3A_810 : i32 to index
        %get3A_814 = arith.constant 0 : index
        %get3A_815 = tpu.vector_load %arg10[%get3A_812, %get3A_813, %get3A_814] {strides = array<i32>} : memref<4x128x32xf32, #tpu.memory_space<vmem>>, vector<1x1x16xf32>,
        %get3A_816 = vector.shape_cast %get3A_815 : vector<1x1x16xf32> to vector<16xf32>
        %mul3A_817 = arith.mulf %get3A_816, %add3A_806 : vector<16xf32>
        %swap3A_818 = arith.constant 0 : i32
        %swap3A_819 = arith.index_cast %swap3A_818 : i32 to index
        %swap3A_820 = arith.index_cast %add3A_810 : i32 to index
        %swap3A_821 = arith.constant 0 : index
        %swap3A_822 = tpu.vector_load %arg10[%swap3A_819, %swap3A_820, %swap3A_821] {strides = array<i32>} : memref<4x128x32xf32, #tpu.memory_space<vmem>>, vector<1x1x16xf32>,
        %swap3A_823 = vector.shape_cast %swap3A_822 : vector<1x1x16xf32> to vector<16xf32>
        %swap3A_824 = vector.shape_cast %mul3A_817 : vector<16xf32> to vector<1x1x16xf32>
        tpu.vector_store %arg10[%swap3A_819, %swap3A_820, %swap3A_821], %swap3A_824 {strides = array<i32>} : memref<4x128x32xf32, #tpu.memory_space<vmem>>, vector<1x1x16xf32>,
        %get3A_825 = arith.constant 0 : i32
        %get3A_826 = arith.index_cast %get3A_825 : i32 to index
        %get3A_827 = arith.index_cast %add3A_810 : i32 to index
        %get3A_828 = arith.constant 16 : index
        %get3A_829 = tpu.vector_load %arg10[%get3A_826, %get3A_827, %get3A_828] {strides = array<i32>} : memref<4x128x32xf32, #tpu.memory_space<vmem>>, vector<1x1x16xf32>,
        %get3A_830 = vector.shape_cast %get3A_829 : vector<1x1x16xf32> to vector<16xf32>
        %mul3A_831 = arith.mulf %get3A_830, %add3A_806 : vector<16xf32>
        %swap3A_832 = arith.constant 0 : i32
        %swap3A_833 = arith.index_cast %swap3A_832 : i32 to index
        %swap3A_834 = arith.index_cast %add3A_810 : i32 to index
        %swap3A_835 = arith.constant 16 : index
        %swap3A_836 = tpu.vector_load %arg10[%swap3A_833, %swap3A_834, %swap3A_835] {strides = array<i32>} : memref<4x128x32xf32, #tpu.memory_space<vmem>>, vector<1x1x16xf32>,
        %swap3A_837 = vector.shape_cast %swap3A_836 : vector<1x1x16xf32> to vector<16xf32>
        %swap3A_838 = vector.shape_cast %mul3A_831 : vector<16xf32> to vector<1x1x16xf32>
        tpu.vector_store %arg10[%swap3A_833, %swap3A_834, %swap3A_835], %swap3A_838 {strides = array<i32>} : memref<4x128x32xf32, #tpu.memory_space<vmem>>, vector<1x1x16xf32>,
        %broadcast_in_dim3A_839 = arith.constant 0.000000e+00 : f32
        %broadcast_in_dim3A_840 = vector.broadcast %broadcast_in_dim3A_839 : f32 to vector<16xf32>
        %slice3A_841 = vector.extract_strided_slice %get3A_576 {offsets = [7], sizes = [1], strides = [1]} : vector<16xf32> to vector<1xf32>
        %squeeze3A_842 = vector.extract %slice3A_841[0] : f32 from vector<1xf32>
        %add3A_843 = vector.broadcast %squeeze3A_842 : f32 to vector<16xf32>
        %add3A_844 = arith.addf %broadcast_in_dim3A_840, %add3A_843 : vector<16xf32>
        %mul3A_845 = arith.constant 16 : i32
        %mul3A_846 = arith.muli %scan3A_569, %mul3A_845 : i32
        %add3A_847 = arith.constant 7 : i32
        %add3A_848 = arith.addi %mul3A_846, %add3A_847 : i32
        %get3A_849 = arith.constant 0 : i32
        %get3A_850 = arith.index_cast %get3A_849 : i32 to index
        %get3A_851 = arith.index_cast %add3A_848 : i32 to index
        %get3A_852 = arith.constant 0 : index
        %get3A_853 = tpu.vector_load %arg10[%get3A_850, %get3A_851, %get3A_852] {strides = array<i32>} : memref<4x128x32xf32, #tpu.memory_space<vmem>>, vector<1x1x16xf32>,
        %get3A_854 = vector.shape_cast %get3A_853 : vector<1x1x16xf32> to vector<16xf32>
        %mul3A_855 = arith.mulf %get3A_854, %add3A_844 : vector<16xf32>
        %swap3A_856 = arith.constant 0 : i32
        %swap3A_857 = arith.index_cast %swap3A_856 : i32 to index
        %swap3A_858 = arith.index_cast %add3A_848 : i32 to index
        %swap3A_859 = arith.constant 0 : index
        %swap3A_860 = tpu.vector_load %arg10[%swap3A_857, %swap3A_858, %swap3A_859] {strides = array<i32>} : memref<4x128x32xf32, #tpu.memory_space<vmem>>, vector<1x1x16xf32>,
        %swap3A_861 = vector.shape_cast %swap3A_860 : vector<1x1x16xf32> to vector<16xf32>
        %swap3A_862 = vector.shape_cast %mul3A_855 : vector<16xf32> to vector<1x1x16xf32>
        tpu.vector_store %arg10[%swap3A_857, %swap3A_858, %swap3A_859], %swap3A_862 {strides = array<i32>} : memref<4x128x32xf32, #tpu.memory_space<vmem>>, vector<1x1x16xf32>,
        %get3A_863 = arith.constant 0 : i32
        %get3A_864 = arith.index_cast %get3A_863 : i32 to index
        %get3A_865 = arith.index_cast %add3A_848 : i32 to index
        %get3A_866 = arith.constant 16 : index
        %get3A_867 = tpu.vector_load %arg10[%get3A_864, %get3A_865, %get3A_866] {strides = array<i32>} : memref<4x128x32xf32, #tpu.memory_space<vmem>>, vector<1x1x16xf32>,
        %get3A_868 = vector.shape_cast %get3A_867 : vector<1x1x16xf32> to vector<16xf32>
        %mul3A_869 = arith.mulf %get3A_868, %add3A_844 : vector<16xf32>
        %swap3A_870 = arith.constant 0 : i32
        %swap3A_871 = arith.index_cast %swap3A_870 : i32 to index
        %swap3A_872 = arith.index_cast %add3A_848 : i32 to index
        %swap3A_873 = arith.constant 16 : index
        %swap3A_874 = tpu.vector_load %arg10[%swap3A_871, %swap3A_872, %swap3A_873] {strides = array<i32>} : memref<4x128x32xf32, #tpu.memory_space<vmem>>, vector<1x1x16xf32>,
        %swap3A_875 = vector.shape_cast %swap3A_874 : vector<1x1x16xf32> to vector<16xf32>
        %swap3A_876 = vector.shape_cast %mul3A_869 : vector<16xf32> to vector<1x1x16xf32>
        tpu.vector_store %arg10[%swap3A_871, %swap3A_872, %swap3A_873], %swap3A_876 {strides = array<i32>} : memref<4x128x32xf32, #tpu.memory_space<vmem>>, vector<1x1x16xf32>,
        %broadcast_in_dim3A_877 = arith.constant 0.000000e+00 : f32
        %broadcast_in_dim3A_878 = vector.broadcast %broadcast_in_dim3A_877 : f32 to vector<16xf32>
        %slice3A_879 = vector.extract_strided_slice %get3A_576 {offsets = [8], sizes = [1], strides = [1]} : vector<16xf32> to vector<1xf32>
        %squeeze3A_880 = vector.extract %slice3A_879[0] : f32 from vector<1xf32>
        %add3A_881 = vector.broadcast %squeeze3A_880 : f32 to vector<16xf32>
        %add3A_882 = arith.addf %broadcast_in_dim3A_878, %add3A_881 : vector<16xf32>
        %mul3A_883 = arith.constant 16 : i32
        %mul3A_884 = arith.muli %scan3A_569, %mul3A_883 : i32
        %add3A_885 = arith.constant 8 : i32
        %add3A_886 = arith.addi %mul3A_884, %add3A_885 : i32
        %get3A_887 = arith.constant 0 : i32
        %get3A_888 = arith.index_cast %get3A_887 : i32 to index
        %get3A_889 = arith.index_cast %add3A_886 : i32 to index
        %get3A_890 = arith.constant 0 : index
        %get3A_891 = tpu.vector_load %arg10[%get3A_888, %get3A_889, %get3A_890] {strides = array<i32>} : memref<4x128x32xf32, #tpu.memory_space<vmem>>, vector<1x1x16xf32>,
        %get3A_892 = vector.shape_cast %get3A_891 : vector<1x1x16xf32> to vector<16xf32>
        %mul3A_893 = arith.mulf %get3A_892, %add3A_882 : vector<16xf32>
        %swap3A_894 = arith.constant 0 : i32
        %swap3A_895 = arith.index_cast %swap3A_894 : i32 to index
        %swap3A_896 = arith.index_cast %add3A_886 : i32 to index
        %swap3A_897 = arith.constant 0 : index
        %swap3A_898 = tpu.vector_load %arg10[%swap3A_895, %swap3A_896, %swap3A_897] {strides = array<i32>} : memref<4x128x32xf32, #tpu.memory_space<vmem>>, vector<1x1x16xf32>,
        %swap3A_899 = vector.shape_cast %swap3A_898 : vector<1x1x16xf32> to vector<16xf32>
        %swap3A_900 = vector.shape_cast %mul3A_893 : vector<16xf32> to vector<1x1x16xf32>
        tpu.vector_store %arg10[%swap3A_895, %swap3A_896, %swap3A_897], %swap3A_900 {strides = array<i32>} : memref<4x128x32xf32, #tpu.memory_space<vmem>>, vector<1x1x16xf32>,
        %get3A_901 = arith.constant 0 : i32
        %get3A_902 = arith.index_cast %get3A_901 : i32 to index
        %get3A_903 = arith.index_cast %add3A_886 : i32 to index
        %get3A_904 = arith.constant 16 : index
        %get3A_905 = tpu.vector_load %arg10[%get3A_902, %get3A_903, %get3A_904] {strides = array<i32>} : memref<4x128x32xf32, #tpu.memory_space<vmem>>, vector<1x1x16xf32>,
        %get3A_906 = vector.shape_cast %get3A_905 : vector<1x1x16xf32> to vector<16xf32>
        %mul3A_907 = arith.mulf %get3A_906, %add3A_882 : vector<16xf32>
        %swap3A_908 = arith.constant 0 : i32
        %swap3A_909 = arith.index_cast %swap3A_908 : i32 to index
        %swap3A_910 = arith.index_cast %add3A_886 : i32 to index
        %swap3A_911 = arith.constant 16 : index
        %swap3A_912 = tpu.vector_load %arg10[%swap3A_909, %swap3A_910, %swap3A_911] {strides = array<i32>} : memref<4x128x32xf32, #tpu.memory_space<vmem>>, vector<1x1x16xf32>,
        %swap3A_913 = vector.shape_cast %swap3A_912 : vector<1x1x16xf32> to vector<16xf32>
        %swap3A_914 = vector.shape_cast %mul3A_907 : vector<16xf32> to vector<1x1x16xf32>
        tpu.vector_store %arg10[%swap3A_909, %swap3A_910, %swap3A_911], %swap3A_914 {strides = array<i32>} : memref<4x128x32xf32, #tpu.memory_space<vmem>>, vector<1x1x16xf32>,
        %broadcast_in_dim3A_915 = arith.constant 0.000000e+00 : f32
        %broadcast_in_dim3A_916 = vector.broadcast %broadcast_in_dim3A_915 : f32 to vector<16xf32>
        %slice3A_917 = vector.extract_strided_slice %get3A_576 {offsets = [9], sizes = [1], strides = [1]} : vector<16xf32> to vector<1xf32>
        %squeeze3A_918 = vector.extract %slice3A_917[0] : f32 from vector<1xf32>
        %add3A_919 = vector.broadcast %squeeze3A_918 : f32 to vector<16xf32>
        %add3A_920 = arith.addf %broadcast_in_dim3A_916, %add3A_919 : vector<16xf32>
        %mul3A_921 = arith.constant 16 : i32
        %mul3A_922 = arith.muli %scan3A_569, %mul3A_921 : i32
        %add3A_923 = arith.constant 9 : i32
        %add3A_924 = arith.addi %mul3A_922, %add3A_923 : i32
        %get3A_925 = arith.constant 0 : i32
        %get3A_926 = arith.index_cast %get3A_925 : i32 to index
        %get3A_927 = arith.index_cast %add3A_924 : i32 to index
        %get3A_928 = arith.constant 0 : index
        %get3A_929 = tpu.vector_load %arg10[%get3A_926, %get3A_927, %get3A_928] {strides = array<i32>} : memref<4x128x32xf32, #tpu.memory_space<vmem>>, vector<1x1x16xf32>,
        %get3A_930 = vector.shape_cast %get3A_929 : vector<1x1x16xf32> to vector<16xf32>
        %mul3A_931 = arith.mulf %get3A_930, %add3A_920 : vector<16xf32>
        %swap3A_932 = arith.constant 0 : i32
        %swap3A_933 = arith.index_cast %swap3A_932 : i32 to index
        %swap3A_934 = arith.index_cast %add3A_924 : i32 to index
        %swap3A_935 = arith.constant 0 : index
        %swap3A_936 = tpu.vector_load %arg10[%swap3A_933, %swap3A_934, %swap3A_935] {strides = array<i32>} : memref<4x128x32xf32, #tpu.memory_space<vmem>>, vector<1x1x16xf32>,
        %swap3A_937 = vector.shape_cast %swap3A_936 : vector<1x1x16xf32> to vector<16xf32>
        %swap3A_938 = vector.shape_cast %mul3A_931 : vector<16xf32> to vector<1x1x16xf32>
        tpu.vector_store %arg10[%swap3A_933, %swap3A_934, %swap3A_935], %swap3A_938 {strides = array<i32>} : memref<4x128x32xf32, #tpu.memory_space<vmem>>, vector<1x1x16xf32>,
        %get3A_939 = arith.constant 0 : i32
        %get3A_940 = arith.index_cast %get3A_939 : i32 to index
        %get3A_941 = arith.index_cast %add3A_924 : i32 to index
        %get3A_942 = arith.constant 16 : index
        %get3A_943 = tpu.vector_load %arg10[%get3A_940, %get3A_941, %get3A_942] {strides = array<i32>} : memref<4x128x32xf32, #tpu.memory_space<vmem>>, vector<1x1x16xf32>,
        %get3A_944 = vector.shape_cast %get3A_943 : vector<1x1x16xf32> to vector<16xf32>
        %mul3A_945 = arith.mulf %get3A_944, %add3A_920 : vector<16xf32>
        %swap3A_946 = arith.constant 0 : i32
        %swap3A_947 = arith.index_cast %swap3A_946 : i32 to index
        %swap3A_948 = arith.index_cast %add3A_924 : i32 to index
        %swap3A_949 = arith.constant 16 : index
        %swap3A_950 = tpu.vector_load %arg10[%swap3A_947, %swap3A_948, %swap3A_949] {strides = array<i32>} : memref<4x128x32xf32, #tpu.memory_space<vmem>>, vector<1x1x16xf32>,
        %swap3A_951 = vector.shape_cast %swap3A_950 : vector<1x1x16xf32> to vector<16xf32>
        %swap3A_952 = vector.shape_cast %mul3A_945 : vector<16xf32> to vector<1x1x16xf32>
        tpu.vector_store %arg10[%swap3A_947, %swap3A_948, %swap3A_949], %swap3A_952 {strides = array<i32>} : memref<4x128x32xf32, #tpu.memory_space<vmem>>, vector<1x1x16xf32>,
        %broadcast_in_dim3A_953 = arith.constant 0.000000e+00 : f32
        %broadcast_in_dim3A_954 = vector.broadcast %broadcast_in_dim3A_953 : f32 to vector<16xf32>
        %slice3A_955 = vector.extract_strided_slice %get3A_576 {offsets = [10], sizes = [1], strides = [1]} : vector<16xf32> to vector<1xf32>
        %squeeze3A_956 = vector.extract %slice3A_955[0] : f32 from vector<1xf32>
        %add3A_957 = vector.broadcast %squeeze3A_956 : f32 to vector<16xf32>
        %add3A_958 = arith.addf %broadcast_in_dim3A_954, %add3A_957 : vector<16xf32>
        %mul3A_959 = arith.constant 16 : i32
        %mul3A_960 = arith.muli %scan3A_569, %mul3A_959 : i32
        %add3A_961 = arith.constant 10 : i32
        %add3A_962 = arith.addi %mul3A_960, %add3A_961 : i32
        %get3A_963 = arith.constant 0 : i32
        %get3A_964 = arith.index_cast %get3A_963 : i32 to index
        %get3A_965 = arith.index_cast %add3A_962 : i32 to index
        %get3A_966 = arith.constant 0 : index
        %get3A_967 = tpu.vector_load %arg10[%get3A_964, %get3A_965, %get3A_966] {strides = array<i32>} : memref<4x128x32xf32, #tpu.memory_space<vmem>>, vector<1x1x16xf32>,
        %get3A_968 = vector.shape_cast %get3A_967 : vector<1x1x16xf32> to vector<16xf32>
        %mul3A_969 = arith.mulf %get3A_968, %add3A_958 : vector<16xf32>
        %swap3A_970 = arith.constant 0 : i32
        %swap3A_971 = arith.index_cast %swap3A_970 : i32 to index
        %swap3A_972 = arith.index_cast %add3A_962 : i32 to index
        %swap3A_973 = arith.constant 0 : index
        %swap3A_974 = tpu.vector_load %arg10[%swap3A_971, %swap3A_972, %swap3A_973] {strides = array<i32>} : memref<4x128x32xf32, #tpu.memory_space<vmem>>, vector<1x1x16xf32>,
        %swap3A_975 = vector.shape_cast %swap3A_974 : vector<1x1x16xf32> to vector<16xf32>
        %swap3A_976 = vector.shape_cast %mul3A_969 : vector<16xf32> to vector<1x1x16xf32>
        tpu.vector_store %arg10[%swap3A_971, %swap3A_972, %swap3A_973], %swap3A_976 {strides = array<i32>} : memref<4x128x32xf32, #tpu.memory_space<vmem>>, vector<1x1x16xf32>,
        %get3A_977 = arith.constant 0 : i32
        %get3A_978 = arith.index_cast %get3A_977 : i32 to index
        %get3A_979 = arith.index_cast %add3A_962 : i32 to index
        %get3A_980 = arith.constant 16 : index
        %get3A_981 = tpu.vector_load %arg10[%get3A_978, %get3A_979, %get3A_980] {strides = array<i32>} : memref<4x128x32xf32, #tpu.memory_space<vmem>>, vector<1x1x16xf32>,
        %get3A_982 = vector.shape_cast %get3A_981 : vector<1x1x16xf32> to vector<16xf32>
        %mul3A_983 = arith.mulf %get3A_982, %add3A_958 : vector<16xf32>
        %swap3A_984 = arith.constant 0 : i32
        %swap3A_985 = arith.index_cast %swap3A_984 : i32 to index
        %swap3A_986 = arith.index_cast %add3A_962 : i32 to index
        %swap3A_987 = arith.constant 16 : index
        %swap3A_988 = tpu.vector_load %arg10[%swap3A_985, %swap3A_986, %swap3A_987] {strides = array<i32>} : memref<4x128x32xf32, #tpu.memory_space<vmem>>, vector<1x1x16xf32>,
        %swap3A_989 = vector.shape_cast %swap3A_988 : vector<1x1x16xf32> to vector<16xf32>
        %swap3A_990 = vector.shape_cast %mul3A_983 : vector<16xf32> to vector<1x1x16xf32>
        tpu.vector_store %arg10[%swap3A_985, %swap3A_986, %swap3A_987], %swap3A_990 {strides = array<i32>} : memref<4x128x32xf32, #tpu.memory_space<vmem>>, vector<1x1x16xf32>,
        %broadcast_in_dim3A_991 = arith.constant 0.000000e+00 : f32
        %broadcast_in_dim3A_992 = vector.broadcast %broadcast_in_dim3A_991 : f32 to vector<16xf32>
        %slice3A_993 = vector.extract_strided_slice %get3A_576 {offsets = [11], sizes = [1], strides = [1]} : vector<16xf32> to vector<1xf32>
        %squeeze3A_994 = vector.extract %slice3A_993[0] : f32 from vector<1xf32>
        %add3A_995 = vector.broadcast %squeeze3A_994 : f32 to vector<16xf32>
        %add3A_996 = arith.addf %broadcast_in_dim3A_992, %add3A_995 : vector<16xf32>
        %mul3A_997 = arith.constant 16 : i32
        %mul3A_998 = arith.muli %scan3A_569, %mul3A_997 : i32
        %add3A_999 = arith.constant 11 : i32
        %add3A_1000 = arith.addi %mul3A_998, %add3A_999 : i32
        %get3A_1001 = arith.constant 0 : i32
        %get3A_1002 = arith.index_cast %get3A_1001 : i32 to index
        %get3A_1003 = arith.index_cast %add3A_1000 : i32 to index
        %get3A_1004 = arith.constant 0 : index
        %get3A_1005 = tpu.vector_load %arg10[%get3A_1002, %get3A_1003, %get3A_1004] {strides = array<i32>} : memref<4x128x32xf32, #tpu.memory_space<vmem>>, vector<1x1x16xf32>,
        %get3A_1006 = vector.shape_cast %get3A_1005 : vector<1x1x16xf32> to vector<16xf32>
        %mul3A_1007 = arith.mulf %get3A_1006, %add3A_996 : vector<16xf32>
        %swap3A_1008 = arith.constant 0 : i32
        %swap3A_1009 = arith.index_cast %swap3A_1008 : i32 to index
        %swap3A_1010 = arith.index_cast %add3A_1000 : i32 to index
        %swap3A_1011 = arith.constant 0 : index
        %swap3A_1012 = tpu.vector_load %arg10[%swap3A_1009, %swap3A_1010, %swap3A_1011] {strides = array<i32>} : memref<4x128x32xf32, #tpu.memory_space<vmem>>, vector<1x1x16xf32>,
        %swap3A_1013 = vector.shape_cast %swap3A_1012 : vector<1x1x16xf32> to vector<16xf32>
        %swap3A_1014 = vector.shape_cast %mul3A_1007 : vector<16xf32> to vector<1x1x16xf32>
        tpu.vector_store %arg10[%swap3A_1009, %swap3A_1010, %swap3A_1011], %swap3A_1014 {strides = array<i32>} : memref<4x128x32xf32, #tpu.memory_space<vmem>>, vector<1x1x16xf32>,
        %get3A_1015 = arith.constant 0 : i32
        %get3A_1016 = arith.index_cast %get3A_1015 : i32 to index
        %get3A_1017 = arith.index_cast %add3A_1000 : i32 to index
        %get3A_1018 = arith.constant 16 : index
        %get3A_1019 = tpu.vector_load %arg10[%get3A_1016, %get3A_1017, %get3A_1018] {strides = array<i32>} : memref<4x128x32xf32, #tpu.memory_space<vmem>>, vector<1x1x16xf32>,
        %get3A_1020 = vector.shape_cast %get3A_1019 : vector<1x1x16xf32> to vector<16xf32>
        %mul3A_1021 = arith.mulf %get3A_1020, %add3A_996 : vector<16xf32>
        %swap3A_1022 = arith.constant 0 : i32
        %swap3A_1023 = arith.index_cast %swap3A_1022 : i32 to index
        %swap3A_1024 = arith.index_cast %add3A_1000 : i32 to index
        %swap3A_1025 = arith.constant 16 : index
        %swap3A_1026 = tpu.vector_load %arg10[%swap3A_1023, %swap3A_1024, %swap3A_1025] {strides = array<i32>} : memref<4x128x32xf32, #tpu.memory_space<vmem>>, vector<1x1x16xf32>,
        %swap3A_1027 = vector.shape_cast %swap3A_1026 : vector<1x1x16xf32> to vector<16xf32>
        %swap3A_1028 = vector.shape_cast %mul3A_1021 : vector<16xf32> to vector<1x1x16xf32>
        tpu.vector_store %arg10[%swap3A_1023, %swap3A_1024, %swap3A_1025], %swap3A_1028 {strides = array<i32>} : memref<4x128x32xf32, #tpu.memory_space<vmem>>, vector<1x1x16xf32>,
        %broadcast_in_dim3A_1029 = arith.constant 0.000000e+00 : f32
        %broadcast_in_dim3A_1030 = vector.broadcast %broadcast_in_dim3A_1029 : f32 to vector<16xf32>
        %slice3A_1031 = vector.extract_strided_slice %get3A_576 {offsets = [12], sizes = [1], strides = [1]} : vector<16xf32> to vector<1xf32>
        %squeeze3A_1032 = vector.extract %slice3A_1031[0] : f32 from vector<1xf32>
        %add3A_1033 = vector.broadcast %squeeze3A_1032 : f32 to vector<16xf32>
        %add3A_1034 = arith.addf %broadcast_in_dim3A_1030, %add3A_1033 : vector<16xf32>
        %mul3A_1035 = arith.constant 16 : i32
        %mul3A_1036 = arith.muli %scan3A_569, %mul3A_1035 : i32
        %add3A_1037 = arith.constant 12 : i32
        %add3A_1038 = arith.addi %mul3A_1036, %add3A_1037 : i32
        %get3A_1039 = arith.constant 0 : i32
        %get3A_1040 = arith.index_cast %get3A_1039 : i32 to index
        %get3A_1041 = arith.index_cast %add3A_1038 : i32 to index
        %get3A_1042 = arith.constant 0 : index
        %get3A_1043 = tpu.vector_load %arg10[%get3A_1040, %get3A_1041, %get3A_1042] {strides = array<i32>} : memref<4x128x32xf32, #tpu.memory_space<vmem>>, vector<1x1x16xf32>,
        %get3A_1044 = vector.shape_cast %get3A_1043 : vector<1x1x16xf32> to vector<16xf32>
        %mul3A_1045 = arith.mulf %get3A_1044, %add3A_1034 : vector<16xf32>
        %swap3A_1046 = arith.constant 0 : i32
        %swap3A_1047 = arith.index_cast %swap3A_1046 : i32 to index
        %swap3A_1048 = arith.index_cast %add3A_1038 : i32 to index
        %swap3A_1049 = arith.constant 0 : index
        %swap3A_1050 = tpu.vector_load %arg10[%swap3A_1047, %swap3A_1048, %swap3A_1049] {strides = array<i32>} : memref<4x128x32xf32, #tpu.memory_space<vmem>>, vector<1x1x16xf32>,
        %swap3A_1051 = vector.shape_cast %swap3A_1050 : vector<1x1x16xf32> to vector<16xf32>
        %swap3A_1052 = vector.shape_cast %mul3A_1045 : vector<16xf32> to vector<1x1x16xf32>
        tpu.vector_store %arg10[%swap3A_1047, %swap3A_1048, %swap3A_1049], %swap3A_1052 {strides = array<i32>} : memref<4x128x32xf32, #tpu.memory_space<vmem>>, vector<1x1x16xf32>,
        %get3A_1053 = arith.constant 0 : i32
        %get3A_1054 = arith.index_cast %get3A_1053 : i32 to index
        %get3A_1055 = arith.index_cast %add3A_1038 : i32 to index
        %get3A_1056 = arith.constant 16 : index
        %get3A_1057 = tpu.vector_load %arg10[%get3A_1054, %get3A_1055, %get3A_1056] {strides = array<i32>} : memref<4x128x32xf32, #tpu.memory_space<vmem>>, vector<1x1x16xf32>,
        %get3A_1058 = vector.shape_cast %get3A_1057 : vector<1x1x16xf32> to vector<16xf32>
        %mul3A_1059 = arith.mulf %get3A_1058, %add3A_1034 : vector<16xf32>
        %swap3A_1060 = arith.constant 0 : i32
        %swap3A_1061 = arith.index_cast %swap3A_1060 : i32 to index
        %swap3A_1062 = arith.index_cast %add3A_1038 : i32 to index
        %swap3A_1063 = arith.constant 16 : index
        %swap3A_1064 = tpu.vector_load %arg10[%swap3A_1061, %swap3A_1062, %swap3A_1063] {strides = array<i32>} : memref<4x128x32xf32, #tpu.memory_space<vmem>>, vector<1x1x16xf32>,
        %swap3A_1065 = vector.shape_cast %swap3A_1064 : vector<1x1x16xf32> to vector<16xf32>
        %swap3A_1066 = vector.shape_cast %mul3A_1059 : vector<16xf32> to vector<1x1x16xf32>
        tpu.vector_store %arg10[%swap3A_1061, %swap3A_1062, %swap3A_1063], %swap3A_1066 {strides = array<i32>} : memref<4x128x32xf32, #tpu.memory_space<vmem>>, vector<1x1x16xf32>,
        %broadcast_in_dim3A_1067 = arith.constant 0.000000e+00 : f32
        %broadcast_in_dim3A_1068 = vector.broadcast %broadcast_in_dim3A_1067 : f32 to vector<16xf32>
        %slice3A_1069 = vector.extract_strided_slice %get3A_576 {offsets = [13], sizes = [1], strides = [1]} : vector<16xf32> to vector<1xf32>
        %squeeze3A_1070 = vector.extract %slice3A_1069[0] : f32 from vector<1xf32>
        %add3A_1071 = vector.broadcast %squeeze3A_1070 : f32 to vector<16xf32>
        %add3A_1072 = arith.addf %broadcast_in_dim3A_1068, %add3A_1071 : vector<16xf32>
        %mul3A_1073 = arith.constant 16 : i32
        %mul3A_1074 = arith.muli %scan3A_569, %mul3A_1073 : i32
        %add3A_1075 = arith.constant 13 : i32
        %add3A_1076 = arith.addi %mul3A_1074, %add3A_1075 : i32
        %get3A_1077 = arith.constant 0 : i32
        %get3A_1078 = arith.index_cast %get3A_1077 : i32 to index
        %get3A_1079 = arith.index_cast %add3A_1076 : i32 to index
        %get3A_1080 = arith.constant 0 : index
        %get3A_1081 = tpu.vector_load %arg10[%get3A_1078, %get3A_1079, %get3A_1080] {strides = array<i32>} : memref<4x128x32xf32, #tpu.memory_space<vmem>>, vector<1x1x16xf32>,
        %get3A_1082 = vector.shape_cast %get3A_1081 : vector<1x1x16xf32> to vector<16xf32>
        %mul3A_1083 = arith.mulf %get3A_1082, %add3A_1072 : vector<16xf32>
        %swap3A_1084 = arith.constant 0 : i32
        %swap3A_1085 = arith.index_cast %swap3A_1084 : i32 to index
        %swap3A_1086 = arith.index_cast %add3A_1076 : i32 to index
        %swap3A_1087 = arith.constant 0 : index
        %swap3A_1088 = tpu.vector_load %arg10[%swap3A_1085, %swap3A_1086, %swap3A_1087] {strides = array<i32>} : memref<4x128x32xf32, #tpu.memory_space<vmem>>, vector<1x1x16xf32>,
        %swap3A_1089 = vector.shape_cast %swap3A_1088 : vector<1x1x16xf32> to vector<16xf32>
        %swap3A_1090 = vector.shape_cast %mul3A_1083 : vector<16xf32> to vector<1x1x16xf32>
        tpu.vector_store %arg10[%swap3A_1085, %swap3A_1086, %swap3A_1087], %swap3A_1090 {strides = array<i32>} : memref<4x128x32xf32, #tpu.memory_space<vmem>>, vector<1x1x16xf32>,
        %get3A_1091 = arith.constant 0 : i32
        %get3A_1092 = arith.index_cast %get3A_1091 : i32 to index
        %get3A_1093 = arith.index_cast %add3A_1076 : i32 to index
        %get3A_1094 = arith.constant 16 : index
        %get3A_1095 = tpu.vector_load %arg10[%get3A_1092, %get3A_1093, %get3A_1094] {strides = array<i32>} : memref<4x128x32xf32, #tpu.memory_space<vmem>>, vector<1x1x16xf32>,
        %get3A_1096 = vector.shape_cast %get3A_1095 : vector<1x1x16xf32> to vector<16xf32>
        %mul3A_1097 = arith.mulf %get3A_1096, %add3A_1072 : vector<16xf32>
        %swap3A_1098 = arith.constant 0 : i32
        %swap3A_1099 = arith.index_cast %swap3A_1098 : i32 to index
        %swap3A_1100 = arith.index_cast %add3A_1076 : i32 to index
        %swap3A_1101 = arith.constant 16 : index
        %swap3A_1102 = tpu.vector_load %arg10[%swap3A_1099, %swap3A_1100, %swap3A_1101] {strides = array<i32>} : memref<4x128x32xf32, #tpu.memory_space<vmem>>, vector<1x1x16xf32>,
        %swap3A_1103 = vector.shape_cast %swap3A_1102 : vector<1x1x16xf32> to vector<16xf32>
        %swap3A_1104 = vector.shape_cast %mul3A_1097 : vector<16xf32> to vector<1x1x16xf32>
        tpu.vector_store %arg10[%swap3A_1099, %swap3A_1100, %swap3A_1101], %swap3A_1104 {strides = array<i32>} : memref<4x128x32xf32, #tpu.memory_space<vmem>>, vector<1x1x16xf32>,
        %broadcast_in_dim3A_1105 = arith.constant 0.000000e+00 : f32
        %broadcast_in_dim3A_1106 = vector.broadcast %broadcast_in_dim3A_1105 : f32 to vector<16xf32>
        %slice3A_1107 = vector.extract_strided_slice %get3A_576 {offsets = [14], sizes = [1], strides = [1]} : vector<16xf32> to vector<1xf32>
        %squeeze3A_1108 = vector.extract %slice3A_1107[0] : f32 from vector<1xf32>
        %add3A_1109 = vector.broadcast %squeeze3A_1108 : f32 to vector<16xf32>
        %add3A_1110 = arith.addf %broadcast_in_dim3A_1106, %add3A_1109 : vector<16xf32>
        %mul3A_1111 = arith.constant 16 : i32
        %mul3A_1112 = arith.muli %scan3A_569, %mul3A_1111 : i32
        %add3A_1113 = arith.constant 14 : i32
        %add3A_1114 = arith.addi %mul3A_1112, %add3A_1113 : i32
        %get3A_1115 = arith.constant 0 : i32
        %get3A_1116 = arith.index_cast %get3A_1115 : i32 to index
        %get3A_1117 = arith.index_cast %add3A_1114 : i32 to index
        %get3A_1118 = arith.constant 0 : index
        %get3A_1119 = tpu.vector_load %arg10[%get3A_1116, %get3A_1117, %get3A_1118] {strides = array<i32>} : memref<4x128x32xf32, #tpu.memory_space<vmem>>, vector<1x1x16xf32>,
        %get3A_1120 = vector.shape_cast %get3A_1119 : vector<1x1x16xf32> to vector<16xf32>
        %mul3A_1121 = arith.mulf %get3A_1120, %add3A_1110 : vector<16xf32>
        %swap3A_1122 = arith.constant 0 : i32
        %swap3A_1123 = arith.index_cast %swap3A_1122 : i32 to index
        %swap3A_1124 = arith.index_cast %add3A_1114 : i32 to index
        %swap3A_1125 = arith.constant 0 : index
        %swap3A_1126 = tpu.vector_load %arg10[%swap3A_1123, %swap3A_1124, %swap3A_1125] {strides = array<i32>} : memref<4x128x32xf32, #tpu.memory_space<vmem>>, vector<1x1x16xf32>,
        %swap3A_1127 = vector.shape_cast %swap3A_1126 : vector<1x1x16xf32> to vector<16xf32>
        %swap3A_1128 = vector.shape_cast %mul3A_1121 : vector<16xf32> to vector<1x1x16xf32>
        tpu.vector_store %arg10[%swap3A_1123, %swap3A_1124, %swap3A_1125], %swap3A_1128 {strides = array<i32>} : memref<4x128x32xf32, #tpu.memory_space<vmem>>, vector<1x1x16xf32>,
        %get3A_1129 = arith.constant 0 : i32
        %get3A_1130 = arith.index_cast %get3A_1129 : i32 to index
        %get3A_1131 = arith.index_cast %add3A_1114 : i32 to index
        %get3A_1132 = arith.constant 16 : index
        %get3A_1133 = tpu.vector_load %arg10[%get3A_1130, %get3A_1131, %get3A_1132] {strides = array<i32>} : memref<4x128x32xf32, #tpu.memory_space<vmem>>, vector<1x1x16xf32>,
        %get3A_1134 = vector.shape_cast %get3A_1133 : vector<1x1x16xf32> to vector<16xf32>
        %mul3A_1135 = arith.mulf %get3A_1134, %add3A_1110 : vector<16xf32>
        %swap3A_1136 = arith.constant 0 : i32
        %swap3A_1137 = arith.index_cast %swap3A_1136 : i32 to index
        %swap3A_1138 = arith.index_cast %add3A_1114 : i32 to index
        %swap3A_1139 = arith.constant 16 : index
        %swap3A_1140 = tpu.vector_load %arg10[%swap3A_1137, %swap3A_1138, %swap3A_1139] {strides = array<i32>} : memref<4x128x32xf32, #tpu.memory_space<vmem>>, vector<1x1x16xf32>,
        %swap3A_1141 = vector.shape_cast %swap3A_1140 : vector<1x1x16xf32> to vector<16xf32>
        %swap3A_1142 = vector.shape_cast %mul3A_1135 : vector<16xf32> to vector<1x1x16xf32>
        tpu.vector_store %arg10[%swap3A_1137, %swap3A_1138, %swap3A_1139], %swap3A_1142 {strides = array<i32>} : memref<4x128x32xf32, #tpu.memory_space<vmem>>, vector<1x1x16xf32>,
        %broadcast_in_dim3A_1143 = arith.constant 0.000000e+00 : f32
        %broadcast_in_dim3A_1144 = vector.broadcast %broadcast_in_dim3A_1143 : f32 to vector<16xf32>
        %slice3A_1145 = vector.extract_strided_slice %get3A_576 {offsets = [15], sizes = [1], strides = [1]} : vector<16xf32> to vector<1xf32>
        %squeeze3A_1146 = vector.extract %slice3A_1145[0] : f32 from vector<1xf32>
        %add3A_1147 = vector.broadcast %squeeze3A_1146 : f32 to vector<16xf32>
        %add3A_1148 = arith.addf %broadcast_in_dim3A_1144, %add3A_1147 : vector<16xf32>
        %mul3A_1149 = arith.constant 16 : i32
        %mul3A_1150 = arith.muli %scan3A_569, %mul3A_1149 : i32
        %add3A_1151 = arith.constant 15 : i32
        %add3A_1152 = arith.addi %mul3A_1150, %add3A_1151 : i32
        %get3A_1153 = arith.constant 0 : i32
        %get3A_1154 = arith.index_cast %get3A_1153 : i32 to index
        %get3A_1155 = arith.index_cast %add3A_1152 : i32 to index
        %get3A_1156 = arith.constant 0 : index
        %get3A_1157 = tpu.vector_load %arg10[%get3A_1154, %get3A_1155, %get3A_1156] {strides = array<i32>} : memref<4x128x32xf32, #tpu.memory_space<vmem>>, vector<1x1x16xf32>,
        %get3A_1158 = vector.shape_cast %get3A_1157 : vector<1x1x16xf32> to vector<16xf32>
        %mul3A_1159 = arith.mulf %get3A_1158, %add3A_1148 : vector<16xf32>
        %swap3A_1160 = arith.constant 0 : i32
        %swap3A_1161 = arith.index_cast %swap3A_1160 : i32 to index
        %swap3A_1162 = arith.index_cast %add3A_1152 : i32 to index
        %swap3A_1163 = arith.constant 0 : index
        %swap3A_1164 = tpu.vector_load %arg10[%swap3A_1161, %swap3A_1162, %swap3A_1163] {strides = array<i32>} : memref<4x128x32xf32, #tpu.memory_space<vmem>>, vector<1x1x16xf32>,
        %swap3A_1165 = vector.shape_cast %swap3A_1164 : vector<1x1x16xf32> to vector<16xf32>
        %swap3A_1166 = vector.shape_cast %mul3A_1159 : vector<16xf32> to vector<1x1x16xf32>
        tpu.vector_store %arg10[%swap3A_1161, %swap3A_1162, %swap3A_1163], %swap3A_1166 {strides = array<i32>} : memref<4x128x32xf32, #tpu.memory_space<vmem>>, vector<1x1x16xf32>,
        %get3A_1167 = arith.constant 0 : i32
        %get3A_1168 = arith.index_cast %get3A_1167 : i32 to index
        %get3A_1169 = arith.index_cast %add3A_1152 : i32 to index
        %get3A_1170 = arith.constant 16 : index
        %get3A_1171 = tpu.vector_load %arg10[%get3A_1168, %get3A_1169, %get3A_1170] {strides = array<i32>} : memref<4x128x32xf32, #tpu.memory_space<vmem>>, vector<1x1x16xf32>,
        %get3A_1172 = vector.shape_cast %get3A_1171 : vector<1x1x16xf32> to vector<16xf32>
        %mul3A_1173 = arith.mulf %get3A_1172, %add3A_1148 : vector<16xf32>
        %swap3A_1174 = arith.constant 0 : i32
        %swap3A_1175 = arith.index_cast %swap3A_1174 : i32 to index
        %swap3A_1176 = arith.index_cast %add3A_1152 : i32 to index
        %swap3A_1177 = arith.constant 16 : index
        %swap3A_1178 = tpu.vector_load %arg10[%swap3A_1175, %swap3A_1176, %swap3A_1177] {strides = array<i32>} : memref<4x128x32xf32, #tpu.memory_space<vmem>>, vector<1x1x16xf32>,
        %swap3A_1179 = vector.shape_cast %swap3A_1178 : vector<1x1x16xf32> to vector<16xf32>
        %swap3A_1180 = vector.shape_cast %mul3A_1173 : vector<16xf32> to vector<1x1x16xf32>
        tpu.vector_store %arg10[%swap3A_1175, %swap3A_1176, %swap3A_1177], %swap3A_1180 {strides = array<i32>} : memref<4x128x32xf32, #tpu.memory_space<vmem>>, vector<1x1x16xf32>,
        %scan3A_1181 = arith.constant 0 : i32
        scf.yield %scan3A_1181 : i32
      }
      %scan3A_414 = arith.constant 8 : i32
      %dma_start3A_415 = arith.constant 0 : i32
      %dma_start3A_416 = arith.constant 0 : i32
      %dma_start3A_417 = arith.constant 0 : i32
      %dma_start3A_418 = arith.constant 0 : i32
      %dma_start3A_419 = tpu.memref_slice %arg10[%dma_start3A_415, %dma_start3A_417, %dma_start3A_418] : memref<4x128x32xf32, #tpu.memory_space<vmem>> -> memref<1x128x32xf32, #tpu.memory_space<vmem>>
      %dma_start3A_420 = tpu.memref_squeeze %dma_start3A_419 : memref<1x128x32xf32, #tpu.memory_space<vmem>> -> memref<128x32xf32, #tpu.memory_space<vmem>>
      %dma_start3A_421 = arith.constant 0 : i32
      %dma_start3A_422 = tpu.memref_slice %arg8[%dma_start3A_416, %dma_start3A_421] : memref<4x128xi32, #tpu.memory_space<vmem>> -> memref<1x128xi32, #tpu.memory_space<vmem>>
      %dma_start3A_423 = tpu.memref_squeeze %dma_start3A_422 : memref<1x128xi32, #tpu.memory_space<vmem>> -> memref<128xi32, #tpu.memory_space<vmem>>
      %dma_start3A_424 = arith.constant 0 : i32
      %dma_start3A_425 = arith.constant 0 : i32
      %dma_start3A_426 = tpu.memref_slice %arg12[%dma_start3A_424, %dma_start3A_425] : memref<51200x32xf32, #tpu.memory_space<vmem_shared>> -> memref<51200x32xf32, #tpu.memory_space<vmem_shared>>
      tpu.enqueue_indirect_dma source(%dma_start3A_420 : memref<128x32xf32, #tpu.memory_space<vmem>>) target(%dma_start3A_426 : memref<51200x32xf32, #tpu.memory_space<vmem_shared>>) offsets(%dma_start3A_423 : memref<128xi32, #tpu.memory_space<vmem>>) semaphore(%arg14 : memref<!tpu.dma_semaphore, #tpu.memory_space<semaphore_mem>>) {add = true}
      %dma_wait3A_427 = arith.constant 1 : i32
      %dma_wait3A_428 = arith.constant 1 : i32
      %dma_wait3A_429 = arith.constant 0 : i32
      %dma_wait3A_430 = arith.constant 0 : i32
      %dma_wait3A_431 = tpu.memref_slice %arg10[%dma_wait3A_428, %dma_wait3A_429, %dma_wait3A_430] : memref<4x128x32xf32, #tpu.memory_space<vmem>> -> memref<1x128x32xf32, #tpu.memory_space<vmem>>
      %dma_wait3A_432 = tpu.memref_squeeze %dma_wait3A_431 : memref<1x128x32xf32, #tpu.memory_space<vmem>> -> memref<128x32xf32, #tpu.memory_space<vmem>>
      %dma_wait3A_433 = arith.constant 0 : i32
      %dma_wait3A_434 = tpu.memref_slice %arg7[%dma_wait3A_427, %dma_wait3A_433] : memref<4x128xi32, #tpu.memory_space<vmem>> -> memref<1x128xi32, #tpu.memory_space<vmem>>
      %dma_wait3A_435 = tpu.memref_squeeze %dma_wait3A_434 : memref<1x128xi32, #tpu.memory_space<vmem>> -> memref<128xi32, #tpu.memory_space<vmem>>
      %dma_wait3A_436 = arith.constant 0 : i32
      %dma_wait3A_437 = arith.constant 0 : i32
      %dma_wait3A_438 = tpu.memref_slice %arg5[%dma_wait3A_436, %dma_wait3A_437] : memref<51200x32xf32, #tpu.memory_space<hbm>> -> memref<51200x32xf32, #tpu.memory_space<hbm>>
      tpu.wait_indirect_dma semaphore(%arg13 : memref<!tpu.dma_semaphore, #tpu.memory_space<semaphore_mem>>) src(%dma_wait3A_438 : memref<51200x32xf32, #tpu.memory_space<hbm>>) dst(%dma_wait3A_432 : memref<128x32xf32, #tpu.memory_space<vmem>>)
      %scan3A_439 = arith.constant 0 : i32
      %scan3A_440 = arith.constant 0 : i32
      %scan3A_441 = arith.constant 8 : i32
      %scan3A_442 = arith.addi %scan3A_440, %scan3A_441 : i32
      %scan3A_443 = arith.constant 1 : i32
      %scan3A_444 = scf.for %scan3A_569 = %scan3A_440 to %scan3A_442 step %scan3A_443 iter_args(%scan3A_570 = %scan3A_439) -> (i32)  : i32 {
        %mul3A_571 = arith.constant 16 : i32
        %mul3A_572 = arith.muli %scan3A_569, %mul3A_571 : i32
        %get3A = arith.constant 1 : i32
        %get3A_573 = arith.index_cast %get3A : i32 to index
        %get3A_574 = arith.index_cast %mul3A_572 : i32 to index
        %get3A_575 = tpu.vector_load %arg9[%get3A_573, %get3A_574] {strides = array<i32>} : memref<4x128xf32, #tpu.memory_space<vmem>>, vector<1x16xf32>,
        %get3A_576 = vector.shape_cast %get3A_575 : vector<1x16xf32> to vector<16xf32>
        %broadcast_in_dim3A = arith.constant 0.000000e+00 : f32
        %broadcast_in_dim3A_577 = vector.broadcast %broadcast_in_dim3A : f32 to vector<16xf32>
        %slice3A = vector.extract_strided_slice %get3A_576 {offsets = [0], sizes = [1], strides = [1]} : vector<16xf32> to vector<1xf32>
        %squeeze3A = vector.extract %slice3A[0] : f32 from vector<1xf32>
        %add3A_578 = vector.broadcast %squeeze3A : f32 to vector<16xf32>
        %add3A_579 = arith.addf %broadcast_in_dim3A_577, %add3A_578 : vector<16xf32>
        %mul3A_580 = arith.constant 16 : i32
        %mul3A_581 = arith.muli %scan3A_569, %mul3A_580 : i32
        %add3A_582 = arith.constant 0 : i32
        %add3A_583 = arith.addi %mul3A_581, %add3A_582 : i32
        %get3A_584 = arith.constant 1 : i32
        %get3A_585 = arith.index_cast %get3A_584 : i32 to index
        %get3A_586 = arith.index_cast %add3A_583 : i32 to index
        %get3A_587 = arith.constant 0 : index
        %get3A_588 = tpu.vector_load %arg10[%get3A_585, %get3A_586, %get3A_587] {strides = array<i32>} : memref<4x128x32xf32, #tpu.memory_space<vmem>>, vector<1x1x16xf32>,
        %get3A_589 = vector.shape_cast %get3A_588 : vector<1x1x16xf32> to vector<16xf32>
        %mul3A_590 = arith.mulf %get3A_589, %add3A_579 : vector<16xf32>
        %swap3A = arith.constant 1 : i32
        %swap3A_591 = arith.index_cast %swap3A : i32 to index
        %swap3A_592 = arith.index_cast %add3A_583 : i32 to index
        %swap3A_593 = arith.constant 0 : index
        %swap3A_594 = tpu.vector_load %arg10[%swap3A_591, %swap3A_592, %swap3A_593] {strides = array<i32>} : memref<4x128x32xf32, #tpu.memory_space<vmem>>, vector<1x1x16xf32>,
        %swap3A_595 = vector.shape_cast %swap3A_594 : vector<1x1x16xf32> to vector<16xf32>
        %swap3A_596 = vector.shape_cast %mul3A_590 : vector<16xf32> to vector<1x1x16xf32>
        tpu.vector_store %arg10[%swap3A_591, %swap3A_592, %swap3A_593], %swap3A_596 {strides = array<i32>} : memref<4x128x32xf32, #tpu.memory_space<vmem>>, vector<1x1x16xf32>,
        %get3A_597 = arith.constant 1 : i32
        %get3A_598 = arith.index_cast %get3A_597 : i32 to index
        %get3A_599 = arith.index_cast %add3A_583 : i32 to index
        %get3A_600 = arith.constant 16 : index
        %get3A_601 = tpu.vector_load %arg10[%get3A_598, %get3A_599, %get3A_600] {strides = array<i32>} : memref<4x128x32xf32, #tpu.memory_space<vmem>>, vector<1x1x16xf32>,
        %get3A_602 = vector.shape_cast %get3A_601 : vector<1x1x16xf32> to vector<16xf32>
        %mul3A_603 = arith.mulf %get3A_602, %add3A_579 : vector<16xf32>
        %swap3A_604 = arith.constant 1 : i32
        %swap3A_605 = arith.index_cast %swap3A_604 : i32 to index
        %swap3A_606 = arith.index_cast %add3A_583 : i32 to index
        %swap3A_607 = arith.constant 16 : index
        %swap3A_608 = tpu.vector_load %arg10[%swap3A_605, %swap3A_606, %swap3A_607] {strides = array<i32>} : memref<4x128x32xf32, #tpu.memory_space<vmem>>, vector<1x1x16xf32>,
        %swap3A_609 = vector.shape_cast %swap3A_608 : vector<1x1x16xf32> to vector<16xf32>
        %swap3A_610 = vector.shape_cast %mul3A_603 : vector<16xf32> to vector<1x1x16xf32>
        tpu.vector_store %arg10[%swap3A_605, %swap3A_606, %swap3A_607], %swap3A_610 {strides = array<i32>} : memref<4x128x32xf32, #tpu.memory_space<vmem>>, vector<1x1x16xf32>,
        %broadcast_in_dim3A_611 = arith.constant 0.000000e+00 : f32
        %broadcast_in_dim3A_612 = vector.broadcast %broadcast_in_dim3A_611 : f32 to vector<16xf32>
        %slice3A_613 = vector.extract_strided_slice %get3A_576 {offsets = [1], sizes = [1], strides = [1]} : vector<16xf32> to vector<1xf32>
        %squeeze3A_614 = vector.extract %slice3A_613[0] : f32 from vector<1xf32>
        %add3A_615 = vector.broadcast %squeeze3A_614 : f32 to vector<16xf32>
        %add3A_616 = arith.addf %broadcast_in_dim3A_612, %add3A_615 : vector<16xf32>
        %mul3A_617 = arith.constant 16 : i32
        %mul3A_618 = arith.muli %scan3A_569, %mul3A_617 : i32
        %add3A_619 = arith.constant 1 : i32
        %add3A_620 = arith.addi %mul3A_618, %add3A_619 : i32
        %get3A_621 = arith.constant 1 : i32
        %get3A_622 = arith.index_cast %get3A_621 : i32 to index
        %get3A_623 = arith.index_cast %add3A_620 : i32 to index
        %get3A_624 = arith.constant 0 : index
        %get3A_625 = tpu.vector_load %arg10[%get3A_622, %get3A_623, %get3A_624] {strides = array<i32>} : memref<4x128x32xf32, #tpu.memory_space<vmem>>, vector<1x1x16xf32>,
        %get3A_626 = vector.shape_cast %get3A_625 : vector<1x1x16xf32> to vector<16xf32>
        %mul3A_627 = arith.mulf %get3A_626, %add3A_616 : vector<16xf32>
        %swap3A_628 = arith.constant 1 : i32
        %swap3A_629 = arith.index_cast %swap3A_628 : i32 to index
        %swap3A_630 = arith.index_cast %add3A_620 : i32 to index
        %swap3A_631 = arith.constant 0 : index
        %swap3A_632 = tpu.vector_load %arg10[%swap3A_629, %swap3A_630, %swap3A_631] {strides = array<i32>} : memref<4x128x32xf32, #tpu.memory_space<vmem>>, vector<1x1x16xf32>,
        %swap3A_633 = vector.shape_cast %swap3A_632 : vector<1x1x16xf32> to vector<16xf32>
        %swap3A_634 = vector.shape_cast %mul3A_627 : vector<16xf32> to vector<1x1x16xf32>
        tpu.vector_store %arg10[%swap3A_629, %swap3A_630, %swap3A_631], %swap3A_634 {strides = array<i32>} : memref<4x128x32xf32, #tpu.memory_space<vmem>>, vector<1x1x16xf32>,
        %get3A_635 = arith.constant 1 : i32
        %get3A_636 = arith.index_cast %get3A_635 : i32 to index
        %get3A_637 = arith.index_cast %add3A_620 : i32 to index
        %get3A_638 = arith.constant 16 : index
        %get3A_639 = tpu.vector_load %arg10[%get3A_636, %get3A_637, %get3A_638] {strides = array<i32>} : memref<4x128x32xf32, #tpu.memory_space<vmem>>, vector<1x1x16xf32>,
        %get3A_640 = vector.shape_cast %get3A_639 : vector<1x1x16xf32> to vector<16xf32>
        %mul3A_641 = arith.mulf %get3A_640, %add3A_616 : vector<16xf32>
        %swap3A_642 = arith.constant 1 : i32
        %swap3A_643 = arith.index_cast %swap3A_642 : i32 to index
        %swap3A_644 = arith.index_cast %add3A_620 : i32 to index
        %swap3A_645 = arith.constant 16 : index
        %swap3A_646 = tpu.vector_load %arg10[%swap3A_643, %swap3A_644, %swap3A_645] {strides = array<i32>} : memref<4x128x32xf32, #tpu.memory_space<vmem>>, vector<1x1x16xf32>,
        %swap3A_647 = vector.shape_cast %swap3A_646 : vector<1x1x16xf32> to vector<16xf32>
        %swap3A_648 = vector.shape_cast %mul3A_641 : vector<16xf32> to vector<1x1x16xf32>
        tpu.vector_store %arg10[%swap3A_643, %swap3A_644, %swap3A_645], %swap3A_648 {strides = array<i32>} : memref<4x128x32xf32, #tpu.memory_space<vmem>>, vector<1x1x16xf32>,
        %broadcast_in_dim3A_649 = arith.constant 0.000000e+00 : f32
        %broadcast_in_dim3A_650 = vector.broadcast %broadcast_in_dim3A_649 : f32 to vector<16xf32>
        %slice3A_651 = vector.extract_strided_slice %get3A_576 {offsets = [2], sizes = [1], strides = [1]} : vector<16xf32> to vector<1xf32>
        %squeeze3A_652 = vector.extract %slice3A_651[0] : f32 from vector<1xf32>
        %add3A_653 = vector.broadcast %squeeze3A_652 : f32 to vector<16xf32>
        %add3A_654 = arith.addf %broadcast_in_dim3A_650, %add3A_653 : vector<16xf32>
        %mul3A_655 = arith.constant 16 : i32
        %mul3A_656 = arith.muli %scan3A_569, %mul3A_655 : i32
        %add3A_657 = arith.constant 2 : i32
        %add3A_658 = arith.addi %mul3A_656, %add3A_657 : i32
        %get3A_659 = arith.constant 1 : i32
        %get3A_660 = arith.index_cast %get3A_659 : i32 to index
        %get3A_661 = arith.index_cast %add3A_658 : i32 to index
        %get3A_662 = arith.constant 0 : index
        %get3A_663 = tpu.vector_load %arg10[%get3A_660, %get3A_661, %get3A_662] {strides = array<i32>} : memref<4x128x32xf32, #tpu.memory_space<vmem>>, vector<1x1x16xf32>,
        %get3A_664 = vector.shape_cast %get3A_663 : vector<1x1x16xf32> to vector<16xf32>
        %mul3A_665 = arith.mulf %get3A_664, %add3A_654 : vector<16xf32>
        %swap3A_666 = arith.constant 1 : i32
        %swap3A_667 = arith.index_cast %swap3A_666 : i32 to index
        %swap3A_668 = arith.index_cast %add3A_658 : i32 to index
        %swap3A_669 = arith.constant 0 : index
        %swap3A_670 = tpu.vector_load %arg10[%swap3A_667, %swap3A_668, %swap3A_669] {strides = array<i32>} : memref<4x128x32xf32, #tpu.memory_space<vmem>>, vector<1x1x16xf32>,
        %swap3A_671 = vector.shape_cast %swap3A_670 : vector<1x1x16xf32> to vector<16xf32>
        %swap3A_672 = vector.shape_cast %mul3A_665 : vector<16xf32> to vector<1x1x16xf32>
        tpu.vector_store %arg10[%swap3A_667, %swap3A_668, %swap3A_669], %swap3A_672 {strides = array<i32>} : memref<4x128x32xf32, #tpu.memory_space<vmem>>, vector<1x1x16xf32>,
        %get3A_673 = arith.constant 1 : i32
        %get3A_674 = arith.index_cast %get3A_673 : i32 to index
        %get3A_675 = arith.index_cast %add3A_658 : i32 to index
        %get3A_676 = arith.constant 16 : index
        %get3A_677 = tpu.vector_load %arg10[%get3A_674, %get3A_675, %get3A_676] {strides = array<i32>} : memref<4x128x32xf32, #tpu.memory_space<vmem>>, vector<1x1x16xf32>,
        %get3A_678 = vector.shape_cast %get3A_677 : vector<1x1x16xf32> to vector<16xf32>
        %mul3A_679 = arith.mulf %get3A_678, %add3A_654 : vector<16xf32>
        %swap3A_680 = arith.constant 1 : i32
        %swap3A_681 = arith.index_cast %swap3A_680 : i32 to index
        %swap3A_682 = arith.index_cast %add3A_658 : i32 to index
        %swap3A_683 = arith.constant 16 : index
        %swap3A_684 = tpu.vector_load %arg10[%swap3A_681, %swap3A_682, %swap3A_683] {strides = array<i32>} : memref<4x128x32xf32, #tpu.memory_space<vmem>>, vector<1x1x16xf32>,
        %swap3A_685 = vector.shape_cast %swap3A_684 : vector<1x1x16xf32> to vector<16xf32>
        %swap3A_686 = vector.shape_cast %mul3A_679 : vector<16xf32> to vector<1x1x16xf32>
        tpu.vector_store %arg10[%swap3A_681, %swap3A_682, %swap3A_683], %swap3A_686 {strides = array<i32>} : memref<4x128x32xf32, #tpu.memory_space<vmem>>, vector<1x1x16xf32>,
        %broadcast_in_dim3A_687 = arith.constant 0.000000e+00 : f32
        %broadcast_in_dim3A_688 = vector.broadcast %broadcast_in_dim3A_687 : f32 to vector<16xf32>
        %slice3A_689 = vector.extract_strided_slice %get3A_576 {offsets = [3], sizes = [1], strides = [1]} : vector<16xf32> to vector<1xf32>
        %squeeze3A_690 = vector.extract %slice3A_689[0] : f32 from vector<1xf32>
        %add3A_691 = vector.broadcast %squeeze3A_690 : f32 to vector<16xf32>
        %add3A_692 = arith.addf %broadcast_in_dim3A_688, %add3A_691 : vector<16xf32>
        %mul3A_693 = arith.constant 16 : i32
        %mul3A_694 = arith.muli %scan3A_569, %mul3A_693 : i32
        %add3A_695 = arith.constant 3 : i32
        %add3A_696 = arith.addi %mul3A_694, %add3A_695 : i32
        %get3A_697 = arith.constant 1 : i32
        %get3A_698 = arith.index_cast %get3A_697 : i32 to index
        %get3A_699 = arith.index_cast %add3A_696 : i32 to index
        %get3A_700 = arith.constant 0 : index
        %get3A_701 = tpu.vector_load %arg10[%get3A_698, %get3A_699, %get3A_700] {strides = array<i32>} : memref<4x128x32xf32, #tpu.memory_space<vmem>>, vector<1x1x16xf32>,
        %get3A_702 = vector.shape_cast %get3A_701 : vector<1x1x16xf32> to vector<16xf32>
        %mul3A_703 = arith.mulf %get3A_702, %add3A_692 : vector<16xf32>
        %swap3A_704 = arith.constant 1 : i32
        %swap3A_705 = arith.index_cast %swap3A_704 : i32 to index
        %swap3A_706 = arith.index_cast %add3A_696 : i32 to index
        %swap3A_707 = arith.constant 0 : index
        %swap3A_708 = tpu.vector_load %arg10[%swap3A_705, %swap3A_706, %swap3A_707] {strides = array<i32>} : memref<4x128x32xf32, #tpu.memory_space<vmem>>, vector<1x1x16xf32>,
        %swap3A_709 = vector.shape_cast %swap3A_708 : vector<1x1x16xf32> to vector<16xf32>
        %swap3A_710 = vector.shape_cast %mul3A_703 : vector<16xf32> to vector<1x1x16xf32>
        tpu.vector_store %arg10[%swap3A_705, %swap3A_706, %swap3A_707], %swap3A_710 {strides = array<i32>} : memref<4x128x32xf32, #tpu.memory_space<vmem>>, vector<1x1x16xf32>,
        %get3A_711 = arith.constant 1 : i32
        %get3A_712 = arith.index_cast %get3A_711 : i32 to index
        %get3A_713 = arith.index_cast %add3A_696 : i32 to index
        %get3A_714 = arith.constant 16 : index
        %get3A_715 = tpu.vector_load %arg10[%get3A_712, %get3A_713, %get3A_714] {strides = array<i32>} : memref<4x128x32xf32, #tpu.memory_space<vmem>>, vector<1x1x16xf32>,
        %get3A_716 = vector.shape_cast %get3A_715 : vector<1x1x16xf32> to vector<16xf32>
        %mul3A_717 = arith.mulf %get3A_716, %add3A_692 : vector<16xf32>
        %swap3A_718 = arith.constant 1 : i32
        %swap3A_719 = arith.index_cast %swap3A_718 : i32 to index
        %swap3A_720 = arith.index_cast %add3A_696 : i32 to index
        %swap3A_721 = arith.constant 16 : index
        %swap3A_722 = tpu.vector_load %arg10[%swap3A_719, %swap3A_720, %swap3A_721] {strides = array<i32>} : memref<4x128x32xf32, #tpu.memory_space<vmem>>, vector<1x1x16xf32>,
        %swap3A_723 = vector.shape_cast %swap3A_722 : vector<1x1x16xf32> to vector<16xf32>
        %swap3A_724 = vector.shape_cast %mul3A_717 : vector<16xf32> to vector<1x1x16xf32>
        tpu.vector_store %arg10[%swap3A_719, %swap3A_720, %swap3A_721], %swap3A_724 {strides = array<i32>} : memref<4x128x32xf32, #tpu.memory_space<vmem>>, vector<1x1x16xf32>,
        %broadcast_in_dim3A_725 = arith.constant 0.000000e+00 : f32
        %broadcast_in_dim3A_726 = vector.broadcast %broadcast_in_dim3A_725 : f32 to vector<16xf32>
        %slice3A_727 = vector.extract_strided_slice %get3A_576 {offsets = [4], sizes = [1], strides = [1]} : vector<16xf32> to vector<1xf32>
        %squeeze3A_728 = vector.extract %slice3A_727[0] : f32 from vector<1xf32>
        %add3A_729 = vector.broadcast %squeeze3A_728 : f32 to vector<16xf32>
        %add3A_730 = arith.addf %broadcast_in_dim3A_726, %add3A_729 : vector<16xf32>
        %mul3A_731 = arith.constant 16 : i32
        %mul3A_732 = arith.muli %scan3A_569, %mul3A_731 : i32
        %add3A_733 = arith.constant 4 : i32
        %add3A_734 = arith.addi %mul3A_732, %add3A_733 : i32
        %get3A_735 = arith.constant 1 : i32
        %get3A_736 = arith.index_cast %get3A_735 : i32 to index
        %get3A_737 = arith.index_cast %add3A_734 : i32 to index
        %get3A_738 = arith.constant 0 : index
        %get3A_739 = tpu.vector_load %arg10[%get3A_736, %get3A_737, %get3A_738] {strides = array<i32>} : memref<4x128x32xf32, #tpu.memory_space<vmem>>, vector<1x1x16xf32>,
        %get3A_740 = vector.shape_cast %get3A_739 : vector<1x1x16xf32> to vector<16xf32>
        %mul3A_741 = arith.mulf %get3A_740, %add3A_730 : vector<16xf32>
        %swap3A_742 = arith.constant 1 : i32
        %swap3A_743 = arith.index_cast %swap3A_742 : i32 to index
        %swap3A_744 = arith.index_cast %add3A_734 : i32 to index
        %swap3A_745 = arith.constant 0 : index
        %swap3A_746 = tpu.vector_load %arg10[%swap3A_743, %swap3A_744, %swap3A_745] {strides = array<i32>} : memref<4x128x32xf32, #tpu.memory_space<vmem>>, vector<1x1x16xf32>,
        %swap3A_747 = vector.shape_cast %swap3A_746 : vector<1x1x16xf32> to vector<16xf32>
        %swap3A_748 = vector.shape_cast %mul3A_741 : vector<16xf32> to vector<1x1x16xf32>
        tpu.vector_store %arg10[%swap3A_743, %swap3A_744, %swap3A_745], %swap3A_748 {strides = array<i32>} : memref<4x128x32xf32, #tpu.memory_space<vmem>>, vector<1x1x16xf32>,
        %get3A_749 = arith.constant 1 : i32
        %get3A_750 = arith.index_cast %get3A_749 : i32 to index
        %get3A_751 = arith.index_cast %add3A_734 : i32 to index
        %get3A_752 = arith.constant 16 : index
        %get3A_753 = tpu.vector_load %arg10[%get3A_750, %get3A_751, %get3A_752] {strides = array<i32>} : memref<4x128x32xf32, #tpu.memory_space<vmem>>, vector<1x1x16xf32>,
        %get3A_754 = vector.shape_cast %get3A_753 : vector<1x1x16xf32> to vector<16xf32>
        %mul3A_755 = arith.mulf %get3A_754, %add3A_730 : vector<16xf32>
        %swap3A_756 = arith.constant 1 : i32
        %swap3A_757 = arith.index_cast %swap3A_756 : i32 to index
        %swap3A_758 = arith.index_cast %add3A_734 : i32 to index
        %swap3A_759 = arith.constant 16 : index
        %swap3A_760 = tpu.vector_load %arg10[%swap3A_757, %swap3A_758, %swap3A_759] {strides = array<i32>} : memref<4x128x32xf32, #tpu.memory_space<vmem>>, vector<1x1x16xf32>,
        %swap3A_761 = vector.shape_cast %swap3A_760 : vector<1x1x16xf32> to vector<16xf32>
        %swap3A_762 = vector.shape_cast %mul3A_755 : vector<16xf32> to vector<1x1x16xf32>
        tpu.vector_store %arg10[%swap3A_757, %swap3A_758, %swap3A_759], %swap3A_762 {strides = array<i32>} : memref<4x128x32xf32, #tpu.memory_space<vmem>>, vector<1x1x16xf32>,
        %broadcast_in_dim3A_763 = arith.constant 0.000000e+00 : f32
        %broadcast_in_dim3A_764 = vector.broadcast %broadcast_in_dim3A_763 : f32 to vector<16xf32>
        %slice3A_765 = vector.extract_strided_slice %get3A_576 {offsets = [5], sizes = [1], strides = [1]} : vector<16xf32> to vector<1xf32>
        %squeeze3A_766 = vector.extract %slice3A_765[0] : f32 from vector<1xf32>
        %add3A_767 = vector.broadcast %squeeze3A_766 : f32 to vector<16xf32>
        %add3A_768 = arith.addf %broadcast_in_dim3A_764, %add3A_767 : vector<16xf32>
        %mul3A_769 = arith.constant 16 : i32
        %mul3A_770 = arith.muli %scan3A_569, %mul3A_769 : i32
        %add3A_771 = arith.constant 5 : i32
        %add3A_772 = arith.addi %mul3A_770, %add3A_771 : i32
        %get3A_773 = arith.constant 1 : i32
        %get3A_774 = arith.index_cast %get3A_773 : i32 to index
        %get3A_775 = arith.index_cast %add3A_772 : i32 to index
        %get3A_776 = arith.constant 0 : index
        %get3A_777 = tpu.vector_load %arg10[%get3A_774, %get3A_775, %get3A_776] {strides = array<i32>} : memref<4x128x32xf32, #tpu.memory_space<vmem>>, vector<1x1x16xf32>,
        %get3A_778 = vector.shape_cast %get3A_777 : vector<1x1x16xf32> to vector<16xf32>
        %mul3A_779 = arith.mulf %get3A_778, %add3A_768 : vector<16xf32>
        %swap3A_780 = arith.constant 1 : i32
        %swap3A_781 = arith.index_cast %swap3A_780 : i32 to index
        %swap3A_782 = arith.index_cast %add3A_772 : i32 to index
        %swap3A_783 = arith.constant 0 : index
        %swap3A_784 = tpu.vector_load %arg10[%swap3A_781, %swap3A_782, %swap3A_783] {strides = array<i32>} : memref<4x128x32xf32, #tpu.memory_space<vmem>>, vector<1x1x16xf32>,
        %swap3A_785 = vector.shape_cast %swap3A_784 : vector<1x1x16xf32> to vector<16xf32>
        %swap3A_786 = vector.shape_cast %mul3A_779 : vector<16xf32> to vector<1x1x16xf32>
        tpu.vector_store %arg10[%swap3A_781, %swap3A_782, %swap3A_783], %swap3A_786 {strides = array<i32>} : memref<4x128x32xf32, #tpu.memory_space<vmem>>, vector<1x1x16xf32>,
        %get3A_787 = arith.constant 1 : i32
        %get3A_788 = arith.index_cast %get3A_787 : i32 to index
        %get3A_789 = arith.index_cast %add3A_772 : i32 to index
        %get3A_790 = arith.constant 16 : index
        %get3A_791 = tpu.vector_load %arg10[%get3A_788, %get3A_789, %get3A_790] {strides = array<i32>} : memref<4x128x32xf32, #tpu.memory_space<vmem>>, vector<1x1x16xf32>,
        %get3A_792 = vector.shape_cast %get3A_791 : vector<1x1x16xf32> to vector<16xf32>
        %mul3A_793 = arith.mulf %get3A_792, %add3A_768 : vector<16xf32>
        %swap3A_794 = arith.constant 1 : i32
        %swap3A_795 = arith.index_cast %swap3A_794 : i32 to index
        %swap3A_796 = arith.index_cast %add3A_772 : i32 to index
        %swap3A_797 = arith.constant 16 : index
        %swap3A_798 = tpu.vector_load %arg10[%swap3A_795, %swap3A_796, %swap3A_797] {strides = array<i32>} : memref<4x128x32xf32, #tpu.memory_space<vmem>>, vector<1x1x16xf32>,
        %swap3A_799 = vector.shape_cast %swap3A_798 : vector<1x1x16xf32> to vector<16xf32>
        %swap3A_800 = vector.shape_cast %mul3A_793 : vector<16xf32> to vector<1x1x16xf32>
        tpu.vector_store %arg10[%swap3A_795, %swap3A_796, %swap3A_797], %swap3A_800 {strides = array<i32>} : memref<4x128x32xf32, #tpu.memory_space<vmem>>, vector<1x1x16xf32>,
        %broadcast_in_dim3A_801 = arith.constant 0.000000e+00 : f32
        %broadcast_in_dim3A_802 = vector.broadcast %broadcast_in_dim3A_801 : f32 to vector<16xf32>
        %slice3A_803 = vector.extract_strided_slice %get3A_576 {offsets = [6], sizes = [1], strides = [1]} : vector<16xf32> to vector<1xf32>
        %squeeze3A_804 = vector.extract %slice3A_803[0] : f32 from vector<1xf32>
        %add3A_805 = vector.broadcast %squeeze3A_804 : f32 to vector<16xf32>
        %add3A_806 = arith.addf %broadcast_in_dim3A_802, %add3A_805 : vector<16xf32>
        %mul3A_807 = arith.constant 16 : i32
        %mul3A_808 = arith.muli %scan3A_569, %mul3A_807 : i32
        %add3A_809 = arith.constant 6 : i32
        %add3A_810 = arith.addi %mul3A_808, %add3A_809 : i32
        %get3A_811 = arith.constant 1 : i32
        %get3A_812 = arith.index_cast %get3A_811 : i32 to index
        %get3A_813 = arith.index_cast %add3A_810 : i32 to index
        %get3A_814 = arith.constant 0 : index
        %get3A_815 = tpu.vector_load %arg10[%get3A_812, %get3A_813, %get3A_814] {strides = array<i32>} : memref<4x128x32xf32, #tpu.memory_space<vmem>>, vector<1x1x16xf32>,
        %get3A_816 = vector.shape_cast %get3A_815 : vector<1x1x16xf32> to vector<16xf32>
        %mul3A_817 = arith.mulf %get3A_816, %add3A_806 : vector<16xf32>
        %swap3A_818 = arith.constant 1 : i32
        %swap3A_819 = arith.index_cast %swap3A_818 : i32 to index
        %swap3A_820 = arith.index_cast %add3A_810 : i32 to index
        %swap3A_821 = arith.constant 0 : index
        %swap3A_822 = tpu.vector_load %arg10[%swap3A_819, %swap3A_820, %swap3A_821] {strides = array<i32>} : memref<4x128x32xf32, #tpu.memory_space<vmem>>, vector<1x1x16xf32>,
        %swap3A_823 = vector.shape_cast %swap3A_822 : vector<1x1x16xf32> to vector<16xf32>
        %swap3A_824 = vector.shape_cast %mul3A_817 : vector<16xf32> to vector<1x1x16xf32>
        tpu.vector_store %arg10[%swap3A_819, %swap3A_820, %swap3A_821], %swap3A_824 {strides = array<i32>} : memref<4x128x32xf32, #tpu.memory_space<vmem>>, vector<1x1x16xf32>,
        %get3A_825 = arith.constant 1 : i32
        %get3A_826 = arith.index_cast %get3A_825 : i32 to index
        %get3A_827 = arith.index_cast %add3A_810 : i32 to index
        %get3A_828 = arith.constant 16 : index
        %get3A_829 = tpu.vector_load %arg10[%get3A_826, %get3A_827, %get3A_828] {strides = array<i32>} : memref<4x128x32xf32, #tpu.memory_space<vmem>>, vector<1x1x16xf32>,
        %get3A_830 = vector.shape_cast %get3A_829 : vector<1x1x16xf32> to vector<16xf32>
        %mul3A_831 = arith.mulf %get3A_830, %add3A_806 : vector<16xf32>
        %swap3A_832 = arith.constant 1 : i32
        %swap3A_833 = arith.index_cast %swap3A_832 : i32 to index
        %swap3A_834 = arith.index_cast %add3A_810 : i32 to index
        %swap3A_835 = arith.constant 16 : index
        %swap3A_836 = tpu.vector_load %arg10[%swap3A_833, %swap3A_834, %swap3A_835] {strides = array<i32>} : memref<4x128x32xf32, #tpu.memory_space<vmem>>, vector<1x1x16xf32>,
        %swap3A_837 = vector.shape_cast %swap3A_836 : vector<1x1x16xf32> to vector<16xf32>
        %swap3A_838 = vector.shape_cast %mul3A_831 : vector<16xf32> to vector<1x1x16xf32>
        tpu.vector_store %arg10[%swap3A_833, %swap3A_834, %swap3A_835], %swap3A_838 {strides = array<i32>} : memref<4x128x32xf32, #tpu.memory_space<vmem>>, vector<1x1x16xf32>,
        %broadcast_in_dim3A_839 = arith.constant 0.000000e+00 : f32
        %broadcast_in_dim3A_840 = vector.broadcast %broadcast_in_dim3A_839 : f32 to vector<16xf32>
        %slice3A_841 = vector.extract_strided_slice %get3A_576 {offsets = [7], sizes = [1], strides = [1]} : vector<16xf32> to vector<1xf32>
        %squeeze3A_842 = vector.extract %slice3A_841[0] : f32 from vector<1xf32>
        %add3A_843 = vector.broadcast %squeeze3A_842 : f32 to vector<16xf32>
        %add3A_844 = arith.addf %broadcast_in_dim3A_840, %add3A_843 : vector<16xf32>
        %mul3A_845 = arith.constant 16 : i32
        %mul3A_846 = arith.muli %scan3A_569, %mul3A_845 : i32
        %add3A_847 = arith.constant 7 : i32
        %add3A_848 = arith.addi %mul3A_846, %add3A_847 : i32
        %get3A_849 = arith.constant 1 : i32
        %get3A_850 = arith.index_cast %get3A_849 : i32 to index
        %get3A_851 = arith.index_cast %add3A_848 : i32 to index
        %get3A_852 = arith.constant 0 : index
        %get3A_853 = tpu.vector_load %arg10[%get3A_850, %get3A_851, %get3A_852] {strides = array<i32>} : memref<4x128x32xf32, #tpu.memory_space<vmem>>, vector<1x1x16xf32>,
        %get3A_854 = vector.shape_cast %get3A_853 : vector<1x1x16xf32> to vector<16xf32>
        %mul3A_855 = arith.mulf %get3A_854, %add3A_844 : vector<16xf32>
        %swap3A_856 = arith.constant 1 : i32
        %swap3A_857 = arith.index_cast %swap3A_856 : i32 to index
        %swap3A_858 = arith.index_cast %add3A_848 : i32 to index
        %swap3A_859 = arith.constant 0 : index
        %swap3A_860 = tpu.vector_load %arg10[%swap3A_857, %swap3A_858, %swap3A_859] {strides = array<i32>} : memref<4x128x32xf32, #tpu.memory_space<vmem>>, vector<1x1x16xf32>,
        %swap3A_861 = vector.shape_cast %swap3A_860 : vector<1x1x16xf32> to vector<16xf32>
        %swap3A_862 = vector.shape_cast %mul3A_855 : vector<16xf32> to vector<1x1x16xf32>
        tpu.vector_store %arg10[%swap3A_857, %swap3A_858, %swap3A_859], %swap3A_862 {strides = array<i32>} : memref<4x128x32xf32, #tpu.memory_space<vmem>>, vector<1x1x16xf32>,
        %get3A_863 = arith.constant 1 : i32
        %get3A_864 = arith.index_cast %get3A_863 : i32 to index
        %get3A_865 = arith.index_cast %add3A_848 : i32 to index
        %get3A_866 = arith.constant 16 : index
        %get3A_867 = tpu.vector_load %arg10[%get3A_864, %get3A_865, %get3A_866] {strides = array<i32>} : memref<4x128x32xf32, #tpu.memory_space<vmem>>, vector<1x1x16xf32>,
        %get3A_868 = vector.shape_cast %get3A_867 : vector<1x1x16xf32> to vector<16xf32>
        %mul3A_869 = arith.mulf %get3A_868, %add3A_844 : vector<16xf32>
        %swap3A_870 = arith.constant 1 : i32
        %swap3A_871 = arith.index_cast %swap3A_870 : i32 to index
        %swap3A_872 = arith.index_cast %add3A_848 : i32 to index
        %swap3A_873 = arith.constant 16 : index
        %swap3A_874 = tpu.vector_load %arg10[%swap3A_871, %swap3A_872, %swap3A_873] {strides = array<i32>} : memref<4x128x32xf32, #tpu.memory_space<vmem>>, vector<1x1x16xf32>,
        %swap3A_875 = vector.shape_cast %swap3A_874 : vector<1x1x16xf32> to vector<16xf32>
        %swap3A_876 = vector.shape_cast %mul3A_869 : vector<16xf32> to vector<1x1x16xf32>
        tpu.vector_store %arg10[%swap3A_871, %swap3A_872, %swap3A_873], %swap3A_876 {strides = array<i32>} : memref<4x128x32xf32, #tpu.memory_space<vmem>>, vector<1x1x16xf32>,
        %broadcast_in_dim3A_877 = arith.constant 0.000000e+00 : f32
        %broadcast_in_dim3A_878 = vector.broadcast %broadcast_in_dim3A_877 : f32 to vector<16xf32>
        %slice3A_879 = vector.extract_strided_slice %get3A_576 {offsets = [8], sizes = [1], strides = [1]} : vector<16xf32> to vector<1xf32>
        %squeeze3A_880 = vector.extract %slice3A_879[0] : f32 from vector<1xf32>
        %add3A_881 = vector.broadcast %squeeze3A_880 : f32 to vector<16xf32>
        %add3A_882 = arith.addf %broadcast_in_dim3A_878, %add3A_881 : vector<16xf32>
        %mul3A_883 = arith.constant 16 : i32
        %mul3A_884 = arith.muli %scan3A_569, %mul3A_883 : i32
        %add3A_885 = arith.constant 8 : i32
        %add3A_886 = arith.addi %mul3A_884, %add3A_885 : i32
        %get3A_887 = arith.constant 1 : i32
        %get3A_888 = arith.index_cast %get3A_887 : i32 to index
        %get3A_889 = arith.index_cast %add3A_886 : i32 to index
        %get3A_890 = arith.constant 0 : index
        %get3A_891 = tpu.vector_load %arg10[%get3A_888, %get3A_889, %get3A_890] {strides = array<i32>} : memref<4x128x32xf32, #tpu.memory_space<vmem>>, vector<1x1x16xf32>,
        %get3A_892 = vector.shape_cast %get3A_891 : vector<1x1x16xf32> to vector<16xf32>
        %mul3A_893 = arith.mulf %get3A_892, %add3A_882 : vector<16xf32>
        %swap3A_894 = arith.constant 1 : i32
        %swap3A_895 = arith.index_cast %swap3A_894 : i32 to index
        %swap3A_896 = arith.index_cast %add3A_886 : i32 to index
        %swap3A_897 = arith.constant 0 : index
        %swap3A_898 = tpu.vector_load %arg10[%swap3A_895, %swap3A_896, %swap3A_897] {strides = array<i32>} : memref<4x128x32xf32, #tpu.memory_space<vmem>>, vector<1x1x16xf32>,
        %swap3A_899 = vector.shape_cast %swap3A_898 : vector<1x1x16xf32> to vector<16xf32>
        %swap3A_900 = vector.shape_cast %mul3A_893 : vector<16xf32> to vector<1x1x16xf32>
        tpu.vector_store %arg10[%swap3A_895, %swap3A_896, %swap3A_897], %swap3A_900 {strides = array<i32>} : memref<4x128x32xf32, #tpu.memory_space<vmem>>, vector<1x1x16xf32>,
        %get3A_901 = arith.constant 1 : i32
        %get3A_902 = arith.index_cast %get3A_901 : i32 to index
        %get3A_903 = arith.index_cast %add3A_886 : i32 to index
        %get3A_904 = arith.constant 16 : index
        %get3A_905 = tpu.vector_load %arg10[%get3A_902, %get3A_903, %get3A_904] {strides = array<i32>} : memref<4x128x32xf32, #tpu.memory_space<vmem>>, vector<1x1x16xf32>,
        %get3A_906 = vector.shape_cast %get3A_905 : vector<1x1x16xf32> to vector<16xf32>
        %mul3A_907 = arith.mulf %get3A_906, %add3A_882 : vector<16xf32>
        %swap3A_908 = arith.constant 1 : i32
        %swap3A_909 = arith.index_cast %swap3A_908 : i32 to index
        %swap3A_910 = arith.index_cast %add3A_886 : i32 to index
        %swap3A_911 = arith.constant 16 : index
        %swap3A_912 = tpu.vector_load %arg10[%swap3A_909, %swap3A_910, %swap3A_911] {strides = array<i32>} : memref<4x128x32xf32, #tpu.memory_space<vmem>>, vector<1x1x16xf32>,
        %swap3A_913 = vector.shape_cast %swap3A_912 : vector<1x1x16xf32> to vector<16xf32>
        %swap3A_914 = vector.shape_cast %mul3A_907 : vector<16xf32> to vector<1x1x16xf32>
        tpu.vector_store %arg10[%swap3A_909, %swap3A_910, %swap3A_911], %swap3A_914 {strides = array<i32>} : memref<4x128x32xf32, #tpu.memory_space<vmem>>, vector<1x1x16xf32>,
        %broadcast_in_dim3A_915 = arith.constant 0.000000e+00 : f32
        %broadcast_in_dim3A_916 = vector.broadcast %broadcast_in_dim3A_915 : f32 to vector<16xf32>
        %slice3A_917 = vector.extract_strided_slice %get3A_576 {offsets = [9], sizes = [1], strides = [1]} : vector<16xf32> to vector<1xf32>
        %squeeze3A_918 = vector.extract %slice3A_917[0] : f32 from vector<1xf32>
        %add3A_919 = vector.broadcast %squeeze3A_918 : f32 to vector<16xf32>
        %add3A_920 = arith.addf %broadcast_in_dim3A_916, %add3A_919 : vector<16xf32>
        %mul3A_921 = arith.constant 16 : i32
        %mul3A_922 = arith.muli %scan3A_569, %mul3A_921 : i32
        %add3A_923 = arith.constant 9 : i32
        %add3A_924 = arith.addi %mul3A_922, %add3A_923 : i32
        %get3A_925 = arith.constant 1 : i32
        %get3A_926 = arith.index_cast %get3A_925 : i32 to index
        %get3A_927 = arith.index_cast %add3A_924 : i32 to index
        %get3A_928 = arith.constant 0 : index
        %get3A_929 = tpu.vector_load %arg10[%get3A_926, %get3A_927, %get3A_928] {strides = array<i32>} : memref<4x128x32xf32, #tpu.memory_space<vmem>>, vector<1x1x16xf32>,
        %get3A_930 = vector.shape_cast %get3A_929 : vector<1x1x16xf32> to vector<16xf32>
        %mul3A_931 = arith.mulf %get3A_930, %add3A_920 : vector<16xf32>
        %swap3A_932 = arith.constant 1 : i32
        %swap3A_933 = arith.index_cast %swap3A_932 : i32 to index
        %swap3A_934 = arith.index_cast %add3A_924 : i32 to index
        %swap3A_935 = arith.constant 0 : index
        %swap3A_936 = tpu.vector_load %arg10[%swap3A_933, %swap3A_934, %swap3A_935] {strides = array<i32>} : memref<4x128x32xf32, #tpu.memory_space<vmem>>, vector<1x1x16xf32>,
        %swap3A_937 = vector.shape_cast %swap3A_936 : vector<1x1x16xf32> to vector<16xf32>
        %swap3A_938 = vector.shape_cast %mul3A_931 : vector<16xf32> to vector<1x1x16xf32>
        tpu.vector_store %arg10[%swap3A_933, %swap3A_934, %swap3A_935], %swap3A_938 {strides = array<i32>} : memref<4x128x32xf32, #tpu.memory_space<vmem>>, vector<1x1x16xf32>,
        %get3A_939 = arith.constant 1 : i32
        %get3A_940 = arith.index_cast %get3A_939 : i32 to index
        %get3A_941 = arith.index_cast %add3A_924 : i32 to index
        %get3A_942 = arith.constant 16 : index
        %get3A_943 = tpu.vector_load %arg10[%get3A_940, %get3A_941, %get3A_942] {strides = array<i32>} : memref<4x128x32xf32, #tpu.memory_space<vmem>>, vector<1x1x16xf32>,
        %get3A_944 = vector.shape_cast %get3A_943 : vector<1x1x16xf32> to vector<16xf32>
        %mul3A_945 = arith.mulf %get3A_944, %add3A_920 : vector<16xf32>
        %swap3A_946 = arith.constant 1 : i32
        %swap3A_947 = arith.index_cast %swap3A_946 : i32 to index
        %swap3A_948 = arith.index_cast %add3A_924 : i32 to index
        %swap3A_949 = arith.constant 16 : index
        %swap3A_950 = tpu.vector_load %arg10[%swap3A_947, %swap3A_948, %swap3A_949] {strides = array<i32>} : memref<4x128x32xf32, #tpu.memory_space<vmem>>, vector<1x1x16xf32>,
        %swap3A_951 = vector.shape_cast %swap3A_950 : vector<1x1x16xf32> to vector<16xf32>
        %swap3A_952 = vector.shape_cast %mul3A_945 : vector<16xf32> to vector<1x1x16xf32>
        tpu.vector_store %arg10[%swap3A_947, %swap3A_948, %swap3A_949], %swap3A_952 {strides = array<i32>} : memref<4x128x32xf32, #tpu.memory_space<vmem>>, vector<1x1x16xf32>,
        %broadcast_in_dim3A_953 = arith.constant 0.000000e+00 : f32
        %broadcast_in_dim3A_954 = vector.broadcast %broadcast_in_dim3A_953 : f32 to vector<16xf32>
        %slice3A_955 = vector.extract_strided_slice %get3A_576 {offsets = [10], sizes = [1], strides = [1]} : vector<16xf32> to vector<1xf32>
        %squeeze3A_956 = vector.extract %slice3A_955[0] : f32 from vector<1xf32>
        %add3A_957 = vector.broadcast %squeeze3A_956 : f32 to vector<16xf32>
        %add3A_958 = arith.addf %broadcast_in_dim3A_954, %add3A_957 : vector<16xf32>
        %mul3A_959 = arith.constant 16 : i32
        %mul3A_960 = arith.muli %scan3A_569, %mul3A_959 : i32
        %add3A_961 = arith.constant 10 : i32
        %add3A_962 = arith.addi %mul3A_960, %add3A_961 : i32
        %get3A_963 = arith.constant 1 : i32
        %get3A_964 = arith.index_cast %get3A_963 : i32 to index
        %get3A_965 = arith.index_cast %add3A_962 : i32 to index
        %get3A_966 = arith.constant 0 : index
        %get3A_967 = tpu.vector_load %arg10[%get3A_964, %get3A_965, %get3A_966] {strides = array<i32>} : memref<4x128x32xf32, #tpu.memory_space<vmem>>, vector<1x1x16xf32>,
        %get3A_968 = vector.shape_cast %get3A_967 : vector<1x1x16xf32> to vector<16xf32>
        %mul3A_969 = arith.mulf %get3A_968, %add3A_958 : vector<16xf32>
        %swap3A_970 = arith.constant 1 : i32
        %swap3A_971 = arith.index_cast %swap3A_970 : i32 to index
        %swap3A_972 = arith.index_cast %add3A_962 : i32 to index
        %swap3A_973 = arith.constant 0 : index
        %swap3A_974 = tpu.vector_load %arg10[%swap3A_971, %swap3A_972, %swap3A_973] {strides = array<i32>} : memref<4x128x32xf32, #tpu.memory_space<vmem>>, vector<1x1x16xf32>,
        %swap3A_975 = vector.shape_cast %swap3A_974 : vector<1x1x16xf32> to vector<16xf32>
        %swap3A_976 = vector.shape_cast %mul3A_969 : vector<16xf32> to vector<1x1x16xf32>
        tpu.vector_store %arg10[%swap3A_971, %swap3A_972, %swap3A_973], %swap3A_976 {strides = array<i32>} : memref<4x128x32xf32, #tpu.memory_space<vmem>>, vector<1x1x16xf32>,
        %get3A_977 = arith.constant 1 : i32
        %get3A_978 = arith.index_cast %get3A_977 : i32 to index
        %get3A_979 = arith.index_cast %add3A_962 : i32 to index
        %get3A_980 = arith.constant 16 : index
        %get3A_981 = tpu.vector_load %arg10[%get3A_978, %get3A_979, %get3A_980] {strides = array<i32>} : memref<4x128x32xf32, #tpu.memory_space<vmem>>, vector<1x1x16xf32>,
        %get3A_982 = vector.shape_cast %get3A_981 : vector<1x1x16xf32> to vector<16xf32>
        %mul3A_983 = arith.mulf %get3A_982, %add3A_958 : vector<16xf32>
        %swap3A_984 = arith.constant 1 : i32
        %swap3A_985 = arith.index_cast %swap3A_984 : i32 to index
        %swap3A_986 = arith.index_cast %add3A_962 : i32 to index
        %swap3A_987 = arith.constant 16 : index
        %swap3A_988 = tpu.vector_load %arg10[%swap3A_985, %swap3A_986, %swap3A_987] {strides = array<i32>} : memref<4x128x32xf32, #tpu.memory_space<vmem>>, vector<1x1x16xf32>,
        %swap3A_989 = vector.shape_cast %swap3A_988 : vector<1x1x16xf32> to vector<16xf32>
        %swap3A_990 = vector.shape_cast %mul3A_983 : vector<16xf32> to vector<1x1x16xf32>
        tpu.vector_store %arg10[%swap3A_985, %swap3A_986, %swap3A_987], %swap3A_990 {strides = array<i32>} : memref<4x128x32xf32, #tpu.memory_space<vmem>>, vector<1x1x16xf32>,
        %broadcast_in_dim3A_991 = arith.constant 0.000000e+00 : f32
        %broadcast_in_dim3A_992 = vector.broadcast %broadcast_in_dim3A_991 : f32 to vector<16xf32>
        %slice3A_993 = vector.extract_strided_slice %get3A_576 {offsets = [11], sizes = [1], strides = [1]} : vector<16xf32> to vector<1xf32>
        %squeeze3A_994 = vector.extract %slice3A_993[0] : f32 from vector<1xf32>
        %add3A_995 = vector.broadcast %squeeze3A_994 : f32 to vector<16xf32>
        %add3A_996 = arith.addf %broadcast_in_dim3A_992, %add3A_995 : vector<16xf32>
        %mul3A_997 = arith.constant 16 : i32
        %mul3A_998 = arith.muli %scan3A_569, %mul3A_997 : i32
        %add3A_999 = arith.constant 11 : i32
        %add3A_1000 = arith.addi %mul3A_998, %add3A_999 : i32
        %get3A_1001 = arith.constant 1 : i32
        %get3A_1002 = arith.index_cast %get3A_1001 : i32 to index
        %get3A_1003 = arith.index_cast %add3A_1000 : i32 to index
        %get3A_1004 = arith.constant 0 : index
        %get3A_1005 = tpu.vector_load %arg10[%get3A_1002, %get3A_1003, %get3A_1004] {strides = array<i32>} : memref<4x128x32xf32, #tpu.memory_space<vmem>>, vector<1x1x16xf32>,
        %get3A_1006 = vector.shape_cast %get3A_1005 : vector<1x1x16xf32> to vector<16xf32>
        %mul3A_1007 = arith.mulf %get3A_1006, %add3A_996 : vector<16xf32>
        %swap3A_1008 = arith.constant 1 : i32
        %swap3A_1009 = arith.index_cast %swap3A_1008 : i32 to index
        %swap3A_1010 = arith.index_cast %add3A_1000 : i32 to index
        %swap3A_1011 = arith.constant 0 : index
        %swap3A_1012 = tpu.vector_load %arg10[%swap3A_1009, %swap3A_1010, %swap3A_1011] {strides = array<i32>} : memref<4x128x32xf32, #tpu.memory_space<vmem>>, vector<1x1x16xf32>,
        %swap3A_1013 = vector.shape_cast %swap3A_1012 : vector<1x1x16xf32> to vector<16xf32>
        %swap3A_1014 = vector.shape_cast %mul3A_1007 : vector<16xf32> to vector<1x1x16xf32>
        tpu.vector_store %arg10[%swap3A_1009, %swap3A_1010, %swap3A_1011], %swap3A_1014 {strides = array<i32>} : memref<4x128x32xf32, #tpu.memory_space<vmem>>, vector<1x1x16xf32>,
        %get3A_1015 = arith.constant 1 : i32
        %get3A_1016 = arith.index_cast %get3A_1015 : i32 to index
        %get3A_1017 = arith.index_cast %add3A_1000 : i32 to index
        %get3A_1018 = arith.constant 16 : index
        %get3A_1019 = tpu.vector_load %arg10[%get3A_1016, %get3A_1017, %get3A_1018] {strides = array<i32>} : memref<4x128x32xf32, #tpu.memory_space<vmem>>, vector<1x1x16xf32>,
        %get3A_1020 = vector.shape_cast %get3A_1019 : vector<1x1x16xf32> to vector<16xf32>
        %mul3A_1021 = arith.mulf %get3A_1020, %add3A_996 : vector<16xf32>
        %swap3A_1022 = arith.constant 1 : i32
        %swap3A_1023 = arith.index_cast %swap3A_1022 : i32 to index
        %swap3A_1024 = arith.index_cast %add3A_1000 : i32 to index
        %swap3A_1025 = arith.constant 16 : index
        %swap3A_1026 = tpu.vector_load %arg10[%swap3A_1023, %swap3A_1024, %swap3A_1025] {strides = array<i32>} : memref<4x128x32xf32, #tpu.memory_space<vmem>>, vector<1x1x16xf32>,
        %swap3A_1027 = vector.shape_cast %swap3A_1026 : vector<1x1x16xf32> to vector<16xf32>
        %swap3A_1028 = vector.shape_cast %mul3A_1021 : vector<16xf32> to vector<1x1x16xf32>
        tpu.vector_store %arg10[%swap3A_1023, %swap3A_1024, %swap3A_1025], %swap3A_1028 {strides = array<i32>} : memref<4x128x32xf32, #tpu.memory_space<vmem>>, vector<1x1x16xf32>,
        %broadcast_in_dim3A_1029 = arith.constant 0.000000e+00 : f32
        %broadcast_in_dim3A_1030 = vector.broadcast %broadcast_in_dim3A_1029 : f32 to vector<16xf32>
        %slice3A_1031 = vector.extract_strided_slice %get3A_576 {offsets = [12], sizes = [1], strides = [1]} : vector<16xf32> to vector<1xf32>
        %squeeze3A_1032 = vector.extract %slice3A_1031[0] : f32 from vector<1xf32>
        %add3A_1033 = vector.broadcast %squeeze3A_1032 : f32 to vector<16xf32>
        %add3A_1034 = arith.addf %broadcast_in_dim3A_1030, %add3A_1033 : vector<16xf32>
        %mul3A_1035 = arith.constant 16 : i32
        %mul3A_1036 = arith.muli %scan3A_569, %mul3A_1035 : i32
        %add3A_1037 = arith.constant 12 : i32
        %add3A_1038 = arith.addi %mul3A_1036, %add3A_1037 : i32
        %get3A_1039 = arith.constant 1 : i32
        %get3A_1040 = arith.index_cast %get3A_1039 : i32 to index
        %get3A_1041 = arith.index_cast %add3A_1038 : i32 to index
        %get3A_1042 = arith.constant 0 : index
        %get3A_1043 = tpu.vector_load %arg10[%get3A_1040, %get3A_1041, %get3A_1042] {strides = array<i32>} : memref<4x128x32xf32, #tpu.memory_space<vmem>>, vector<1x1x16xf32>,
        %get3A_1044 = vector.shape_cast %get3A_1043 : vector<1x1x16xf32> to vector<16xf32>
        %mul3A_1045 = arith.mulf %get3A_1044, %add3A_1034 : vector<16xf32>
        %swap3A_1046 = arith.constant 1 : i32
        %swap3A_1047 = arith.index_cast %swap3A_1046 : i32 to index
        %swap3A_1048 = arith.index_cast %add3A_1038 : i32 to index
        %swap3A_1049 = arith.constant 0 : index
        %swap3A_1050 = tpu.vector_load %arg10[%swap3A_1047, %swap3A_1048, %swap3A_1049] {strides = array<i32>} : memref<4x128x32xf32, #tpu.memory_space<vmem>>, vector<1x1x16xf32>,
        %swap3A_1051 = vector.shape_cast %swap3A_1050 : vector<1x1x16xf32> to vector<16xf32>
        %swap3A_1052 = vector.shape_cast %mul3A_1045 : vector<16xf32> to vector<1x1x16xf32>
        tpu.vector_store %arg10[%swap3A_1047, %swap3A_1048, %swap3A_1049], %swap3A_1052 {strides = array<i32>} : memref<4x128x32xf32, #tpu.memory_space<vmem>>, vector<1x1x16xf32>,
        %get3A_1053 = arith.constant 1 : i32
        %get3A_1054 = arith.index_cast %get3A_1053 : i32 to index
        %get3A_1055 = arith.index_cast %add3A_1038 : i32 to index
        %get3A_1056 = arith.constant 16 : index
        %get3A_1057 = tpu.vector_load %arg10[%get3A_1054, %get3A_1055, %get3A_1056] {strides = array<i32>} : memref<4x128x32xf32, #tpu.memory_space<vmem>>, vector<1x1x16xf32>,
        %get3A_1058 = vector.shape_cast %get3A_1057 : vector<1x1x16xf32> to vector<16xf32>
        %mul3A_1059 = arith.mulf %get3A_1058, %add3A_1034 : vector<16xf32>
        %swap3A_1060 = arith.constant 1 : i32
        %swap3A_1061 = arith.index_cast %swap3A_1060 : i32 to index
        %swap3A_1062 = arith.index_cast %add3A_1038 : i32 to index
        %swap3A_1063 = arith.constant 16 : index
        %swap3A_1064 = tpu.vector_load %arg10[%swap3A_1061, %swap3A_1062, %swap3A_1063] {strides = array<i32>} : memref<4x128x32xf32, #tpu.memory_space<vmem>>, vector<1x1x16xf32>,
        %swap3A_1065 = vector.shape_cast %swap3A_1064 : vector<1x1x16xf32> to vector<16xf32>
        %swap3A_1066 = vector.shape_cast %mul3A_1059 : vector<16xf32> to vector<1x1x16xf32>
        tpu.vector_store %arg10[%swap3A_1061, %swap3A_1062, %swap3A_1063], %swap3A_1066 {strides = array<i32>} : memref<4x128x32xf32, #tpu.memory_space<vmem>>, vector<1x1x16xf32>,
        %broadcast_in_dim3A_1067 = arith.constant 0.000000e+00 : f32
        %broadcast_in_dim3A_1068 = vector.broadcast %broadcast_in_dim3A_1067 : f32 to vector<16xf32>
        %slice3A_1069 = vector.extract_strided_slice %get3A_576 {offsets = [13], sizes = [1], strides = [1]} : vector<16xf32> to vector<1xf32>
        %squeeze3A_1070 = vector.extract %slice3A_1069[0] : f32 from vector<1xf32>
        %add3A_1071 = vector.broadcast %squeeze3A_1070 : f32 to vector<16xf32>
        %add3A_1072 = arith.addf %broadcast_in_dim3A_1068, %add3A_1071 : vector<16xf32>
        %mul3A_1073 = arith.constant 16 : i32
        %mul3A_1074 = arith.muli %scan3A_569, %mul3A_1073 : i32
        %add3A_1075 = arith.constant 13 : i32
        %add3A_1076 = arith.addi %mul3A_1074, %add3A_1075 : i32
        %get3A_1077 = arith.constant 1 : i32
        %get3A_1078 = arith.index_cast %get3A_1077 : i32 to index
        %get3A_1079 = arith.index_cast %add3A_1076 : i32 to index
        %get3A_1080 = arith.constant 0 : index
        %get3A_1081 = tpu.vector_load %arg10[%get3A_1078, %get3A_1079, %get3A_1080] {strides = array<i32>} : memref<4x128x32xf32, #tpu.memory_space<vmem>>, vector<1x1x16xf32>,
        %get3A_1082 = vector.shape_cast %get3A_1081 : vector<1x1x16xf32> to vector<16xf32>
        %mul3A_1083 = arith.mulf %get3A_1082, %add3A_1072 : vector<16xf32>
        %swap3A_1084 = arith.constant 1 : i32
        %swap3A_1085 = arith.index_cast %swap3A_1084 : i32 to index
        %swap3A_1086 = arith.index_cast %add3A_1076 : i32 to index
        %swap3A_1087 = arith.constant 0 : index
        %swap3A_1088 = tpu.vector_load %arg10[%swap3A_1085, %swap3A_1086, %swap3A_1087] {strides = array<i32>} : memref<4x128x32xf32, #tpu.memory_space<vmem>>, vector<1x1x16xf32>,
        %swap3A_1089 = vector.shape_cast %swap3A_1088 : vector<1x1x16xf32> to vector<16xf32>
        %swap3A_1090 = vector.shape_cast %mul3A_1083 : vector<16xf32> to vector<1x1x16xf32>
        tpu.vector_store %arg10[%swap3A_1085, %swap3A_1086, %swap3A_1087], %swap3A_1090 {strides = array<i32>} : memref<4x128x32xf32, #tpu.memory_space<vmem>>, vector<1x1x16xf32>,
        %get3A_1091 = arith.constant 1 : i32
        %get3A_1092 = arith.index_cast %get3A_1091 : i32 to index
        %get3A_1093 = arith.index_cast %add3A_1076 : i32 to index
        %get3A_1094 = arith.constant 16 : index
        %get3A_1095 = tpu.vector_load %arg10[%get3A_1092, %get3A_1093, %get3A_1094] {strides = array<i32>} : memref<4x128x32xf32, #tpu.memory_space<vmem>>, vector<1x1x16xf32>,
        %get3A_1096 = vector.shape_cast %get3A_1095 : vector<1x1x16xf32> to vector<16xf32>
        %mul3A_1097 = arith.mulf %get3A_1096, %add3A_1072 : vector<16xf32>
        %swap3A_1098 = arith.constant 1 : i32
        %swap3A_1099 = arith.index_cast %swap3A_1098 : i32 to index
        %swap3A_1100 = arith.index_cast %add3A_1076 : i32 to index
        %swap3A_1101 = arith.constant 16 : index
        %swap3A_1102 = tpu.vector_load %arg10[%swap3A_1099, %swap3A_1100, %swap3A_1101] {strides = array<i32>} : memref<4x128x32xf32, #tpu.memory_space<vmem>>, vector<1x1x16xf32>,
        %swap3A_1103 = vector.shape_cast %swap3A_1102 : vector<1x1x16xf32> to vector<16xf32>
        %swap3A_1104 = vector.shape_cast %mul3A_1097 : vector<16xf32> to vector<1x1x16xf32>
        tpu.vector_store %arg10[%swap3A_1099, %swap3A_1100, %swap3A_1101], %swap3A_1104 {strides = array<i32>} : memref<4x128x32xf32, #tpu.memory_space<vmem>>, vector<1x1x16xf32>,
        %broadcast_in_dim3A_1105 = arith.constant 0.000000e+00 : f32
        %broadcast_in_dim3A_1106 = vector.broadcast %broadcast_in_dim3A_1105 : f32 to vector<16xf32>
        %slice3A_1107 = vector.extract_strided_slice %get3A_576 {offsets = [14], sizes = [1], strides = [1]} : vector<16xf32> to vector<1xf32>
        %squeeze3A_1108 = vector.extract %slice3A_1107[0] : f32 from vector<1xf32>
        %add3A_1109 = vector.broadcast %squeeze3A_1108 : f32 to vector<16xf32>
        %add3A_1110 = arith.addf %broadcast_in_dim3A_1106, %add3A_1109 : vector<16xf32>
        %mul3A_1111 = arith.constant 16 : i32
        %mul3A_1112 = arith.muli %scan3A_569, %mul3A_1111 : i32
        %add3A_1113 = arith.constant 14 : i32
        %add3A_1114 = arith.addi %mul3A_1112, %add3A_1113 : i32
        %get3A_1115 = arith.constant 1 : i32
        %get3A_1116 = arith.index_cast %get3A_1115 : i32 to index
        %get3A_1117 = arith.index_cast %add3A_1114 : i32 to index
        %get3A_1118 = arith.constant 0 : index
        %get3A_1119 = tpu.vector_load %arg10[%get3A_1116, %get3A_1117, %get3A_1118] {strides = array<i32>} : memref<4x128x32xf32, #tpu.memory_space<vmem>>, vector<1x1x16xf32>,
        %get3A_1120 = vector.shape_cast %get3A_1119 : vector<1x1x16xf32> to vector<16xf32>
        %mul3A_1121 = arith.mulf %get3A_1120, %add3A_1110 : vector<16xf32>
        %swap3A_1122 = arith.constant 1 : i32
        %swap3A_1123 = arith.index_cast %swap3A_1122 : i32 to index
        %swap3A_1124 = arith.index_cast %add3A_1114 : i32 to index
        %swap3A_1125 = arith.constant 0 : index
        %swap3A_1126 = tpu.vector_load %arg10[%swap3A_1123, %swap3A_1124, %swap3A_1125] {strides = array<i32>} : memref<4x128x32xf32, #tpu.memory_space<vmem>>, vector<1x1x16xf32>,
        %swap3A_1127 = vector.shape_cast %swap3A_1126 : vector<1x1x16xf32> to vector<16xf32>
        %swap3A_1128 = vector.shape_cast %mul3A_1121 : vector<16xf32> to vector<1x1x16xf32>
        tpu.vector_store %arg10[%swap3A_1123, %swap3A_1124, %swap3A_1125], %swap3A_1128 {strides = array<i32>} : memref<4x128x32xf32, #tpu.memory_space<vmem>>, vector<1x1x16xf32>,
        %get3A_1129 = arith.constant 1 : i32
        %get3A_1130 = arith.index_cast %get3A_1129 : i32 to index
        %get3A_1131 = arith.index_cast %add3A_1114 : i32 to index
        %get3A_1132 = arith.constant 16 : index
        %get3A_1133 = tpu.vector_load %arg10[%get3A_1130, %get3A_1131, %get3A_1132] {strides = array<i32>} : memref<4x128x32xf32, #tpu.memory_space<vmem>>, vector<1x1x16xf32>,
        %get3A_1134 = vector.shape_cast %get3A_1133 : vector<1x1x16xf32> to vector<16xf32>
        %mul3A_1135 = arith.mulf %get3A_1134, %add3A_1110 : vector<16xf32>
        %swap3A_1136 = arith.constant 1 : i32
        %swap3A_1137 = arith.index_cast %swap3A_1136 : i32 to index
        %swap3A_1138 = arith.index_cast %add3A_1114 : i32 to index
        %swap3A_1139 = arith.constant 16 : index
        %swap3A_1140 = tpu.vector_load %arg10[%swap3A_1137, %swap3A_1138, %swap3A_1139] {strides = array<i32>} : memref<4x128x32xf32, #tpu.memory_space<vmem>>, vector<1x1x16xf32>,
        %swap3A_1141 = vector.shape_cast %swap3A_1140 : vector<1x1x16xf32> to vector<16xf32>
        %swap3A_1142 = vector.shape_cast %mul3A_1135 : vector<16xf32> to vector<1x1x16xf32>
        tpu.vector_store %arg10[%swap3A_1137, %swap3A_1138, %swap3A_1139], %swap3A_1142 {strides = array<i32>} : memref<4x128x32xf32, #tpu.memory_space<vmem>>, vector<1x1x16xf32>,
        %broadcast_in_dim3A_1143 = arith.constant 0.000000e+00 : f32
        %broadcast_in_dim3A_1144 = vector.broadcast %broadcast_in_dim3A_1143 : f32 to vector<16xf32>
        %slice3A_1145 = vector.extract_strided_slice %get3A_576 {offsets = [15], sizes = [1], strides = [1]} : vector<16xf32> to vector<1xf32>
        %squeeze3A_1146 = vector.extract %slice3A_1145[0] : f32 from vector<1xf32>
        %add3A_1147 = vector.broadcast %squeeze3A_1146 : f32 to vector<16xf32>
        %add3A_1148 = arith.addf %broadcast_in_dim3A_1144, %add3A_1147 : vector<16xf32>
        %mul3A_1149 = arith.constant 16 : i32
        %mul3A_1150 = arith.muli %scan3A_569, %mul3A_1149 : i32
        %add3A_1151 = arith.constant 15 : i32
        %add3A_1152 = arith.addi %mul3A_1150, %add3A_1151 : i32
        %get3A_1153 = arith.constant 1 : i32
        %get3A_1154 = arith.index_cast %get3A_1153 : i32 to index
        %get3A_1155 = arith.index_cast %add3A_1152 : i32 to index
        %get3A_1156 = arith.constant 0 : index
        %get3A_1157 = tpu.vector_load %arg10[%get3A_1154, %get3A_1155, %get3A_1156] {strides = array<i32>} : memref<4x128x32xf32, #tpu.memory_space<vmem>>, vector<1x1x16xf32>,
        %get3A_1158 = vector.shape_cast %get3A_1157 : vector<1x1x16xf32> to vector<16xf32>
        %mul3A_1159 = arith.mulf %get3A_1158, %add3A_1148 : vector<16xf32>
        %swap3A_1160 = arith.constant 1 : i32
        %swap3A_1161 = arith.index_cast %swap3A_1160 : i32 to index
        %swap3A_1162 = arith.index_cast %add3A_1152 : i32 to index
        %swap3A_1163 = arith.constant 0 : index
        %swap3A_1164 = tpu.vector_load %arg10[%swap3A_1161, %swap3A_1162, %swap3A_1163] {strides = array<i32>} : memref<4x128x32xf32, #tpu.memory_space<vmem>>, vector<1x1x16xf32>,
        %swap3A_1165 = vector.shape_cast %swap3A_1164 : vector<1x1x16xf32> to vector<16xf32>
        %swap3A_1166 = vector.shape_cast %mul3A_1159 : vector<16xf32> to vector<1x1x16xf32>
        tpu.vector_store %arg10[%swap3A_1161, %swap3A_1162, %swap3A_1163], %swap3A_1166 {strides = array<i32>} : memref<4x128x32xf32, #tpu.memory_space<vmem>>, vector<1x1x16xf32>,
        %get3A_1167 = arith.constant 1 : i32
        %get3A_1168 = arith.index_cast %get3A_1167 : i32 to index
        %get3A_1169 = arith.index_cast %add3A_1152 : i32 to index
        %get3A_1170 = arith.constant 16 : index
        %get3A_1171 = tpu.vector_load %arg10[%get3A_1168, %get3A_1169, %get3A_1170] {strides = array<i32>} : memref<4x128x32xf32, #tpu.memory_space<vmem>>, vector<1x1x16xf32>,
        %get3A_1172 = vector.shape_cast %get3A_1171 : vector<1x1x16xf32> to vector<16xf32>
        %mul3A_1173 = arith.mulf %get3A_1172, %add3A_1148 : vector<16xf32>
        %swap3A_1174 = arith.constant 1 : i32
        %swap3A_1175 = arith.index_cast %swap3A_1174 : i32 to index
        %swap3A_1176 = arith.index_cast %add3A_1152 : i32 to index
        %swap3A_1177 = arith.constant 16 : index
        %swap3A_1178 = tpu.vector_load %arg10[%swap3A_1175, %swap3A_1176, %swap3A_1177] {strides = array<i32>} : memref<4x128x32xf32, #tpu.memory_space<vmem>>, vector<1x1x16xf32>,
        %swap3A_1179 = vector.shape_cast %swap3A_1178 : vector<1x1x16xf32> to vector<16xf32>
        %swap3A_1180 = vector.shape_cast %mul3A_1173 : vector<16xf32> to vector<1x1x16xf32>
        tpu.vector_store %arg10[%swap3A_1175, %swap3A_1176, %swap3A_1177], %swap3A_1180 {strides = array<i32>} : memref<4x128x32xf32, #tpu.memory_space<vmem>>, vector<1x1x16xf32>,
        %scan3A_1181 = arith.constant 0 : i32
        scf.yield %scan3A_1181 : i32
      }
      %scan3A_445 = arith.constant 8 : i32
      %dma_start3A_446 = arith.constant 1 : i32
      %dma_start3A_447 = arith.constant 1 : i32
      %dma_start3A_448 = arith.constant 0 : i32
      %dma_start3A_449 = arith.constant 0 : i32
      %dma_start3A_450 = tpu.memref_slice %arg10[%dma_start3A_446, %dma_start3A_448, %dma_start3A_449] : memref<4x128x32xf32, #tpu.memory_space<vmem>> -> memref<1x128x32xf32, #tpu.memory_space<vmem>>
      %dma_start3A_451 = tpu.memref_squeeze %dma_start3A_450 : memref<1x128x32xf32, #tpu.memory_space<vmem>> -> memref<128x32xf32, #tpu.memory_space<vmem>>
      %dma_start3A_452 = arith.constant 0 : i32
      %dma_start3A_453 = tpu.memref_slice %arg8[%dma_start3A_447, %dma_start3A_452] : memref<4x128xi32, #tpu.memory_space<vmem>> -> memref<1x128xi32, #tpu.memory_space<vmem>>
      %dma_start3A_454 = tpu.memref_squeeze %dma_start3A_453 : memref<1x128xi32, #tpu.memory_space<vmem>> -> memref<128xi32, #tpu.memory_space<vmem>>
      %dma_start3A_455 = arith.constant 0 : i32
      %dma_start3A_456 = arith.constant 0 : i32
      %dma_start3A_457 = tpu.memref_slice %arg12[%dma_start3A_455, %dma_start3A_456] : memref<51200x32xf32, #tpu.memory_space<vmem_shared>> -> memref<51200x32xf32, #tpu.memory_space<vmem_shared>>
      tpu.enqueue_indirect_dma source(%dma_start3A_451 : memref<128x32xf32, #tpu.memory_space<vmem>>) target(%dma_start3A_457 : memref<51200x32xf32, #tpu.memory_space<vmem_shared>>) offsets(%dma_start3A_454 : memref<128xi32, #tpu.memory_space<vmem>>) semaphore(%arg14 : memref<!tpu.dma_semaphore, #tpu.memory_space<semaphore_mem>>) {add = true}
      %dma_wait3A_458 = arith.constant 2 : i32
      %dma_wait3A_459 = arith.constant 2 : i32
      %dma_wait3A_460 = arith.constant 0 : i32
      %dma_wait3A_461 = arith.constant 0 : i32
      %dma_wait3A_462 = tpu.memref_slice %arg10[%dma_wait3A_459, %dma_wait3A_460, %dma_wait3A_461] : memref<4x128x32xf32, #tpu.memory_space<vmem>> -> memref<1x128x32xf32, #tpu.memory_space<vmem>>
      %dma_wait3A_463 = tpu.memref_squeeze %dma_wait3A_462 : memref<1x128x32xf32, #tpu.memory_space<vmem>> -> memref<128x32xf32, #tpu.memory_space<vmem>>
      %dma_wait3A_464 = arith.constant 0 : i32
      %dma_wait3A_465 = tpu.memref_slice %arg7[%dma_wait3A_458, %dma_wait3A_464] : memref<4x128xi32, #tpu.memory_space<vmem>> -> memref<1x128xi32, #tpu.memory_space<vmem>>
      %dma_wait3A_466 = tpu.memref_squeeze %dma_wait3A_465 : memref<1x128xi32, #tpu.memory_space<vmem>> -> memref<128xi32, #tpu.memory_space<vmem>>
      %dma_wait3A_467 = arith.constant 0 : i32
      %dma_wait3A_468 = arith.constant 0 : i32
      %dma_wait3A_469 = tpu.memref_slice %arg5[%dma_wait3A_467, %dma_wait3A_468] : memref<51200x32xf32, #tpu.memory_space<hbm>> -> memref<51200x32xf32, #tpu.memory_space<hbm>>
      tpu.wait_indirect_dma semaphore(%arg13 : memref<!tpu.dma_semaphore, #tpu.memory_space<semaphore_mem>>) src(%dma_wait3A_469 : memref<51200x32xf32, #tpu.memory_space<hbm>>) dst(%dma_wait3A_463 : memref<128x32xf32, #tpu.memory_space<vmem>>)
      %scan3A_470 = arith.constant 0 : i32
      %scan3A_471 = arith.constant 0 : i32
      %scan3A_472 = arith.constant 8 : i32
      %scan3A_473 = arith.addi %scan3A_471, %scan3A_472 : i32
      %scan3A_474 = arith.constant 1 : i32
      %scan3A_475 = scf.for %scan3A_569 = %scan3A_471 to %scan3A_473 step %scan3A_474 iter_args(%scan3A_570 = %scan3A_470) -> (i32)  : i32 {
        %mul3A_571 = arith.constant 16 : i32
        %mul3A_572 = arith.muli %scan3A_569, %mul3A_571 : i32
        %get3A = arith.constant 2 : i32
        %get3A_573 = arith.index_cast %get3A : i32 to index
        %get3A_574 = arith.index_cast %mul3A_572 : i32 to index
        %get3A_575 = tpu.vector_load %arg9[%get3A_573, %get3A_574] {strides = array<i32>} : memref<4x128xf32, #tpu.memory_space<vmem>>, vector<1x16xf32>,
        %get3A_576 = vector.shape_cast %get3A_575 : vector<1x16xf32> to vector<16xf32>
        %broadcast_in_dim3A = arith.constant 0.000000e+00 : f32
        %broadcast_in_dim3A_577 = vector.broadcast %broadcast_in_dim3A : f32 to vector<16xf32>
        %slice3A = vector.extract_strided_slice %get3A_576 {offsets = [0], sizes = [1], strides = [1]} : vector<16xf32> to vector<1xf32>
        %squeeze3A = vector.extract %slice3A[0] : f32 from vector<1xf32>
        %add3A_578 = vector.broadcast %squeeze3A : f32 to vector<16xf32>
        %add3A_579 = arith.addf %broadcast_in_dim3A_577, %add3A_578 : vector<16xf32>
        %mul3A_580 = arith.constant 16 : i32
        %mul3A_581 = arith.muli %scan3A_569, %mul3A_580 : i32
        %add3A_582 = arith.constant 0 : i32
        %add3A_583 = arith.addi %mul3A_581, %add3A_582 : i32
        %get3A_584 = arith.constant 2 : i32
        %get3A_585 = arith.index_cast %get3A_584 : i32 to index
        %get3A_586 = arith.index_cast %add3A_583 : i32 to index
        %get3A_587 = arith.constant 0 : index
        %get3A_588 = tpu.vector_load %arg10[%get3A_585, %get3A_586, %get3A_587] {strides = array<i32>} : memref<4x128x32xf32, #tpu.memory_space<vmem>>, vector<1x1x16xf32>,
        %get3A_589 = vector.shape_cast %get3A_588 : vector<1x1x16xf32> to vector<16xf32>
        %mul3A_590 = arith.mulf %get3A_589, %add3A_579 : vector<16xf32>
        %swap3A = arith.constant 2 : i32
        %swap3A_591 = arith.index_cast %swap3A : i32 to index
        %swap3A_592 = arith.index_cast %add3A_583 : i32 to index
        %swap3A_593 = arith.constant 0 : index
        %swap3A_594 = tpu.vector_load %arg10[%swap3A_591, %swap3A_592, %swap3A_593] {strides = array<i32>} : memref<4x128x32xf32, #tpu.memory_space<vmem>>, vector<1x1x16xf32>,
        %swap3A_595 = vector.shape_cast %swap3A_594 : vector<1x1x16xf32> to vector<16xf32>
        %swap3A_596 = vector.shape_cast %mul3A_590 : vector<16xf32> to vector<1x1x16xf32>
        tpu.vector_store %arg10[%swap3A_591, %swap3A_592, %swap3A_593], %swap3A_596 {strides = array<i32>} : memref<4x128x32xf32, #tpu.memory_space<vmem>>, vector<1x1x16xf32>,
        %get3A_597 = arith.constant 2 : i32
        %get3A_598 = arith.index_cast %get3A_597 : i32 to index
        %get3A_599 = arith.index_cast %add3A_583 : i32 to index
        %get3A_600 = arith.constant 16 : index
        %get3A_601 = tpu.vector_load %arg10[%get3A_598, %get3A_599, %get3A_600] {strides = array<i32>} : memref<4x128x32xf32, #tpu.memory_space<vmem>>, vector<1x1x16xf32>,
        %get3A_602 = vector.shape_cast %get3A_601 : vector<1x1x16xf32> to vector<16xf32>
        %mul3A_603 = arith.mulf %get3A_602, %add3A_579 : vector<16xf32>
        %swap3A_604 = arith.constant 2 : i32
        %swap3A_605 = arith.index_cast %swap3A_604 : i32 to index
        %swap3A_606 = arith.index_cast %add3A_583 : i32 to index
        %swap3A_607 = arith.constant 16 : index
        %swap3A_608 = tpu.vector_load %arg10[%swap3A_605, %swap3A_606, %swap3A_607] {strides = array<i32>} : memref<4x128x32xf32, #tpu.memory_space<vmem>>, vector<1x1x16xf32>,
        %swap3A_609 = vector.shape_cast %swap3A_608 : vector<1x1x16xf32> to vector<16xf32>
        %swap3A_610 = vector.shape_cast %mul3A_603 : vector<16xf32> to vector<1x1x16xf32>
        tpu.vector_store %arg10[%swap3A_605, %swap3A_606, %swap3A_607], %swap3A_610 {strides = array<i32>} : memref<4x128x32xf32, #tpu.memory_space<vmem>>, vector<1x1x16xf32>,
        %broadcast_in_dim3A_611 = arith.constant 0.000000e+00 : f32
        %broadcast_in_dim3A_612 = vector.broadcast %broadcast_in_dim3A_611 : f32 to vector<16xf32>
        %slice3A_613 = vector.extract_strided_slice %get3A_576 {offsets = [1], sizes = [1], strides = [1]} : vector<16xf32> to vector<1xf32>
        %squeeze3A_614 = vector.extract %slice3A_613[0] : f32 from vector<1xf32>
        %add3A_615 = vector.broadcast %squeeze3A_614 : f32 to vector<16xf32>
        %add3A_616 = arith.addf %broadcast_in_dim3A_612, %add3A_615 : vector<16xf32>
        %mul3A_617 = arith.constant 16 : i32
        %mul3A_618 = arith.muli %scan3A_569, %mul3A_617 : i32
        %add3A_619 = arith.constant 1 : i32
        %add3A_620 = arith.addi %mul3A_618, %add3A_619 : i32
        %get3A_621 = arith.constant 2 : i32
        %get3A_622 = arith.index_cast %get3A_621 : i32 to index
        %get3A_623 = arith.index_cast %add3A_620 : i32 to index
        %get3A_624 = arith.constant 0 : index
        %get3A_625 = tpu.vector_load %arg10[%get3A_622, %get3A_623, %get3A_624] {strides = array<i32>} : memref<4x128x32xf32, #tpu.memory_space<vmem>>, vector<1x1x16xf32>,
        %get3A_626 = vector.shape_cast %get3A_625 : vector<1x1x16xf32> to vector<16xf32>
        %mul3A_627 = arith.mulf %get3A_626, %add3A_616 : vector<16xf32>
        %swap3A_628 = arith.constant 2 : i32
        %swap3A_629 = arith.index_cast %swap3A_628 : i32 to index
        %swap3A_630 = arith.index_cast %add3A_620 : i32 to index
        %swap3A_631 = arith.constant 0 : index
        %swap3A_632 = tpu.vector_load %arg10[%swap3A_629, %swap3A_630, %swap3A_631] {strides = array<i32>} : memref<4x128x32xf32, #tpu.memory_space<vmem>>, vector<1x1x16xf32>,
        %swap3A_633 = vector.shape_cast %swap3A_632 : vector<1x1x16xf32> to vector<16xf32>
        %swap3A_634 = vector.shape_cast %mul3A_627 : vector<16xf32> to vector<1x1x16xf32>
        tpu.vector_store %arg10[%swap3A_629, %swap3A_630, %swap3A_631], %swap3A_634 {strides = array<i32>} : memref<4x128x32xf32, #tpu.memory_space<vmem>>, vector<1x1x16xf32>,
        %get3A_635 = arith.constant 2 : i32
        %get3A_636 = arith.index_cast %get3A_635 : i32 to index
        %get3A_637 = arith.index_cast %add3A_620 : i32 to index
        %get3A_638 = arith.constant 16 : index
        %get3A_639 = tpu.vector_load %arg10[%get3A_636, %get3A_637, %get3A_638] {strides = array<i32>} : memref<4x128x32xf32, #tpu.memory_space<vmem>>, vector<1x1x16xf32>,
        %get3A_640 = vector.shape_cast %get3A_639 : vector<1x1x16xf32> to vector<16xf32>
        %mul3A_641 = arith.mulf %get3A_640, %add3A_616 : vector<16xf32>
        %swap3A_642 = arith.constant 2 : i32
        %swap3A_643 = arith.index_cast %swap3A_642 : i32 to index
        %swap3A_644 = arith.index_cast %add3A_620 : i32 to index
        %swap3A_645 = arith.constant 16 : index
        %swap3A_646 = tpu.vector_load %arg10[%swap3A_643, %swap3A_644, %swap3A_645] {strides = array<i32>} : memref<4x128x32xf32, #tpu.memory_space<vmem>>, vector<1x1x16xf32>,
        %swap3A_647 = vector.shape_cast %swap3A_646 : vector<1x1x16xf32> to vector<16xf32>
        %swap3A_648 = vector.shape_cast %mul3A_641 : vector<16xf32> to vector<1x1x16xf32>
        tpu.vector_store %arg10[%swap3A_643, %swap3A_644, %swap3A_645], %swap3A_648 {strides = array<i32>} : memref<4x128x32xf32, #tpu.memory_space<vmem>>, vector<1x1x16xf32>,
        %broadcast_in_dim3A_649 = arith.constant 0.000000e+00 : f32
        %broadcast_in_dim3A_650 = vector.broadcast %broadcast_in_dim3A_649 : f32 to vector<16xf32>
        %slice3A_651 = vector.extract_strided_slice %get3A_576 {offsets = [2], sizes = [1], strides = [1]} : vector<16xf32> to vector<1xf32>
        %squeeze3A_652 = vector.extract %slice3A_651[0] : f32 from vector<1xf32>
        %add3A_653 = vector.broadcast %squeeze3A_652 : f32 to vector<16xf32>
        %add3A_654 = arith.addf %broadcast_in_dim3A_650, %add3A_653 : vector<16xf32>
        %mul3A_655 = arith.constant 16 : i32
        %mul3A_656 = arith.muli %scan3A_569, %mul3A_655 : i32
        %add3A_657 = arith.constant 2 : i32
        %add3A_658 = arith.addi %mul3A_656, %add3A_657 : i32
        %get3A_659 = arith.constant 2 : i32
        %get3A_660 = arith.index_cast %get3A_659 : i32 to index
        %get3A_661 = arith.index_cast %add3A_658 : i32 to index
        %get3A_662 = arith.constant 0 : index
        %get3A_663 = tpu.vector_load %arg10[%get3A_660, %get3A_661, %get3A_662] {strides = array<i32>} : memref<4x128x32xf32, #tpu.memory_space<vmem>>, vector<1x1x16xf32>,
        %get3A_664 = vector.shape_cast %get3A_663 : vector<1x1x16xf32> to vector<16xf32>
        %mul3A_665 = arith.mulf %get3A_664, %add3A_654 : vector<16xf32>
        %swap3A_666 = arith.constant 2 : i32
        %swap3A_667 = arith.index_cast %swap3A_666 : i32 to index
        %swap3A_668 = arith.index_cast %add3A_658 : i32 to index
        %swap3A_669 = arith.constant 0 : index
        %swap3A_670 = tpu.vector_load %arg10[%swap3A_667, %swap3A_668, %swap3A_669] {strides = array<i32>} : memref<4x128x32xf32, #tpu.memory_space<vmem>>, vector<1x1x16xf32>,
        %swap3A_671 = vector.shape_cast %swap3A_670 : vector<1x1x16xf32> to vector<16xf32>
        %swap3A_672 = vector.shape_cast %mul3A_665 : vector<16xf32> to vector<1x1x16xf32>
        tpu.vector_store %arg10[%swap3A_667, %swap3A_668, %swap3A_669], %swap3A_672 {strides = array<i32>} : memref<4x128x32xf32, #tpu.memory_space<vmem>>, vector<1x1x16xf32>,
        %get3A_673 = arith.constant 2 : i32
        %get3A_674 = arith.index_cast %get3A_673 : i32 to index
        %get3A_675 = arith.index_cast %add3A_658 : i32 to index
        %get3A_676 = arith.constant 16 : index
        %get3A_677 = tpu.vector_load %arg10[%get3A_674, %get3A_675, %get3A_676] {strides = array<i32>} : memref<4x128x32xf32, #tpu.memory_space<vmem>>, vector<1x1x16xf32>,
        %get3A_678 = vector.shape_cast %get3A_677 : vector<1x1x16xf32> to vector<16xf32>
        %mul3A_679 = arith.mulf %get3A_678, %add3A_654 : vector<16xf32>
        %swap3A_680 = arith.constant 2 : i32
        %swap3A_681 = arith.index_cast %swap3A_680 : i32 to index
        %swap3A_682 = arith.index_cast %add3A_658 : i32 to index
        %swap3A_683 = arith.constant 16 : index
        %swap3A_684 = tpu.vector_load %arg10[%swap3A_681, %swap3A_682, %swap3A_683] {strides = array<i32>} : memref<4x128x32xf32, #tpu.memory_space<vmem>>, vector<1x1x16xf32>,
        %swap3A_685 = vector.shape_cast %swap3A_684 : vector<1x1x16xf32> to vector<16xf32>
        %swap3A_686 = vector.shape_cast %mul3A_679 : vector<16xf32> to vector<1x1x16xf32>
        tpu.vector_store %arg10[%swap3A_681, %swap3A_682, %swap3A_683], %swap3A_686 {strides = array<i32>} : memref<4x128x32xf32, #tpu.memory_space<vmem>>, vector<1x1x16xf32>,
        %broadcast_in_dim3A_687 = arith.constant 0.000000e+00 : f32
        %broadcast_in_dim3A_688 = vector.broadcast %broadcast_in_dim3A_687 : f32 to vector<16xf32>
        %slice3A_689 = vector.extract_strided_slice %get3A_576 {offsets = [3], sizes = [1], strides = [1]} : vector<16xf32> to vector<1xf32>
        %squeeze3A_690 = vector.extract %slice3A_689[0] : f32 from vector<1xf32>
        %add3A_691 = vector.broadcast %squeeze3A_690 : f32 to vector<16xf32>
        %add3A_692 = arith.addf %broadcast_in_dim3A_688, %add3A_691 : vector<16xf32>
        %mul3A_693 = arith.constant 16 : i32
        %mul3A_694 = arith.muli %scan3A_569, %mul3A_693 : i32
        %add3A_695 = arith.constant 3 : i32
        %add3A_696 = arith.addi %mul3A_694, %add3A_695 : i32
        %get3A_697 = arith.constant 2 : i32
        %get3A_698 = arith.index_cast %get3A_697 : i32 to index
        %get3A_699 = arith.index_cast %add3A_696 : i32 to index
        %get3A_700 = arith.constant 0 : index
        %get3A_701 = tpu.vector_load %arg10[%get3A_698, %get3A_699, %get3A_700] {strides = array<i32>} : memref<4x128x32xf32, #tpu.memory_space<vmem>>, vector<1x1x16xf32>,
        %get3A_702 = vector.shape_cast %get3A_701 : vector<1x1x16xf32> to vector<16xf32>
        %mul3A_703 = arith.mulf %get3A_702, %add3A_692 : vector<16xf32>
        %swap3A_704 = arith.constant 2 : i32
        %swap3A_705 = arith.index_cast %swap3A_704 : i32 to index
        %swap3A_706 = arith.index_cast %add3A_696 : i32 to index
        %swap3A_707 = arith.constant 0 : index
        %swap3A_708 = tpu.vector_load %arg10[%swap3A_705, %swap3A_706, %swap3A_707] {strides = array<i32>} : memref<4x128x32xf32, #tpu.memory_space<vmem>>, vector<1x1x16xf32>,
        %swap3A_709 = vector.shape_cast %swap3A_708 : vector<1x1x16xf32> to vector<16xf32>
        %swap3A_710 = vector.shape_cast %mul3A_703 : vector<16xf32> to vector<1x1x16xf32>
        tpu.vector_store %arg10[%swap3A_705, %swap3A_706, %swap3A_707], %swap3A_710 {strides = array<i32>} : memref<4x128x32xf32, #tpu.memory_space<vmem>>, vector<1x1x16xf32>,
        %get3A_711 = arith.constant 2 : i32
        %get3A_712 = arith.index_cast %get3A_711 : i32 to index
        %get3A_713 = arith.index_cast %add3A_696 : i32 to index
        %get3A_714 = arith.constant 16 : index
        %get3A_715 = tpu.vector_load %arg10[%get3A_712, %get3A_713, %get3A_714] {strides = array<i32>} : memref<4x128x32xf32, #tpu.memory_space<vmem>>, vector<1x1x16xf32>,
        %get3A_716 = vector.shape_cast %get3A_715 : vector<1x1x16xf32> to vector<16xf32>
        %mul3A_717 = arith.mulf %get3A_716, %add3A_692 : vector<16xf32>
        %swap3A_718 = arith.constant 2 : i32
        %swap3A_719 = arith.index_cast %swap3A_718 : i32 to index
        %swap3A_720 = arith.index_cast %add3A_696 : i32 to index
        %swap3A_721 = arith.constant 16 : index
        %swap3A_722 = tpu.vector_load %arg10[%swap3A_719, %swap3A_720, %swap3A_721] {strides = array<i32>} : memref<4x128x32xf32, #tpu.memory_space<vmem>>, vector<1x1x16xf32>,
        %swap3A_723 = vector.shape_cast %swap3A_722 : vector<1x1x16xf32> to vector<16xf32>
        %swap3A_724 = vector.shape_cast %mul3A_717 : vector<16xf32> to vector<1x1x16xf32>
        tpu.vector_store %arg10[%swap3A_719, %swap3A_720, %swap3A_721], %swap3A_724 {strides = array<i32>} : memref<4x128x32xf32, #tpu.memory_space<vmem>>, vector<1x1x16xf32>,
        %broadcast_in_dim3A_725 = arith.constant 0.000000e+00 : f32
        %broadcast_in_dim3A_726 = vector.broadcast %broadcast_in_dim3A_725 : f32 to vector<16xf32>
        %slice3A_727 = vector.extract_strided_slice %get3A_576 {offsets = [4], sizes = [1], strides = [1]} : vector<16xf32> to vector<1xf32>
        %squeeze3A_728 = vector.extract %slice3A_727[0] : f32 from vector<1xf32>
        %add3A_729 = vector.broadcast %squeeze3A_728 : f32 to vector<16xf32>
        %add3A_730 = arith.addf %broadcast_in_dim3A_726, %add3A_729 : vector<16xf32>
        %mul3A_731 = arith.constant 16 : i32
        %mul3A_732 = arith.muli %scan3A_569, %mul3A_731 : i32
        %add3A_733 = arith.constant 4 : i32
        %add3A_734 = arith.addi %mul3A_732, %add3A_733 : i32
        %get3A_735 = arith.constant 2 : i32
        %get3A_736 = arith.index_cast %get3A_735 : i32 to index
        %get3A_737 = arith.index_cast %add3A_734 : i32 to index
        %get3A_738 = arith.constant 0 : index
        %get3A_739 = tpu.vector_load %arg10[%get3A_736, %get3A_737, %get3A_738] {strides = array<i32>} : memref<4x128x32xf32, #tpu.memory_space<vmem>>, vector<1x1x16xf32>,
        %get3A_740 = vector.shape_cast %get3A_739 : vector<1x1x16xf32> to vector<16xf32>
        %mul3A_741 = arith.mulf %get3A_740, %add3A_730 : vector<16xf32>
        %swap3A_742 = arith.constant 2 : i32
        %swap3A_743 = arith.index_cast %swap3A_742 : i32 to index
        %swap3A_744 = arith.index_cast %add3A_734 : i32 to index
        %swap3A_745 = arith.constant 0 : index
        %swap3A_746 = tpu.vector_load %arg10[%swap3A_743, %swap3A_744, %swap3A_745] {strides = array<i32>} : memref<4x128x32xf32, #tpu.memory_space<vmem>>, vector<1x1x16xf32>,
        %swap3A_747 = vector.shape_cast %swap3A_746 : vector<1x1x16xf32> to vector<16xf32>
        %swap3A_748 = vector.shape_cast %mul3A_741 : vector<16xf32> to vector<1x1x16xf32>
        tpu.vector_store %arg10[%swap3A_743, %swap3A_744, %swap3A_745], %swap3A_748 {strides = array<i32>} : memref<4x128x32xf32, #tpu.memory_space<vmem>>, vector<1x1x16xf32>,
        %get3A_749 = arith.constant 2 : i32
        %get3A_750 = arith.index_cast %get3A_749 : i32 to index
        %get3A_751 = arith.index_cast %add3A_734 : i32 to index
        %get3A_752 = arith.constant 16 : index
        %get3A_753 = tpu.vector_load %arg10[%get3A_750, %get3A_751, %get3A_752] {strides = array<i32>} : memref<4x128x32xf32, #tpu.memory_space<vmem>>, vector<1x1x16xf32>,
        %get3A_754 = vector.shape_cast %get3A_753 : vector<1x1x16xf32> to vector<16xf32>
        %mul3A_755 = arith.mulf %get3A_754, %add3A_730 : vector<16xf32>
        %swap3A_756 = arith.constant 2 : i32
        %swap3A_757 = arith.index_cast %swap3A_756 : i32 to index
        %swap3A_758 = arith.index_cast %add3A_734 : i32 to index
        %swap3A_759 = arith.constant 16 : index
        %swap3A_760 = tpu.vector_load %arg10[%swap3A_757, %swap3A_758, %swap3A_759] {strides = array<i32>} : memref<4x128x32xf32, #tpu.memory_space<vmem>>, vector<1x1x16xf32>,
        %swap3A_761 = vector.shape_cast %swap3A_760 : vector<1x1x16xf32> to vector<16xf32>
        %swap3A_762 = vector.shape_cast %mul3A_755 : vector<16xf32> to vector<1x1x16xf32>
        tpu.vector_store %arg10[%swap3A_757, %swap3A_758, %swap3A_759], %swap3A_762 {strides = array<i32>} : memref<4x128x32xf32, #tpu.memory_space<vmem>>, vector<1x1x16xf32>,
        %broadcast_in_dim3A_763 = arith.constant 0.000000e+00 : f32
        %broadcast_in_dim3A_764 = vector.broadcast %broadcast_in_dim3A_763 : f32 to vector<16xf32>
        %slice3A_765 = vector.extract_strided_slice %get3A_576 {offsets = [5], sizes = [1], strides = [1]} : vector<16xf32> to vector<1xf32>
        %squeeze3A_766 = vector.extract %slice3A_765[0] : f32 from vector<1xf32>
        %add3A_767 = vector.broadcast %squeeze3A_766 : f32 to vector<16xf32>
        %add3A_768 = arith.addf %broadcast_in_dim3A_764, %add3A_767 : vector<16xf32>
        %mul3A_769 = arith.constant 16 : i32
        %mul3A_770 = arith.muli %scan3A_569, %mul3A_769 : i32
        %add3A_771 = arith.constant 5 : i32
        %add3A_772 = arith.addi %mul3A_770, %add3A_771 : i32
        %get3A_773 = arith.constant 2 : i32
        %get3A_774 = arith.index_cast %get3A_773 : i32 to index
        %get3A_775 = arith.index_cast %add3A_772 : i32 to index
        %get3A_776 = arith.constant 0 : index
        %get3A_777 = tpu.vector_load %arg10[%get3A_774, %get3A_775, %get3A_776] {strides = array<i32>} : memref<4x128x32xf32, #tpu.memory_space<vmem>>, vector<1x1x16xf32>,
        %get3A_778 = vector.shape_cast %get3A_777 : vector<1x1x16xf32> to vector<16xf32>
        %mul3A_779 = arith.mulf %get3A_778, %add3A_768 : vector<16xf32>
        %swap3A_780 = arith.constant 2 : i32
        %swap3A_781 = arith.index_cast %swap3A_780 : i32 to index
        %swap3A_782 = arith.index_cast %add3A_772 : i32 to index
        %swap3A_783 = arith.constant 0 : index
        %swap3A_784 = tpu.vector_load %arg10[%swap3A_781, %swap3A_782, %swap3A_783] {strides = array<i32>} : memref<4x128x32xf32, #tpu.memory_space<vmem>>, vector<1x1x16xf32>,
        %swap3A_785 = vector.shape_cast %swap3A_784 : vector<1x1x16xf32> to vector<16xf32>
        %swap3A_786 = vector.shape_cast %mul3A_779 : vector<16xf32> to vector<1x1x16xf32>
        tpu.vector_store %arg10[%swap3A_781, %swap3A_782, %swap3A_783], %swap3A_786 {strides = array<i32>} : memref<4x128x32xf32, #tpu.memory_space<vmem>>, vector<1x1x16xf32>,
        %get3A_787 = arith.constant 2 : i32
        %get3A_788 = arith.index_cast %get3A_787 : i32 to index
        %get3A_789 = arith.index_cast %add3A_772 : i32 to index
        %get3A_790 = arith.constant 16 : index
        %get3A_791 = tpu.vector_load %arg10[%get3A_788, %get3A_789, %get3A_790] {strides = array<i32>} : memref<4x128x32xf32, #tpu.memory_space<vmem>>, vector<1x1x16xf32>,
        %get3A_792 = vector.shape_cast %get3A_791 : vector<1x1x16xf32> to vector<16xf32>
        %mul3A_793 = arith.mulf %get3A_792, %add3A_768 : vector<16xf32>
        %swap3A_794 = arith.constant 2 : i32
        %swap3A_795 = arith.index_cast %swap3A_794 : i32 to index
        %swap3A_796 = arith.index_cast %add3A_772 : i32 to index
        %swap3A_797 = arith.constant 16 : index
        %swap3A_798 = tpu.vector_load %arg10[%swap3A_795, %swap3A_796, %swap3A_797] {strides = array<i32>} : memref<4x128x32xf32, #tpu.memory_space<vmem>>, vector<1x1x16xf32>,
        %swap3A_799 = vector.shape_cast %swap3A_798 : vector<1x1x16xf32> to vector<16xf32>
        %swap3A_800 = vector.shape_cast %mul3A_793 : vector<16xf32> to vector<1x1x16xf32>
        tpu.vector_store %arg10[%swap3A_795, %swap3A_796, %swap3A_797], %swap3A_800 {strides = array<i32>} : memref<4x128x32xf32, #tpu.memory_space<vmem>>, vector<1x1x16xf32>,
        %broadcast_in_dim3A_801 = arith.constant 0.000000e+00 : f32
        %broadcast_in_dim3A_802 = vector.broadcast %broadcast_in_dim3A_801 : f32 to vector<16xf32>
        %slice3A_803 = vector.extract_strided_slice %get3A_576 {offsets = [6], sizes = [1], strides = [1]} : vector<16xf32> to vector<1xf32>
        %squeeze3A_804 = vector.extract %slice3A_803[0] : f32 from vector<1xf32>
        %add3A_805 = vector.broadcast %squeeze3A_804 : f32 to vector<16xf32>
        %add3A_806 = arith.addf %broadcast_in_dim3A_802, %add3A_805 : vector<16xf32>
        %mul3A_807 = arith.constant 16 : i32
        %mul3A_808 = arith.muli %scan3A_569, %mul3A_807 : i32
        %add3A_809 = arith.constant 6 : i32
        %add3A_810 = arith.addi %mul3A_808, %add3A_809 : i32
        %get3A_811 = arith.constant 2 : i32
        %get3A_812 = arith.index_cast %get3A_811 : i32 to index
        %get3A_813 = arith.index_cast %add3A_810 : i32 to index
        %get3A_814 = arith.constant 0 : index
        %get3A_815 = tpu.vector_load %arg10[%get3A_812, %get3A_813, %get3A_814] {strides = array<i32>} : memref<4x128x32xf32, #tpu.memory_space<vmem>>, vector<1x1x16xf32>,
        %get3A_816 = vector.shape_cast %get3A_815 : vector<1x1x16xf32> to vector<16xf32>
        %mul3A_817 = arith.mulf %get3A_816, %add3A_806 : vector<16xf32>
        %swap3A_818 = arith.constant 2 : i32
        %swap3A_819 = arith.index_cast %swap3A_818 : i32 to index
        %swap3A_820 = arith.index_cast %add3A_810 : i32 to index
        %swap3A_821 = arith.constant 0 : index
        %swap3A_822 = tpu.vector_load %arg10[%swap3A_819, %swap3A_820, %swap3A_821] {strides = array<i32>} : memref<4x128x32xf32, #tpu.memory_space<vmem>>, vector<1x1x16xf32>,
        %swap3A_823 = vector.shape_cast %swap3A_822 : vector<1x1x16xf32> to vector<16xf32>
        %swap3A_824 = vector.shape_cast %mul3A_817 : vector<16xf32> to vector<1x1x16xf32>
        tpu.vector_store %arg10[%swap3A_819, %swap3A_820, %swap3A_821], %swap3A_824 {strides = array<i32>} : memref<4x128x32xf32, #tpu.memory_space<vmem>>, vector<1x1x16xf32>,
        %get3A_825 = arith.constant 2 : i32
        %get3A_826 = arith.index_cast %get3A_825 : i32 to index
        %get3A_827 = arith.index_cast %add3A_810 : i32 to index
        %get3A_828 = arith.constant 16 : index
        %get3A_829 = tpu.vector_load %arg10[%get3A_826, %get3A_827, %get3A_828] {strides = array<i32>} : memref<4x128x32xf32, #tpu.memory_space<vmem>>, vector<1x1x16xf32>,
        %get3A_830 = vector.shape_cast %get3A_829 : vector<1x1x16xf32> to vector<16xf32>
        %mul3A_831 = arith.mulf %get3A_830, %add3A_806 : vector<16xf32>
        %swap3A_832 = arith.constant 2 : i32
        %swap3A_833 = arith.index_cast %swap3A_832 : i32 to index
        %swap3A_834 = arith.index_cast %add3A_810 : i32 to index
        %swap3A_835 = arith.constant 16 : index
        %swap3A_836 = tpu.vector_load %arg10[%swap3A_833, %swap3A_834, %swap3A_835] {strides = array<i32>} : memref<4x128x32xf32, #tpu.memory_space<vmem>>, vector<1x1x16xf32>,
        %swap3A_837 = vector.shape_cast %swap3A_836 : vector<1x1x16xf32> to vector<16xf32>
        %swap3A_838 = vector.shape_cast %mul3A_831 : vector<16xf32> to vector<1x1x16xf32>
        tpu.vector_store %arg10[%swap3A_833, %swap3A_834, %swap3A_835], %swap3A_838 {strides = array<i32>} : memref<4x128x32xf32, #tpu.memory_space<vmem>>, vector<1x1x16xf32>,
        %broadcast_in_dim3A_839 = arith.constant 0.000000e+00 : f32
        %broadcast_in_dim3A_840 = vector.broadcast %broadcast_in_dim3A_839 : f32 to vector<16xf32>
        %slice3A_841 = vector.extract_strided_slice %get3A_576 {offsets = [7], sizes = [1], strides = [1]} : vector<16xf32> to vector<1xf32>
        %squeeze3A_842 = vector.extract %slice3A_841[0] : f32 from vector<1xf32>
        %add3A_843 = vector.broadcast %squeeze3A_842 : f32 to vector<16xf32>
        %add3A_844 = arith.addf %broadcast_in_dim3A_840, %add3A_843 : vector<16xf32>
        %mul3A_845 = arith.constant 16 : i32
        %mul3A_846 = arith.muli %scan3A_569, %mul3A_845 : i32
        %add3A_847 = arith.constant 7 : i32
        %add3A_848 = arith.addi %mul3A_846, %add3A_847 : i32
        %get3A_849 = arith.constant 2 : i32
        %get3A_850 = arith.index_cast %get3A_849 : i32 to index
        %get3A_851 = arith.index_cast %add3A_848 : i32 to index
        %get3A_852 = arith.constant 0 : index
        %get3A_853 = tpu.vector_load %arg10[%get3A_850, %get3A_851, %get3A_852] {strides = array<i32>} : memref<4x128x32xf32, #tpu.memory_space<vmem>>, vector<1x1x16xf32>,
        %get3A_854 = vector.shape_cast %get3A_853 : vector<1x1x16xf32> to vector<16xf32>
        %mul3A_855 = arith.mulf %get3A_854, %add3A_844 : vector<16xf32>
        %swap3A_856 = arith.constant 2 : i32
        %swap3A_857 = arith.index_cast %swap3A_856 : i32 to index
        %swap3A_858 = arith.index_cast %add3A_848 : i32 to index
        %swap3A_859 = arith.constant 0 : index
        %swap3A_860 = tpu.vector_load %arg10[%swap3A_857, %swap3A_858, %swap3A_859] {strides = array<i32>} : memref<4x128x32xf32, #tpu.memory_space<vmem>>, vector<1x1x16xf32>,
        %swap3A_861 = vector.shape_cast %swap3A_860 : vector<1x1x16xf32> to vector<16xf32>
        %swap3A_862 = vector.shape_cast %mul3A_855 : vector<16xf32> to vector<1x1x16xf32>
        tpu.vector_store %arg10[%swap3A_857, %swap3A_858, %swap3A_859], %swap3A_862 {strides = array<i32>} : memref<4x128x32xf32, #tpu.memory_space<vmem>>, vector<1x1x16xf32>,
        %get3A_863 = arith.constant 2 : i32
        %get3A_864 = arith.index_cast %get3A_863 : i32 to index
        %get3A_865 = arith.index_cast %add3A_848 : i32 to index
        %get3A_866 = arith.constant 16 : index
        %get3A_867 = tpu.vector_load %arg10[%get3A_864, %get3A_865, %get3A_866] {strides = array<i32>} : memref<4x128x32xf32, #tpu.memory_space<vmem>>, vector<1x1x16xf32>,
        %get3A_868 = vector.shape_cast %get3A_867 : vector<1x1x16xf32> to vector<16xf32>
        %mul3A_869 = arith.mulf %get3A_868, %add3A_844 : vector<16xf32>
        %swap3A_870 = arith.constant 2 : i32
        %swap3A_871 = arith.index_cast %swap3A_870 : i32 to index
        %swap3A_872 = arith.index_cast %add3A_848 : i32 to index
        %swap3A_873 = arith.constant 16 : index
        %swap3A_874 = tpu.vector_load %arg10[%swap3A_871, %swap3A_872, %swap3A_873] {strides = array<i32>} : memref<4x128x32xf32, #tpu.memory_space<vmem>>, vector<1x1x16xf32>,
        %swap3A_875 = vector.shape_cast %swap3A_874 : vector<1x1x16xf32> to vector<16xf32>
        %swap3A_876 = vector.shape_cast %mul3A_869 : vector<16xf32> to vector<1x1x16xf32>
        tpu.vector_store %arg10[%swap3A_871, %swap3A_872, %swap3A_873], %swap3A_876 {strides = array<i32>} : memref<4x128x32xf32, #tpu.memory_space<vmem>>, vector<1x1x16xf32>,
        %broadcast_in_dim3A_877 = arith.constant 0.000000e+00 : f32
        %broadcast_in_dim3A_878 = vector.broadcast %broadcast_in_dim3A_877 : f32 to vector<16xf32>
        %slice3A_879 = vector.extract_strided_slice %get3A_576 {offsets = [8], sizes = [1], strides = [1]} : vector<16xf32> to vector<1xf32>
        %squeeze3A_880 = vector.extract %slice3A_879[0] : f32 from vector<1xf32>
        %add3A_881 = vector.broadcast %squeeze3A_880 : f32 to vector<16xf32>
        %add3A_882 = arith.addf %broadcast_in_dim3A_878, %add3A_881 : vector<16xf32>
        %mul3A_883 = arith.constant 16 : i32
        %mul3A_884 = arith.muli %scan3A_569, %mul3A_883 : i32
        %add3A_885 = arith.constant 8 : i32
        %add3A_886 = arith.addi %mul3A_884, %add3A_885 : i32
        %get3A_887 = arith.constant 2 : i32
        %get3A_888 = arith.index_cast %get3A_887 : i32 to index
        %get3A_889 = arith.index_cast %add3A_886 : i32 to index
        %get3A_890 = arith.constant 0 : index
        %get3A_891 = tpu.vector_load %arg10[%get3A_888, %get3A_889, %get3A_890] {strides = array<i32>} : memref<4x128x32xf32, #tpu.memory_space<vmem>>, vector<1x1x16xf32>,
        %get3A_892 = vector.shape_cast %get3A_891 : vector<1x1x16xf32> to vector<16xf32>
        %mul3A_893 = arith.mulf %get3A_892, %add3A_882 : vector<16xf32>
        %swap3A_894 = arith.constant 2 : i32
        %swap3A_895 = arith.index_cast %swap3A_894 : i32 to index
        %swap3A_896 = arith.index_cast %add3A_886 : i32 to index
        %swap3A_897 = arith.constant 0 : index
        %swap3A_898 = tpu.vector_load %arg10[%swap3A_895, %swap3A_896, %swap3A_897] {strides = array<i32>} : memref<4x128x32xf32, #tpu.memory_space<vmem>>, vector<1x1x16xf32>,
        %swap3A_899 = vector.shape_cast %swap3A_898 : vector<1x1x16xf32> to vector<16xf32>
        %swap3A_900 = vector.shape_cast %mul3A_893 : vector<16xf32> to vector<1x1x16xf32>
        tpu.vector_store %arg10[%swap3A_895, %swap3A_896, %swap3A_897], %swap3A_900 {strides = array<i32>} : memref<4x128x32xf32, #tpu.memory_space<vmem>>, vector<1x1x16xf32>,
        %get3A_901 = arith.constant 2 : i32
        %get3A_902 = arith.index_cast %get3A_901 : i32 to index
        %get3A_903 = arith.index_cast %add3A_886 : i32 to index
        %get3A_904 = arith.constant 16 : index
        %get3A_905 = tpu.vector_load %arg10[%get3A_902, %get3A_903, %get3A_904] {strides = array<i32>} : memref<4x128x32xf32, #tpu.memory_space<vmem>>, vector<1x1x16xf32>,
        %get3A_906 = vector.shape_cast %get3A_905 : vector<1x1x16xf32> to vector<16xf32>
        %mul3A_907 = arith.mulf %get3A_906, %add3A_882 : vector<16xf32>
        %swap3A_908 = arith.constant 2 : i32
        %swap3A_909 = arith.index_cast %swap3A_908 : i32 to index
        %swap3A_910 = arith.index_cast %add3A_886 : i32 to index
        %swap3A_911 = arith.constant 16 : index
        %swap3A_912 = tpu.vector_load %arg10[%swap3A_909, %swap3A_910, %swap3A_911] {strides = array<i32>} : memref<4x128x32xf32, #tpu.memory_space<vmem>>, vector<1x1x16xf32>,
        %swap3A_913 = vector.shape_cast %swap3A_912 : vector<1x1x16xf32> to vector<16xf32>
        %swap3A_914 = vector.shape_cast %mul3A_907 : vector<16xf32> to vector<1x1x16xf32>
        tpu.vector_store %arg10[%swap3A_909, %swap3A_910, %swap3A_911], %swap3A_914 {strides = array<i32>} : memref<4x128x32xf32, #tpu.memory_space<vmem>>, vector<1x1x16xf32>,
        %broadcast_in_dim3A_915 = arith.constant 0.000000e+00 : f32
        %broadcast_in_dim3A_916 = vector.broadcast %broadcast_in_dim3A_915 : f32 to vector<16xf32>
        %slice3A_917 = vector.extract_strided_slice %get3A_576 {offsets = [9], sizes = [1], strides = [1]} : vector<16xf32> to vector<1xf32>
        %squeeze3A_918 = vector.extract %slice3A_917[0] : f32 from vector<1xf32>
        %add3A_919 = vector.broadcast %squeeze3A_918 : f32 to vector<16xf32>
        %add3A_920 = arith.addf %broadcast_in_dim3A_916, %add3A_919 : vector<16xf32>
        %mul3A_921 = arith.constant 16 : i32
        %mul3A_922 = arith.muli %scan3A_569, %mul3A_921 : i32
        %add3A_923 = arith.constant 9 : i32
        %add3A_924 = arith.addi %mul3A_922, %add3A_923 : i32
        %get3A_925 = arith.constant 2 : i32
        %get3A_926 = arith.index_cast %get3A_925 : i32 to index
        %get3A_927 = arith.index_cast %add3A_924 : i32 to index
        %get3A_928 = arith.constant 0 : index
        %get3A_929 = tpu.vector_load %arg10[%get3A_926, %get3A_927, %get3A_928] {strides = array<i32>} : memref<4x128x32xf32, #tpu.memory_space<vmem>>, vector<1x1x16xf32>,
        %get3A_930 = vector.shape_cast %get3A_929 : vector<1x1x16xf32> to vector<16xf32>
        %mul3A_931 = arith.mulf %get3A_930, %add3A_920 : vector<16xf32>
        %swap3A_932 = arith.constant 2 : i32
        %swap3A_933 = arith.index_cast %swap3A_932 : i32 to index
        %swap3A_934 = arith.index_cast %add3A_924 : i32 to index
        %swap3A_935 = arith.constant 0 : index
        %swap3A_936 = tpu.vector_load %arg10[%swap3A_933, %swap3A_934, %swap3A_935] {strides = array<i32>} : memref<4x128x32xf32, #tpu.memory_space<vmem>>, vector<1x1x16xf32>,
        %swap3A_937 = vector.shape_cast %swap3A_936 : vector<1x1x16xf32> to vector<16xf32>
        %swap3A_938 = vector.shape_cast %mul3A_931 : vector<16xf32> to vector<1x1x16xf32>
        tpu.vector_store %arg10[%swap3A_933, %swap3A_934, %swap3A_935], %swap3A_938 {strides = array<i32>} : memref<4x128x32xf32, #tpu.memory_space<vmem>>, vector<1x1x16xf32>,
        %get3A_939 = arith.constant 2 : i32
        %get3A_940 = arith.index_cast %get3A_939 : i32 to index
        %get3A_941 = arith.index_cast %add3A_924 : i32 to index
        %get3A_942 = arith.constant 16 : index
        %get3A_943 = tpu.vector_load %arg10[%get3A_940, %get3A_941, %get3A_942] {strides = array<i32>} : memref<4x128x32xf32, #tpu.memory_space<vmem>>, vector<1x1x16xf32>,
        %get3A_944 = vector.shape_cast %get3A_943 : vector<1x1x16xf32> to vector<16xf32>
        %mul3A_945 = arith.mulf %get3A_944, %add3A_920 : vector<16xf32>
        %swap3A_946 = arith.constant 2 : i32
        %swap3A_947 = arith.index_cast %swap3A_946 : i32 to index
        %swap3A_948 = arith.index_cast %add3A_924 : i32 to index
        %swap3A_949 = arith.constant 16 : index
        %swap3A_950 = tpu.vector_load %arg10[%swap3A_947, %swap3A_948, %swap3A_949] {strides = array<i32>} : memref<4x128x32xf32, #tpu.memory_space<vmem>>, vector<1x1x16xf32>,
        %swap3A_951 = vector.shape_cast %swap3A_950 : vector<1x1x16xf32> to vector<16xf32>
        %swap3A_952 = vector.shape_cast %mul3A_945 : vector<16xf32> to vector<1x1x16xf32>
        tpu.vector_store %arg10[%swap3A_947, %swap3A_948, %swap3A_949], %swap3A_952 {strides = array<i32>} : memref<4x128x32xf32, #tpu.memory_space<vmem>>, vector<1x1x16xf32>,
        %broadcast_in_dim3A_953 = arith.constant 0.000000e+00 : f32
        %broadcast_in_dim3A_954 = vector.broadcast %broadcast_in_dim3A_953 : f32 to vector<16xf32>
        %slice3A_955 = vector.extract_strided_slice %get3A_576 {offsets = [10], sizes = [1], strides = [1]} : vector<16xf32> to vector<1xf32>
        %squeeze3A_956 = vector.extract %slice3A_955[0] : f32 from vector<1xf32>
        %add3A_957 = vector.broadcast %squeeze3A_956 : f32 to vector<16xf32>
        %add3A_958 = arith.addf %broadcast_in_dim3A_954, %add3A_957 : vector<16xf32>
        %mul3A_959 = arith.constant 16 : i32
        %mul3A_960 = arith.muli %scan3A_569, %mul3A_959 : i32
        %add3A_961 = arith.constant 10 : i32
        %add3A_962 = arith.addi %mul3A_960, %add3A_961 : i32
        %get3A_963 = arith.constant 2 : i32
        %get3A_964 = arith.index_cast %get3A_963 : i32 to index
        %get3A_965 = arith.index_cast %add3A_962 : i32 to index
        %get3A_966 = arith.constant 0 : index
        %get3A_967 = tpu.vector_load %arg10[%get3A_964, %get3A_965, %get3A_966] {strides = array<i32>} : memref<4x128x32xf32, #tpu.memory_space<vmem>>, vector<1x1x16xf32>,
        %get3A_968 = vector.shape_cast %get3A_967 : vector<1x1x16xf32> to vector<16xf32>
        %mul3A_969 = arith.mulf %get3A_968, %add3A_958 : vector<16xf32>
        %swap3A_970 = arith.constant 2 : i32
        %swap3A_971 = arith.index_cast %swap3A_970 : i32 to index
        %swap3A_972 = arith.index_cast %add3A_962 : i32 to index
        %swap3A_973 = arith.constant 0 : index
        %swap3A_974 = tpu.vector_load %arg10[%swap3A_971, %swap3A_972, %swap3A_973] {strides = array<i32>} : memref<4x128x32xf32, #tpu.memory_space<vmem>>, vector<1x1x16xf32>,
        %swap3A_975 = vector.shape_cast %swap3A_974 : vector<1x1x16xf32> to vector<16xf32>
        %swap3A_976 = vector.shape_cast %mul3A_969 : vector<16xf32> to vector<1x1x16xf32>
        tpu.vector_store %arg10[%swap3A_971, %swap3A_972, %swap3A_973], %swap3A_976 {strides = array<i32>} : memref<4x128x32xf32, #tpu.memory_space<vmem>>, vector<1x1x16xf32>,
        %get3A_977 = arith.constant 2 : i32
        %get3A_978 = arith.index_cast %get3A_977 : i32 to index
        %get3A_979 = arith.index_cast %add3A_962 : i32 to index
        %get3A_980 = arith.constant 16 : index
        %get3A_981 = tpu.vector_load %arg10[%get3A_978, %get3A_979, %get3A_980] {strides = array<i32>} : memref<4x128x32xf32, #tpu.memory_space<vmem>>, vector<1x1x16xf32>,
        %get3A_982 = vector.shape_cast %get3A_981 : vector<1x1x16xf32> to vector<16xf32>
        %mul3A_983 = arith.mulf %get3A_982, %add3A_958 : vector<16xf32>
        %swap3A_984 = arith.constant 2 : i32
        %swap3A_985 = arith.index_cast %swap3A_984 : i32 to index
        %swap3A_986 = arith.index_cast %add3A_962 : i32 to index
        %swap3A_987 = arith.constant 16 : index
        %swap3A_988 = tpu.vector_load %arg10[%swap3A_985, %swap3A_986, %swap3A_987] {strides = array<i32>} : memref<4x128x32xf32, #tpu.memory_space<vmem>>, vector<1x1x16xf32>,
        %swap3A_989 = vector.shape_cast %swap3A_988 : vector<1x1x16xf32> to vector<16xf32>
        %swap3A_990 = vector.shape_cast %mul3A_983 : vector<16xf32> to vector<1x1x16xf32>
        tpu.vector_store %arg10[%swap3A_985, %swap3A_986, %swap3A_987], %swap3A_990 {strides = array<i32>} : memref<4x128x32xf32, #tpu.memory_space<vmem>>, vector<1x1x16xf32>,
        %broadcast_in_dim3A_991 = arith.constant 0.000000e+00 : f32
        %broadcast_in_dim3A_992 = vector.broadcast %broadcast_in_dim3A_991 : f32 to vector<16xf32>
        %slice3A_993 = vector.extract_strided_slice %get3A_576 {offsets = [11], sizes = [1], strides = [1]} : vector<16xf32> to vector<1xf32>
        %squeeze3A_994 = vector.extract %slice3A_993[0] : f32 from vector<1xf32>
        %add3A_995 = vector.broadcast %squeeze3A_994 : f32 to vector<16xf32>
        %add3A_996 = arith.addf %broadcast_in_dim3A_992, %add3A_995 : vector<16xf32>
        %mul3A_997 = arith.constant 16 : i32
        %mul3A_998 = arith.muli %scan3A_569, %mul3A_997 : i32
        %add3A_999 = arith.constant 11 : i32
        %add3A_1000 = arith.addi %mul3A_998, %add3A_999 : i32
        %get3A_1001 = arith.constant 2 : i32
        %get3A_1002 = arith.index_cast %get3A_1001 : i32 to index
        %get3A_1003 = arith.index_cast %add3A_1000 : i32 to index
        %get3A_1004 = arith.constant 0 : index
        %get3A_1005 = tpu.vector_load %arg10[%get3A_1002, %get3A_1003, %get3A_1004] {strides = array<i32>} : memref<4x128x32xf32, #tpu.memory_space<vmem>>, vector<1x1x16xf32>,
        %get3A_1006 = vector.shape_cast %get3A_1005 : vector<1x1x16xf32> to vector<16xf32>
        %mul3A_1007 = arith.mulf %get3A_1006, %add3A_996 : vector<16xf32>
        %swap3A_1008 = arith.constant 2 : i32
        %swap3A_1009 = arith.index_cast %swap3A_1008 : i32 to index
        %swap3A_1010 = arith.index_cast %add3A_1000 : i32 to index
        %swap3A_1011 = arith.constant 0 : index
        %swap3A_1012 = tpu.vector_load %arg10[%swap3A_1009, %swap3A_1010, %swap3A_1011] {strides = array<i32>} : memref<4x128x32xf32, #tpu.memory_space<vmem>>, vector<1x1x16xf32>,
        %swap3A_1013 = vector.shape_cast %swap3A_1012 : vector<1x1x16xf32> to vector<16xf32>
        %swap3A_1014 = vector.shape_cast %mul3A_1007 : vector<16xf32> to vector<1x1x16xf32>
        tpu.vector_store %arg10[%swap3A_1009, %swap3A_1010, %swap3A_1011], %swap3A_1014 {strides = array<i32>} : memref<4x128x32xf32, #tpu.memory_space<vmem>>, vector<1x1x16xf32>,
        %get3A_1015 = arith.constant 2 : i32
        %get3A_1016 = arith.index_cast %get3A_1015 : i32 to index
        %get3A_1017 = arith.index_cast %add3A_1000 : i32 to index
        %get3A_1018 = arith.constant 16 : index
        %get3A_1019 = tpu.vector_load %arg10[%get3A_1016, %get3A_1017, %get3A_1018] {strides = array<i32>} : memref<4x128x32xf32, #tpu.memory_space<vmem>>, vector<1x1x16xf32>,
        %get3A_1020 = vector.shape_cast %get3A_1019 : vector<1x1x16xf32> to vector<16xf32>
        %mul3A_1021 = arith.mulf %get3A_1020, %add3A_996 : vector<16xf32>
        %swap3A_1022 = arith.constant 2 : i32
        %swap3A_1023 = arith.index_cast %swap3A_1022 : i32 to index
        %swap3A_1024 = arith.index_cast %add3A_1000 : i32 to index
        %swap3A_1025 = arith.constant 16 : index
        %swap3A_1026 = tpu.vector_load %arg10[%swap3A_1023, %swap3A_1024, %swap3A_1025] {strides = array<i32>} : memref<4x128x32xf32, #tpu.memory_space<vmem>>, vector<1x1x16xf32>,
        %swap3A_1027 = vector.shape_cast %swap3A_1026 : vector<1x1x16xf32> to vector<16xf32>
        %swap3A_1028 = vector.shape_cast %mul3A_1021 : vector<16xf32> to vector<1x1x16xf32>
        tpu.vector_store %arg10[%swap3A_1023, %swap3A_1024, %swap3A_1025], %swap3A_1028 {strides = array<i32>} : memref<4x128x32xf32, #tpu.memory_space<vmem>>, vector<1x1x16xf32>,
        %broadcast_in_dim3A_1029 = arith.constant 0.000000e+00 : f32
        %broadcast_in_dim3A_1030 = vector.broadcast %broadcast_in_dim3A_1029 : f32 to vector<16xf32>
        %slice3A_1031 = vector.extract_strided_slice %get3A_576 {offsets = [12], sizes = [1], strides = [1]} : vector<16xf32> to vector<1xf32>
        %squeeze3A_1032 = vector.extract %slice3A_1031[0] : f32 from vector<1xf32>
        %add3A_1033 = vector.broadcast %squeeze3A_1032 : f32 to vector<16xf32>
        %add3A_1034 = arith.addf %broadcast_in_dim3A_1030, %add3A_1033 : vector<16xf32>
        %mul3A_1035 = arith.constant 16 : i32
        %mul3A_1036 = arith.muli %scan3A_569, %mul3A_1035 : i32
        %add3A_1037 = arith.constant 12 : i32
        %add3A_1038 = arith.addi %mul3A_1036, %add3A_1037 : i32
        %get3A_1039 = arith.constant 2 : i32
        %get3A_1040 = arith.index_cast %get3A_1039 : i32 to index
        %get3A_1041 = arith.index_cast %add3A_1038 : i32 to index
        %get3A_1042 = arith.constant 0 : index
        %get3A_1043 = tpu.vector_load %arg10[%get3A_1040, %get3A_1041, %get3A_1042] {strides = array<i32>} : memref<4x128x32xf32, #tpu.memory_space<vmem>>, vector<1x1x16xf32>,
        %get3A_1044 = vector.shape_cast %get3A_1043 : vector<1x1x16xf32> to vector<16xf32>
        %mul3A_1045 = arith.mulf %get3A_1044, %add3A_1034 : vector<16xf32>
        %swap3A_1046 = arith.constant 2 : i32
        %swap3A_1047 = arith.index_cast %swap3A_1046 : i32 to index
        %swap3A_1048 = arith.index_cast %add3A_1038 : i32 to index
        %swap3A_1049 = arith.constant 0 : index
        %swap3A_1050 = tpu.vector_load %arg10[%swap3A_1047, %swap3A_1048, %swap3A_1049] {strides = array<i32>} : memref<4x128x32xf32, #tpu.memory_space<vmem>>, vector<1x1x16xf32>,
        %swap3A_1051 = vector.shape_cast %swap3A_1050 : vector<1x1x16xf32> to vector<16xf32>
        %swap3A_1052 = vector.shape_cast %mul3A_1045 : vector<16xf32> to vector<1x1x16xf32>
        tpu.vector_store %arg10[%swap3A_1047, %swap3A_1048, %swap3A_1049], %swap3A_1052 {strides = array<i32>} : memref<4x128x32xf32, #tpu.memory_space<vmem>>, vector<1x1x16xf32>,
        %get3A_1053 = arith.constant 2 : i32
        %get3A_1054 = arith.index_cast %get3A_1053 : i32 to index
        %get3A_1055 = arith.index_cast %add3A_1038 : i32 to index
        %get3A_1056 = arith.constant 16 : index
        %get3A_1057 = tpu.vector_load %arg10[%get3A_1054, %get3A_1055, %get3A_1056] {strides = array<i32>} : memref<4x128x32xf32, #tpu.memory_space<vmem>>, vector<1x1x16xf32>,
        %get3A_1058 = vector.shape_cast %get3A_1057 : vector<1x1x16xf32> to vector<16xf32>
        %mul3A_1059 = arith.mulf %get3A_1058, %add3A_1034 : vector<16xf32>
        %swap3A_1060 = arith.constant 2 : i32
        %swap3A_1061 = arith.index_cast %swap3A_1060 : i32 to index
        %swap3A_1062 = arith.index_cast %add3A_1038 : i32 to index
        %swap3A_1063 = arith.constant 16 : index
        %swap3A_1064 = tpu.vector_load %arg10[%swap3A_1061, %swap3A_1062, %swap3A_1063] {strides = array<i32>} : memref<4x128x32xf32, #tpu.memory_space<vmem>>, vector<1x1x16xf32>,
        %swap3A_1065 = vector.shape_cast %swap3A_1064 : vector<1x1x16xf32> to vector<16xf32>
        %swap3A_1066 = vector.shape_cast %mul3A_1059 : vector<16xf32> to vector<1x1x16xf32>
        tpu.vector_store %arg10[%swap3A_1061, %swap3A_1062, %swap3A_1063], %swap3A_1066 {strides = array<i32>} : memref<4x128x32xf32, #tpu.memory_space<vmem>>, vector<1x1x16xf32>,
        %broadcast_in_dim3A_1067 = arith.constant 0.000000e+00 : f32
        %broadcast_in_dim3A_1068 = vector.broadcast %broadcast_in_dim3A_1067 : f32 to vector<16xf32>
        %slice3A_1069 = vector.extract_strided_slice %get3A_576 {offsets = [13], sizes = [1], strides = [1]} : vector<16xf32> to vector<1xf32>
        %squeeze3A_1070 = vector.extract %slice3A_1069[0] : f32 from vector<1xf32>
        %add3A_1071 = vector.broadcast %squeeze3A_1070 : f32 to vector<16xf32>
        %add3A_1072 = arith.addf %broadcast_in_dim3A_1068, %add3A_1071 : vector<16xf32>
        %mul3A_1073 = arith.constant 16 : i32
        %mul3A_1074 = arith.muli %scan3A_569, %mul3A_1073 : i32
        %add3A_1075 = arith.constant 13 : i32
        %add3A_1076 = arith.addi %mul3A_1074, %add3A_1075 : i32
        %get3A_1077 = arith.constant 2 : i32
        %get3A_1078 = arith.index_cast %get3A_1077 : i32 to index
        %get3A_1079 = arith.index_cast %add3A_1076 : i32 to index
        %get3A_1080 = arith.constant 0 : index
        %get3A_1081 = tpu.vector_load %arg10[%get3A_1078, %get3A_1079, %get3A_1080] {strides = array<i32>} : memref<4x128x32xf32, #tpu.memory_space<vmem>>, vector<1x1x16xf32>,
        %get3A_1082 = vector.shape_cast %get3A_1081 : vector<1x1x16xf32> to vector<16xf32>
        %mul3A_1083 = arith.mulf %get3A_1082, %add3A_1072 : vector<16xf32>
        %swap3A_1084 = arith.constant 2 : i32
        %swap3A_1085 = arith.index_cast %swap3A_1084 : i32 to index
        %swap3A_1086 = arith.index_cast %add3A_1076 : i32 to index
        %swap3A_1087 = arith.constant 0 : index
        %swap3A_1088 = tpu.vector_load %arg10[%swap3A_1085, %swap3A_1086, %swap3A_1087] {strides = array<i32>} : memref<4x128x32xf32, #tpu.memory_space<vmem>>, vector<1x1x16xf32>,
        %swap3A_1089 = vector.shape_cast %swap3A_1088 : vector<1x1x16xf32> to vector<16xf32>
        %swap3A_1090 = vector.shape_cast %mul3A_1083 : vector<16xf32> to vector<1x1x16xf32>
        tpu.vector_store %arg10[%swap3A_1085, %swap3A_1086, %swap3A_1087], %swap3A_1090 {strides = array<i32>} : memref<4x128x32xf32, #tpu.memory_space<vmem>>, vector<1x1x16xf32>,
        %get3A_1091 = arith.constant 2 : i32
        %get3A_1092 = arith.index_cast %get3A_1091 : i32 to index
        %get3A_1093 = arith.index_cast %add3A_1076 : i32 to index
        %get3A_1094 = arith.constant 16 : index
        %get3A_1095 = tpu.vector_load %arg10[%get3A_1092, %get3A_1093, %get3A_1094] {strides = array<i32>} : memref<4x128x32xf32, #tpu.memory_space<vmem>>, vector<1x1x16xf32>,
        %get3A_1096 = vector.shape_cast %get3A_1095 : vector<1x1x16xf32> to vector<16xf32>
        %mul3A_1097 = arith.mulf %get3A_1096, %add3A_1072 : vector<16xf32>
        %swap3A_1098 = arith.constant 2 : i32
        %swap3A_1099 = arith.index_cast %swap3A_1098 : i32 to index
        %swap3A_1100 = arith.index_cast %add3A_1076 : i32 to index
        %swap3A_1101 = arith.constant 16 : index
        %swap3A_1102 = tpu.vector_load %arg10[%swap3A_1099, %swap3A_1100, %swap3A_1101] {strides = array<i32>} : memref<4x128x32xf32, #tpu.memory_space<vmem>>, vector<1x1x16xf32>,
        %swap3A_1103 = vector.shape_cast %swap3A_1102 : vector<1x1x16xf32> to vector<16xf32>
        %swap3A_1104 = vector.shape_cast %mul3A_1097 : vector<16xf32> to vector<1x1x16xf32>
        tpu.vector_store %arg10[%swap3A_1099, %swap3A_1100, %swap3A_1101], %swap3A_1104 {strides = array<i32>} : memref<4x128x32xf32, #tpu.memory_space<vmem>>, vector<1x1x16xf32>,
        %broadcast_in_dim3A_1105 = arith.constant 0.000000e+00 : f32
        %broadcast_in_dim3A_1106 = vector.broadcast %broadcast_in_dim3A_1105 : f32 to vector<16xf32>
        %slice3A_1107 = vector.extract_strided_slice %get3A_576 {offsets = [14], sizes = [1], strides = [1]} : vector<16xf32> to vector<1xf32>
        %squeeze3A_1108 = vector.extract %slice3A_1107[0] : f32 from vector<1xf32>
        %add3A_1109 = vector.broadcast %squeeze3A_1108 : f32 to vector<16xf32>
        %add3A_1110 = arith.addf %broadcast_in_dim3A_1106, %add3A_1109 : vector<16xf32>
        %mul3A_1111 = arith.constant 16 : i32
        %mul3A_1112 = arith.muli %scan3A_569, %mul3A_1111 : i32
        %add3A_1113 = arith.constant 14 : i32
        %add3A_1114 = arith.addi %mul3A_1112, %add3A_1113 : i32
        %get3A_1115 = arith.constant 2 : i32
        %get3A_1116 = arith.index_cast %get3A_1115 : i32 to index
        %get3A_1117 = arith.index_cast %add3A_1114 : i32 to index
        %get3A_1118 = arith.constant 0 : index
        %get3A_1119 = tpu.vector_load %arg10[%get3A_1116, %get3A_1117, %get3A_1118] {strides = array<i32>} : memref<4x128x32xf32, #tpu.memory_space<vmem>>, vector<1x1x16xf32>,
        %get3A_1120 = vector.shape_cast %get3A_1119 : vector<1x1x16xf32> to vector<16xf32>
        %mul3A_1121 = arith.mulf %get3A_1120, %add3A_1110 : vector<16xf32>
        %swap3A_1122 = arith.constant 2 : i32
        %swap3A_1123 = arith.index_cast %swap3A_1122 : i32 to index
        %swap3A_1124 = arith.index_cast %add3A_1114 : i32 to index
        %swap3A_1125 = arith.constant 0 : index
        %swap3A_1126 = tpu.vector_load %arg10[%swap3A_1123, %swap3A_1124, %swap3A_1125] {strides = array<i32>} : memref<4x128x32xf32, #tpu.memory_space<vmem>>, vector<1x1x16xf32>,
        %swap3A_1127 = vector.shape_cast %swap3A_1126 : vector<1x1x16xf32> to vector<16xf32>
        %swap3A_1128 = vector.shape_cast %mul3A_1121 : vector<16xf32> to vector<1x1x16xf32>
        tpu.vector_store %arg10[%swap3A_1123, %swap3A_1124, %swap3A_1125], %swap3A_1128 {strides = array<i32>} : memref<4x128x32xf32, #tpu.memory_space<vmem>>, vector<1x1x16xf32>,
        %get3A_1129 = arith.constant 2 : i32
        %get3A_1130 = arith.index_cast %get3A_1129 : i32 to index
        %get3A_1131 = arith.index_cast %add3A_1114 : i32 to index
        %get3A_1132 = arith.constant 16 : index
        %get3A_1133 = tpu.vector_load %arg10[%get3A_1130, %get3A_1131, %get3A_1132] {strides = array<i32>} : memref<4x128x32xf32, #tpu.memory_space<vmem>>, vector<1x1x16xf32>,
        %get3A_1134 = vector.shape_cast %get3A_1133 : vector<1x1x16xf32> to vector<16xf32>
        %mul3A_1135 = arith.mulf %get3A_1134, %add3A_1110 : vector<16xf32>
        %swap3A_1136 = arith.constant 2 : i32
        %swap3A_1137 = arith.index_cast %swap3A_1136 : i32 to index
        %swap3A_1138 = arith.index_cast %add3A_1114 : i32 to index
        %swap3A_1139 = arith.constant 16 : index
        %swap3A_1140 = tpu.vector_load %arg10[%swap3A_1137, %swap3A_1138, %swap3A_1139] {strides = array<i32>} : memref<4x128x32xf32, #tpu.memory_space<vmem>>, vector<1x1x16xf32>,
        %swap3A_1141 = vector.shape_cast %swap3A_1140 : vector<1x1x16xf32> to vector<16xf32>
        %swap3A_1142 = vector.shape_cast %mul3A_1135 : vector<16xf32> to vector<1x1x16xf32>
        tpu.vector_store %arg10[%swap3A_1137, %swap3A_1138, %swap3A_1139], %swap3A_1142 {strides = array<i32>} : memref<4x128x32xf32, #tpu.memory_space<vmem>>, vector<1x1x16xf32>,
        %broadcast_in_dim3A_1143 = arith.constant 0.000000e+00 : f32
        %broadcast_in_dim3A_1144 = vector.broadcast %broadcast_in_dim3A_1143 : f32 to vector<16xf32>
        %slice3A_1145 = vector.extract_strided_slice %get3A_576 {offsets = [15], sizes = [1], strides = [1]} : vector<16xf32> to vector<1xf32>
        %squeeze3A_1146 = vector.extract %slice3A_1145[0] : f32 from vector<1xf32>
        %add3A_1147 = vector.broadcast %squeeze3A_1146 : f32 to vector<16xf32>
        %add3A_1148 = arith.addf %broadcast_in_dim3A_1144, %add3A_1147 : vector<16xf32>
        %mul3A_1149 = arith.constant 16 : i32
        %mul3A_1150 = arith.muli %scan3A_569, %mul3A_1149 : i32
        %add3A_1151 = arith.constant 15 : i32
        %add3A_1152 = arith.addi %mul3A_1150, %add3A_1151 : i32
        %get3A_1153 = arith.constant 2 : i32
        %get3A_1154 = arith.index_cast %get3A_1153 : i32 to index
        %get3A_1155 = arith.index_cast %add3A_1152 : i32 to index
        %get3A_1156 = arith.constant 0 : index
        %get3A_1157 = tpu.vector_load %arg10[%get3A_1154, %get3A_1155, %get3A_1156] {strides = array<i32>} : memref<4x128x32xf32, #tpu.memory_space<vmem>>, vector<1x1x16xf32>,
        %get3A_1158 = vector.shape_cast %get3A_1157 : vector<1x1x16xf32> to vector<16xf32>
        %mul3A_1159 = arith.mulf %get3A_1158, %add3A_1148 : vector<16xf32>
        %swap3A_1160 = arith.constant 2 : i32
        %swap3A_1161 = arith.index_cast %swap3A_1160 : i32 to index
        %swap3A_1162 = arith.index_cast %add3A_1152 : i32 to index
        %swap3A_1163 = arith.constant 0 : index
        %swap3A_1164 = tpu.vector_load %arg10[%swap3A_1161, %swap3A_1162, %swap3A_1163] {strides = array<i32>} : memref<4x128x32xf32, #tpu.memory_space<vmem>>, vector<1x1x16xf32>,
        %swap3A_1165 = vector.shape_cast %swap3A_1164 : vector<1x1x16xf32> to vector<16xf32>
        %swap3A_1166 = vector.shape_cast %mul3A_1159 : vector<16xf32> to vector<1x1x16xf32>
        tpu.vector_store %arg10[%swap3A_1161, %swap3A_1162, %swap3A_1163], %swap3A_1166 {strides = array<i32>} : memref<4x128x32xf32, #tpu.memory_space<vmem>>, vector<1x1x16xf32>,
        %get3A_1167 = arith.constant 2 : i32
        %get3A_1168 = arith.index_cast %get3A_1167 : i32 to index
        %get3A_1169 = arith.index_cast %add3A_1152 : i32 to index
        %get3A_1170 = arith.constant 16 : index
        %get3A_1171 = tpu.vector_load %arg10[%get3A_1168, %get3A_1169, %get3A_1170] {strides = array<i32>} : memref<4x128x32xf32, #tpu.memory_space<vmem>>, vector<1x1x16xf32>,
        %get3A_1172 = vector.shape_cast %get3A_1171 : vector<1x1x16xf32> to vector<16xf32>
        %mul3A_1173 = arith.mulf %get3A_1172, %add3A_1148 : vector<16xf32>
        %swap3A_1174 = arith.constant 2 : i32
        %swap3A_1175 = arith.index_cast %swap3A_1174 : i32 to index
        %swap3A_1176 = arith.index_cast %add3A_1152 : i32 to index
        %swap3A_1177 = arith.constant 16 : index
        %swap3A_1178 = tpu.vector_load %arg10[%swap3A_1175, %swap3A_1176, %swap3A_1177] {strides = array<i32>} : memref<4x128x32xf32, #tpu.memory_space<vmem>>, vector<1x1x16xf32>,
        %swap3A_1179 = vector.shape_cast %swap3A_1178 : vector<1x1x16xf32> to vector<16xf32>
        %swap3A_1180 = vector.shape_cast %mul3A_1173 : vector<16xf32> to vector<1x1x16xf32>
        tpu.vector_store %arg10[%swap3A_1175, %swap3A_1176, %swap3A_1177], %swap3A_1180 {strides = array<i32>} : memref<4x128x32xf32, #tpu.memory_space<vmem>>, vector<1x1x16xf32>,
        %scan3A_1181 = arith.constant 0 : i32
        scf.yield %scan3A_1181 : i32
      }
      %scan3A_476 = arith.constant 8 : i32
      %dma_start3A_477 = arith.constant 2 : i32
      %dma_start3A_478 = arith.constant 2 : i32
      %dma_start3A_479 = arith.constant 0 : i32
      %dma_start3A_480 = arith.constant 0 : i32
      %dma_start3A_481 = tpu.memref_slice %arg10[%dma_start3A_477, %dma_start3A_479, %dma_start3A_480] : memref<4x128x32xf32, #tpu.memory_space<vmem>> -> memref<1x128x32xf32, #tpu.memory_space<vmem>>
      %dma_start3A_482 = tpu.memref_squeeze %dma_start3A_481 : memref<1x128x32xf32, #tpu.memory_space<vmem>> -> memref<128x32xf32, #tpu.memory_space<vmem>>
      %dma_start3A_483 = arith.constant 0 : i32
      %dma_start3A_484 = tpu.memref_slice %arg8[%dma_start3A_478, %dma_start3A_483] : memref<4x128xi32, #tpu.memory_space<vmem>> -> memref<1x128xi32, #tpu.memory_space<vmem>>
      %dma_start3A_485 = tpu.memref_squeeze %dma_start3A_484 : memref<1x128xi32, #tpu.memory_space<vmem>> -> memref<128xi32, #tpu.memory_space<vmem>>
      %dma_start3A_486 = arith.constant 0 : i32
      %dma_start3A_487 = arith.constant 0 : i32
      %dma_start3A_488 = tpu.memref_slice %arg12[%dma_start3A_486, %dma_start3A_487] : memref<51200x32xf32, #tpu.memory_space<vmem_shared>> -> memref<51200x32xf32, #tpu.memory_space<vmem_shared>>
      tpu.enqueue_indirect_dma source(%dma_start3A_482 : memref<128x32xf32, #tpu.memory_space<vmem>>) target(%dma_start3A_488 : memref<51200x32xf32, #tpu.memory_space<vmem_shared>>) offsets(%dma_start3A_485 : memref<128xi32, #tpu.memory_space<vmem>>) semaphore(%arg14 : memref<!tpu.dma_semaphore, #tpu.memory_space<semaphore_mem>>) {add = true}
      %dma_wait3A_489 = arith.constant 3 : i32
      %dma_wait3A_490 = arith.constant 3 : i32
      %dma_wait3A_491 = arith.constant 0 : i32
      %dma_wait3A_492 = arith.constant 0 : i32
      %dma_wait3A_493 = tpu.memref_slice %arg10[%dma_wait3A_490, %dma_wait3A_491, %dma_wait3A_492] : memref<4x128x32xf32, #tpu.memory_space<vmem>> -> memref<1x128x32xf32, #tpu.memory_space<vmem>>
      %dma_wait3A_494 = tpu.memref_squeeze %dma_wait3A_493 : memref<1x128x32xf32, #tpu.memory_space<vmem>> -> memref<128x32xf32, #tpu.memory_space<vmem>>
      %dma_wait3A_495 = arith.constant 0 : i32
      %dma_wait3A_496 = tpu.memref_slice %arg7[%dma_wait3A_489, %dma_wait3A_495] : memref<4x128xi32, #tpu.memory_space<vmem>> -> memref<1x128xi32, #tpu.memory_space<vmem>>
      %dma_wait3A_497 = tpu.memref_squeeze %dma_wait3A_496 : memref<1x128xi32, #tpu.memory_space<vmem>> -> memref<128xi32, #tpu.memory_space<vmem>>
      %dma_wait3A_498 = arith.constant 0 : i32
      %dma_wait3A_499 = arith.constant 0 : i32
      %dma_wait3A_500 = tpu.memref_slice %arg5[%dma_wait3A_498, %dma_wait3A_499] : memref<51200x32xf32, #tpu.memory_space<hbm>> -> memref<51200x32xf32, #tpu.memory_space<hbm>>
      tpu.wait_indirect_dma semaphore(%arg13 : memref<!tpu.dma_semaphore, #tpu.memory_space<semaphore_mem>>) src(%dma_wait3A_500 : memref<51200x32xf32, #tpu.memory_space<hbm>>) dst(%dma_wait3A_494 : memref<128x32xf32, #tpu.memory_space<vmem>>)
      %scan3A_501 = arith.constant 0 : i32
      %scan3A_502 = arith.constant 0 : i32
      %scan3A_503 = arith.constant 8 : i32
      %scan3A_504 = arith.addi %scan3A_502, %scan3A_503 : i32
      %scan3A_505 = arith.constant 1 : i32
      %scan3A_506 = scf.for %scan3A_569 = %scan3A_502 to %scan3A_504 step %scan3A_505 iter_args(%scan3A_570 = %scan3A_501) -> (i32)  : i32 {
        %mul3A_571 = arith.constant 16 : i32
        %mul3A_572 = arith.muli %scan3A_569, %mul3A_571 : i32
        %get3A = arith.constant 3 : i32
        %get3A_573 = arith.index_cast %get3A : i32 to index
        %get3A_574 = arith.index_cast %mul3A_572 : i32 to index
        %get3A_575 = tpu.vector_load %arg9[%get3A_573, %get3A_574] {strides = array<i32>} : memref<4x128xf32, #tpu.memory_space<vmem>>, vector<1x16xf32>,
        %get3A_576 = vector.shape_cast %get3A_575 : vector<1x16xf32> to vector<16xf32>
        %broadcast_in_dim3A = arith.constant 0.000000e+00 : f32
        %broadcast_in_dim3A_577 = vector.broadcast %broadcast_in_dim3A : f32 to vector<16xf32>
        %slice3A = vector.extract_strided_slice %get3A_576 {offsets = [0], sizes = [1], strides = [1]} : vector<16xf32> to vector<1xf32>
        %squeeze3A = vector.extract %slice3A[0] : f32 from vector<1xf32>
        %add3A_578 = vector.broadcast %squeeze3A : f32 to vector<16xf32>
        %add3A_579 = arith.addf %broadcast_in_dim3A_577, %add3A_578 : vector<16xf32>
        %mul3A_580 = arith.constant 16 : i32
        %mul3A_581 = arith.muli %scan3A_569, %mul3A_580 : i32
        %add3A_582 = arith.constant 0 : i32
        %add3A_583 = arith.addi %mul3A_581, %add3A_582 : i32
        %get3A_584 = arith.constant 3 : i32
        %get3A_585 = arith.index_cast %get3A_584 : i32 to index
        %get3A_586 = arith.index_cast %add3A_583 : i32 to index
        %get3A_587 = arith.constant 0 : index
        %get3A_588 = tpu.vector_load %arg10[%get3A_585, %get3A_586, %get3A_587] {strides = array<i32>} : memref<4x128x32xf32, #tpu.memory_space<vmem>>, vector<1x1x16xf32>,
        %get3A_589 = vector.shape_cast %get3A_588 : vector<1x1x16xf32> to vector<16xf32>
        %mul3A_590 = arith.mulf %get3A_589, %add3A_579 : vector<16xf32>
        %swap3A = arith.constant 3 : i32
        %swap3A_591 = arith.index_cast %swap3A : i32 to index
        %swap3A_592 = arith.index_cast %add3A_583 : i32 to index
        %swap3A_593 = arith.constant 0 : index
        %swap3A_594 = tpu.vector_load %arg10[%swap3A_591, %swap3A_592, %swap3A_593] {strides = array<i32>} : memref<4x128x32xf32, #tpu.memory_space<vmem>>, vector<1x1x16xf32>,
        %swap3A_595 = vector.shape_cast %swap3A_594 : vector<1x1x16xf32> to vector<16xf32>
        %swap3A_596 = vector.shape_cast %mul3A_590 : vector<16xf32> to vector<1x1x16xf32>
        tpu.vector_store %arg10[%swap3A_591, %swap3A_592, %swap3A_593], %swap3A_596 {strides = array<i32>} : memref<4x128x32xf32, #tpu.memory_space<vmem>>, vector<1x1x16xf32>,
        %get3A_597 = arith.constant 3 : i32
        %get3A_598 = arith.index_cast %get3A_597 : i32 to index
        %get3A_599 = arith.index_cast %add3A_583 : i32 to index
        %get3A_600 = arith.constant 16 : index
        %get3A_601 = tpu.vector_load %arg10[%get3A_598, %get3A_599, %get3A_600] {strides = array<i32>} : memref<4x128x32xf32, #tpu.memory_space<vmem>>, vector<1x1x16xf32>,
        %get3A_602 = vector.shape_cast %get3A_601 : vector<1x1x16xf32> to vector<16xf32>
        %mul3A_603 = arith.mulf %get3A_602, %add3A_579 : vector<16xf32>
        %swap3A_604 = arith.constant 3 : i32
        %swap3A_605 = arith.index_cast %swap3A_604 : i32 to index
        %swap3A_606 = arith.index_cast %add3A_583 : i32 to index
        %swap3A_607 = arith.constant 16 : index
        %swap3A_608 = tpu.vector_load %arg10[%swap3A_605, %swap3A_606, %swap3A_607] {strides = array<i32>} : memref<4x128x32xf32, #tpu.memory_space<vmem>>, vector<1x1x16xf32>,
        %swap3A_609 = vector.shape_cast %swap3A_608 : vector<1x1x16xf32> to vector<16xf32>
        %swap3A_610 = vector.shape_cast %mul3A_603 : vector<16xf32> to vector<1x1x16xf32>
        tpu.vector_store %arg10[%swap3A_605, %swap3A_606, %swap3A_607], %swap3A_610 {strides = array<i32>} : memref<4x128x32xf32, #tpu.memory_space<vmem>>, vector<1x1x16xf32>,
        %broadcast_in_dim3A_611 = arith.constant 0.000000e+00 : f32
        %broadcast_in_dim3A_612 = vector.broadcast %broadcast_in_dim3A_611 : f32 to vector<16xf32>
        %slice3A_613 = vector.extract_strided_slice %get3A_576 {offsets = [1], sizes = [1], strides = [1]} : vector<16xf32> to vector<1xf32>
        %squeeze3A_614 = vector.extract %slice3A_613[0] : f32 from vector<1xf32>
        %add3A_615 = vector.broadcast %squeeze3A_614 : f32 to vector<16xf32>
        %add3A_616 = arith.addf %broadcast_in_dim3A_612, %add3A_615 : vector<16xf32>
        %mul3A_617 = arith.constant 16 : i32
        %mul3A_618 = arith.muli %scan3A_569, %mul3A_617 : i32
        %add3A_619 = arith.constant 1 : i32
        %add3A_620 = arith.addi %mul3A_618, %add3A_619 : i32
        %get3A_621 = arith.constant 3 : i32
        %get3A_622 = arith.index_cast %get3A_621 : i32 to index
        %get3A_623 = arith.index_cast %add3A_620 : i32 to index
        %get3A_624 = arith.constant 0 : index
        %get3A_625 = tpu.vector_load %arg10[%get3A_622, %get3A_623, %get3A_624] {strides = array<i32>} : memref<4x128x32xf32, #tpu.memory_space<vmem>>, vector<1x1x16xf32>,
        %get3A_626 = vector.shape_cast %get3A_625 : vector<1x1x16xf32> to vector<16xf32>
        %mul3A_627 = arith.mulf %get3A_626, %add3A_616 : vector<16xf32>
        %swap3A_628 = arith.constant 3 : i32
        %swap3A_629 = arith.index_cast %swap3A_628 : i32 to index
        %swap3A_630 = arith.index_cast %add3A_620 : i32 to index
        %swap3A_631 = arith.constant 0 : index
        %swap3A_632 = tpu.vector_load %arg10[%swap3A_629, %swap3A_630, %swap3A_631] {strides = array<i32>} : memref<4x128x32xf32, #tpu.memory_space<vmem>>, vector<1x1x16xf32>,
        %swap3A_633 = vector.shape_cast %swap3A_632 : vector<1x1x16xf32> to vector<16xf32>
        %swap3A_634 = vector.shape_cast %mul3A_627 : vector<16xf32> to vector<1x1x16xf32>
        tpu.vector_store %arg10[%swap3A_629, %swap3A_630, %swap3A_631], %swap3A_634 {strides = array<i32>} : memref<4x128x32xf32, #tpu.memory_space<vmem>>, vector<1x1x16xf32>,
        %get3A_635 = arith.constant 3 : i32
        %get3A_636 = arith.index_cast %get3A_635 : i32 to index
        %get3A_637 = arith.index_cast %add3A_620 : i32 to index
        %get3A_638 = arith.constant 16 : index
        %get3A_639 = tpu.vector_load %arg10[%get3A_636, %get3A_637, %get3A_638] {strides = array<i32>} : memref<4x128x32xf32, #tpu.memory_space<vmem>>, vector<1x1x16xf32>,
        %get3A_640 = vector.shape_cast %get3A_639 : vector<1x1x16xf32> to vector<16xf32>
        %mul3A_641 = arith.mulf %get3A_640, %add3A_616 : vector<16xf32>
        %swap3A_642 = arith.constant 3 : i32
        %swap3A_643 = arith.index_cast %swap3A_642 : i32 to index
        %swap3A_644 = arith.index_cast %add3A_620 : i32 to index
        %swap3A_645 = arith.constant 16 : index
        %swap3A_646 = tpu.vector_load %arg10[%swap3A_643, %swap3A_644, %swap3A_645] {strides = array<i32>} : memref<4x128x32xf32, #tpu.memory_space<vmem>>, vector<1x1x16xf32>,
        %swap3A_647 = vector.shape_cast %swap3A_646 : vector<1x1x16xf32> to vector<16xf32>
        %swap3A_648 = vector.shape_cast %mul3A_641 : vector<16xf32> to vector<1x1x16xf32>
        tpu.vector_store %arg10[%swap3A_643, %swap3A_644, %swap3A_645], %swap3A_648 {strides = array<i32>} : memref<4x128x32xf32, #tpu.memory_space<vmem>>, vector<1x1x16xf32>,
        %broadcast_in_dim3A_649 = arith.constant 0.000000e+00 : f32
        %broadcast_in_dim3A_650 = vector.broadcast %broadcast_in_dim3A_649 : f32 to vector<16xf32>
        %slice3A_651 = vector.extract_strided_slice %get3A_576 {offsets = [2], sizes = [1], strides = [1]} : vector<16xf32> to vector<1xf32>
        %squeeze3A_652 = vector.extract %slice3A_651[0] : f32 from vector<1xf32>
        %add3A_653 = vector.broadcast %squeeze3A_652 : f32 to vector<16xf32>
        %add3A_654 = arith.addf %broadcast_in_dim3A_650, %add3A_653 : vector<16xf32>
        %mul3A_655 = arith.constant 16 : i32
        %mul3A_656 = arith.muli %scan3A_569, %mul3A_655 : i32
        %add3A_657 = arith.constant 2 : i32
        %add3A_658 = arith.addi %mul3A_656, %add3A_657 : i32
        %get3A_659 = arith.constant 3 : i32
        %get3A_660 = arith.index_cast %get3A_659 : i32 to index
        %get3A_661 = arith.index_cast %add3A_658 : i32 to index
        %get3A_662 = arith.constant 0 : index
        %get3A_663 = tpu.vector_load %arg10[%get3A_660, %get3A_661, %get3A_662] {strides = array<i32>} : memref<4x128x32xf32, #tpu.memory_space<vmem>>, vector<1x1x16xf32>,
        %get3A_664 = vector.shape_cast %get3A_663 : vector<1x1x16xf32> to vector<16xf32>
        %mul3A_665 = arith.mulf %get3A_664, %add3A_654 : vector<16xf32>
        %swap3A_666 = arith.constant 3 : i32
        %swap3A_667 = arith.index_cast %swap3A_666 : i32 to index
        %swap3A_668 = arith.index_cast %add3A_658 : i32 to index
        %swap3A_669 = arith.constant 0 : index
        %swap3A_670 = tpu.vector_load %arg10[%swap3A_667, %swap3A_668, %swap3A_669] {strides = array<i32>} : memref<4x128x32xf32, #tpu.memory_space<vmem>>, vector<1x1x16xf32>,
        %swap3A_671 = vector.shape_cast %swap3A_670 : vector<1x1x16xf32> to vector<16xf32>
        %swap3A_672 = vector.shape_cast %mul3A_665 : vector<16xf32> to vector<1x1x16xf32>
        tpu.vector_store %arg10[%swap3A_667, %swap3A_668, %swap3A_669], %swap3A_672 {strides = array<i32>} : memref<4x128x32xf32, #tpu.memory_space<vmem>>, vector<1x1x16xf32>,
        %get3A_673 = arith.constant 3 : i32
        %get3A_674 = arith.index_cast %get3A_673 : i32 to index
        %get3A_675 = arith.index_cast %add3A_658 : i32 to index
        %get3A_676 = arith.constant 16 : index
        %get3A_677 = tpu.vector_load %arg10[%get3A_674, %get3A_675, %get3A_676] {strides = array<i32>} : memref<4x128x32xf32, #tpu.memory_space<vmem>>, vector<1x1x16xf32>,
        %get3A_678 = vector.shape_cast %get3A_677 : vector<1x1x16xf32> to vector<16xf32>
        %mul3A_679 = arith.mulf %get3A_678, %add3A_654 : vector<16xf32>
        %swap3A_680 = arith.constant 3 : i32
        %swap3A_681 = arith.index_cast %swap3A_680 : i32 to index
        %swap3A_682 = arith.index_cast %add3A_658 : i32 to index
        %swap3A_683 = arith.constant 16 : index
        %swap3A_684 = tpu.vector_load %arg10[%swap3A_681, %swap3A_682, %swap3A_683] {strides = array<i32>} : memref<4x128x32xf32, #tpu.memory_space<vmem>>, vector<1x1x16xf32>,
        %swap3A_685 = vector.shape_cast %swap3A_684 : vector<1x1x16xf32> to vector<16xf32>
        %swap3A_686 = vector.shape_cast %mul3A_679 : vector<16xf32> to vector<1x1x16xf32>
        tpu.vector_store %arg10[%swap3A_681, %swap3A_682, %swap3A_683], %swap3A_686 {strides = array<i32>} : memref<4x128x32xf32, #tpu.memory_space<vmem>>, vector<1x1x16xf32>,
        %broadcast_in_dim3A_687 = arith.constant 0.000000e+00 : f32
        %broadcast_in_dim3A_688 = vector.broadcast %broadcast_in_dim3A_687 : f32 to vector<16xf32>
        %slice3A_689 = vector.extract_strided_slice %get3A_576 {offsets = [3], sizes = [1], strides = [1]} : vector<16xf32> to vector<1xf32>
        %squeeze3A_690 = vector.extract %slice3A_689[0] : f32 from vector<1xf32>
        %add3A_691 = vector.broadcast %squeeze3A_690 : f32 to vector<16xf32>
        %add3A_692 = arith.addf %broadcast_in_dim3A_688, %add3A_691 : vector<16xf32>
        %mul3A_693 = arith.constant 16 : i32
        %mul3A_694 = arith.muli %scan3A_569, %mul3A_693 : i32
        %add3A_695 = arith.constant 3 : i32
        %add3A_696 = arith.addi %mul3A_694, %add3A_695 : i32
        %get3A_697 = arith.constant 3 : i32
        %get3A_698 = arith.index_cast %get3A_697 : i32 to index
        %get3A_699 = arith.index_cast %add3A_696 : i32 to index
        %get3A_700 = arith.constant 0 : index
        %get3A_701 = tpu.vector_load %arg10[%get3A_698, %get3A_699, %get3A_700] {strides = array<i32>} : memref<4x128x32xf32, #tpu.memory_space<vmem>>, vector<1x1x16xf32>,
        %get3A_702 = vector.shape_cast %get3A_701 : vector<1x1x16xf32> to vector<16xf32>
        %mul3A_703 = arith.mulf %get3A_702, %add3A_692 : vector<16xf32>
        %swap3A_704 = arith.constant 3 : i32
        %swap3A_705 = arith.index_cast %swap3A_704 : i32 to index
        %swap3A_706 = arith.index_cast %add3A_696 : i32 to index
        %swap3A_707 = arith.constant 0 : index
        %swap3A_708 = tpu.vector_load %arg10[%swap3A_705, %swap3A_706, %swap3A_707] {strides = array<i32>} : memref<4x128x32xf32, #tpu.memory_space<vmem>>, vector<1x1x16xf32>,
        %swap3A_709 = vector.shape_cast %swap3A_708 : vector<1x1x16xf32> to vector<16xf32>
        %swap3A_710 = vector.shape_cast %mul3A_703 : vector<16xf32> to vector<1x1x16xf32>
        tpu.vector_store %arg10[%swap3A_705, %swap3A_706, %swap3A_707], %swap3A_710 {strides = array<i32>} : memref<4x128x32xf32, #tpu.memory_space<vmem>>, vector<1x1x16xf32>,
        %get3A_711 = arith.constant 3 : i32
        %get3A_712 = arith.index_cast %get3A_711 : i32 to index
        %get3A_713 = arith.index_cast %add3A_696 : i32 to index
        %get3A_714 = arith.constant 16 : index
        %get3A_715 = tpu.vector_load %arg10[%get3A_712, %get3A_713, %get3A_714] {strides = array<i32>} : memref<4x128x32xf32, #tpu.memory_space<vmem>>, vector<1x1x16xf32>,
        %get3A_716 = vector.shape_cast %get3A_715 : vector<1x1x16xf32> to vector<16xf32>
        %mul3A_717 = arith.mulf %get3A_716, %add3A_692 : vector<16xf32>
        %swap3A_718 = arith.constant 3 : i32
        %swap3A_719 = arith.index_cast %swap3A_718 : i32 to index
        %swap3A_720 = arith.index_cast %add3A_696 : i32 to index
        %swap3A_721 = arith.constant 16 : index
        %swap3A_722 = tpu.vector_load %arg10[%swap3A_719, %swap3A_720, %swap3A_721] {strides = array<i32>} : memref<4x128x32xf32, #tpu.memory_space<vmem>>, vector<1x1x16xf32>,
        %swap3A_723 = vector.shape_cast %swap3A_722 : vector<1x1x16xf32> to vector<16xf32>
        %swap3A_724 = vector.shape_cast %mul3A_717 : vector<16xf32> to vector<1x1x16xf32>
        tpu.vector_store %arg10[%swap3A_719, %swap3A_720, %swap3A_721], %swap3A_724 {strides = array<i32>} : memref<4x128x32xf32, #tpu.memory_space<vmem>>, vector<1x1x16xf32>,
        %broadcast_in_dim3A_725 = arith.constant 0.000000e+00 : f32
        %broadcast_in_dim3A_726 = vector.broadcast %broadcast_in_dim3A_725 : f32 to vector<16xf32>
        %slice3A_727 = vector.extract_strided_slice %get3A_576 {offsets = [4], sizes = [1], strides = [1]} : vector<16xf32> to vector<1xf32>
        %squeeze3A_728 = vector.extract %slice3A_727[0] : f32 from vector<1xf32>
        %add3A_729 = vector.broadcast %squeeze3A_728 : f32 to vector<16xf32>
        %add3A_730 = arith.addf %broadcast_in_dim3A_726, %add3A_729 : vector<16xf32>
        %mul3A_731 = arith.constant 16 : i32
        %mul3A_732 = arith.muli %scan3A_569, %mul3A_731 : i32
        %add3A_733 = arith.constant 4 : i32
        %add3A_734 = arith.addi %mul3A_732, %add3A_733 : i32
        %get3A_735 = arith.constant 3 : i32
        %get3A_736 = arith.index_cast %get3A_735 : i32 to index
        %get3A_737 = arith.index_cast %add3A_734 : i32 to index
        %get3A_738 = arith.constant 0 : index
        %get3A_739 = tpu.vector_load %arg10[%get3A_736, %get3A_737, %get3A_738] {strides = array<i32>} : memref<4x128x32xf32, #tpu.memory_space<vmem>>, vector<1x1x16xf32>,
        %get3A_740 = vector.shape_cast %get3A_739 : vector<1x1x16xf32> to vector<16xf32>
        %mul3A_741 = arith.mulf %get3A_740, %add3A_730 : vector<16xf32>
        %swap3A_742 = arith.constant 3 : i32
        %swap3A_743 = arith.index_cast %swap3A_742 : i32 to index
        %swap3A_744 = arith.index_cast %add3A_734 : i32 to index
        %swap3A_745 = arith.constant 0 : index
        %swap3A_746 = tpu.vector_load %arg10[%swap3A_743, %swap3A_744, %swap3A_745] {strides = array<i32>} : memref<4x128x32xf32, #tpu.memory_space<vmem>>, vector<1x1x16xf32>,
        %swap3A_747 = vector.shape_cast %swap3A_746 : vector<1x1x16xf32> to vector<16xf32>
        %swap3A_748 = vector.shape_cast %mul3A_741 : vector<16xf32> to vector<1x1x16xf32>
        tpu.vector_store %arg10[%swap3A_743, %swap3A_744, %swap3A_745], %swap3A_748 {strides = array<i32>} : memref<4x128x32xf32, #tpu.memory_space<vmem>>, vector<1x1x16xf32>,
        %get3A_749 = arith.constant 3 : i32
        %get3A_750 = arith.index_cast %get3A_749 : i32 to index
        %get3A_751 = arith.index_cast %add3A_734 : i32 to index
        %get3A_752 = arith.constant 16 : index
        %get3A_753 = tpu.vector_load %arg10[%get3A_750, %get3A_751, %get3A_752] {strides = array<i32>} : memref<4x128x32xf32, #tpu.memory_space<vmem>>, vector<1x1x16xf32>,
        %get3A_754 = vector.shape_cast %get3A_753 : vector<1x1x16xf32> to vector<16xf32>
        %mul3A_755 = arith.mulf %get3A_754, %add3A_730 : vector<16xf32>
        %swap3A_756 = arith.constant 3 : i32
        %swap3A_757 = arith.index_cast %swap3A_756 : i32 to index
        %swap3A_758 = arith.index_cast %add3A_734 : i32 to index
        %swap3A_759 = arith.constant 16 : index
        %swap3A_760 = tpu.vector_load %arg10[%swap3A_757, %swap3A_758, %swap3A_759] {strides = array<i32>} : memref<4x128x32xf32, #tpu.memory_space<vmem>>, vector<1x1x16xf32>,
        %swap3A_761 = vector.shape_cast %swap3A_760 : vector<1x1x16xf32> to vector<16xf32>
        %swap3A_762 = vector.shape_cast %mul3A_755 : vector<16xf32> to vector<1x1x16xf32>
        tpu.vector_store %arg10[%swap3A_757, %swap3A_758, %swap3A_759], %swap3A_762 {strides = array<i32>} : memref<4x128x32xf32, #tpu.memory_space<vmem>>, vector<1x1x16xf32>,
        %broadcast_in_dim3A_763 = arith.constant 0.000000e+00 : f32
        %broadcast_in_dim3A_764 = vector.broadcast %broadcast_in_dim3A_763 : f32 to vector<16xf32>
        %slice3A_765 = vector.extract_strided_slice %get3A_576 {offsets = [5], sizes = [1], strides = [1]} : vector<16xf32> to vector<1xf32>
        %squeeze3A_766 = vector.extract %slice3A_765[0] : f32 from vector<1xf32>
        %add3A_767 = vector.broadcast %squeeze3A_766 : f32 to vector<16xf32>
        %add3A_768 = arith.addf %broadcast_in_dim3A_764, %add3A_767 : vector<16xf32>
        %mul3A_769 = arith.constant 16 : i32
        %mul3A_770 = arith.muli %scan3A_569, %mul3A_769 : i32
        %add3A_771 = arith.constant 5 : i32
        %add3A_772 = arith.addi %mul3A_770, %add3A_771 : i32
        %get3A_773 = arith.constant 3 : i32
        %get3A_774 = arith.index_cast %get3A_773 : i32 to index
        %get3A_775 = arith.index_cast %add3A_772 : i32 to index
        %get3A_776 = arith.constant 0 : index
        %get3A_777 = tpu.vector_load %arg10[%get3A_774, %get3A_775, %get3A_776] {strides = array<i32>} : memref<4x128x32xf32, #tpu.memory_space<vmem>>, vector<1x1x16xf32>,
        %get3A_778 = vector.shape_cast %get3A_777 : vector<1x1x16xf32> to vector<16xf32>
        %mul3A_779 = arith.mulf %get3A_778, %add3A_768 : vector<16xf32>
        %swap3A_780 = arith.constant 3 : i32
        %swap3A_781 = arith.index_cast %swap3A_780 : i32 to index
        %swap3A_782 = arith.index_cast %add3A_772 : i32 to index
        %swap3A_783 = arith.constant 0 : index
        %swap3A_784 = tpu.vector_load %arg10[%swap3A_781, %swap3A_782, %swap3A_783] {strides = array<i32>} : memref<4x128x32xf32, #tpu.memory_space<vmem>>, vector<1x1x16xf32>,
        %swap3A_785 = vector.shape_cast %swap3A_784 : vector<1x1x16xf32> to vector<16xf32>
        %swap3A_786 = vector.shape_cast %mul3A_779 : vector<16xf32> to vector<1x1x16xf32>
        tpu.vector_store %arg10[%swap3A_781, %swap3A_782, %swap3A_783], %swap3A_786 {strides = array<i32>} : memref<4x128x32xf32, #tpu.memory_space<vmem>>, vector<1x1x16xf32>,
        %get3A_787 = arith.constant 3 : i32
        %get3A_788 = arith.index_cast %get3A_787 : i32 to index
        %get3A_789 = arith.index_cast %add3A_772 : i32 to index
        %get3A_790 = arith.constant 16 : index
        %get3A_791 = tpu.vector_load %arg10[%get3A_788, %get3A_789, %get3A_790] {strides = array<i32>} : memref<4x128x32xf32, #tpu.memory_space<vmem>>, vector<1x1x16xf32>,
        %get3A_792 = vector.shape_cast %get3A_791 : vector<1x1x16xf32> to vector<16xf32>
        %mul3A_793 = arith.mulf %get3A_792, %add3A_768 : vector<16xf32>
        %swap3A_794 = arith.constant 3 : i32
        %swap3A_795 = arith.index_cast %swap3A_794 : i32 to index
        %swap3A_796 = arith.index_cast %add3A_772 : i32 to index
        %swap3A_797 = arith.constant 16 : index
        %swap3A_798 = tpu.vector_load %arg10[%swap3A_795, %swap3A_796, %swap3A_797] {strides = array<i32>} : memref<4x128x32xf32, #tpu.memory_space<vmem>>, vector<1x1x16xf32>,
        %swap3A_799 = vector.shape_cast %swap3A_798 : vector<1x1x16xf32> to vector<16xf32>
        %swap3A_800 = vector.shape_cast %mul3A_793 : vector<16xf32> to vector<1x1x16xf32>
        tpu.vector_store %arg10[%swap3A_795, %swap3A_796, %swap3A_797], %swap3A_800 {strides = array<i32>} : memref<4x128x32xf32, #tpu.memory_space<vmem>>, vector<1x1x16xf32>,
        %broadcast_in_dim3A_801 = arith.constant 0.000000e+00 : f32
        %broadcast_in_dim3A_802 = vector.broadcast %broadcast_in_dim3A_801 : f32 to vector<16xf32>
        %slice3A_803 = vector.extract_strided_slice %get3A_576 {offsets = [6], sizes = [1], strides = [1]} : vector<16xf32> to vector<1xf32>
        %squeeze3A_804 = vector.extract %slice3A_803[0] : f32 from vector<1xf32>
        %add3A_805 = vector.broadcast %squeeze3A_804 : f32 to vector<16xf32>
        %add3A_806 = arith.addf %broadcast_in_dim3A_802, %add3A_805 : vector<16xf32>
        %mul3A_807 = arith.constant 16 : i32
        %mul3A_808 = arith.muli %scan3A_569, %mul3A_807 : i32
        %add3A_809 = arith.constant 6 : i32
        %add3A_810 = arith.addi %mul3A_808, %add3A_809 : i32
        %get3A_811 = arith.constant 3 : i32
        %get3A_812 = arith.index_cast %get3A_811 : i32 to index
        %get3A_813 = arith.index_cast %add3A_810 : i32 to index
        %get3A_814 = arith.constant 0 : index
        %get3A_815 = tpu.vector_load %arg10[%get3A_812, %get3A_813, %get3A_814] {strides = array<i32>} : memref<4x128x32xf32, #tpu.memory_space<vmem>>, vector<1x1x16xf32>,
        %get3A_816 = vector.shape_cast %get3A_815 : vector<1x1x16xf32> to vector<16xf32>
        %mul3A_817 = arith.mulf %get3A_816, %add3A_806 : vector<16xf32>
        %swap3A_818 = arith.constant 3 : i32
        %swap3A_819 = arith.index_cast %swap3A_818 : i32 to index
        %swap3A_820 = arith.index_cast %add3A_810 : i32 to index
        %swap3A_821 = arith.constant 0 : index
        %swap3A_822 = tpu.vector_load %arg10[%swap3A_819, %swap3A_820, %swap3A_821] {strides = array<i32>} : memref<4x128x32xf32, #tpu.memory_space<vmem>>, vector<1x1x16xf32>,
        %swap3A_823 = vector.shape_cast %swap3A_822 : vector<1x1x16xf32> to vector<16xf32>
        %swap3A_824 = vector.shape_cast %mul3A_817 : vector<16xf32> to vector<1x1x16xf32>
        tpu.vector_store %arg10[%swap3A_819, %swap3A_820, %swap3A_821], %swap3A_824 {strides = array<i32>} : memref<4x128x32xf32, #tpu.memory_space<vmem>>, vector<1x1x16xf32>,
        %get3A_825 = arith.constant 3 : i32
        %get3A_826 = arith.index_cast %get3A_825 : i32 to index
        %get3A_827 = arith.index_cast %add3A_810 : i32 to index
        %get3A_828 = arith.constant 16 : index
        %get3A_829 = tpu.vector_load %arg10[%get3A_826, %get3A_827, %get3A_828] {strides = array<i32>} : memref<4x128x32xf32, #tpu.memory_space<vmem>>, vector<1x1x16xf32>,
        %get3A_830 = vector.shape_cast %get3A_829 : vector<1x1x16xf32> to vector<16xf32>
        %mul3A_831 = arith.mulf %get3A_830, %add3A_806 : vector<16xf32>
        %swap3A_832 = arith.constant 3 : i32
        %swap3A_833 = arith.index_cast %swap3A_832 : i32 to index
        %swap3A_834 = arith.index_cast %add3A_810 : i32 to index
        %swap3A_835 = arith.constant 16 : index
        %swap3A_836 = tpu.vector_load %arg10[%swap3A_833, %swap3A_834, %swap3A_835] {strides = array<i32>} : memref<4x128x32xf32, #tpu.memory_space<vmem>>, vector<1x1x16xf32>,
        %swap3A_837 = vector.shape_cast %swap3A_836 : vector<1x1x16xf32> to vector<16xf32>
        %swap3A_838 = vector.shape_cast %mul3A_831 : vector<16xf32> to vector<1x1x16xf32>
        tpu.vector_store %arg10[%swap3A_833, %swap3A_834, %swap3A_835], %swap3A_838 {strides = array<i32>} : memref<4x128x32xf32, #tpu.memory_space<vmem>>, vector<1x1x16xf32>,
        %broadcast_in_dim3A_839 = arith.constant 0.000000e+00 : f32
        %broadcast_in_dim3A_840 = vector.broadcast %broadcast_in_dim3A_839 : f32 to vector<16xf32>
        %slice3A_841 = vector.extract_strided_slice %get3A_576 {offsets = [7], sizes = [1], strides = [1]} : vector<16xf32> to vector<1xf32>
        %squeeze3A_842 = vector.extract %slice3A_841[0] : f32 from vector<1xf32>
        %add3A_843 = vector.broadcast %squeeze3A_842 : f32 to vector<16xf32>
        %add3A_844 = arith.addf %broadcast_in_dim3A_840, %add3A_843 : vector<16xf32>
        %mul3A_845 = arith.constant 16 : i32
        %mul3A_846 = arith.muli %scan3A_569, %mul3A_845 : i32
        %add3A_847 = arith.constant 7 : i32
        %add3A_848 = arith.addi %mul3A_846, %add3A_847 : i32
        %get3A_849 = arith.constant 3 : i32
        %get3A_850 = arith.index_cast %get3A_849 : i32 to index
        %get3A_851 = arith.index_cast %add3A_848 : i32 to index
        %get3A_852 = arith.constant 0 : index
        %get3A_853 = tpu.vector_load %arg10[%get3A_850, %get3A_851, %get3A_852] {strides = array<i32>} : memref<4x128x32xf32, #tpu.memory_space<vmem>>, vector<1x1x16xf32>,
        %get3A_854 = vector.shape_cast %get3A_853 : vector<1x1x16xf32> to vector<16xf32>
        %mul3A_855 = arith.mulf %get3A_854, %add3A_844 : vector<16xf32>
        %swap3A_856 = arith.constant 3 : i32
        %swap3A_857 = arith.index_cast %swap3A_856 : i32 to index
        %swap3A_858 = arith.index_cast %add3A_848 : i32 to index
        %swap3A_859 = arith.constant 0 : index
        %swap3A_860 = tpu.vector_load %arg10[%swap3A_857, %swap3A_858, %swap3A_859] {strides = array<i32>} : memref<4x128x32xf32, #tpu.memory_space<vmem>>, vector<1x1x16xf32>,
        %swap3A_861 = vector.shape_cast %swap3A_860 : vector<1x1x16xf32> to vector<16xf32>
        %swap3A_862 = vector.shape_cast %mul3A_855 : vector<16xf32> to vector<1x1x16xf32>
        tpu.vector_store %arg10[%swap3A_857, %swap3A_858, %swap3A_859], %swap3A_862 {strides = array<i32>} : memref<4x128x32xf32, #tpu.memory_space<vmem>>, vector<1x1x16xf32>,
        %get3A_863 = arith.constant 3 : i32
        %get3A_864 = arith.index_cast %get3A_863 : i32 to index
        %get3A_865 = arith.index_cast %add3A_848 : i32 to index
        %get3A_866 = arith.constant 16 : index
        %get3A_867 = tpu.vector_load %arg10[%get3A_864, %get3A_865, %get3A_866] {strides = array<i32>} : memref<4x128x32xf32, #tpu.memory_space<vmem>>, vector<1x1x16xf32>,
        %get3A_868 = vector.shape_cast %get3A_867 : vector<1x1x16xf32> to vector<16xf32>
        %mul3A_869 = arith.mulf %get3A_868, %add3A_844 : vector<16xf32>
        %swap3A_870 = arith.constant 3 : i32
        %swap3A_871 = arith.index_cast %swap3A_870 : i32 to index
        %swap3A_872 = arith.index_cast %add3A_848 : i32 to index
        %swap3A_873 = arith.constant 16 : index
        %swap3A_874 = tpu.vector_load %arg10[%swap3A_871, %swap3A_872, %swap3A_873] {strides = array<i32>} : memref<4x128x32xf32, #tpu.memory_space<vmem>>, vector<1x1x16xf32>,
        %swap3A_875 = vector.shape_cast %swap3A_874 : vector<1x1x16xf32> to vector<16xf32>
        %swap3A_876 = vector.shape_cast %mul3A_869 : vector<16xf32> to vector<1x1x16xf32>
        tpu.vector_store %arg10[%swap3A_871, %swap3A_872, %swap3A_873], %swap3A_876 {strides = array<i32>} : memref<4x128x32xf32, #tpu.memory_space<vmem>>, vector<1x1x16xf32>,
        %broadcast_in_dim3A_877 = arith.constant 0.000000e+00 : f32
        %broadcast_in_dim3A_878 = vector.broadcast %broadcast_in_dim3A_877 : f32 to vector<16xf32>
        %slice3A_879 = vector.extract_strided_slice %get3A_576 {offsets = [8], sizes = [1], strides = [1]} : vector<16xf32> to vector<1xf32>
        %squeeze3A_880 = vector.extract %slice3A_879[0] : f32 from vector<1xf32>
        %add3A_881 = vector.broadcast %squeeze3A_880 : f32 to vector<16xf32>
        %add3A_882 = arith.addf %broadcast_in_dim3A_878, %add3A_881 : vector<16xf32>
        %mul3A_883 = arith.constant 16 : i32
        %mul3A_884 = arith.muli %scan3A_569, %mul3A_883 : i32
        %add3A_885 = arith.constant 8 : i32
        %add3A_886 = arith.addi %mul3A_884, %add3A_885 : i32
        %get3A_887 = arith.constant 3 : i32
        %get3A_888 = arith.index_cast %get3A_887 : i32 to index
        %get3A_889 = arith.index_cast %add3A_886 : i32 to index
        %get3A_890 = arith.constant 0 : index
        %get3A_891 = tpu.vector_load %arg10[%get3A_888, %get3A_889, %get3A_890] {strides = array<i32>} : memref<4x128x32xf32, #tpu.memory_space<vmem>>, vector<1x1x16xf32>,
        %get3A_892 = vector.shape_cast %get3A_891 : vector<1x1x16xf32> to vector<16xf32>
        %mul3A_893 = arith.mulf %get3A_892, %add3A_882 : vector<16xf32>
        %swap3A_894 = arith.constant 3 : i32
        %swap3A_895 = arith.index_cast %swap3A_894 : i32 to index
        %swap3A_896 = arith.index_cast %add3A_886 : i32 to index
        %swap3A_897 = arith.constant 0 : index
        %swap3A_898 = tpu.vector_load %arg10[%swap3A_895, %swap3A_896, %swap3A_897] {strides = array<i32>} : memref<4x128x32xf32, #tpu.memory_space<vmem>>, vector<1x1x16xf32>,
        %swap3A_899 = vector.shape_cast %swap3A_898 : vector<1x1x16xf32> to vector<16xf32>
        %swap3A_900 = vector.shape_cast %mul3A_893 : vector<16xf32> to vector<1x1x16xf32>
        tpu.vector_store %arg10[%swap3A_895, %swap3A_896, %swap3A_897], %swap3A_900 {strides = array<i32>} : memref<4x128x32xf32, #tpu.memory_space<vmem>>, vector<1x1x16xf32>,
        %get3A_901 = arith.constant 3 : i32
        %get3A_902 = arith.index_cast %get3A_901 : i32 to index
        %get3A_903 = arith.index_cast %add3A_886 : i32 to index
        %get3A_904 = arith.constant 16 : index
        %get3A_905 = tpu.vector_load %arg10[%get3A_902, %get3A_903, %get3A_904] {strides = array<i32>} : memref<4x128x32xf32, #tpu.memory_space<vmem>>, vector<1x1x16xf32>,
        %get3A_906 = vector.shape_cast %get3A_905 : vector<1x1x16xf32> to vector<16xf32>
        %mul3A_907 = arith.mulf %get3A_906, %add3A_882 : vector<16xf32>
        %swap3A_908 = arith.constant 3 : i32
        %swap3A_909 = arith.index_cast %swap3A_908 : i32 to index
        %swap3A_910 = arith.index_cast %add3A_886 : i32 to index
        %swap3A_911 = arith.constant 16 : index
        %swap3A_912 = tpu.vector_load %arg10[%swap3A_909, %swap3A_910, %swap3A_911] {strides = array<i32>} : memref<4x128x32xf32, #tpu.memory_space<vmem>>, vector<1x1x16xf32>,
        %swap3A_913 = vector.shape_cast %swap3A_912 : vector<1x1x16xf32> to vector<16xf32>
        %swap3A_914 = vector.shape_cast %mul3A_907 : vector<16xf32> to vector<1x1x16xf32>
        tpu.vector_store %arg10[%swap3A_909, %swap3A_910, %swap3A_911], %swap3A_914 {strides = array<i32>} : memref<4x128x32xf32, #tpu.memory_space<vmem>>, vector<1x1x16xf32>,
        %broadcast_in_dim3A_915 = arith.constant 0.000000e+00 : f32
        %broadcast_in_dim3A_916 = vector.broadcast %broadcast_in_dim3A_915 : f32 to vector<16xf32>
        %slice3A_917 = vector.extract_strided_slice %get3A_576 {offsets = [9], sizes = [1], strides = [1]} : vector<16xf32> to vector<1xf32>
        %squeeze3A_918 = vector.extract %slice3A_917[0] : f32 from vector<1xf32>
        %add3A_919 = vector.broadcast %squeeze3A_918 : f32 to vector<16xf32>
        %add3A_920 = arith.addf %broadcast_in_dim3A_916, %add3A_919 : vector<16xf32>
        %mul3A_921 = arith.constant 16 : i32
        %mul3A_922 = arith.muli %scan3A_569, %mul3A_921 : i32
        %add3A_923 = arith.constant 9 : i32
        %add3A_924 = arith.addi %mul3A_922, %add3A_923 : i32
        %get3A_925 = arith.constant 3 : i32
        %get3A_926 = arith.index_cast %get3A_925 : i32 to index
        %get3A_927 = arith.index_cast %add3A_924 : i32 to index
        %get3A_928 = arith.constant 0 : index
        %get3A_929 = tpu.vector_load %arg10[%get3A_926, %get3A_927, %get3A_928] {strides = array<i32>} : memref<4x128x32xf32, #tpu.memory_space<vmem>>, vector<1x1x16xf32>,
        %get3A_930 = vector.shape_cast %get3A_929 : vector<1x1x16xf32> to vector<16xf32>
        %mul3A_931 = arith.mulf %get3A_930, %add3A_920 : vector<16xf32>
        %swap3A_932 = arith.constant 3 : i32
        %swap3A_933 = arith.index_cast %swap3A_932 : i32 to index
        %swap3A_934 = arith.index_cast %add3A_924 : i32 to index
        %swap3A_935 = arith.constant 0 : index
        %swap3A_936 = tpu.vector_load %arg10[%swap3A_933, %swap3A_934, %swap3A_935] {strides = array<i32>} : memref<4x128x32xf32, #tpu.memory_space<vmem>>, vector<1x1x16xf32>,
        %swap3A_937 = vector.shape_cast %swap3A_936 : vector<1x1x16xf32> to vector<16xf32>
        %swap3A_938 = vector.shape_cast %mul3A_931 : vector<16xf32> to vector<1x1x16xf32>
        tpu.vector_store %arg10[%swap3A_933, %swap3A_934, %swap3A_935], %swap3A_938 {strides = array<i32>} : memref<4x128x32xf32, #tpu.memory_space<vmem>>, vector<1x1x16xf32>,
        %get3A_939 = arith.constant 3 : i32
        %get3A_940 = arith.index_cast %get3A_939 : i32 to index
        %get3A_941 = arith.index_cast %add3A_924 : i32 to index
        %get3A_942 = arith.constant 16 : index
        %get3A_943 = tpu.vector_load %arg10[%get3A_940, %get3A_941, %get3A_942] {strides = array<i32>} : memref<4x128x32xf32, #tpu.memory_space<vmem>>, vector<1x1x16xf32>,
        %get3A_944 = vector.shape_cast %get3A_943 : vector<1x1x16xf32> to vector<16xf32>
        %mul3A_945 = arith.mulf %get3A_944, %add3A_920 : vector<16xf32>
        %swap3A_946 = arith.constant 3 : i32
        %swap3A_947 = arith.index_cast %swap3A_946 : i32 to index
        %swap3A_948 = arith.index_cast %add3A_924 : i32 to index
        %swap3A_949 = arith.constant 16 : index
        %swap3A_950 = tpu.vector_load %arg10[%swap3A_947, %swap3A_948, %swap3A_949] {strides = array<i32>} : memref<4x128x32xf32, #tpu.memory_space<vmem>>, vector<1x1x16xf32>,
        %swap3A_951 = vector.shape_cast %swap3A_950 : vector<1x1x16xf32> to vector<16xf32>
        %swap3A_952 = vector.shape_cast %mul3A_945 : vector<16xf32> to vector<1x1x16xf32>
        tpu.vector_store %arg10[%swap3A_947, %swap3A_948, %swap3A_949], %swap3A_952 {strides = array<i32>} : memref<4x128x32xf32, #tpu.memory_space<vmem>>, vector<1x1x16xf32>,
        %broadcast_in_dim3A_953 = arith.constant 0.000000e+00 : f32
        %broadcast_in_dim3A_954 = vector.broadcast %broadcast_in_dim3A_953 : f32 to vector<16xf32>
        %slice3A_955 = vector.extract_strided_slice %get3A_576 {offsets = [10], sizes = [1], strides = [1]} : vector<16xf32> to vector<1xf32>
        %squeeze3A_956 = vector.extract %slice3A_955[0] : f32 from vector<1xf32>
        %add3A_957 = vector.broadcast %squeeze3A_956 : f32 to vector<16xf32>
        %add3A_958 = arith.addf %broadcast_in_dim3A_954, %add3A_957 : vector<16xf32>
        %mul3A_959 = arith.constant 16 : i32
        %mul3A_960 = arith.muli %scan3A_569, %mul3A_959 : i32
        %add3A_961 = arith.constant 10 : i32
        %add3A_962 = arith.addi %mul3A_960, %add3A_961 : i32
        %get3A_963 = arith.constant 3 : i32
        %get3A_964 = arith.index_cast %get3A_963 : i32 to index
        %get3A_965 = arith.index_cast %add3A_962 : i32 to index
        %get3A_966 = arith.constant 0 : index
        %get3A_967 = tpu.vector_load %arg10[%get3A_964, %get3A_965, %get3A_966] {strides = array<i32>} : memref<4x128x32xf32, #tpu.memory_space<vmem>>, vector<1x1x16xf32>,
        %get3A_968 = vector.shape_cast %get3A_967 : vector<1x1x16xf32> to vector<16xf32>
        %mul3A_969 = arith.mulf %get3A_968, %add3A_958 : vector<16xf32>
        %swap3A_970 = arith.constant 3 : i32
        %swap3A_971 = arith.index_cast %swap3A_970 : i32 to index
        %swap3A_972 = arith.index_cast %add3A_962 : i32 to index
        %swap3A_973 = arith.constant 0 : index
        %swap3A_974 = tpu.vector_load %arg10[%swap3A_971, %swap3A_972, %swap3A_973] {strides = array<i32>} : memref<4x128x32xf32, #tpu.memory_space<vmem>>, vector<1x1x16xf32>,
        %swap3A_975 = vector.shape_cast %swap3A_974 : vector<1x1x16xf32> to vector<16xf32>
        %swap3A_976 = vector.shape_cast %mul3A_969 : vector<16xf32> to vector<1x1x16xf32>
        tpu.vector_store %arg10[%swap3A_971, %swap3A_972, %swap3A_973], %swap3A_976 {strides = array<i32>} : memref<4x128x32xf32, #tpu.memory_space<vmem>>, vector<1x1x16xf32>,
        %get3A_977 = arith.constant 3 : i32
        %get3A_978 = arith.index_cast %get3A_977 : i32 to index
        %get3A_979 = arith.index_cast %add3A_962 : i32 to index
        %get3A_980 = arith.constant 16 : index
        %get3A_981 = tpu.vector_load %arg10[%get3A_978, %get3A_979, %get3A_980] {strides = array<i32>} : memref<4x128x32xf32, #tpu.memory_space<vmem>>, vector<1x1x16xf32>,
        %get3A_982 = vector.shape_cast %get3A_981 : vector<1x1x16xf32> to vector<16xf32>
        %mul3A_983 = arith.mulf %get3A_982, %add3A_958 : vector<16xf32>
        %swap3A_984 = arith.constant 3 : i32
        %swap3A_985 = arith.index_cast %swap3A_984 : i32 to index
        %swap3A_986 = arith.index_cast %add3A_962 : i32 to index
        %swap3A_987 = arith.constant 16 : index
        %swap3A_988 = tpu.vector_load %arg10[%swap3A_985, %swap3A_986, %swap3A_987] {strides = array<i32>} : memref<4x128x32xf32, #tpu.memory_space<vmem>>, vector<1x1x16xf32>,
        %swap3A_989 = vector.shape_cast %swap3A_988 : vector<1x1x16xf32> to vector<16xf32>
        %swap3A_990 = vector.shape_cast %mul3A_983 : vector<16xf32> to vector<1x1x16xf32>
        tpu.vector_store %arg10[%swap3A_985, %swap3A_986, %swap3A_987], %swap3A_990 {strides = array<i32>} : memref<4x128x32xf32, #tpu.memory_space<vmem>>, vector<1x1x16xf32>,
        %broadcast_in_dim3A_991 = arith.constant 0.000000e+00 : f32
        %broadcast_in_dim3A_992 = vector.broadcast %broadcast_in_dim3A_991 : f32 to vector<16xf32>
        %slice3A_993 = vector.extract_strided_slice %get3A_576 {offsets = [11], sizes = [1], strides = [1]} : vector<16xf32> to vector<1xf32>
        %squeeze3A_994 = vector.extract %slice3A_993[0] : f32 from vector<1xf32>
        %add3A_995 = vector.broadcast %squeeze3A_994 : f32 to vector<16xf32>
        %add3A_996 = arith.addf %broadcast_in_dim3A_992, %add3A_995 : vector<16xf32>
        %mul3A_997 = arith.constant 16 : i32
        %mul3A_998 = arith.muli %scan3A_569, %mul3A_997 : i32
        %add3A_999 = arith.constant 11 : i32
        %add3A_1000 = arith.addi %mul3A_998, %add3A_999 : i32
        %get3A_1001 = arith.constant 3 : i32
        %get3A_1002 = arith.index_cast %get3A_1001 : i32 to index
        %get3A_1003 = arith.index_cast %add3A_1000 : i32 to index
        %get3A_1004 = arith.constant 0 : index
        %get3A_1005 = tpu.vector_load %arg10[%get3A_1002, %get3A_1003, %get3A_1004] {strides = array<i32>} : memref<4x128x32xf32, #tpu.memory_space<vmem>>, vector<1x1x16xf32>,
        %get3A_1006 = vector.shape_cast %get3A_1005 : vector<1x1x16xf32> to vector<16xf32>
        %mul3A_1007 = arith.mulf %get3A_1006, %add3A_996 : vector<16xf32>
        %swap3A_1008 = arith.constant 3 : i32
        %swap3A_1009 = arith.index_cast %swap3A_1008 : i32 to index
        %swap3A_1010 = arith.index_cast %add3A_1000 : i32 to index
        %swap3A_1011 = arith.constant 0 : index
        %swap3A_1012 = tpu.vector_load %arg10[%swap3A_1009, %swap3A_1010, %swap3A_1011] {strides = array<i32>} : memref<4x128x32xf32, #tpu.memory_space<vmem>>, vector<1x1x16xf32>,
        %swap3A_1013 = vector.shape_cast %swap3A_1012 : vector<1x1x16xf32> to vector<16xf32>
        %swap3A_1014 = vector.shape_cast %mul3A_1007 : vector<16xf32> to vector<1x1x16xf32>
        tpu.vector_store %arg10[%swap3A_1009, %swap3A_1010, %swap3A_1011], %swap3A_1014 {strides = array<i32>} : memref<4x128x32xf32, #tpu.memory_space<vmem>>, vector<1x1x16xf32>,
        %get3A_1015 = arith.constant 3 : i32
        %get3A_1016 = arith.index_cast %get3A_1015 : i32 to index
        %get3A_1017 = arith.index_cast %add3A_1000 : i32 to index
        %get3A_1018 = arith.constant 16 : index
        %get3A_1019 = tpu.vector_load %arg10[%get3A_1016, %get3A_1017, %get3A_1018] {strides = array<i32>} : memref<4x128x32xf32, #tpu.memory_space<vmem>>, vector<1x1x16xf32>,
        %get3A_1020 = vector.shape_cast %get3A_1019 : vector<1x1x16xf32> to vector<16xf32>
        %mul3A_1021 = arith.mulf %get3A_1020, %add3A_996 : vector<16xf32>
        %swap3A_1022 = arith.constant 3 : i32
        %swap3A_1023 = arith.index_cast %swap3A_1022 : i32 to index
        %swap3A_1024 = arith.index_cast %add3A_1000 : i32 to index
        %swap3A_1025 = arith.constant 16 : index
        %swap3A_1026 = tpu.vector_load %arg10[%swap3A_1023, %swap3A_1024, %swap3A_1025] {strides = array<i32>} : memref<4x128x32xf32, #tpu.memory_space<vmem>>, vector<1x1x16xf32>,
        %swap3A_1027 = vector.shape_cast %swap3A_1026 : vector<1x1x16xf32> to vector<16xf32>
        %swap3A_1028 = vector.shape_cast %mul3A_1021 : vector<16xf32> to vector<1x1x16xf32>
        tpu.vector_store %arg10[%swap3A_1023, %swap3A_1024, %swap3A_1025], %swap3A_1028 {strides = array<i32>} : memref<4x128x32xf32, #tpu.memory_space<vmem>>, vector<1x1x16xf32>,
        %broadcast_in_dim3A_1029 = arith.constant 0.000000e+00 : f32
        %broadcast_in_dim3A_1030 = vector.broadcast %broadcast_in_dim3A_1029 : f32 to vector<16xf32>
        %slice3A_1031 = vector.extract_strided_slice %get3A_576 {offsets = [12], sizes = [1], strides = [1]} : vector<16xf32> to vector<1xf32>
        %squeeze3A_1032 = vector.extract %slice3A_1031[0] : f32 from vector<1xf32>
        %add3A_1033 = vector.broadcast %squeeze3A_1032 : f32 to vector<16xf32>
        %add3A_1034 = arith.addf %broadcast_in_dim3A_1030, %add3A_1033 : vector<16xf32>
        %mul3A_1035 = arith.constant 16 : i32
        %mul3A_1036 = arith.muli %scan3A_569, %mul3A_1035 : i32
        %add3A_1037 = arith.constant 12 : i32
        %add3A_1038 = arith.addi %mul3A_1036, %add3A_1037 : i32
        %get3A_1039 = arith.constant 3 : i32
        %get3A_1040 = arith.index_cast %get3A_1039 : i32 to index
        %get3A_1041 = arith.index_cast %add3A_1038 : i32 to index
        %get3A_1042 = arith.constant 0 : index
        %get3A_1043 = tpu.vector_load %arg10[%get3A_1040, %get3A_1041, %get3A_1042] {strides = array<i32>} : memref<4x128x32xf32, #tpu.memory_space<vmem>>, vector<1x1x16xf32>,
        %get3A_1044 = vector.shape_cast %get3A_1043 : vector<1x1x16xf32> to vector<16xf32>
        %mul3A_1045 = arith.mulf %get3A_1044, %add3A_1034 : vector<16xf32>
        %swap3A_1046 = arith.constant 3 : i32
        %swap3A_1047 = arith.index_cast %swap3A_1046 : i32 to index
        %swap3A_1048 = arith.index_cast %add3A_1038 : i32 to index
        %swap3A_1049 = arith.constant 0 : index
        %swap3A_1050 = tpu.vector_load %arg10[%swap3A_1047, %swap3A_1048, %swap3A_1049] {strides = array<i32>} : memref<4x128x32xf32, #tpu.memory_space<vmem>>, vector<1x1x16xf32>,
        %swap3A_1051 = vector.shape_cast %swap3A_1050 : vector<1x1x16xf32> to vector<16xf32>
        %swap3A_1052 = vector.shape_cast %mul3A_1045 : vector<16xf32> to vector<1x1x16xf32>
        tpu.vector_store %arg10[%swap3A_1047, %swap3A_1048, %swap3A_1049], %swap3A_1052 {strides = array<i32>} : memref<4x128x32xf32, #tpu.memory_space<vmem>>, vector<1x1x16xf32>,
        %get3A_1053 = arith.constant 3 : i32
        %get3A_1054 = arith.index_cast %get3A_1053 : i32 to index
        %get3A_1055 = arith.index_cast %add3A_1038 : i32 to index
        %get3A_1056 = arith.constant 16 : index
        %get3A_1057 = tpu.vector_load %arg10[%get3A_1054, %get3A_1055, %get3A_1056] {strides = array<i32>} : memref<4x128x32xf32, #tpu.memory_space<vmem>>, vector<1x1x16xf32>,
        %get3A_1058 = vector.shape_cast %get3A_1057 : vector<1x1x16xf32> to vector<16xf32>
        %mul3A_1059 = arith.mulf %get3A_1058, %add3A_1034 : vector<16xf32>
        %swap3A_1060 = arith.constant 3 : i32
        %swap3A_1061 = arith.index_cast %swap3A_1060 : i32 to index
        %swap3A_1062 = arith.index_cast %add3A_1038 : i32 to index
        %swap3A_1063 = arith.constant 16 : index
        %swap3A_1064 = tpu.vector_load %arg10[%swap3A_1061, %swap3A_1062, %swap3A_1063] {strides = array<i32>} : memref<4x128x32xf32, #tpu.memory_space<vmem>>, vector<1x1x16xf32>,
        %swap3A_1065 = vector.shape_cast %swap3A_1064 : vector<1x1x16xf32> to vector<16xf32>
        %swap3A_1066 = vector.shape_cast %mul3A_1059 : vector<16xf32> to vector<1x1x16xf32>
        tpu.vector_store %arg10[%swap3A_1061, %swap3A_1062, %swap3A_1063], %swap3A_1066 {strides = array<i32>} : memref<4x128x32xf32, #tpu.memory_space<vmem>>, vector<1x1x16xf32>,
        %broadcast_in_dim3A_1067 = arith.constant 0.000000e+00 : f32
        %broadcast_in_dim3A_1068 = vector.broadcast %broadcast_in_dim3A_1067 : f32 to vector<16xf32>
        %slice3A_1069 = vector.extract_strided_slice %get3A_576 {offsets = [13], sizes = [1], strides = [1]} : vector<16xf32> to vector<1xf32>
        %squeeze3A_1070 = vector.extract %slice3A_1069[0] : f32 from vector<1xf32>
        %add3A_1071 = vector.broadcast %squeeze3A_1070 : f32 to vector<16xf32>
        %add3A_1072 = arith.addf %broadcast_in_dim3A_1068, %add3A_1071 : vector<16xf32>
        %mul3A_1073 = arith.constant 16 : i32
        %mul3A_1074 = arith.muli %scan3A_569, %mul3A_1073 : i32
        %add3A_1075 = arith.constant 13 : i32
        %add3A_1076 = arith.addi %mul3A_1074, %add3A_1075 : i32
        %get3A_1077 = arith.constant 3 : i32
        %get3A_1078 = arith.index_cast %get3A_1077 : i32 to index
        %get3A_1079 = arith.index_cast %add3A_1076 : i32 to index
        %get3A_1080 = arith.constant 0 : index
        %get3A_1081 = tpu.vector_load %arg10[%get3A_1078, %get3A_1079, %get3A_1080] {strides = array<i32>} : memref<4x128x32xf32, #tpu.memory_space<vmem>>, vector<1x1x16xf32>,
        %get3A_1082 = vector.shape_cast %get3A_1081 : vector<1x1x16xf32> to vector<16xf32>
        %mul3A_1083 = arith.mulf %get3A_1082, %add3A_1072 : vector<16xf32>
        %swap3A_1084 = arith.constant 3 : i32
        %swap3A_1085 = arith.index_cast %swap3A_1084 : i32 to index
        %swap3A_1086 = arith.index_cast %add3A_1076 : i32 to index
        %swap3A_1087 = arith.constant 0 : index
        %swap3A_1088 = tpu.vector_load %arg10[%swap3A_1085, %swap3A_1086, %swap3A_1087] {strides = array<i32>} : memref<4x128x32xf32, #tpu.memory_space<vmem>>, vector<1x1x16xf32>,
        %swap3A_1089 = vector.shape_cast %swap3A_1088 : vector<1x1x16xf32> to vector<16xf32>
        %swap3A_1090 = vector.shape_cast %mul3A_1083 : vector<16xf32> to vector<1x1x16xf32>
        tpu.vector_store %arg10[%swap3A_1085, %swap3A_1086, %swap3A_1087], %swap3A_1090 {strides = array<i32>} : memref<4x128x32xf32, #tpu.memory_space<vmem>>, vector<1x1x16xf32>,
        %get3A_1091 = arith.constant 3 : i32
        %get3A_1092 = arith.index_cast %get3A_1091 : i32 to index
        %get3A_1093 = arith.index_cast %add3A_1076 : i32 to index
        %get3A_1094 = arith.constant 16 : index
        %get3A_1095 = tpu.vector_load %arg10[%get3A_1092, %get3A_1093, %get3A_1094] {strides = array<i32>} : memref<4x128x32xf32, #tpu.memory_space<vmem>>, vector<1x1x16xf32>,
        %get3A_1096 = vector.shape_cast %get3A_1095 : vector<1x1x16xf32> to vector<16xf32>
        %mul3A_1097 = arith.mulf %get3A_1096, %add3A_1072 : vector<16xf32>
        %swap3A_1098 = arith.constant 3 : i32
        %swap3A_1099 = arith.index_cast %swap3A_1098 : i32 to index
        %swap3A_1100 = arith.index_cast %add3A_1076 : i32 to index
        %swap3A_1101 = arith.constant 16 : index
        %swap3A_1102 = tpu.vector_load %arg10[%swap3A_1099, %swap3A_1100, %swap3A_1101] {strides = array<i32>} : memref<4x128x32xf32, #tpu.memory_space<vmem>>, vector<1x1x16xf32>,
        %swap3A_1103 = vector.shape_cast %swap3A_1102 : vector<1x1x16xf32> to vector<16xf32>
        %swap3A_1104 = vector.shape_cast %mul3A_1097 : vector<16xf32> to vector<1x1x16xf32>
        tpu.vector_store %arg10[%swap3A_1099, %swap3A_1100, %swap3A_1101], %swap3A_1104 {strides = array<i32>} : memref<4x128x32xf32, #tpu.memory_space<vmem>>, vector<1x1x16xf32>,
        %broadcast_in_dim3A_1105 = arith.constant 0.000000e+00 : f32
        %broadcast_in_dim3A_1106 = vector.broadcast %broadcast_in_dim3A_1105 : f32 to vector<16xf32>
        %slice3A_1107 = vector.extract_strided_slice %get3A_576 {offsets = [14], sizes = [1], strides = [1]} : vector<16xf32> to vector<1xf32>
        %squeeze3A_1108 = vector.extract %slice3A_1107[0] : f32 from vector<1xf32>
        %add3A_1109 = vector.broadcast %squeeze3A_1108 : f32 to vector<16xf32>
        %add3A_1110 = arith.addf %broadcast_in_dim3A_1106, %add3A_1109 : vector<16xf32>
        %mul3A_1111 = arith.constant 16 : i32
        %mul3A_1112 = arith.muli %scan3A_569, %mul3A_1111 : i32
        %add3A_1113 = arith.constant 14 : i32
        %add3A_1114 = arith.addi %mul3A_1112, %add3A_1113 : i32
        %get3A_1115 = arith.constant 3 : i32
        %get3A_1116 = arith.index_cast %get3A_1115 : i32 to index
        %get3A_1117 = arith.index_cast %add3A_1114 : i32 to index
        %get3A_1118 = arith.constant 0 : index
        %get3A_1119 = tpu.vector_load %arg10[%get3A_1116, %get3A_1117, %get3A_1118] {strides = array<i32>} : memref<4x128x32xf32, #tpu.memory_space<vmem>>, vector<1x1x16xf32>,
        %get3A_1120 = vector.shape_cast %get3A_1119 : vector<1x1x16xf32> to vector<16xf32>
        %mul3A_1121 = arith.mulf %get3A_1120, %add3A_1110 : vector<16xf32>
        %swap3A_1122 = arith.constant 3 : i32
        %swap3A_1123 = arith.index_cast %swap3A_1122 : i32 to index
        %swap3A_1124 = arith.index_cast %add3A_1114 : i32 to index
        %swap3A_1125 = arith.constant 0 : index
        %swap3A_1126 = tpu.vector_load %arg10[%swap3A_1123, %swap3A_1124, %swap3A_1125] {strides = array<i32>} : memref<4x128x32xf32, #tpu.memory_space<vmem>>, vector<1x1x16xf32>,
        %swap3A_1127 = vector.shape_cast %swap3A_1126 : vector<1x1x16xf32> to vector<16xf32>
        %swap3A_1128 = vector.shape_cast %mul3A_1121 : vector<16xf32> to vector<1x1x16xf32>
        tpu.vector_store %arg10[%swap3A_1123, %swap3A_1124, %swap3A_1125], %swap3A_1128 {strides = array<i32>} : memref<4x128x32xf32, #tpu.memory_space<vmem>>, vector<1x1x16xf32>,
        %get3A_1129 = arith.constant 3 : i32
        %get3A_1130 = arith.index_cast %get3A_1129 : i32 to index
        %get3A_1131 = arith.index_cast %add3A_1114 : i32 to index
        %get3A_1132 = arith.constant 16 : index
        %get3A_1133 = tpu.vector_load %arg10[%get3A_1130, %get3A_1131, %get3A_1132] {strides = array<i32>} : memref<4x128x32xf32, #tpu.memory_space<vmem>>, vector<1x1x16xf32>,
        %get3A_1134 = vector.shape_cast %get3A_1133 : vector<1x1x16xf32> to vector<16xf32>
        %mul3A_1135 = arith.mulf %get3A_1134, %add3A_1110 : vector<16xf32>
        %swap3A_1136 = arith.constant 3 : i32
        %swap3A_1137 = arith.index_cast %swap3A_1136 : i32 to index
        %swap3A_1138 = arith.index_cast %add3A_1114 : i32 to index
        %swap3A_1139 = arith.constant 16 : index
        %swap3A_1140 = tpu.vector_load %arg10[%swap3A_1137, %swap3A_1138, %swap3A_1139] {strides = array<i32>} : memref<4x128x32xf32, #tpu.memory_space<vmem>>, vector<1x1x16xf32>,
        %swap3A_1141 = vector.shape_cast %swap3A_1140 : vector<1x1x16xf32> to vector<16xf32>
        %swap3A_1142 = vector.shape_cast %mul3A_1135 : vector<16xf32> to vector<1x1x16xf32>
        tpu.vector_store %arg10[%swap3A_1137, %swap3A_1138, %swap3A_1139], %swap3A_1142 {strides = array<i32>} : memref<4x128x32xf32, #tpu.memory_space<vmem>>, vector<1x1x16xf32>,
        %broadcast_in_dim3A_1143 = arith.constant 0.000000e+00 : f32
        %broadcast_in_dim3A_1144 = vector.broadcast %broadcast_in_dim3A_1143 : f32 to vector<16xf32>
        %slice3A_1145 = vector.extract_strided_slice %get3A_576 {offsets = [15], sizes = [1], strides = [1]} : vector<16xf32> to vector<1xf32>
        %squeeze3A_1146 = vector.extract %slice3A_1145[0] : f32 from vector<1xf32>
        %add3A_1147 = vector.broadcast %squeeze3A_1146 : f32 to vector<16xf32>
        %add3A_1148 = arith.addf %broadcast_in_dim3A_1144, %add3A_1147 : vector<16xf32>
        %mul3A_1149 = arith.constant 16 : i32
        %mul3A_1150 = arith.muli %scan3A_569, %mul3A_1149 : i32
        %add3A_1151 = arith.constant 15 : i32
        %add3A_1152 = arith.addi %mul3A_1150, %add3A_1151 : i32
        %get3A_1153 = arith.constant 3 : i32
        %get3A_1154 = arith.index_cast %get3A_1153 : i32 to index
        %get3A_1155 = arith.index_cast %add3A_1152 : i32 to index
        %get3A_1156 = arith.constant 0 : index
        %get3A_1157 = tpu.vector_load %arg10[%get3A_1154, %get3A_1155, %get3A_1156] {strides = array<i32>} : memref<4x128x32xf32, #tpu.memory_space<vmem>>, vector<1x1x16xf32>,
        %get3A_1158 = vector.shape_cast %get3A_1157 : vector<1x1x16xf32> to vector<16xf32>
        %mul3A_1159 = arith.mulf %get3A_1158, %add3A_1148 : vector<16xf32>
        %swap3A_1160 = arith.constant 3 : i32
        %swap3A_1161 = arith.index_cast %swap3A_1160 : i32 to index
        %swap3A_1162 = arith.index_cast %add3A_1152 : i32 to index
        %swap3A_1163 = arith.constant 0 : index
        %swap3A_1164 = tpu.vector_load %arg10[%swap3A_1161, %swap3A_1162, %swap3A_1163] {strides = array<i32>} : memref<4x128x32xf32, #tpu.memory_space<vmem>>, vector<1x1x16xf32>,
        %swap3A_1165 = vector.shape_cast %swap3A_1164 : vector<1x1x16xf32> to vector<16xf32>
        %swap3A_1166 = vector.shape_cast %mul3A_1159 : vector<16xf32> to vector<1x1x16xf32>
        tpu.vector_store %arg10[%swap3A_1161, %swap3A_1162, %swap3A_1163], %swap3A_1166 {strides = array<i32>} : memref<4x128x32xf32, #tpu.memory_space<vmem>>, vector<1x1x16xf32>,
        %get3A_1167 = arith.constant 3 : i32
        %get3A_1168 = arith.index_cast %get3A_1167 : i32 to index
        %get3A_1169 = arith.index_cast %add3A_1152 : i32 to index
        %get3A_1170 = arith.constant 16 : index
        %get3A_1171 = tpu.vector_load %arg10[%get3A_1168, %get3A_1169, %get3A_1170] {strides = array<i32>} : memref<4x128x32xf32, #tpu.memory_space<vmem>>, vector<1x1x16xf32>,
        %get3A_1172 = vector.shape_cast %get3A_1171 : vector<1x1x16xf32> to vector<16xf32>
        %mul3A_1173 = arith.mulf %get3A_1172, %add3A_1148 : vector<16xf32>
        %swap3A_1174 = arith.constant 3 : i32
        %swap3A_1175 = arith.index_cast %swap3A_1174 : i32 to index
        %swap3A_1176 = arith.index_cast %add3A_1152 : i32 to index
        %swap3A_1177 = arith.constant 16 : index
        %swap3A_1178 = tpu.vector_load %arg10[%swap3A_1175, %swap3A_1176, %swap3A_1177] {strides = array<i32>} : memref<4x128x32xf32, #tpu.memory_space<vmem>>, vector<1x1x16xf32>,
        %swap3A_1179 = vector.shape_cast %swap3A_1178 : vector<1x1x16xf32> to vector<16xf32>
        %swap3A_1180 = vector.shape_cast %mul3A_1173 : vector<16xf32> to vector<1x1x16xf32>
        tpu.vector_store %arg10[%swap3A_1175, %swap3A_1176, %swap3A_1177], %swap3A_1180 {strides = array<i32>} : memref<4x128x32xf32, #tpu.memory_space<vmem>>, vector<1x1x16xf32>,
        %scan3A_1181 = arith.constant 0 : i32
        scf.yield %scan3A_1181 : i32
      }
      %scan3A_507 = arith.constant 8 : i32
      %dma_start3A_508 = arith.constant 3 : i32
      %dma_start3A_509 = arith.constant 3 : i32
      %dma_start3A_510 = arith.constant 0 : i32
      %dma_start3A_511 = arith.constant 0 : i32
      %dma_start3A_512 = tpu.memref_slice %arg10[%dma_start3A_508, %dma_start3A_510, %dma_start3A_511] : memref<4x128x32xf32, #tpu.memory_space<vmem>> -> memref<1x128x32xf32, #tpu.memory_space<vmem>>
      %dma_start3A_513 = tpu.memref_squeeze %dma_start3A_512 : memref<1x128x32xf32, #tpu.memory_space<vmem>> -> memref<128x32xf32, #tpu.memory_space<vmem>>
      %dma_start3A_514 = arith.constant 0 : i32
      %dma_start3A_515 = tpu.memref_slice %arg8[%dma_start3A_509, %dma_start3A_514] : memref<4x128xi32, #tpu.memory_space<vmem>> -> memref<1x128xi32, #tpu.memory_space<vmem>>
      %dma_start3A_516 = tpu.memref_squeeze %dma_start3A_515 : memref<1x128xi32, #tpu.memory_space<vmem>> -> memref<128xi32, #tpu.memory_space<vmem>>
      %dma_start3A_517 = arith.constant 0 : i32
      %dma_start3A_518 = arith.constant 0 : i32
      %dma_start3A_519 = tpu.memref_slice %arg12[%dma_start3A_517, %dma_start3A_518] : memref<51200x32xf32, #tpu.memory_space<vmem_shared>> -> memref<51200x32xf32, #tpu.memory_space<vmem_shared>>
      tpu.enqueue_indirect_dma source(%dma_start3A_513 : memref<128x32xf32, #tpu.memory_space<vmem>>) target(%dma_start3A_519 : memref<51200x32xf32, #tpu.memory_space<vmem_shared>>) offsets(%dma_start3A_516 : memref<128xi32, #tpu.memory_space<vmem>>) semaphore(%arg14 : memref<!tpu.dma_semaphore, #tpu.memory_space<semaphore_mem>>) {add = true}
      %dma_wait3A_520 = arith.constant 0 : i32
      %dma_wait3A_521 = arith.constant 0 : i32
      %dma_wait3A_522 = arith.constant 0 : i32
      %dma_wait3A_523 = arith.constant 0 : i32
      %dma_wait3A_524 = tpu.memref_slice %arg10[%dma_wait3A_520, %dma_wait3A_522, %dma_wait3A_523] : memref<4x128x32xf32, #tpu.memory_space<vmem>> -> memref<1x128x32xf32, #tpu.memory_space<vmem>>
      %dma_wait3A_525 = tpu.memref_squeeze %dma_wait3A_524 : memref<1x128x32xf32, #tpu.memory_space<vmem>> -> memref<128x32xf32, #tpu.memory_space<vmem>>
      %dma_wait3A_526 = arith.constant 0 : i32
      %dma_wait3A_527 = tpu.memref_slice %arg8[%dma_wait3A_521, %dma_wait3A_526] : memref<4x128xi32, #tpu.memory_space<vmem>> -> memref<1x128xi32, #tpu.memory_space<vmem>>
      %dma_wait3A_528 = tpu.memref_squeeze %dma_wait3A_527 : memref<1x128xi32, #tpu.memory_space<vmem>> -> memref<128xi32, #tpu.memory_space<vmem>>
      %dma_wait3A_529 = arith.constant 0 : i32
      %dma_wait3A_530 = arith.constant 0 : i32
      %dma_wait3A_531 = tpu.memref_slice %arg12[%dma_wait3A_529, %dma_wait3A_530] : memref<51200x32xf32, #tpu.memory_space<vmem_shared>> -> memref<51200x32xf32, #tpu.memory_space<vmem_shared>>
      tpu.wait_indirect_dma semaphore(%arg14 : memref<!tpu.dma_semaphore, #tpu.memory_space<semaphore_mem>>) src(%dma_wait3A_525 : memref<128x32xf32, #tpu.memory_space<vmem>>) dst(%dma_wait3A_531 : memref<51200x32xf32, #tpu.memory_space<vmem_shared>>)
      %dma_wait3A_532 = arith.constant 1 : i32
      %dma_wait3A_533 = arith.constant 1 : i32
      %dma_wait3A_534 = arith.constant 0 : i32
      %dma_wait3A_535 = arith.constant 0 : i32
      %dma_wait3A_536 = tpu.memref_slice %arg10[%dma_wait3A_532, %dma_wait3A_534, %dma_wait3A_535] : memref<4x128x32xf32, #tpu.memory_space<vmem>> -> memref<1x128x32xf32, #tpu.memory_space<vmem>>
      %dma_wait3A_537 = tpu.memref_squeeze %dma_wait3A_536 : memref<1x128x32xf32, #tpu.memory_space<vmem>> -> memref<128x32xf32, #tpu.memory_space<vmem>>
      %dma_wait3A_538 = arith.constant 0 : i32
      %dma_wait3A_539 = tpu.memref_slice %arg8[%dma_wait3A_533, %dma_wait3A_538] : memref<4x128xi32, #tpu.memory_space<vmem>> -> memref<1x128xi32, #tpu.memory_space<vmem>>
      %dma_wait3A_540 = tpu.memref_squeeze %dma_wait3A_539 : memref<1x128xi32, #tpu.memory_space<vmem>> -> memref<128xi32, #tpu.memory_space<vmem>>
      %dma_wait3A_541 = arith.constant 0 : i32
      %dma_wait3A_542 = arith.constant 0 : i32
      %dma_wait3A_543 = tpu.memref_slice %arg12[%dma_wait3A_541, %dma_wait3A_542] : memref<51200x32xf32, #tpu.memory_space<vmem_shared>> -> memref<51200x32xf32, #tpu.memory_space<vmem_shared>>
      tpu.wait_indirect_dma semaphore(%arg14 : memref<!tpu.dma_semaphore, #tpu.memory_space<semaphore_mem>>) src(%dma_wait3A_537 : memref<128x32xf32, #tpu.memory_space<vmem>>) dst(%dma_wait3A_543 : memref<51200x32xf32, #tpu.memory_space<vmem_shared>>)
      %dma_wait3A_544 = arith.constant 2 : i32
      %dma_wait3A_545 = arith.constant 2 : i32
      %dma_wait3A_546 = arith.constant 0 : i32
      %dma_wait3A_547 = arith.constant 0 : i32
      %dma_wait3A_548 = tpu.memref_slice %arg10[%dma_wait3A_544, %dma_wait3A_546, %dma_wait3A_547] : memref<4x128x32xf32, #tpu.memory_space<vmem>> -> memref<1x128x32xf32, #tpu.memory_space<vmem>>
      %dma_wait3A_549 = tpu.memref_squeeze %dma_wait3A_548 : memref<1x128x32xf32, #tpu.memory_space<vmem>> -> memref<128x32xf32, #tpu.memory_space<vmem>>
      %dma_wait3A_550 = arith.constant 0 : i32
      %dma_wait3A_551 = tpu.memref_slice %arg8[%dma_wait3A_545, %dma_wait3A_550] : memref<4x128xi32, #tpu.memory_space<vmem>> -> memref<1x128xi32, #tpu.memory_space<vmem>>
      %dma_wait3A_552 = tpu.memref_squeeze %dma_wait3A_551 : memref<1x128xi32, #tpu.memory_space<vmem>> -> memref<128xi32, #tpu.memory_space<vmem>>
      %dma_wait3A_553 = arith.constant 0 : i32
      %dma_wait3A_554 = arith.constant 0 : i32
      %dma_wait3A_555 = tpu.memref_slice %arg12[%dma_wait3A_553, %dma_wait3A_554] : memref<51200x32xf32, #tpu.memory_space<vmem_shared>> -> memref<51200x32xf32, #tpu.memory_space<vmem_shared>>
      tpu.wait_indirect_dma semaphore(%arg14 : memref<!tpu.dma_semaphore, #tpu.memory_space<semaphore_mem>>) src(%dma_wait3A_549 : memref<128x32xf32, #tpu.memory_space<vmem>>) dst(%dma_wait3A_555 : memref<51200x32xf32, #tpu.memory_space<vmem_shared>>)
      %dma_wait3A_556 = arith.constant 3 : i32
      %dma_wait3A_557 = arith.constant 3 : i32
      %dma_wait3A_558 = arith.constant 0 : i32
      %dma_wait3A_559 = arith.constant 0 : i32
      %dma_wait3A_560 = tpu.memref_slice %arg10[%dma_wait3A_556, %dma_wait3A_558, %dma_wait3A_559] : memref<4x128x32xf32, #tpu.memory_space<vmem>> -> memref<1x128x32xf32, #tpu.memory_space<vmem>>
      %dma_wait3A_561 = tpu.memref_squeeze %dma_wait3A_560 : memref<1x128x32xf32, #tpu.memory_space<vmem>> -> memref<128x32xf32, #tpu.memory_space<vmem>>
      %dma_wait3A_562 = arith.constant 0 : i32
      %dma_wait3A_563 = tpu.memref_slice %arg8[%dma_wait3A_557, %dma_wait3A_562] : memref<4x128xi32, #tpu.memory_space<vmem>> -> memref<1x128xi32, #tpu.memory_space<vmem>>
      %dma_wait3A_564 = tpu.memref_squeeze %dma_wait3A_563 : memref<1x128xi32, #tpu.memory_space<vmem>> -> memref<128xi32, #tpu.memory_space<vmem>>
      %dma_wait3A_565 = arith.constant 0 : i32
      %dma_wait3A_566 = arith.constant 0 : i32
      %dma_wait3A_567 = tpu.memref_slice %arg12[%dma_wait3A_565, %dma_wait3A_566] : memref<51200x32xf32, #tpu.memory_space<vmem_shared>> -> memref<51200x32xf32, #tpu.memory_space<vmem_shared>>
      tpu.wait_indirect_dma semaphore(%arg14 : memref<!tpu.dma_semaphore, #tpu.memory_space<semaphore_mem>>) src(%dma_wait3A_561 : memref<128x32xf32, #tpu.memory_space<vmem>>) dst(%dma_wait3A_567 : memref<51200x32xf32, #tpu.memory_space<vmem_shared>>)
      %scan3A_568 = arith.constant 0 : i32
      scf.yield %scan3A_568 : i32
    }
    %scan3A_313 = arith.constant 98 : i32
    %barrier3A_314 = arith.constant 0 : index
    tpu.barrier barrier_id(%barrier3A_314)
    %mul3A_315 = arith.constant 3200 : i32
    %mul3A_316 = arith.muli %arg1, %mul3A_315 : i32
    %mul3A_317 = arith.constant 3200 : i32
    %mul3A_318 = arith.muli %arg1, %mul3A_317 : i32
    "tpu.region"() ({
      %run_scoped3A = tpu.sem_alloc : memref<!tpu.dma_semaphore, #tpu.memory_space<semaphore_mem>>
      %dma_start3A_319 = arith.constant 0 : i32
      %dma_start3A_320 = tpu.memref_slice %arg6[%arg0, %mul3A_318, %dma_start3A_319] : memref<2x51200x32xf32, #tpu.memory_space<hbm>> -> memref<1x3200x32xf32, #tpu.memory_space<hbm>>
      %dma_start3A_321 = tpu.memref_squeeze %dma_start3A_320 : memref<1x3200x32xf32, #tpu.memory_space<hbm>> -> memref<3200x32xf32, #tpu.memory_space<hbm>>
      %dma_start3A_322 = arith.constant 0 : i32
      %dma_start3A_323 = tpu.memref_slice %arg12[%mul3A_316, %dma_start3A_322] : memref<51200x32xf32, #tpu.memory_space<vmem_shared>> -> memref<3200x32xf32, #tpu.memory_space<vmem_shared>>
      tpu.enqueue_dma source(%dma_start3A_323 : memref<3200x32xf32, #tpu.memory_space<vmem_shared>>) target(%dma_start3A_321 : memref<3200x32xf32, #tpu.memory_space<hbm>>) target_semaphore(%run_scoped3A : memref<!tpu.dma_semaphore, #tpu.memory_space<semaphore_mem>>)
      %dma_wait3A_324 = arith.constant 0 : i32
      %dma_wait3A_325 = tpu.memref_slice %arg6[%arg0, %mul3A_318, %dma_wait3A_324] : memref<2x51200x32xf32, #tpu.memory_space<hbm>> -> memref<1x3200x32xf32, #tpu.memory_space<hbm>>
      %dma_wait3A_326 = tpu.memref_squeeze %dma_wait3A_325 : memref<1x3200x32xf32, #tpu.memory_space<hbm>> -> memref<3200x32xf32, #tpu.memory_space<hbm>>
      %dma_wait3A_327 = arith.constant 0 : i32
      %dma_wait3A_328 = tpu.memref_slice %arg12[%mul3A_316, %dma_wait3A_327] : memref<51200x32xf32, #tpu.memory_space<vmem_shared>> -> memref<3200x32xf32, #tpu.memory_space<vmem_shared>>
      tpu.wait_dma2 semaphore(%run_scoped3A : memref<!tpu.dma_semaphore, #tpu.memory_space<semaphore_mem>>) src(%dma_wait3A_328 : memref<3200x32xf32, #tpu.memory_space<vmem_shared>>) dst(%dma_wait3A_326 : memref<3200x32xf32, #tpu.memory_space<hbm>>)
      tpu.yield
    }) : () -> ()
    return
  }
}

module attributes {stable_mosaic.version = 14 : i64} {
  func.func @_mid_body(%arg0: i32, %arg1: memref<2x1024xf32, #tpu.memory_space<vmem>>, %arg2: memref<1024x30xf32, #tpu.memory_space<vmem>>, %arg3: memref<30x30xf32, #tpu.memory_space<vmem>>, %arg4: memref<1024x30xf32, #tpu.memory_space<vmem>>, %arg5: memref<1024x32xf32, #tpu.memory_space<vmem>>) attributes {dimension_semantics = [#tpu.dimension_semantics<arbitrary>], iteration_bounds = array<i64: 50>, scalar_prefetch = 0 : i64, scratch_operands = 0 : i64, tpu.core_type = #tpu.core_type<tc>, window_params = [{transform_indices = @transform_0, window_bounds = array<i64: 2, 1024>}, {transform_indices = @transform_1, window_bounds = array<i64: 1024, 30>}, {pipeline_mode = #tpu.pipeline_mode<synchronous>, transform_indices = @transform_2, window_bounds = array<i64: 30, 30>}, {transform_indices = @transform_3, window_bounds = array<i64: 1024, 30>}, {transform_indices = @transform_4, window_bounds = array<i64: 1024, 32>}]} {
    %get3A = arith.constant 0 : index
    %get3A_0 = arith.constant 0 : index
    %get3A_1 = vector.load %arg1[%get3A, %get3A_0] : memref<2x1024xf32, #tpu.memory_space<vmem>>, vector<2x1024xf32>
    %reduce_sum3A = arith.constant dense<0.000000e+00> : vector<1024xf32>
    %reduce_sum3A_2 = vector.multi_reduction <add>, %get3A_1, %reduce_sum3A [0] : vector<2x1024xf32> to vector<1024xf32>
    %add3A = arith.constant 1.000000e+00 : f32
    %add3A_3 = vector.broadcast %add3A : f32 to vector<1024xf32>
    %add3A_4 = arith.addf %add3A_3, %reduce_sum3A_2 : vector<1024xf32>
    %rsqrt3A = math.rsqrt %add3A_4 : vector<1024xf32>
    %broadcast_in_dim3A = vector.shape_cast %rsqrt3A : vector<1024xf32> to vector<1024x1xf32>
    %get3A_5 = arith.constant 0 : index
    %get3A_6 = arith.constant 0 : index
    %get3A_7 = vector.load %arg2[%get3A_5, %get3A_6] : memref<1024x30xf32, #tpu.memory_space<vmem>>, vector<1024x30xf32>
    %get3A_8 = arith.constant 0 : index
    %get3A_9 = arith.constant 0 : index
    %get3A_10 = vector.load %arg3[%get3A_8, %get3A_9] : memref<30x30xf32, #tpu.memory_space<vmem>>, vector<30x30xf32>
    %dot_general3A = arith.constant dense<0.000000e+00> : vector<1024x30xf32>
    %dot_general3A_11 = tpu.matmul %get3A_7, %get3A_10, %dot_general3A {dimension_numbers = #tpu.dot_dimension_numbers<[1], [0], [0], [1], [0, 0, 1, 1], [], []>, transpose_lhs_hint = false} : vector<1024x30xf32>, vector<30x30xf32>, vector<1024x30xf32> -> vector<1024x30xf32>
    %swap3A = arith.constant 0 : index
    %swap3A_12 = arith.constant 0 : index
    %swap3A_13 = vector.load %arg4[%swap3A, %swap3A_12] : memref<1024x30xf32, #tpu.memory_space<vmem>>, vector<1024x30xf32>
    tpu.vector_store %arg4[%swap3A, %swap3A_12], %dot_general3A_11 {strides = array<i32>} : memref<1024x30xf32, #tpu.memory_space<vmem>>, vector<1024x30xf32>,
    %mul3A = vector.broadcast %broadcast_in_dim3A : vector<1024x1xf32> to vector<1024x30xf32>
    %mul3A_14 = arith.mulf %dot_general3A_11, %mul3A : vector<1024x30xf32>
    %broadcast_in_dim3A_15 = arith.constant 0.000000e+00 : f32
    %broadcast_in_dim3A_16 = vector.broadcast %broadcast_in_dim3A_15 : f32 to vector<1024x1xf32>
    %concatenate3A = tpu.concatenate %mul3A_14, %broadcast_in_dim3A, %broadcast_in_dim3A_16 in 1 : vector<1024x30xf32>, vector<1024x1xf32>, vector<1024x1xf32> -> vector<1024x32xf32>
    %swap3A_17 = arith.constant 0 : index
    %swap3A_18 = arith.constant 0 : index
    %swap3A_19 = vector.load %arg5[%swap3A_17, %swap3A_18] : memref<1024x32xf32, #tpu.memory_space<vmem>>, vector<1024x32xf32>
    tpu.vector_store %arg5[%swap3A_17, %swap3A_18], %concatenate3A {strides = array<i32>} : memref<1024x32xf32, #tpu.memory_space<vmem>>, vector<1024x32xf32>,
    return
  }
  func.func @transform_0(%arg0: i32) -> (i32, i32) {
    %c0_i32 = arith.constant 0 : i32
    %c0_i32_0 = arith.constant 0 : i32
    return %c0_i32, %arg0 : i32, i32
  }
  func.func @transform_1(%arg0: i32) -> (i32, i32) {
    %c0_i32 = arith.constant 0 : i32
    %c0_i32_0 = arith.constant 0 : i32
    return %arg0, %c0_i32 : i32, i32
  }
  func.func @transform_2(%arg0: i32) -> (i32, i32) {
    %c0_i32 = arith.constant 0 : i32
    %c0_i32_0 = arith.constant 0 : i32
    %c0_i32_1 = arith.constant 0 : i32
    return %c0_i32, %c0_i32_0 : i32, i32
  }
  func.func @transform_3(%arg0: i32) -> (i32, i32) {
    %c0_i32 = arith.constant 0 : i32
    %c0_i32_0 = arith.constant 0 : i32
    return %arg0, %c0_i32 : i32, i32
  }
  func.func @transform_4(%arg0: i32) -> (i32, i32) {
    %c0_i32 = arith.constant 0 : i32
    %c0_i32_0 = arith.constant 0 : i32
    return %arg0, %c0_i32 : i32, i32
  }
}

module attributes {stable_mosaic.version = 14 : i64} {
  func.func @_head_body(%arg0: i32, %arg1: memref<2x1024x32xf32, #tpu.memory_space<vmem>>, %arg2: memref<1024x30xf32, #tpu.memory_space<vmem>>, %arg3: memref<1024x32xf32, #tpu.memory_space<vmem>>, %arg4: memref<1x30xf32, #tpu.memory_space<vmem>>, %arg5: memref<30x10xf32, #tpu.memory_space<vmem>>, %arg6: memref<1x10xf32, #tpu.memory_space<vmem>>, %arg7: memref<10x10xf32, #tpu.memory_space<vmem>>, %arg8: memref<1x10xf32, #tpu.memory_space<vmem>>, %arg9: memref<10x10xf32, #tpu.memory_space<vmem>>, %arg10: memref<1x10xf32, #tpu.memory_space<vmem>>, %arg11: memref<1024x10xf32, #tpu.memory_space<vmem>>) attributes {dimension_semantics = [#tpu.dimension_semantics<arbitrary>], iteration_bounds = array<i64: 50>, scalar_prefetch = 0 : i64, scratch_operands = 0 : i64, tpu.core_type = #tpu.core_type<tc>, window_params = [{transform_indices = @transform_0, window_bounds = array<i64: 2, 1024, 32>}, {transform_indices = @transform_1, window_bounds = array<i64: 1024, 30>}, {transform_indices = @transform_2, window_bounds = array<i64: 1024, 32>}, {pipeline_mode = #tpu.pipeline_mode<synchronous>, transform_indices = @transform_3, window_bounds = array<i64: 1, 30>}, {pipeline_mode = #tpu.pipeline_mode<synchronous>, transform_indices = @transform_4, window_bounds = array<i64: 30, 10>}, {pipeline_mode = #tpu.pipeline_mode<synchronous>, transform_indices = @transform_5, window_bounds = array<i64: 1, 10>}, {pipeline_mode = #tpu.pipeline_mode<synchronous>, transform_indices = @transform_6, window_bounds = array<i64: 10, 10>}, {pipeline_mode = #tpu.pipeline_mode<synchronous>, transform_indices = @transform_7, window_bounds = array<i64: 1, 10>}, {pipeline_mode = #tpu.pipeline_mode<synchronous>, transform_indices = @transform_8, window_bounds = array<i64: 10, 10>}, {pipeline_mode = #tpu.pipeline_mode<synchronous>, transform_indices = @transform_9, window_bounds = array<i64: 1, 10>}, {transform_indices = @transform_10, window_bounds = array<i64: 1024, 10>}]} {
    %get3A = arith.constant 0 : index
    %get3A_0 = arith.constant 0 : index
    %get3A_1 = arith.constant 0 : index
    %get3A_2 = vector.load %arg1[%get3A, %get3A_0, %get3A_1] : memref<2x1024x32xf32, #tpu.memory_space<vmem>>, vector<1x1024x32xf32>
    %get3A_3 = vector.shape_cast %get3A_2 : vector<1x1024x32xf32> to vector<1024x32xf32>
    %get3A_4 = arith.constant 1 : index
    %get3A_5 = arith.constant 0 : index
    %get3A_6 = arith.constant 0 : index
    %get3A_7 = vector.load %arg1[%get3A_4, %get3A_5, %get3A_6] : memref<2x1024x32xf32, #tpu.memory_space<vmem>>, vector<1x1024x32xf32>
    %get3A_8 = vector.shape_cast %get3A_7 : vector<1x1024x32xf32> to vector<1024x32xf32>
    %add3A = arith.addf %get3A_3, %get3A_8 : vector<1024x32xf32>
    %get3A_9 = arith.constant 0 : index
    %get3A_10 = arith.constant 30 : index
    %get3A_11 = vector.load %arg3[%get3A_9, %get3A_10] : memref<1024x32xf32, #tpu.memory_space<vmem>>, vector<1024x1xf32>
    %slice3A = vector.extract_strided_slice %add3A {offsets = [0, 0], sizes = [1024, 30], strides = [1, 1]} : vector<1024x32xf32> to vector<1024x30xf32>
    %mul3A = vector.broadcast %get3A_11 : vector<1024x1xf32> to vector<1024x30xf32>
    %mul3A_12 = arith.mulf %mul3A, %slice3A : vector<1024x30xf32>
    %mul3A_13 = arith.mulf %get3A_11, %get3A_11 : vector<1024x1xf32>
    %get3A_14 = arith.constant 0 : index
    %get3A_15 = arith.constant 0 : index
    %get3A_16 = vector.load %arg2[%get3A_14, %get3A_15] : memref<1024x30xf32, #tpu.memory_space<vmem>>, vector<1024x30xf32>
    %mul3A_17 = vector.broadcast %mul3A_13 : vector<1024x1xf32> to vector<1024x30xf32>
    %mul3A_18 = arith.mulf %mul3A_17, %get3A_16 : vector<1024x30xf32>
    %add3A_19 = arith.addf %mul3A_12, %mul3A_18 : vector<1024x30xf32>
    %get3A_20 = arith.constant 0 : index
    %get3A_21 = arith.constant 0 : index
    %get3A_22 = vector.load %arg4[%get3A_20, %get3A_21] : memref<1x30xf32, #tpu.memory_space<vmem>>, vector<1x30xf32>
    %add3A_23 = vector.broadcast %get3A_22 : vector<1x30xf32> to vector<1024x30xf32>
    %add3A_24 = arith.addf %add3A_19, %add3A_23 : vector<1024x30xf32>
    %max3A = arith.constant 0.000000e+00 : f32
    %max3A_25 = vector.broadcast %max3A : f32 to vector<1024x30xf32>
    %max3A_26 = arith.maximumf %add3A_24, %max3A_25 : vector<1024x30xf32>
    %get3A_27 = arith.constant 0 : index
    %get3A_28 = arith.constant 0 : index
    %get3A_29 = vector.load %arg5[%get3A_27, %get3A_28] : memref<30x10xf32, #tpu.memory_space<vmem>>, vector<30x10xf32>
    %dot_general3A = arith.constant dense<0.000000e+00> : vector<1024x10xf32>
    %dot_general3A_30 = tpu.matmul %max3A_26, %get3A_29, %dot_general3A {dimension_numbers = #tpu.dot_dimension_numbers<[1], [0], [0], [1], [0, 0, 1, 1], [], []>, transpose_lhs_hint = false} : vector<1024x30xf32>, vector<30x10xf32>, vector<1024x10xf32> -> vector<1024x10xf32>
    %get3A_31 = arith.constant 0 : index
    %get3A_32 = arith.constant 0 : index
    %get3A_33 = vector.load %arg6[%get3A_31, %get3A_32] : memref<1x10xf32, #tpu.memory_space<vmem>>, vector<1x10xf32>
    %add3A_34 = vector.broadcast %get3A_33 : vector<1x10xf32> to vector<1024x10xf32>
    %add3A_35 = arith.addf %dot_general3A_30, %add3A_34 : vector<1024x10xf32>
    %max3A_36 = arith.constant 0.000000e+00 : f32
    %max3A_37 = vector.broadcast %max3A_36 : f32 to vector<1024x10xf32>
    %max3A_38 = arith.maximumf %add3A_35, %max3A_37 : vector<1024x10xf32>
    %get3A_39 = arith.constant 0 : index
    %get3A_40 = arith.constant 0 : index
    %get3A_41 = vector.load %arg7[%get3A_39, %get3A_40] : memref<10x10xf32, #tpu.memory_space<vmem>>, vector<10x10xf32>
    %dot_general3A_42 = arith.constant dense<0.000000e+00> : vector<1024x10xf32>
    %dot_general3A_43 = tpu.matmul %max3A_38, %get3A_41, %dot_general3A_42 {dimension_numbers = #tpu.dot_dimension_numbers<[1], [0], [0], [1], [0, 0, 1, 1], [], []>, transpose_lhs_hint = false} : vector<1024x10xf32>, vector<10x10xf32>, vector<1024x10xf32> -> vector<1024x10xf32>
    %get3A_44 = arith.constant 0 : index
    %get3A_45 = arith.constant 0 : index
    %get3A_46 = vector.load %arg8[%get3A_44, %get3A_45] : memref<1x10xf32, #tpu.memory_space<vmem>>, vector<1x10xf32>
    %add3A_47 = vector.broadcast %get3A_46 : vector<1x10xf32> to vector<1024x10xf32>
    %add3A_48 = arith.addf %dot_general3A_43, %add3A_47 : vector<1024x10xf32>
    %max3A_49 = arith.constant 0.000000e+00 : f32
    %max3A_50 = vector.broadcast %max3A_49 : f32 to vector<1024x10xf32>
    %max3A_51 = arith.maximumf %add3A_48, %max3A_50 : vector<1024x10xf32>
    %get3A_52 = arith.constant 0 : index
    %get3A_53 = arith.constant 0 : index
    %get3A_54 = vector.load %arg9[%get3A_52, %get3A_53] : memref<10x10xf32, #tpu.memory_space<vmem>>, vector<10x10xf32>
    %dot_general3A_55 = arith.constant dense<0.000000e+00> : vector<1024x10xf32>
    %dot_general3A_56 = tpu.matmul %max3A_51, %get3A_54, %dot_general3A_55 {dimension_numbers = #tpu.dot_dimension_numbers<[1], [0], [0], [1], [0, 0, 1, 1], [], []>, transpose_lhs_hint = false} : vector<1024x10xf32>, vector<10x10xf32>, vector<1024x10xf32> -> vector<1024x10xf32>
    %get3A_57 = arith.constant 0 : index
    %get3A_58 = arith.constant 0 : index
    %get3A_59 = vector.load %arg10[%get3A_57, %get3A_58] : memref<1x10xf32, #tpu.memory_space<vmem>>, vector<1x10xf32>
    %add3A_60 = vector.broadcast %get3A_59 : vector<1x10xf32> to vector<1024x10xf32>
    %add3A_61 = arith.addf %dot_general3A_56, %add3A_60 : vector<1024x10xf32>
    %swap3A = arith.constant 0 : index
    %swap3A_62 = arith.constant 0 : index
    %swap3A_63 = vector.load %arg11[%swap3A, %swap3A_62] : memref<1024x10xf32, #tpu.memory_space<vmem>>, vector<1024x10xf32>
    tpu.vector_store %arg11[%swap3A, %swap3A_62], %add3A_61 {strides = array<i32>} : memref<1024x10xf32, #tpu.memory_space<vmem>>, vector<1024x10xf32>,
    return
  }
  func.func @transform_0(%arg0: i32) -> (i32, i32, i32) {
    %c0_i32 = arith.constant 0 : i32
    %c0_i32_0 = arith.constant 0 : i32
    %c0_i32_1 = arith.constant 0 : i32
    return %c0_i32, %arg0, %c0_i32_0 : i32, i32, i32
  }
  func.func @transform_1(%arg0: i32) -> (i32, i32) {
    %c0_i32 = arith.constant 0 : i32
    %c0_i32_0 = arith.constant 0 : i32
    return %arg0, %c0_i32 : i32, i32
  }
  func.func @transform_2(%arg0: i32) -> (i32, i32) {
    %c0_i32 = arith.constant 0 : i32
    %c0_i32_0 = arith.constant 0 : i32
    return %arg0, %c0_i32 : i32, i32
  }
  func.func @transform_3(%arg0: i32) -> (i32, i32) {
    %c0_i32 = arith.constant 0 : i32
    %c0_i32_0 = arith.constant 0 : i32
    %c0_i32_1 = arith.constant 0 : i32
    return %c0_i32, %c0_i32_0 : i32, i32
  }
  func.func @transform_4(%arg0: i32) -> (i32, i32) {
    %c0_i32 = arith.constant 0 : i32
    %c0_i32_0 = arith.constant 0 : i32
    %c0_i32_1 = arith.constant 0 : i32
    return %c0_i32, %c0_i32_0 : i32, i32
  }
  func.func @transform_5(%arg0: i32) -> (i32, i32) {
    %c0_i32 = arith.constant 0 : i32
    %c0_i32_0 = arith.constant 0 : i32
    %c0_i32_1 = arith.constant 0 : i32
    return %c0_i32, %c0_i32_0 : i32, i32
  }
  func.func @transform_6(%arg0: i32) -> (i32, i32) {
    %c0_i32 = arith.constant 0 : i32
    %c0_i32_0 = arith.constant 0 : i32
    %c0_i32_1 = arith.constant 0 : i32
    return %c0_i32, %c0_i32_0 : i32, i32
  }
  func.func @transform_7(%arg0: i32) -> (i32, i32) {
    %c0_i32 = arith.constant 0 : i32
    %c0_i32_0 = arith.constant 0 : i32
    %c0_i32_1 = arith.constant 0 : i32
    return %c0_i32, %c0_i32_0 : i32, i32
  }
  func.func @transform_8(%arg0: i32) -> (i32, i32) {
    %c0_i32 = arith.constant 0 : i32
    %c0_i32_0 = arith.constant 0 : i32
    %c0_i32_1 = arith.constant 0 : i32
    return %c0_i32, %c0_i32_0 : i32, i32
  }
  func.func @transform_9(%arg0: i32) -> (i32, i32) {
    %c0_i32 = arith.constant 0 : i32
    %c0_i32_0 = arith.constant 0 : i32
    %c0_i32_1 = arith.constant 0 : i32
    return %c0_i32, %c0_i32_0 : i32, i32
  }
  func.func @transform_10(%arg0: i32) -> (i32, i32) {
    %c0_i32 = arith.constant 0 : i32
    %c0_i32_0 = arith.constant 0 : i32
    return %arg0, %c0_i32 : i32, i32
  }
}

</mosaic_0001>

<sc_bundles>
// kernel: kernel.6.cloned.1.call-start
scs
__scs_entry_jumppad:
0x0: {  	(pc) =	sbr.rel $0x88, $3  }
0x1: {  	(tag) =	ssettag $0x0;
	lr =	simm.s32 $0x1  }
0x2: {  	[smem:$0x3F96] =	sst lr;
	_ =	strace $0xD0000000  }
0x3: {  	_ = 	snop  }
0x4: {  	_ = 	snop  }
0x5: {  	_ = 	snop  }
0x6: {  	_ = 	snop  }
0x7: {  	_ = 	snop  }
__scs_overlays_trampoline_lowered:
0x8: {  	[smem:$0x3FA5] =	sst s0  }
0x9: {  	[smem:$0x3FA6] =	sst s1  }
0xa: {  	[smem:$0x3FA7] =	sst s2  }
0xb: {  	[smem:$0x3FA8] =	sst s3  }
0xc: {  	[smem:$0x3FA9] =	sst s4  }
0xd: {  	[smem:$0x3FAA] =	sst s5  }
0xe: {  	[smem:$0x3FAB] =	sst s6  }
0xf: {  	[smem:$0x3FAC] =	sst s7  }
0x10: {  	[smem:$0x3FAD] =	sst s8  }
0x11: {  	[smem:$0x3FAE] =	sst s9;
	s0 =	simm.s32 @!p0 $0x0  }
0x12: {  	s1 =	sld [smem:$0x3F94];
	s0 =	simm.s32 @p0 $0x1  }
0x13: {  	[smem:$0x3FAF] =	sst s0;
	s0 =	simm.s32 @!p1 $0x0  }
0x14: {  	s2 =	sld [smem:$0x3F93];
	s0 =	simm.s32 @p1 $0x1  }
0x15: {  	[smem:$0x3FB0] =	sst s0;
	s0 =	simm.s32 @!p2 $0x0  }
0x16: {  	s3 =	sld [smem:$0x3FDB];
	s0 =	simm.s32 @p2 $0x1  }
0x17: {  	s4 =	simm.s32 $0x1BF5;
	[smem:$0x3FB2] =	sst s0  }
0x18: {  	s0 =	sld [smem:$0x3F95];
	_ =	swait.ge [sflag:s4], $0x0  }
0x19: {  	s7 =	sld [smem:$0x3F96]  }
0x1a: {  	s8 =	sadd.s32 $0xFFFFE003, lr  }
0x1b: {  	s9 =	sadd.s32 $0xFFFFFEF7, lr;
	s5 =	simm.s32 $0xFFFFFFFF;
	p2 =	slt.u32 s8, $0xFFFFF086  }
0x1c: {  	p1 =	slt.u32 s9, $0xF7A;
	s5 =	simm.s32 @!p2 $0x0  }
0x1d: {  	s5 =	simm.s32 @p1 $0x1;
	p0 =	seq.s32 s7, s2  }
0x1e: {  	s7 =	smul.u32 @!p0 $0xF7A, s2;
	p2 =	seq.s32 @!p0 s5, $0x0  }
0x1f: {  	s9 =	smul.u32 $0xF7A, s1;
	s8 =	simm.s32 @!p0 $0x1BF5;
	p2 =	por !p2, p0  }
0x20: {  	[sflag:s8] =	ssyncset.s32 @!p0 $0xFFFFF086;
	s6 =	sadd.s32 @!p0 s3, s7;
	s7 =	simm.s32 @!p0 $0x108  }
0x21: {  	s3 =	sadd.s32 s3, s9;
	s6 =	sadd.s32 @!p0 $0x88, s6;
	s7 =	simm.s32 @p2 $0x1082  }
0x22: {  	[simem:s7], [sflag:s8] =	dma.local @!p0 [hbm:s6], $0xF7A  }
0x23: {  	s9 =	sor.u32 $0xD0000000, s2;
	s6 =	simm.s32 $0x108;
	_ =	swait.ge @!p0 [sflag:s8], $0x0  }
0x24: {  	s3 =	sadd.s32 $0x88, s3;
	s6 =	simm.s32 @!p1 $0x1082;
	[sflag:s4] =	ssyncset.s32 $0xFFFFF086  }
0x25: {  	[simem:s6], [sflag:s4] =	dma.local [hbm:s3], $0xF7A  }
0x26: {  	[smem:$0x3F96] =	sst s1;
	(tag) =	ssettag s2;
	_ =	strace s9  }
0x27: {  	s1 =	sld [smem:$0x3FA6]  }
0x28: {  	s2 =	sld [smem:$0x3FA7]  }
0x29: {  	s4 =	sld [smem:$0x3FA9]  }
0x2a: {  	p0 =	seq.s32 s5, $0x0;
	s5 =	sld [smem:$0x3FAA]  }
0x2b: {  	s6 =	sld [smem:$0x3FAB]  }
0x2c: {  	s7 =	sld [smem:$0x3FAC]  }
0x2d: {  	s3 =	simm.s32 $0x108;
	s8 =	sld [smem:$0x3FAD]  }
0x2e: {  	s3 =	simm.s32 @!p0 $0x1082;
	s9 =	sld [smem:$0x3FAE]  }
0x2f: {  	lr =	sadd.s32 s0, s3;
	s0 =	sld [smem:$0x3FA5]  }
0x30: {  	s3 =	sld [smem:$0x3FA8]  }
0x31: {  	[smem:$0x3FB1] =	sst s10  }
0x32: {  	s10 =	sld [smem:$0x3FAF];
	_ =	sdelay $0x3  }
0x33: {  	p0 =	seq.s32 s10, $0x1;
	s10 =	sld [smem:$0x3FB1];
	_ =	sdelay $0x3  }
0x34: {  	[smem:$0x3FB1] =	sst s10  }
0x35: {  	s10 =	sld [smem:$0x3FB0];
	_ =	sdelay $0x3  }
0x36: {  	p1 =	seq.s32 s10, $0x1;
	s10 =	sld [smem:$0x3FB1];
	_ =	sdelay $0x3  }
0x37: {  	[smem:$0x3FB1] =	sst s10  }
0x38: {  	s10 =	sld [smem:$0x3FB2]  }
0x39: {  	_ = 	snop;
	(pc) =	sbr.ind lr, $3  }
0x3a: {  	_ = 	snop  }
0x3b: {  	_ = 	snop  }
0x3c: {  	p2 =	seq.s32 s10, $0x1;
	s10 =	sld [smem:$0x3FB1]  }
0x3d: {  	_ =	shalt  }
0x3e: {  	_ =	shalt  }
0x3f: {  	_ =	shalt  }
0x40: {  	_ =	shalt  }
0x41: {  	_ =	shalt  }
0x42: {  	_ =	shalt  }
0x43: {  	_ =	shalt  }
0x44: {  	_ =	shalt  }
0x45: {  	_ =	shalt  }
0x46: {  	_ =	shalt  }
0x47: {  	_ =	shalt  }
0x48: {  	_ =	shalt  }
0x49: {  	_ =	shalt  }
0x4a: {  	_ =	shalt  }
0x4b: {  	_ =	shalt  }
0x4c: {  	_ =	shalt  }
0x4d: {  	_ =	shalt  }
0x4e: {  	_ =	shalt  }
0x4f: {  	_ =	shalt  }
0x50: {  	_ =	shalt  }
0x51: {  	_ =	shalt  }
0x52: {  	_ =	shalt  }
0x53: {  	_ =	shalt  }
0x54: {  	_ =	shalt  }
0x55: {  	_ =	shalt  }
0x56: {  	_ =	shalt  }
0x57: {  	_ =	shalt  }
0x58: {  	_ =	shalt  }
0x59: {  	_ =	shalt  }
0x5a: {  	_ =	shalt  }
0x5b: {  	_ =	shalt  }
0x5c: {  	_ =	shalt  }
0x5d: {  	_ =	shalt  }
0x5e: {  	_ =	shalt  }
0x5f: {  	_ =	shalt  }
0x60: {  	_ =	shalt  }
0x61: {  	_ =	shalt  }
0x62: {  	_ =	shalt  }
0x63: {  	_ =	shalt  }
0x64: {  	_ =	shalt  }
0x65: {  	_ =	shalt  }
0x66: {  	_ =	shalt  }
0x67: {  	_ =	shalt  }
0x68: {  	_ =	shalt  }
0x69: {  	_ =	shalt  }
0x6a: {  	_ =	shalt  }
0x6b: {  	_ =	shalt  }
0x6c: {  	_ =	shalt  }
0x6d: {  	_ =	shalt  }
0x6e: {  	_ =	shalt  }
0x6f: {  	_ =	shalt  }
0x70: {  	_ =	shalt  }
0x71: {  	_ =	shalt  }
0x72: {  	_ =	shalt  }
0x73: {  	_ =	shalt  }
0x74: {  	_ =	shalt  }
0x75: {  	_ =	shalt  }
0x76: {  	_ =	shalt  }
0x77: {  	_ =	shalt  }
0x78: {  	_ =	shalt  }
0x79: {  	_ =	shalt  }
0x7a: {  	_ =	shalt  }
0x7b: {  	_ =	shalt  }
0x7c: {  	_ =	shalt  }
0x7d: {  	_ =	shalt  }
0x7e: {  	_ =	shalt  }
0x7f: {  	_ =	shalt  }
0x80: {  	_ =	shalt  }
0x81: {  	_ =	shalt  }
0x82: {  	_ =	shalt  }
0x83: {  	_ =	shalt  }
0x84: {  	_ =	shalt  }
0x85: {  	_ =	shalt  }
0x86: {  	_ =	shalt  }
0x87: {  	_ =	shalt  }
.Lfunc_end0:
.L_simem_size_0:
called_computation_lowered:
.L_overlay_start_0:
0x88: {  	s2 =	sld [smem:$0x3FD9]  }
0x89: {  	s3 =	sld [smem:$0x3FFE];
	_ =	sdelay $0x1  }
0x8a: {  	s1 =	srdreg.scid  }
0x8b: {  	s0 =	sand.u32 $0x1, s1  }
0x8c: {  	s17 =	sshll.u32 s0, $0xA;
	s2 =	sadd.s32 s3, s2  }
0x8d: {  	s2 =	sadd.s32 s2, s17  }
0x8e: {  	[smem:$0x3FBD] =	sst s2  }
0x8f: {  	_ = 	snop  }
0x90: {  	s2 =	sld [smem:$0x3FD0];
	(tm) =	ssettm $0x1  }
0x91: {  	s18 =	sld [smem:$0x3FFB];
	_ =	sdelay $0x3  }
0x92: {  	_ =	strace s18  }
0x93: {  	s3 =	sld [smem:$0x3FFC];
	_ =	sdelay $0x3  }
0x94: {  	_ =	strace s3  }
0x95: {  	s3 =	sld [smem:$0x3FFD];
	_ =	sdelay $0x3  }
0x96: {  	_ =	strace s3  }
0x97: {  	_ =	strace $0x8FFFFFFF  }
0x98: {  	s19 =	sld [smem:$0x3FDB];
	_ =	sdelay $0x1  }
0x99: {  	s4 =	simm.s32 $_scs_section_size  }
0x9a: {  	s5 =	simm.s32 $_size__tile_overlayer_lowered;
	s6 =	simm.s32 $_tile_overlayer_lowered  }
0x9b: {  	s22 =	simm.s32 $0x1BFF;
	s21 =	sshll.u32 s6, $0x1;
	s3 =	sadd.s32 s4, s19  }
0x9c: {  	s7 =	simm.s32 $0x0;
	s20 =	sshll.u32 s5, $0x1;
	s5 =	sadd.s32 s21, s3  }
0x9d: {  	[timem:s7], [sflag:s22] =	dma.local [hbm:s5], s20  }
0x9e: {  	_ =	swait.ge [sflag:s22], s20  }
0x9f: {  	s4 =	ssub.s32 $0x0, s20;
	[sflag:s22] =	ssyncset.done $0x0  }
0xa0: {  	[sflag:s22] =	ssyncadd.s32 s4;
	_ =	sdelay $0x1  }
0xa1: {  	s23 =	simm.s32 $0x1B8B  }
0xa2: {  	_ =	swait.ge [sflag:s23], $0x1  }
0xa3: {  	[sflag:s23] =	ssyncset.done $0x0  }
0xa4: {  	s25 =	simm.s32 $0x1B8E;
	s24 =	sld [smem:$0x3FFE];
	[sflag:s23] =	ssyncadd.s32 $0xFFFFFFFF  }
0xa5: {  	s26 =	simm.s32 $execute0_lowered;
	[smem:$0x3FD2] =	sst s25  }
0xa6: {  	s5 =	sshll.u32 s26, $0x1;
	_ =	strace $0x80000046;
	[dreg:$0x1] =	wrdreg $0xFFFFFFFF  }
0xa7: {  	s28 =	simm.s32 $_size_execute0_lowered;
	s3 =	sadd.s32 s3, s5;
	[dreg:$0x0] =	wrdreg $0x0  }
0xa8: {  	s5 =	sshll.u32 s28, $0x1;
	[dreg:$0x2] =	wrdreg s3  }
0xa9: {  	[dreg:$0x3] =	wrdreg s5  }
0xaa: {  	[dreg:$0x4] =	wrdreg $0xC0  }
0xab: {  	_ =	task [dreg:s7], $0x5FFFF  }
0xac: {  	[dreg:$0x1] =	wrdreg $0xFFFFFFFF  }
0xad: {  	[dreg:$0x0] =	wrdreg $0x60  }
0xae: {  	[dreg:$0x2] =	wrdreg s24  }
0xaf: {  	[dreg:$0x3] =	wrdreg s2  }
0xb0: {  	[dreg:$0x4] =	wrdreg $0x28800  }
0xb1: {  	[dreg:$0x5] =	wrdreg $0x9  }
0xb2: {  	_ =	task.clear_ibuf [dreg:s7], $0x6FFFF;
	_ =	strace $0x90000046  }
0xb3: {  	s29 =	simm.s32 $0x9;
	_ =	strace $0x80000048  }
0xb4: {  	_ =	swait.ge [sflag:s29], $0x1  }
0xb5: {  	[sflag:s29] =	ssyncadd.s32 $0xFFFFFFFF  }
0xb6: {  	_ =	strace $0x90000048  }
0xb7: {  	_ =	sfence  }
0xb8: {  	s30 =	sld [smem:$0x0];
	_ =	sdelay $0x2  }
0xb9: {  	s31 =	sshll.u32 s1, $0xD;
	s1 =	sshrl.u32 s1, $0x2  }
0xba: {  	s3 =	sand.u32 $0x4000, s31;
	s1 =	sadd.s32 s1, s30  }
0xbb: {  	s0 =	sor.u32 s3, s0;
	s1 =	sshll.u32 s1, $0x11  }
0xbc: {  	s0 =	sor.u32 s1, s0  }
0xbd: {  	s0 =	sadd.s32 $0x8F2B, s0  }
0xbe: {  	[sflag:s0] =	ssyncadd.remote.s32 $0x1  }
0xbf: {  	_ =	sfence.sel $0xFFFF  }
0xc0: {  	[dreg:$0x0] =	wrdreg $0xFFFFFFFF;
	(pc) =	sbr.abs _section_cstart, $3  }
0xc1: {  	[dreg:$0x1] =	wrdreg $0xFFFFFFFF  }
0xc2: {  	_ =	task.clear_ibuf [dreg:s7], $0x2FFFF;
	_ =	strace $0x9FFFFFFF  }
0xc3: {  	(tm) =	ssettm $0x7FFFFFFF  }
tec
execute0_lowered:
.L_overlay_start_1:
0x0: {  	(tag) =	ssettag $0x1  }
0x1: {  	s4 =	rddreg [dreg:$0x0]  }
0x2: {  	s0 =	rddreg [dreg:$0x1]  }
0x3: {  	s2 =	rddreg [dreg:$0x2];
	s3 =	simm.s32 $0x0  }
0x4: {  	s10 =	simm.s32 $0xD00;
	[smem:$0x7FF] =	sst s3  }
0x5: {  	s11 =	simm.s32 $0x1B00;
	_ =	strace $0x80000047;
	[dreg:$0x6] =	wrdreg s10  }
0x6: {  	s12 =	simm.s32 $0xD80;
	[dreg:$0x7] =	wrdreg s11  }
0x7: {  	s13 =	simm.s32 $0x1B80;
	[dreg:$0x8] =	wrdreg s12  }
0x8: {  	s14 =	simm.s32 $0xE00;
	[dreg:$0x9] =	wrdreg s13  }
0x9: {  	s15 =	simm.s32 $0x1C00;
	[dreg:$0xa] =	wrdreg s14  }
0xa: {  	s16 =	simm.s32 $0xE80;
	[dreg:$0xb] =	wrdreg s15  }
0xb: {  	s17 =	simm.s32 $0x1C80;
	[dreg:$0xc] =	wrdreg s16  }
0xc: {  	s18 =	simm.s32 $0xF00;
	[dreg:$0xd] =	wrdreg s17  }
0xd: {  	s19 =	simm.s32 $0x1D00;
	[dreg:$0xe] =	wrdreg s18  }
0xe: {  	s20 =	simm.s32 $0xF80;
	[dreg:$0xf] =	wrdreg s19  }
0xf: {  	s21 =	simm.s32 $0x1D80;
	[dreg:$0x10] =	wrdreg s20  }
0x10: {  	s22 =	simm.s32 $0x1000;
	[dreg:$0x11] =	wrdreg s21  }
0x11: {  	s23 =	simm.s32 $0x1E00;
	[dreg:$0x12] =	wrdreg s22  }
0x12: {  	s24 =	simm.s32 $0x1080;
	[dreg:$0x13] =	wrdreg s23  }
0x13: {  	s25 =	simm.s32 $0x1E80;
	[dreg:$0x14] =	wrdreg s24  }
0x14: {  	s26 =	simm.s32 $0x1100;
	[dreg:$0x15] =	wrdreg s25  }
0x15: {  	s8 =	simm.s32 $0x1F80;
	[dreg:$0x16] =	wrdreg s26  }
0x16: {  	s7 =	stileid.u32;
	[dreg:$0x19] =	wrdreg s8;
	s10 =	simm.s32 $0x1200  }
0x17: {  	s1 =	srdreg.scid;
	s12 =	simm.s32 $0x2000;
	[dreg:$0x1a] =	wrdreg s10  }
0x18: {  	s28 =	simm.s32 $0x2700;
	s13 =	simm.s32 $0x1280;
	[dreg:$0x1b] =	wrdreg s12  }
0x19: {  	s29 =	simm.s32 $0x1980;
	s15 =	simm.s32 $0x2080;
	[dreg:$0x1c] =	wrdreg s13  }
0x1a: {  	s30 =	simm.s32 $0x2780;
	s16 =	simm.s32 $0x1300;
	[dreg:$0x1d] =	wrdreg s15  }
0x1b: {  	s31 =	simm.s32 $0x1A00;
	s17 =	simm.s32 $0x2100;
	[dreg:$0x1e] =	wrdreg s16  }
0x1c: {  	s5 =	smul.u32 $0x3100, s7;
	s18 =	simm.s32 $0x1380;
	[dreg:$0x1f] =	wrdreg s17  }
0x1d: {  	s1 =	sand.u32 $0x1, s1;
	s19 =	simm.s32 $0x2180;
	[smem:$0x7F3] =	sst s18  }
0x1e: {  	s6 =	smul.u32 $0x1880, s1;
	s20 =	simm.s32 $0x1400;
	[smem:$0x7F5] =	sst s19  }
0x1f: {  	s14 =	smul.u32 $0xC80, s7;
	s22 =	simm.s32 $0x2200;
	[smem:$0x7F7] =	sst s20  }
0x20: {  	s23 =	simm.s32 $0x1480;
	s8 =	simm.s32 $0xC80;
	[smem:$0x7F8] =	sst s22  }
0x21: {  	s24 =	simm.s32 $0x2280;
	s25 =	simm.s32 $0x1500;
	[smem:$0x7F9] =	sst s23  }
0x22: {  	s26 =	simm.s32 $0x2300;
	s4 =	sadd.s32 s5, s4;
	[smem:$0x7FA] =	sst s24  }
0x23: {  	s5 =	simm.s32 $0x1F00;
	s10 =	simm.s32 $0x2;
	[smem:$0x7FB] =	sst s25  }
0x24: {  	[smem:$0x7FC] =	sst s26;
	s12 =	simm.s32 $0x1580;
	s13 =	simm.s32 $0x2380  }
0x25: {  	s15 =	simm.s32 $0x2400;
	s16 =	simm.s32 $0x1680;
	s17 =	simm.s32 $0x2480  }
0x26: {  	s18 =	simm.s32 $0x1700;
	s19 =	simm.s32 $0x2500;
	s20 =	simm.s32 $0x1780  }
0x27: {  	s22 =	simm.s32 $0x1800;
	s23 =	simm.s32 $0x2600;
	s24 =	simm.s32 $0x1880  }
0x28: {  	s25 =	simm.s32 $0x2680;
	s26 =	simm.s32 $0x1900;
	s4 =	sadd.s32 s6, s4  }
0x29: {  	[dreg:$0x17] =	wrdreg s5;
	s6 =	simm.s32 $0x1180;
	s7 =	sadd.s32 s14, s2  }
0x2a: {  	s9 =	sadd.s32 $0x2200, s4;
	s4 =	sadd.s32 $0x33200, s4;
	[dreg:$0x18] =	wrdreg s6  }
0x2b: {  	[dreg:$0x4] =	wrdreg s9;
	s9 =	ssub.s32 $0x2, s1;
	s1 =	smul.u32 $0xC800, s1  }
0x2c: {  	s6 =	simm.s32 $0x3;
	[smem:$0x7FD] =	sst s7;
	s11 =	sshrl.u32 s9, $0x1  }
0x2d: {  	[dreg:$0x5] =	wrdreg s4;
	s5 =	ssub.s32 s9, s11;
	s1 =	sadd.s32 s14, s1  }
0x2e: {  	s9 =	simm.s32 $0x1A80;
	s11 =	simm.s32 $0x80;
	s14 =	simm.s32 $0x1600  }
0x2f: {  	s1 =	sshrl.u32 s1, $0x3;
	s21 =	smax.u32 s5, $0x1;
	s5 =	simm.s32 $0x0  }
0x30: {  	s0 =	sadd.s32 s0, s1;
	[smem:$0x7F6] =	sst s21;
	s21 =	simm.s32 $0x2580  }
0x31: {  	v0 =	vimm.f32 $0.0e+00;
	s1 =	simm.s32 $0x2800;
	[smem:$0x7F4] =	sst s0;
	s0 =	simm.s32 $0x1  }
.LBB2_1:
0x32: {  	[smem:$0x7F2] =	sst s5;
	s4 =	simm.s32 $0x40;
	s5 =	simm.s32 $0x0  }
.LBB2_2:
0x33: {  	p0 =	sne.s32 s4, $0x31C0;
	[tilespmem:s5+$0x0] =	vst v0;
	s5 =	smov.u32 s4;
	s4 =	sadd.s32 $0x40, s4  }
.Ltmp0:
0x34: {  	(pc) =	sbr.rel @p0 .LBB2_2-.Ltmp0, $2  }
0x35: {  	_ =	sdelay $0x2  }
0x36: {  	s5 =	sshra.s32 s5, $0x2  }
0x37: {  	[tilespmem:s5+$0x0] =	vst v0;
	s4 =	simm.s32 $0x0  }
0x38: {  	[spmem:s7] =	stream.linear.scatter [tilespmem:s4], [sflag:$0x3], $0xC80, $0x38;
	[tilespmem:$0x3500] =	vst v63  }
0x39: {  	_ =	swait.ge [sflag:s6], $0xC80  }
0x3a: {  	[sflag:s6] =	ssyncset.done $0x0  }
0x3b: {  	[sflag:s6] =	ssyncadd.s32 $0xFFFFF380  }
0x3c: {  	[bflag:$0x0] =	sbarrier.arrive $0xFFFF  }
0x3d: {  	s5 =	rddreg [dreg:$0x5]  }
0x3e: {  	s6 =	rddreg [dreg:$0x4];
	s4 =	sadd.s32 $0x0, s5  }
0x3f: {  	[tilespmem:s8], [sflag:$0x2] =	stream.linear.gather [hbm4b:s4+s3], $0xE00, $0x38;
	[tilespmem:$0x3500] =	vst v63  }
0x40: {  	s7 =	sadd.s32 $0x0, s6  }
0x41: {  	[tilespmem:s9], [sflag:$0x2] =	stream.linear.gather [hbm4b:s7+s3], $0xE00, $0x38;
	[tilespmem:$0x3500] =	vst v63  }
0x42: {  	_ =	swait.ge [sflag:s10], $0xE00  }
0x43: {  	[sflag:s10] =	ssyncset.done $0x0  }
0x44: {  	[sflag:s10] =	ssyncadd.s32 $0xFFFFF200  }
0x45: {  	_ =	swait.ge [sflag:s10], $0xE00  }
0x46: {  	s4 =	rddreg [dreg:$0x8]  }
0x47: {  	[sflag:s10] =	ssyncset.done $0x0;
	s5 =	rddreg [dreg:$0x6]  }
0x48: {  	s6 =	rddreg [dreg:$0x7];
	[sflag:s10] =	ssyncadd.s32 $0xFFFFF200  }
0x49: {  	[spmem:s2] =	stream.indirect.scatter.add.f32 [tilespmem:s9], [sflag:$0x1], $0x1, s8, s11, $0xb8;
	[tilespmem:$0x3500] =	vst v63  }
0x4a: {  	s7 =	rddreg [dreg:$0x9]  }
0x4b: {  	[spmem:s2] =	stream.indirect.scatter.add.f32 [tilespmem:s6], [sflag:$0x1], $0x1, s5, s11, $0xb8;
	[tilespmem:$0x3500] =	vst v63  }
0x4c: {  	s5 =	rddreg [dreg:$0xa]  }
0x4d: {  	s6 =	rddreg [dreg:$0xb]  }
0x4e: {  	[spmem:s2] =	stream.indirect.scatter.add.f32 [tilespmem:s7], [sflag:$0x1], $0x1, s4, s11, $0xb8;
	[tilespmem:$0x3500] =	vst v63  }
0x4f: {  	s4 =	rddreg [dreg:$0xd]  }
0x50: {  	s7 =	rddreg [dreg:$0xc]  }
0x51: {  	[spmem:s2] =	stream.indirect.scatter.add.f32 [tilespmem:s6], [sflag:$0x1], $0x1, s5, s11, $0xb8;
	[tilespmem:$0x3500] =	vst v63  }
0x52: {  	s5 =	rddreg [dreg:$0xf]  }
0x53: {  	s6 =	rddreg [dreg:$0xe]  }
0x54: {  	[spmem:s2] =	stream.indirect.scatter.add.f32 [tilespmem:s4], [sflag:$0x1], $0x1, s7, s11, $0xb8;
	[tilespmem:$0x3500] =	vst v63  }
0x55: {  	s4 =	rddreg [dreg:$0x11]  }
0x56: {  	s7 =	rddreg [dreg:$0x10]  }
0x57: {  	[spmem:s2] =	stream.indirect.scatter.add.f32 [tilespmem:s5], [sflag:$0x1], $0x1, s6, s11, $0xb8;
	[tilespmem:$0x3500] =	vst v63  }
0x58: {  	s5 =	rddreg [dreg:$0x13]  }
0x59: {  	s6 =	rddreg [dreg:$0x12]  }
0x5a: {  	[spmem:s2] =	stream.indirect.scatter.add.f32 [tilespmem:s4], [sflag:$0x1], $0x1, s7, s11, $0xb8;
	[tilespmem:$0x3500] =	vst v63  }
0x5b: {  	s4 =	rddreg [dreg:$0x15]  }
0x5c: {  	s7 =	rddreg [dreg:$0x14]  }
0x5d: {  	[spmem:s2] =	stream.indirect.scatter.add.f32 [tilespmem:s5], [sflag:$0x1], $0x1, s6, s11, $0xb8;
	[tilespmem:$0x3500] =	vst v63  }
0x5e: {  	s5 =	rddreg [dreg:$0x17]  }
0x5f: {  	s6 =	rddreg [dreg:$0x16]  }
0x60: {  	[spmem:s2] =	stream.indirect.scatter.add.f32 [tilespmem:s4], [sflag:$0x1], $0x1, s7, s11, $0xb8;
	[tilespmem:$0x3500] =	vst v63  }
0x61: {  	s4 =	rddreg [dreg:$0x19]  }
0x62: {  	s7 =	rddreg [dreg:$0x18]  }
0x63: {  	[spmem:s2] =	stream.indirect.scatter.add.f32 [tilespmem:s5], [sflag:$0x1], $0x1, s6, s11, $0xb8;
	[tilespmem:$0x3500] =	vst v63  }
0x64: {  	s5 =	rddreg [dreg:$0x1b]  }
0x65: {  	s6 =	rddreg [dreg:$0x1a]  }
0x66: {  	[spmem:s2] =	stream.indirect.scatter.add.f32 [tilespmem:s4], [sflag:$0x1], $0x1, s7, s11, $0xb8;
	[tilespmem:$0x3500] =	vst v63  }
0x67: {  	s4 =	rddreg [dreg:$0x1d]  }
0x68: {  	s7 =	rddreg [dreg:$0x1c]  }
0x69: {  	[spmem:s2] =	stream.indirect.scatter.add.f32 [tilespmem:s5], [sflag:$0x1], $0x1, s6, s11, $0xb8;
	[tilespmem:$0x3500] =	vst v63  }
0x6a: {  	s5 =	rddreg [dreg:$0x1f]  }
0x6b: {  	s6 =	rddreg [dreg:$0x1e]  }
0x6c: {  	[spmem:s2] =	stream.indirect.scatter.add.f32 [tilespmem:s4], [sflag:$0x1], $0x1, s7, s11, $0xb8;
	[tilespmem:$0x3500] =	vst v63  }
0x6d: {  	s4 =	sld [smem:$0x7F5]  }
0x6e: {  	s7 =	sld [smem:$0x7F3]  }
0x6f: {  	[spmem:s2] =	stream.indirect.scatter.add.f32 [tilespmem:s5], [sflag:$0x1], $0x1, s6, s11, $0xb8;
	[tilespmem:$0x3500] =	vst v63  }
0x70: {  	s5 =	sld [smem:$0x7F8]  }
0x71: {  	s6 =	sld [smem:$0x7F7]  }
0x72: {  	[spmem:s2] =	stream.indirect.scatter.add.f32 [tilespmem:s4], [sflag:$0x1], $0x1, s7, s11, $0xb8;
	[tilespmem:$0x3500] =	vst v63  }
0x73: {  	s4 =	sld [smem:$0x7FA]  }
0x74: {  	s7 =	sld [smem:$0x7F9]  }
0x75: {  	[spmem:s2] =	stream.indirect.scatter.add.f32 [tilespmem:s5], [sflag:$0x1], $0x1, s6, s11, $0xb8;
	[tilespmem:$0x3500] =	vst v63  }
0x76: {  	s5 =	sld [smem:$0x7FC]  }
0x77: {  	s6 =	sld [smem:$0x7FB]  }
0x78: {  	[spmem:s2] =	stream.indirect.scatter.add.f32 [tilespmem:s4], [sflag:$0x1], $0x1, s7, s11, $0xb8;
	[tilespmem:$0x3500] =	vst v63  }
0x79: {  	_ = 	snop  }
0x7a: {  	[spmem:s2] =	stream.indirect.scatter.add.f32 [tilespmem:s5], [sflag:$0x1], $0x1, s6, s11, $0xb8;
	[tilespmem:$0x3500] =	vst v63  }
0x7b: {  	_ = 	snop  }
0x7c: {  	[spmem:s2] =	stream.indirect.scatter.add.f32 [tilespmem:s13], [sflag:$0x1], $0x1, s12, s11, $0xb8;
	[tilespmem:$0x3500] =	vst v63  }
0x7d: {  	_ = 	snop  }
0x7e: {  	[spmem:s2] =	stream.indirect.scatter.add.f32 [tilespmem:s15], [sflag:$0x1], $0x1, s14, s11, $0xb8;
	[tilespmem:$0x3500] =	vst v63  }
0x7f: {  	_ = 	snop  }
0x80: {  	[spmem:s2] =	stream.indirect.scatter.add.f32 [tilespmem:s17], [sflag:$0x1], $0x1, s16, s11, $0xb8;
	[tilespmem:$0x3500] =	vst v63  }
0x81: {  	_ = 	snop  }
0x82: {  	[spmem:s2] =	stream.indirect.scatter.add.f32 [tilespmem:s19], [sflag:$0x1], $0x1, s18, s11, $0xb8;
	[tilespmem:$0x3500] =	vst v63  }
0x83: {  	_ = 	snop  }
0x84: {  	[spmem:s2] =	stream.indirect.scatter.add.f32 [tilespmem:s21], [sflag:$0x1], $0x1, s20, s11, $0xb8;
	[tilespmem:$0x3500] =	vst v63  }
0x85: {  	_ = 	snop  }
0x86: {  	[spmem:s2] =	stream.indirect.scatter.add.f32 [tilespmem:s23], [sflag:$0x1], $0x1, s22, s11, $0xb8;
	[tilespmem:$0x3500] =	vst v63  }
0x87: {  	_ = 	snop  }
0x88: {  	[spmem:s2] =	stream.indirect.scatter.add.f32 [tilespmem:s25], [sflag:$0x1], $0x1, s24, s11, $0xb8;
	[tilespmem:$0x3500] =	vst v63  }
0x89: {  	_ = 	snop  }
0x8a: {  	[spmem:s2] =	stream.indirect.scatter.add.f32 [tilespmem:s28], [sflag:$0x1], $0x1, s26, s11, $0xb8;
	[tilespmem:$0x3500] =	vst v63  }
0x8b: {  	_ = 	snop  }
0x8c: {  	[spmem:s2] =	stream.indirect.scatter.add.f32 [tilespmem:s30], [sflag:$0x1], $0x1, s29, s11, $0xb8;
	[tilespmem:$0x3500] =	vst v63  }
0x8d: {  	_ = 	snop  }
0x8e: {  	[spmem:s2] =	stream.indirect.scatter.add.f32 [tilespmem:s1], [sflag:$0x1], $0x1, s31, s11, $0xb8;
	[tilespmem:$0x3500] =	vst v63  }
0x8f: {  	_ =	swait.ge [sflag:s0], $0x80  }
0x90: {  	[sflag:s0] =	ssyncset.done $0x0  }
0x91: {  	[sflag:s0] =	ssyncadd.s32 $0xFFFFFF80  }
0x92: {  	_ =	swait.ge [sflag:s0], $0x80  }
0x93: {  	[sflag:s0] =	ssyncset.done $0x0  }
0x94: {  	[sflag:s0] =	ssyncadd.s32 $0xFFFFFF80  }
0x95: {  	_ =	swait.ge [sflag:s0], $0x80  }
0x96: {  	[sflag:s0] =	ssyncset.done $0x0  }
0x97: {  	[sflag:s0] =	ssyncadd.s32 $0xFFFFFF80  }
0x98: {  	_ =	swait.ge [sflag:s0], $0x80  }
0x99: {  	[sflag:s0] =	ssyncset.done $0x0  }
0x9a: {  	[sflag:s0] =	ssyncadd.s32 $0xFFFFFF80  }
0x9b: {  	_ =	swait.ge [sflag:s0], $0x80  }
0x9c: {  	[sflag:s0] =	ssyncset.done $0x0  }
0x9d: {  	[sflag:s0] =	ssyncadd.s32 $0xFFFFFF80  }
0x9e: {  	_ =	swait.ge [sflag:s0], $0x80  }
0x9f: {  	[sflag:s0] =	ssyncset.done $0x0  }
0xa0: {  	[sflag:s0] =	ssyncadd.s32 $0xFFFFFF80  }
0xa1: {  	_ =	swait.ge [sflag:s0], $0x80  }
0xa2: {  	[sflag:s0] =	ssyncset.done $0x0  }
0xa3: {  	[sflag:s0] =	ssyncadd.s32 $0xFFFFFF80  }
0xa4: {  	_ =	swait.ge [sflag:s0], $0x80  }
0xa5: {  	[sflag:s0] =	ssyncset.done $0x0  }
0xa6: {  	[sflag:s0] =	ssyncadd.s32 $0xFFFFFF80  }
0xa7: {  	_ =	swait.ge [sflag:s0], $0x80  }
0xa8: {  	[sflag:s0] =	ssyncset.done $0x0  }
0xa9: {  	[sflag:s0] =	ssyncadd.s32 $0xFFFFFF80  }
0xaa: {  	_ =	swait.ge [sflag:s0], $0x80  }
0xab: {  	[sflag:s0] =	ssyncset.done $0x0  }
0xac: {  	[sflag:s0] =	ssyncadd.s32 $0xFFFFFF80  }
0xad: {  	_ =	swait.ge [sflag:s0], $0x80  }
0xae: {  	[sflag:s0] =	ssyncset.done $0x0  }
0xaf: {  	[sflag:s0] =	ssyncadd.s32 $0xFFFFFF80  }
0xb0: {  	_ =	swait.ge [sflag:s0], $0x80  }
0xb1: {  	[sflag:s0] =	ssyncset.done $0x0  }
0xb2: {  	[sflag:s0] =	ssyncadd.s32 $0xFFFFFF80  }
0xb3: {  	_ =	swait.ge [sflag:s0], $0x80  }
0xb4: {  	[sflag:s0] =	ssyncset.done $0x0  }
0xb5: {  	[sflag:s0] =	ssyncadd.s32 $0xFFFFFF80  }
0xb6: {  	_ =	swait.ge [sflag:s0], $0x80  }
0xb7: {  	[sflag:s0] =	ssyncset.done $0x0  }
0xb8: {  	[sflag:s0] =	ssyncadd.s32 $0xFFFFFF80  }
0xb9: {  	_ =	swait.ge [sflag:s0], $0x80  }
0xba: {  	[sflag:s0] =	ssyncset.done $0x0  }
0xbb: {  	[sflag:s0] =	ssyncadd.s32 $0xFFFFFF80  }
0xbc: {  	_ =	swait.ge [sflag:s0], $0x80  }
0xbd: {  	[sflag:s0] =	ssyncset.done $0x0  }
0xbe: {  	[sflag:s0] =	ssyncadd.s32 $0xFFFFFF80  }
0xbf: {  	_ =	swait.ge [sflag:s0], $0x80  }
0xc0: {  	[sflag:s0] =	ssyncset.done $0x0  }
0xc1: {  	[sflag:s0] =	ssyncadd.s32 $0xFFFFFF80  }
0xc2: {  	_ =	swait.ge [sflag:s0], $0x80  }
0xc3: {  	[sflag:s0] =	ssyncset.done $0x0  }
0xc4: {  	[sflag:s0] =	ssyncadd.s32 $0xFFFFFF80  }
0xc5: {  	_ =	swait.ge [sflag:s0], $0x80  }
0xc6: {  	[sflag:s0] =	ssyncset.done $0x0  }
0xc7: {  	[sflag:s0] =	ssyncadd.s32 $0xFFFFFF80  }
0xc8: {  	_ =	swait.ge [sflag:s0], $0x80  }
0xc9: {  	[sflag:s0] =	ssyncset.done $0x0  }
0xca: {  	[sflag:s0] =	ssyncadd.s32 $0xFFFFFF80  }
0xcb: {  	_ =	swait.ge [sflag:s0], $0x80  }
0xcc: {  	[sflag:s0] =	ssyncset.done $0x0  }
0xcd: {  	[sflag:s0] =	ssyncadd.s32 $0xFFFFFF80  }
0xce: {  	_ =	swait.ge [sflag:s0], $0x80  }
0xcf: {  	[sflag:s0] =	ssyncset.done $0x0  }
0xd0: {  	[sflag:s0] =	ssyncadd.s32 $0xFFFFFF80  }
0xd1: {  	s6 =	simm.s32 $0x1C0;
	_ =	swait.ge [sflag:s0], $0x80  }
.LBB2_4:
0xd2: {  	[sflag:s0] =	ssyncset.done $0x0  }
0xd3: {  	[sflag:s0] =	ssyncadd.s32 $0xFFFFFF80  }
0xd4: {  	_ =	swait.ge [sflag:s0], $0x80  }
0xd5: {  	[sflag:s0] =	ssyncset.done $0x0  }
0xd6: {  	[sflag:s0] =	ssyncadd.s32 $0xFFFFFF80  }
0xd7: {  	_ =	swait.ge [sflag:s0], $0x80  }
0xd8: {  	[sflag:s0] =	ssyncset.done $0x0  }
0xd9: {  	[sflag:s0] =	ssyncadd.s32 $0xFFFFFF80  }
0xda: {  	_ =	swait.ge [sflag:s0], $0x80  }
0xdb: {  	[sflag:s0] =	ssyncset.done $0x0  }
0xdc: {  	[sflag:s0] =	ssyncadd.s32 $0xFFFFFF80  }
0xdd: {  	_ =	swait.ge [sflag:s0], $0x80  }
0xde: {  	[sflag:s0] =	ssyncset.done $0x0  }
0xdf: {  	[sflag:s0] =	ssyncadd.s32 $0xFFFFFF80  }
0xe0: {  	_ =	swait.ge [sflag:s0], $0x80  }
0xe1: {  	s4 =	smov.u32 s6;
	s5 =	rddreg [dreg:$0x5];
	[sflag:s0] =	ssyncset.done $0x0  }
0xe2: {  	s7 =	rddreg [dreg:$0x4];
	[sflag:s0] =	ssyncadd.s32 $0xFFFFFF80;
	s5 =	sadd.s32 s4, s5  }
0xe3: {  	[tilespmem:s8], [sflag:$0x2] =	stream.linear.gather [hbm4b:s5+s3], $0xE00, $0x38;
	[tilespmem:$0x3500] =	vst v63  }
0xe4: {  	s4 =	sadd.s32 s4, s7  }
0xe5: {  	[tilespmem:s9], [sflag:$0x2] =	stream.linear.gather [hbm4b:s4+s3], $0xE00, $0x38;
	[tilespmem:$0x3500] =	vst v63  }
0xe6: {  	_ =	swait.ge [sflag:s10], $0xE00  }
0xe7: {  	[sflag:s10] =	ssyncset.done $0x0  }
0xe8: {  	[sflag:s10] =	ssyncadd.s32 $0xFFFFF200  }
0xe9: {  	_ =	swait.ge [sflag:s10], $0xE00  }
0xea: {  	s4 =	sld [smem:$0x7FC]  }
0xeb: {  	s7 =	sld [smem:$0x7FA]  }
0xec: {  	s5 =	sld [smem:$0x7F8]  }
0xed: {  	s12 =	sld [smem:$0x7F5]  }
0xee: {  	s13 =	rddreg [dreg:$0x1f]  }
0xef: {  	s14 =	rddreg [dreg:$0x1d]  }
0xf0: {  	s15 =	rddreg [dreg:$0x1b]  }
0xf1: {  	s16 =	rddreg [dreg:$0x19]  }
0xf2: {  	s17 =	rddreg [dreg:$0x17]  }
0xf3: {  	s18 =	rddreg [dreg:$0x15]  }
0xf4: {  	s19 =	rddreg [dreg:$0x13]  }
0xf5: {  	s20 =	rddreg [dreg:$0x11]  }
0xf6: {  	s21 =	rddreg [dreg:$0xf]  }
0xf7: {  	s22 =	rddreg [dreg:$0xd]  }
0xf8: {  	s23 =	rddreg [dreg:$0xa]  }
0xf9: {  	s24 =	rddreg [dreg:$0x8]  }
0xfa: {  	[sflag:s10] =	ssyncset.done $0x0;
	s25 =	rddreg [dreg:$0x6]  }
0xfb: {  	s26 =	rddreg [dreg:$0x7];
	[sflag:s10] =	ssyncadd.s32 $0xFFFFF200  }
0xfc: {  	[spmem:s2] =	stream.indirect.scatter.add.f32 [tilespmem:s9], [sflag:$0x1], $0x1, s8, s11, $0xb8;
	[tilespmem:$0x3500] =	vst v63  }
0xfd: {  	s28 =	rddreg [dreg:$0x9]  }
0xfe: {  	[spmem:s2] =	stream.indirect.scatter.add.f32 [tilespmem:s26], [sflag:$0x1], $0x1, s25, s11, $0xb8;
	[tilespmem:$0x3500] =	vst v63  }
0xff: {  	s25 =	rddreg [dreg:$0xb]  }
0x100: {  	[spmem:s2] =	stream.indirect.scatter.add.f32 [tilespmem:s28], [sflag:$0x1], $0x1, s24, s11, $0xb8;
	[tilespmem:$0x3500] =	vst v63  }
0x101: {  	s24 =	rddreg [dreg:$0xc]  }
0x102: {  	[spmem:s2] =	stream.indirect.scatter.add.f32 [tilespmem:s25], [sflag:$0x1], $0x1, s23, s11, $0xb8;
	[tilespmem:$0x3500] =	vst v63  }
0x103: {  	s23 =	rddreg [dreg:$0xe]  }
0x104: {  	[spmem:s2] =	stream.indirect.scatter.add.f32 [tilespmem:s22], [sflag:$0x1], $0x1, s24, s11, $0xb8;
	[tilespmem:$0x3500] =	vst v63  }
0x105: {  	s22 =	rddreg [dreg:$0x10]  }
0x106: {  	[spmem:s2] =	stream.indirect.scatter.add.f32 [tilespmem:s21], [sflag:$0x1], $0x1, s23, s11, $0xb8;
	[tilespmem:$0x3500] =	vst v63  }
0x107: {  	s21 =	rddreg [dreg:$0x12]  }
0x108: {  	[spmem:s2] =	stream.indirect.scatter.add.f32 [tilespmem:s20], [sflag:$0x1], $0x1, s22, s11, $0xb8;
	[tilespmem:$0x3500] =	vst v63  }
0x109: {  	s20 =	rddreg [dreg:$0x14]  }
0x10a: {  	[spmem:s2] =	stream.indirect.scatter.add.f32 [tilespmem:s19], [sflag:$0x1], $0x1, s21, s11, $0xb8;
	[tilespmem:$0x3500] =	vst v63  }
0x10b: {  	s19 =	rddreg [dreg:$0x16]  }
0x10c: {  	[spmem:s2] =	stream.indirect.scatter.add.f32 [tilespmem:s18], [sflag:$0x1], $0x1, s20, s11, $0xb8;
	[tilespmem:$0x3500] =	vst v63  }
0x10d: {  	s18 =	rddreg [dreg:$0x18]  }
0x10e: {  	[spmem:s2] =	stream.indirect.scatter.add.f32 [tilespmem:s17], [sflag:$0x1], $0x1, s19, s11, $0xb8;
	[tilespmem:$0x3500] =	vst v63  }
0x10f: {  	s17 =	rddreg [dreg:$0x1a]  }
0x110: {  	[spmem:s2] =	stream.indirect.scatter.add.f32 [tilespmem:s16], [sflag:$0x1], $0x1, s18, s11, $0xb8;
	[tilespmem:$0x3500] =	vst v63  }
0x111: {  	s16 =	rddreg [dreg:$0x1c]  }
0x112: {  	[spmem:s2] =	stream.indirect.scatter.add.f32 [tilespmem:s15], [sflag:$0x1], $0x1, s17, s11, $0xb8;
	[tilespmem:$0x3500] =	vst v63  }
0x113: {  	s15 =	rddreg [dreg:$0x1e]  }
0x114: {  	[spmem:s2] =	stream.indirect.scatter.add.f32 [tilespmem:s14], [sflag:$0x1], $0x1, s16, s11, $0xb8;
	[tilespmem:$0x3500] =	vst v63  }
0x115: {  	s14 =	sld [smem:$0x7F3]  }
0x116: {  	[spmem:s2] =	stream.indirect.scatter.add.f32 [tilespmem:s13], [sflag:$0x1], $0x1, s15, s11, $0xb8;
	[tilespmem:$0x3500] =	vst v63  }
0x117: {  	s13 =	sld [smem:$0x7F7]  }
0x118: {  	[spmem:s2] =	stream.indirect.scatter.add.f32 [tilespmem:s12], [sflag:$0x1], $0x1, s14, s11, $0xb8;
	[tilespmem:$0x3500] =	vst v63  }
0x119: {  	s12 =	sld [smem:$0x7F9]  }
0x11a: {  	[spmem:s2] =	stream.indirect.scatter.add.f32 [tilespmem:s5], [sflag:$0x1], $0x1, s13, s11, $0xb8;
	[tilespmem:$0x3500] =	vst v63  }
0x11b: {  	s5 =	sld [smem:$0x7FB]  }
0x11c: {  	[spmem:s2] =	stream.indirect.scatter.add.f32 [tilespmem:s7], [sflag:$0x1], $0x1, s12, s11, $0xb8;
	[tilespmem:$0x3500] =	vst v63  }
0x11d: {  	_ = 	snop  }
0x11e: {  	[spmem:s2] =	stream.indirect.scatter.add.f32 [tilespmem:s4], [sflag:$0x1], $0x1, s5, s11, $0xb8;
	[tilespmem:$0x3500] =	vst v63  }
0x11f: {  	s13 =	simm.s32 $0x2380;
	s12 =	simm.s32 $0x1580  }
0x120: {  	[spmem:s2] =	stream.indirect.scatter.add.f32 [tilespmem:s13], [sflag:$0x1], $0x1, s12, s11, $0xb8;
	[tilespmem:$0x3500] =	vst v63  }
0x121: {  	s15 =	simm.s32 $0x2400;
	s14 =	simm.s32 $0x1600  }
0x122: {  	[spmem:s2] =	stream.indirect.scatter.add.f32 [tilespmem:s15], [sflag:$0x1], $0x1, s14, s11, $0xb8;
	[tilespmem:$0x3500] =	vst v63  }
0x123: {  	s17 =	simm.s32 $0x2480;
	s16 =	simm.s32 $0x1680  }
0x124: {  	[spmem:s2] =	stream.indirect.scatter.add.f32 [tilespmem:s17], [sflag:$0x1], $0x1, s16, s11, $0xb8;
	[tilespmem:$0x3500] =	vst v63  }
0x125: {  	s19 =	simm.s32 $0x2500;
	s18 =	simm.s32 $0x1700  }
0x126: {  	[spmem:s2] =	stream.indirect.scatter.add.f32 [tilespmem:s19], [sflag:$0x1], $0x1, s18, s11, $0xb8;
	[tilespmem:$0x3500] =	vst v63  }
0x127: {  	s21 =	simm.s32 $0x2580;
	s20 =	simm.s32 $0x1780  }
0x128: {  	[spmem:s2] =	stream.indirect.scatter.add.f32 [tilespmem:s21], [sflag:$0x1], $0x1, s20, s11, $0xb8;
	[tilespmem:$0x3500] =	vst v63  }
0x129: {  	s23 =	simm.s32 $0x2600;
	s22 =	simm.s32 $0x1800  }
0x12a: {  	[spmem:s2] =	stream.indirect.scatter.add.f32 [tilespmem:s23], [sflag:$0x1], $0x1, s22, s11, $0xb8;
	[tilespmem:$0x3500] =	vst v63  }
0x12b: {  	s25 =	simm.s32 $0x2680;
	s24 =	simm.s32 $0x1880  }
0x12c: {  	[spmem:s2] =	stream.indirect.scatter.add.f32 [tilespmem:s25], [sflag:$0x1], $0x1, s24, s11, $0xb8;
	[tilespmem:$0x3500] =	vst v63  }
0x12d: {  	s26 =	simm.s32 $0x1900;
	s28 =	simm.s32 $0x2700  }
0x12e: {  	[spmem:s2] =	stream.indirect.scatter.add.f32 [tilespmem:s28], [sflag:$0x1], $0x1, s26, s11, $0xb8;
	[tilespmem:$0x3500] =	vst v63  }
0x12f: {  	_ = 	snop  }
0x130: {  	[spmem:s2] =	stream.indirect.scatter.add.f32 [tilespmem:s30], [sflag:$0x1], $0x1, s29, s11, $0xb8;
	[tilespmem:$0x3500] =	vst v63  }
0x131: {  	_ = 	snop  }
0x132: {  	[spmem:s2] =	stream.indirect.scatter.add.f32 [tilespmem:s1], [sflag:$0x1], $0x1, s31, s11, $0xb8;
	[tilespmem:$0x3500] =	vst v63  }
0x133: {  	_ =	swait.ge [sflag:s0], $0x80  }
0x134: {  	[sflag:s0] =	ssyncset.done $0x0  }
0x135: {  	[sflag:s0] =	ssyncadd.s32 $0xFFFFFF80  }
0x136: {  	_ =	swait.ge [sflag:s0], $0x80  }
0x137: {  	[sflag:s0] =	ssyncset.done $0x0  }
0x138: {  	[sflag:s0] =	ssyncadd.s32 $0xFFFFFF80  }
0x139: {  	_ =	swait.ge [sflag:s0], $0x80  }
0x13a: {  	[sflag:s0] =	ssyncset.done $0x0  }
0x13b: {  	[sflag:s0] =	ssyncadd.s32 $0xFFFFFF80  }
0x13c: {  	_ =	swait.ge [sflag:s0], $0x80  }
0x13d: {  	[sflag:s0] =	ssyncset.done $0x0  }
0x13e: {  	[sflag:s0] =	ssyncadd.s32 $0xFFFFFF80  }
0x13f: {  	_ =	swait.ge [sflag:s0], $0x80  }
0x140: {  	[sflag:s0] =	ssyncset.done $0x0  }
0x141: {  	[sflag:s0] =	ssyncadd.s32 $0xFFFFFF80  }
0x142: {  	_ =	swait.ge [sflag:s0], $0x80  }
0x143: {  	[sflag:s0] =	ssyncset.done $0x0  }
0x144: {  	[sflag:s0] =	ssyncadd.s32 $0xFFFFFF80  }
0x145: {  	_ =	swait.ge [sflag:s0], $0x80  }
0x146: {  	[sflag:s0] =	ssyncset.done $0x0  }
0x147: {  	[sflag:s0] =	ssyncadd.s32 $0xFFFFFF80  }
0x148: {  	_ =	swait.ge [sflag:s0], $0x80  }
0x149: {  	[sflag:s0] =	ssyncset.done $0x0  }
0x14a: {  	[sflag:s0] =	ssyncadd.s32 $0xFFFFFF80  }
0x14b: {  	_ =	swait.ge [sflag:s0], $0x80  }
0x14c: {  	[sflag:s0] =	ssyncset.done $0x0  }
0x14d: {  	[sflag:s0] =	ssyncadd.s32 $0xFFFFFF80  }
0x14e: {  	_ =	swait.ge [sflag:s0], $0x80  }
0x14f: {  	[sflag:s0] =	ssyncset.done $0x0  }
0x150: {  	[sflag:s0] =	ssyncadd.s32 $0xFFFFFF80  }
0x151: {  	_ =	swait.ge [sflag:s0], $0x80  }
0x152: {  	[sflag:s0] =	ssyncset.done $0x0  }
0x153: {  	[sflag:s0] =	ssyncadd.s32 $0xFFFFFF80  }
0x154: {  	_ =	swait.ge [sflag:s0], $0x80  }
0x155: {  	[sflag:s0] =	ssyncset.done $0x0  }
0x156: {  	[sflag:s0] =	ssyncadd.s32 $0xFFFFFF80  }
0x157: {  	_ =	swait.ge [sflag:s0], $0x80  }
0x158: {  	[sflag:s0] =	ssyncset.done $0x0  }
0x159: {  	[sflag:s0] =	ssyncadd.s32 $0xFFFFFF80  }
0x15a: {  	_ =	swait.ge [sflag:s0], $0x80  }
0x15b: {  	[sflag:s0] =	ssyncset.done $0x0  }
0x15c: {  	[sflag:s0] =	ssyncadd.s32 $0xFFFFFF80  }
0x15d: {  	_ =	swait.ge [sflag:s0], $0x80  }
0x15e: {  	[sflag:s0] =	ssyncset.done $0x0  }
0x15f: {  	[sflag:s0] =	ssyncadd.s32 $0xFFFFFF80  }
0x160: {  	_ =	swait.ge [sflag:s0], $0x80  }
0x161: {  	[sflag:s0] =	ssyncset.done $0x0  }
0x162: {  	[sflag:s0] =	ssyncadd.s32 $0xFFFFFF80  }
0x163: {  	_ =	swait.ge [sflag:s0], $0x80  }
0x164: {  	[sflag:s0] =	ssyncset.done $0x0  }
0x165: {  	[sflag:s0] =	ssyncadd.s32 $0xFFFFFF80  }
0x166: {  	_ =	swait.ge [sflag:s0], $0x80  }
0x167: {  	[sflag:s0] =	ssyncset.done $0x0  }
0x168: {  	[sflag:s0] =	ssyncadd.s32 $0xFFFFFF80  }
0x169: {  	_ =	swait.ge [sflag:s0], $0x80  }
0x16a: {  	[sflag:s0] =	ssyncset.done $0x0  }
0x16b: {  	[sflag:s0] =	ssyncadd.s32 $0xFFFFFF80  }
0x16c: {  	_ =	swait.ge [sflag:s0], $0x80  }
0x16d: {  	[sflag:s0] =	ssyncset.done $0x0  }
0x16e: {  	[sflag:s0] =	ssyncadd.s32 $0xFFFFFF80  }
0x16f: {  	_ =	swait.ge [sflag:s0], $0x80  }
0x170: {  	p0 =	sne.s32 s6, $0x16C0;
	[sflag:s0] =	ssyncset.done $0x0  }
.Ltmp1:
0x171: {  	[sflag:s0] =	ssyncadd.s32 $0xFFFFFF80;
	(pc) =	sbr.rel @p0 .LBB2_4-.Ltmp1, $4  }
0x172: {  	_ =	swait.ge [sflag:s0], $0x80  }
0x173: {  	[sflag:s0] =	ssyncset.done $0x0  }
0x174: {  	[sflag:s0] =	ssyncadd.s32 $0xFFFFFF80  }
0x175: {  	s6 =	sadd.s32 $0x1C0, s6;
	_ =	swait.ge [sflag:s0], $0x80  }
0x176: {  	[sflag:s0] =	ssyncset.done $0x0  }
0x177: {  	[sflag:s0] =	ssyncadd.s32 $0xFFFFFF80  }
0x178: {  	_ =	swait.ge [sflag:s0], $0x80  }
0x179: {  	[sflag:s0] =	ssyncset.done $0x0  }
0x17a: {  	[sflag:s0] =	ssyncadd.s32 $0xFFFFFF80  }
0x17b: {  	_ =	swait.ge [sflag:s0], $0x80  }
0x17c: {  	[sflag:s0] =	ssyncset.done $0x0  }
0x17d: {  	[sflag:s0] =	ssyncadd.s32 $0xFFFFFF80  }
0x17e: {  	_ =	swait.ge [sflag:s0], $0x80  }
0x17f: {  	[sflag:s0] =	ssyncset.done $0x0  }
0x180: {  	[sflag:s0] =	ssyncadd.s32 $0xFFFFFF80  }
0x181: {  	_ =	swait.ge [sflag:s0], $0x80  }
0x182: {  	[sflag:s0] =	ssyncset.done $0x0  }
0x183: {  	[sflag:s0] =	ssyncadd.s32 $0xFFFFFF80  }
0x184: {  	_ =	swait.ge [sflag:s0], $0x80  }
0x185: {  	[sflag:s0] =	ssyncset.done $0x0  }
0x186: {  	[sflag:s0] =	ssyncadd.s32 $0xFFFFFF80  }
0x187: {  	[bflag:$0x0] =	sbarrier.arrive $0xFFFF  }
0x188: {  	s7 =	sld [smem:$0x7FD]  }
0x189: {  	s4 =	stileid.u32;
	s6 =	sld [smem:$0x7F4]  }
0x18a: {  	s4 =	sshll.u32 s4, $0x6  }
0x18b: {  	s4 =	sor.u32 $0x1C03, s4;
	s5 =	sshrl.u32 s7, $0x3  }
0x18c: {  	[hbm:s6], [sflag:s4] =	dma.local [spmem:s5], $0x190  }
0x18d: {  	s6 =	simm.s32 $0x3  }
0x18e: {  	_ =	swait.ge [sflag:s6], $0x190  }
0x18f: {  	s4 =	sld [smem:$0x7F2];
	_ =	sdelay $0x2  }
0x190: {  	s5 =	sadd.s32 $0x1, s4;
	s4 =	sld [smem:$0x7F6];
	_ =	sdelay $0x2  }
0x191: {  	p0 =	sne.s32 s5, s4  }
.Ltmp2:
0x192: {  	_ = 	snop;
	(pc) =	sbr.rel @p0 .LBB2_1-.Ltmp2, $3  }
0x193: {  	_ =	sdelay $0x1  }
0x194: {  	[sflag:s6] =	ssyncset.done $0x0  }
0x195: {  	[sflag:s6] =	ssyncadd.s32 $0xFFFFFE70  }
0x196: {  	_ =	sfence.sel $0x180000  }
0x197: {  	[bflag:$0x0] =	sbarrier.arrive $0xFFFF  }
0x198: {  	_ =	strace $0x90000047  }
0x199: {  	s0 =	stileid.u32;
	[bflag:$0x2] =	sbarrier.arrive $0xFFFF  }
0x19a: {  	p0 =	sne.s32 s0, $0x0;
	s0 =	rddreg [dreg:$0x3]  }
0x19b: {  	s0 =	sadd.s32 @!p0 $0x100000, s0  }
0x19c: {  	[sflag:s0] =	ssyncadd.tile.s32 @!p0 $0x1;
	_ =	shalt  }
.Lfunc_end2:
_tile_overlayer_lowered:
.L_overlay_start_2:
0x19d: {  	(tag) =	ssettag $0x2  }
0x19e: {  	s0 =	rddreg [dreg:$0x0];
	s2 =	stileid.u32  }
0x19f: {  	s1 =	rddreg [dreg:$0x1];
	p0 =	sne.s32 s2, $0x0  }
0x1a0: {  	s3 =	rddreg [dreg:$0x2];
	[bflag:$0x3] =	sbarrier.arrive $0xFFFF;
	s2 =	simm.s32 @!p0 $0x1C03  }
0x1a1: {  	[timem:s3], [sflag:s2] =	dma.local @!p0 [hbm:s0], s1  }
0x1a2: {  	s0 =	simm.s32 @!p0 $0x3  }
0x1a3: {  	_ =	swait.ge @!p0 [sflag:s0], s1  }
0x1a4: {  	s1 =	ssub.s32 @!p0 $0x0, s1;
	[sflag:s0] =	ssyncset.done @!p0 $0x0  }
0x1a5: {  	[sflag:s0] =	ssyncadd.s32 @!p0 s1  }
0x1a6: {  	[bflag:$0x3] =	sbarrier.arrive $0xFFFF  }
0x1a7: {  	_ =	shalt  }

// kernel: kernel.9.cloned.1.call-start
scs
__scs_entry_jumppad:
0x0: {  	(pc) =	sbr.rel $0x88, $3  }
0x1: {  	(tag) =	ssettag $0x0;
	lr =	simm.s32 $0x1  }
0x2: {  	[smem:$0x3F96] =	sst lr;
	_ =	strace $0xD0000000  }
0x3: {  	_ = 	snop  }
0x4: {  	_ = 	snop  }
0x5: {  	_ = 	snop  }
0x6: {  	_ = 	snop  }
0x7: {  	_ = 	snop  }
__scs_overlays_trampoline_lowered:
0x8: {  	[smem:$0x3FA5] =	sst s0  }
0x9: {  	[smem:$0x3FA6] =	sst s1  }
0xa: {  	[smem:$0x3FA7] =	sst s2  }
0xb: {  	[smem:$0x3FA8] =	sst s3  }
0xc: {  	[smem:$0x3FA9] =	sst s4  }
0xd: {  	[smem:$0x3FAA] =	sst s5  }
0xe: {  	[smem:$0x3FAB] =	sst s6  }
0xf: {  	[smem:$0x3FAC] =	sst s7  }
0x10: {  	[smem:$0x3FAD] =	sst s8  }
0x11: {  	[smem:$0x3FAE] =	sst s9;
	s0 =	simm.s32 @!p0 $0x0  }
0x12: {  	s1 =	sld [smem:$0x3F94];
	s0 =	simm.s32 @p0 $0x1  }
0x13: {  	[smem:$0x3FAF] =	sst s0;
	s0 =	simm.s32 @!p1 $0x0  }
0x14: {  	s2 =	sld [smem:$0x3F93];
	s0 =	simm.s32 @p1 $0x1  }
0x15: {  	[smem:$0x3FB0] =	sst s0;
	s0 =	simm.s32 @!p2 $0x0  }
0x16: {  	s3 =	sld [smem:$0x3FDB];
	s0 =	simm.s32 @p2 $0x1  }
0x17: {  	s4 =	simm.s32 $0x1BF5;
	[smem:$0x3FB2] =	sst s0  }
0x18: {  	s0 =	sld [smem:$0x3F95];
	_ =	swait.ge [sflag:s4], $0x0  }
0x19: {  	s7 =	sld [smem:$0x3F96]  }
0x1a: {  	s8 =	sadd.s32 $0xFFFFE003, lr  }
0x1b: {  	s9 =	sadd.s32 $0xFFFFFEF7, lr;
	s5 =	simm.s32 $0xFFFFFFFF;
	p2 =	slt.u32 s8, $0xFFFFF086  }
0x1c: {  	p1 =	slt.u32 s9, $0xF7A;
	s5 =	simm.s32 @!p2 $0x0  }
0x1d: {  	s5 =	simm.s32 @p1 $0x1;
	p0 =	seq.s32 s7, s2  }
0x1e: {  	s7 =	smul.u32 @!p0 $0xF7A, s2;
	p2 =	seq.s32 @!p0 s5, $0x0  }
0x1f: {  	s9 =	smul.u32 $0xF7A, s1;
	s8 =	simm.s32 @!p0 $0x1BF5;
	p2 =	por !p2, p0  }
0x20: {  	[sflag:s8] =	ssyncset.s32 @!p0 $0xFFFFF086;
	s6 =	sadd.s32 @!p0 s3, s7;
	s7 =	simm.s32 @!p0 $0x108  }
0x21: {  	s3 =	sadd.s32 s3, s9;
	s6 =	sadd.s32 @!p0 $0x88, s6;
	s7 =	simm.s32 @p2 $0x1082  }
0x22: {  	[simem:s7], [sflag:s8] =	dma.local @!p0 [hbm:s6], $0xF7A  }
0x23: {  	s9 =	sor.u32 $0xD0000000, s2;
	s6 =	simm.s32 $0x108;
	_ =	swait.ge @!p0 [sflag:s8], $0x0  }
0x24: {  	s3 =	sadd.s32 $0x88, s3;
	s6 =	simm.s32 @!p1 $0x1082;
	[sflag:s4] =	ssyncset.s32 $0xFFFFF086  }
0x25: {  	[simem:s6], [sflag:s4] =	dma.local [hbm:s3], $0xF7A  }
0x26: {  	[smem:$0x3F96] =	sst s1;
	(tag) =	ssettag s2;
	_ =	strace s9  }
0x27: {  	s1 =	sld [smem:$0x3FA6]  }
0x28: {  	s2 =	sld [smem:$0x3FA7]  }
0x29: {  	s4 =	sld [smem:$0x3FA9]  }
0x2a: {  	p0 =	seq.s32 s5, $0x0;
	s5 =	sld [smem:$0x3FAA]  }
0x2b: {  	s6 =	sld [smem:$0x3FAB]  }
0x2c: {  	s7 =	sld [smem:$0x3FAC]  }
0x2d: {  	s3 =	simm.s32 $0x108;
	s8 =	sld [smem:$0x3FAD]  }
0x2e: {  	s3 =	simm.s32 @!p0 $0x1082;
	s9 =	sld [smem:$0x3FAE]  }
0x2f: {  	lr =	sadd.s32 s0, s3;
	s0 =	sld [smem:$0x3FA5]  }
0x30: {  	s3 =	sld [smem:$0x3FA8]  }
0x31: {  	[smem:$0x3FB1] =	sst s10  }
0x32: {  	s10 =	sld [smem:$0x3FAF];
	_ =	sdelay $0x3  }
0x33: {  	p0 =	seq.s32 s10, $0x1;
	s10 =	sld [smem:$0x3FB1];
	_ =	sdelay $0x3  }
0x34: {  	[smem:$0x3FB1] =	sst s10  }
0x35: {  	s10 =	sld [smem:$0x3FB0];
	_ =	sdelay $0x3  }
0x36: {  	p1 =	seq.s32 s10, $0x1;
	s10 =	sld [smem:$0x3FB1];
	_ =	sdelay $0x3  }
0x37: {  	[smem:$0x3FB1] =	sst s10  }
0x38: {  	s10 =	sld [smem:$0x3FB2]  }
0x39: {  	_ = 	snop;
	(pc) =	sbr.ind lr, $3  }
0x3a: {  	_ = 	snop  }
0x3b: {  	_ = 	snop  }
0x3c: {  	p2 =	seq.s32 s10, $0x1;
	s10 =	sld [smem:$0x3FB1]  }
0x3d: {  	_ =	shalt  }
0x3e: {  	_ =	shalt  }
0x3f: {  	_ =	shalt  }
0x40: {  	_ =	shalt  }
0x41: {  	_ =	shalt  }
0x42: {  	_ =	shalt  }
0x43: {  	_ =	shalt  }
0x44: {  	_ =	shalt  }
0x45: {  	_ =	shalt  }
0x46: {  	_ =	shalt  }
0x47: {  	_ =	shalt  }
0x48: {  	_ =	shalt  }
0x49: {  	_ =	shalt  }
0x4a: {  	_ =	shalt  }
0x4b: {  	_ =	shalt  }
0x4c: {  	_ =	shalt  }
0x4d: {  	_ =	shalt  }
0x4e: {  	_ =	shalt  }
0x4f: {  	_ =	shalt  }
0x50: {  	_ =	shalt  }
0x51: {  	_ =	shalt  }
0x52: {  	_ =	shalt  }
0x53: {  	_ =	shalt  }
0x54: {  	_ =	shalt  }
0x55: {  	_ =	shalt  }
0x56: {  	_ =	shalt  }
0x57: {  	_ =	shalt  }
0x58: {  	_ =	shalt  }
0x59: {  	_ =	shalt  }
0x5a: {  	_ =	shalt  }
0x5b: {  	_ =	shalt  }
0x5c: {  	_ =	shalt  }
0x5d: {  	_ =	shalt  }
0x5e: {  	_ =	shalt  }
0x5f: {  	_ =	shalt  }
0x60: {  	_ =	shalt  }
0x61: {  	_ =	shalt  }
0x62: {  	_ =	shalt  }
0x63: {  	_ =	shalt  }
0x64: {  	_ =	shalt  }
0x65: {  	_ =	shalt  }
0x66: {  	_ =	shalt  }
0x67: {  	_ =	shalt  }
0x68: {  	_ =	shalt  }
0x69: {  	_ =	shalt  }
0x6a: {  	_ =	shalt  }
0x6b: {  	_ =	shalt  }
0x6c: {  	_ =	shalt  }
0x6d: {  	_ =	shalt  }
0x6e: {  	_ =	shalt  }
0x6f: {  	_ =	shalt  }
0x70: {  	_ =	shalt  }
0x71: {  	_ =	shalt  }
0x72: {  	_ =	shalt  }
0x73: {  	_ =	shalt  }
0x74: {  	_ =	shalt  }
0x75: {  	_ =	shalt  }
0x76: {  	_ =	shalt  }
0x77: {  	_ =	shalt  }
0x78: {  	_ =	shalt  }
0x79: {  	_ =	shalt  }
0x7a: {  	_ =	shalt  }
0x7b: {  	_ =	shalt  }
0x7c: {  	_ =	shalt  }
0x7d: {  	_ =	shalt  }
0x7e: {  	_ =	shalt  }
0x7f: {  	_ =	shalt  }
0x80: {  	_ =	shalt  }
0x81: {  	_ =	shalt  }
0x82: {  	_ =	shalt  }
0x83: {  	_ =	shalt  }
0x84: {  	_ =	shalt  }
0x85: {  	_ =	shalt  }
0x86: {  	_ =	shalt  }
0x87: {  	_ =	shalt  }
.Lfunc_end0:
.L_simem_size_0:
called_computation.1_lowered:
.L_overlay_start_0:
0x88: {  	s2 =	sld [smem:$0x3FD9]  }
0x89: {  	s3 =	sld [smem:$0x3FFE];
	_ =	sdelay $0x1  }
0x8a: {  	s1 =	srdreg.scid  }
0x8b: {  	s0 =	sand.u32 $0x1, s1  }
0x8c: {  	s16 =	sshll.u32 s0, $0xA;
	s2 =	sadd.s32 s3, s2  }
0x8d: {  	s2 =	sadd.s32 s2, s16  }
0x8e: {  	[smem:$0x3FBD] =	sst s2  }
0x8f: {  	_ = 	snop  }
0x90: {  	(tm) =	ssettm $0x1  }
0x91: {  	s17 =	sld [smem:$0x3FFB];
	_ =	sdelay $0x3  }
0x92: {  	_ =	strace s17  }
0x93: {  	s2 =	sld [smem:$0x3FFC];
	_ =	sdelay $0x3  }
0x94: {  	_ =	strace s2  }
0x95: {  	s2 =	sld [smem:$0x3FFD];
	_ =	sdelay $0x3  }
0x96: {  	_ =	strace s2  }
0x97: {  	_ =	strace $0x8FFFFFFF  }
0x98: {  	s18 =	sld [smem:$0x3FDB];
	_ =	sdelay $0x1  }
0x99: {  	s19 =	simm.s32 $_scs_section_size  }
0x9a: {  	s4 =	simm.s32 $_size__tile_overlayer_lowered;
	s5 =	simm.s32 $_tile_overlayer_lowered  }
0x9b: {  	s22 =	simm.s32 $0x1BFF;
	s21 =	sshll.u32 s5, $0x1;
	s2 =	sadd.s32 s19, s18  }
0x9c: {  	s6 =	simm.s32 $0x0;
	s20 =	sshll.u32 s4, $0x1;
	s4 =	sadd.s32 s21, s2  }
0x9d: {  	[timem:s6], [sflag:s22] =	dma.local [hbm:s4], s20  }
0x9e: {  	_ =	swait.ge [sflag:s22], s20  }
0x9f: {  	s3 =	ssub.s32 $0x0, s20;
	[sflag:s22] =	ssyncset.done $0x0  }
0xa0: {  	[sflag:s22] =	ssyncadd.s32 s3;
	_ =	sdelay $0x1  }
0xa1: {  	s23 =	simm.s32 $0x1B8B  }
0xa2: {  	_ =	swait.ge [sflag:s23], $0x1  }
0xa3: {  	[sflag:s23] =	ssyncset.done $0x0  }
0xa4: {  	s25 =	simm.s32 $0x1B8E;
	s24 =	sld [smem:$0x3FFE];
	[sflag:s23] =	ssyncadd.s32 $0xFFFFFFFF  }
0xa5: {  	s26 =	simm.s32 $execute0_lowered;
	[smem:$0x3FD2] =	sst s25  }
0xa6: {  	s4 =	sshll.u32 s26, $0x1;
	_ =	strace $0x80000049;
	[dreg:$0x1] =	wrdreg $0xFFFFFFFF  }
0xa7: {  	s28 =	simm.s32 $_size_execute0_lowered;
	s2 =	sadd.s32 s2, s4;
	[dreg:$0x0] =	wrdreg $0x0  }
0xa8: {  	s4 =	sshll.u32 s28, $0x1;
	[dreg:$0x2] =	wrdreg s2  }
0xa9: {  	[dreg:$0x3] =	wrdreg s4  }
0xaa: {  	[dreg:$0x4] =	wrdreg $0xC0  }
0xab: {  	_ =	task [dreg:s6], $0x5FFFF  }
0xac: {  	[dreg:$0x1] =	wrdreg $0xFFFFFFFF  }
0xad: {  	[dreg:$0x0] =	wrdreg $0x60  }
0xae: {  	[dreg:$0x2] =	wrdreg s24  }
0xaf: {  	[dreg:$0x3] =	wrdreg $0x56000  }
0xb0: {  	[dreg:$0x4] =	wrdreg $0x9  }
0xb1: {  	_ =	task.clear_ibuf [dreg:s6], $0x5FFFF;
	_ =	strace $0x90000049  }
0xb2: {  	s29 =	simm.s32 $0x9;
	_ =	strace $0x8000004B  }
0xb3: {  	_ =	swait.ge [sflag:s29], $0x1  }
0xb4: {  	[sflag:s29] =	ssyncadd.s32 $0xFFFFFFFF  }
0xb5: {  	_ =	strace $0x9000004B  }
0xb6: {  	_ =	sfence  }
0xb7: {  	s30 =	sld [smem:$0x0];
	_ =	sdelay $0x2  }
0xb8: {  	s31 =	sshll.u32 s1, $0xD;
	s1 =	sshrl.u32 s1, $0x2  }
0xb9: {  	s3 =	sand.u32 $0x4000, s31;
	s1 =	sadd.s32 s1, s30  }
0xba: {  	s0 =	sor.u32 s3, s0;
	s1 =	sshll.u32 s1, $0x11  }
0xbb: {  	s0 =	sor.u32 s1, s0  }
0xbc: {  	s0 =	sadd.s32 $0x8F2B, s0  }
0xbd: {  	[sflag:s0] =	ssyncadd.remote.s32 $0x1  }
0xbe: {  	_ =	sfence.sel $0xFFFF  }
0xbf: {  	[dreg:$0x0] =	wrdreg $0xFFFFFFFF;
	(pc) =	sbr.abs _section_cstart, $3  }
0xc0: {  	[dreg:$0x1] =	wrdreg $0xFFFFFFFF  }
0xc1: {  	_ =	task.clear_ibuf [dreg:s6], $0x2FFFF;
	_ =	strace $0x9FFFFFFF  }
0xc2: {  	(tm) =	ssettm $0x7FFFFFFF  }
0xc3: {  	_ =	shalt  }
tec
execute0_lowered:
.L_overlay_start_1:
0x0: {  	(tag) =	ssettag $0x1  }
0x1: {  	s12 =	stileid.u32  }
0x2: {  	s0 =	rddreg [dreg:$0x0];
	s10 =	smul.u32 $0x64000, s12  }
0x3: {  	s2 =	rddreg [dreg:$0x1];
	s1 =	srdreg.scid  }
0x4: {  	s3 =	simm.s32 $0x0;
	s28 =	simm.s32 $0x3;
	s10 =	sshrl.u32 s10, $0x2  }
0x5: {  	s29 =	simm.s32 $0x0;
	s1 =	sand.u32 $0x1, s1;
	s10 =	sadd.s32 s10, s2  }
0x6: {  	s8 =	smul.u32 $0x19000, s12;
	[smem:$0x7FF] =	sst s3;
	s22 =	sadd.s32 $0x1000, s10  }
0x7: {  	_ =	strace $0x8000004A;
	s23 =	sadd.s32 $0x2000, s10;
	[dreg:$0x3] =	wrdreg s22  }
0x8: {  	s4 =	sadd.s32 $0x64200, s0;
	s24 =	sadd.s32 $0x3000, s10;
	[dreg:$0x4] =	wrdreg s23  }
0x9: {  	s5 =	sadd.s32 $0x33200, s0;
	s25 =	sadd.s32 $0x4000, s10;
	[dreg:$0x5] =	wrdreg s24  }
0xa: {  	s6 =	sadd.s32 $0x2200, s0;
	s26 =	sadd.s32 $0x5000, s10;
	[dreg:$0x6] =	wrdreg s25  }
0xb: {  	s21 =	sshll.u32 s12, $0x1;
	s30 =	sadd.s32 $0x6000, s10;
	[dreg:$0x7] =	wrdreg s26  }
0xc: {  	s7 =	smul.u32 $0x190000, s1;
	s31 =	sadd.s32 $0x7000, s10;
	[dreg:$0x8] =	wrdreg s30  }
0xd: {  	s11 =	ssub.s32 $0x2, s1;
	s12 =	sadd.s32 $0x8000, s10;
	[dreg:$0x9] =	wrdreg s31  }
0xe: {  	s1 =	sor.u32 s1, s21;
	s13 =	sadd.s32 $0x9000, s10;
	[dreg:$0xa] =	wrdreg s12  }
0xf: {  	s20 =	sshrl.u32 s11, $0x1;
	s14 =	sadd.s32 $0xA000, s10;
	[dreg:$0xb] =	wrdreg s13  }
0x10: {  	s9 =	sadd.s32 s8, s7;
	s15 =	sadd.s32 $0xB000, s10;
	[dreg:$0xc] =	wrdreg s14  }
0x11: {  	s7 =	sadd.s32 $0x95200, s0;
	s16 =	sadd.s32 $0xC000, s10;
	[dreg:$0xd] =	wrdreg s15  }
0x12: {  	s11 =	ssub.s32 s11, s20;
	s17 =	sadd.s32 $0xD000, s10;
	[dreg:$0xe] =	wrdreg s16  }
0x13: {  	s8 =	sadd.s32 s8, s2;
	s18 =	sadd.s32 $0xE000, s10;
	[dreg:$0xf] =	wrdreg s17  }
0x14: {  	s9 =	sshrl.u32 s9, $0x3;
	s19 =	sadd.s32 $0xF000, s10;
	[dreg:$0x10] =	wrdreg s18  }
0x15: {  	s20 =	sadd.s32 $0x10000, s10;
	s21 =	sadd.s32 $0x11000, s10;
	[dreg:$0x11] =	wrdreg s19  }
0x16: {  	s11 =	smax.u32 s11, $0x1;
	s0 =	sadd.s32 s9, s0;
	[dreg:$0x12] =	wrdreg s20  }
0x17: {  	[dreg:$0x13] =	wrdreg s21;
	s22 =	sadd.s32 $0x12000, s10;
	s23 =	sadd.s32 $0x13000, s10  }
0x18: {  	s24 =	sadd.s32 $0x14000, s10;
	s25 =	sadd.s32 $0x15000, s10;
	s26 =	sadd.s32 $0x16000, s10  }
0x19: {  	s30 =	sadd.s32 $0x17000, s10;
	s31 =	sadd.s32 $0x18000, s10;
	[dreg:$0x14] =	wrdreg s22  }
0x1a: {  	s9 =	smul.u32 $0xC400, s1;
	s12 =	simm.s32 $0x4600;
	[dreg:$0x15] =	wrdreg s23  }
0x1b: {  	s13 =	simm.s32 $0x1;
	s14 =	simm.s32 $0x200;
	[dreg:$0x16] =	wrdreg s24  }
0x1c: {  	s15 =	simm.s32 $0x400;
	s16 =	simm.s32 $0x2;
	[dreg:$0x17] =	wrdreg s25  }
0x1d: {  	s17 =	simm.s32 $0x80;
	s18 =	simm.s32 $0x600;
	[dreg:$0x18] =	wrdreg s26  }
0x1e: {  	s19 =	simm.s32 $0x1600;
	s20 =	simm.s32 $0x100;
	[dreg:$0x19] =	wrdreg s30  }
0x1f: {  	s21 =	simm.s32 $0x2600;
	[dreg:$0x1a] =	wrdreg s31;
	s0 =	sadd.s32 $0xC7200, s0  }
0x20: {  	s22 =	simm.s32 $0x180;
	s23 =	simm.s32 $0x3600;
	s24 =	simm.s32 $0x280  }
0x21: {  	v0 =	vimm.f32 $0.0e+00;
	s25 =	simm.s32 $0x300;
	s26 =	simm.s32 $0x380;
	[dreg:$0x1b] =	wrdreg s0  }
.LBB2_1:
0x22: {  	s0 =	simm.s32 $0x80;
	s1 =	simm.s32 $0x0  }
.LBB2_2:
0x23: {  	p0 =	sne.s32 s0, $0x3F80;
	[tilespmem:s1+$0x4600] =	vst v0;
	s10 =	smov.u32 s0;
	s0 =	sadd.s32 $0x80, s0  }
.Ltmp0:
0x24: {  	[tilespmem:s1+$0x4610] =	vst v0;
	(pc) =	sbr.rel @p0 .LBB2_2-.Ltmp0, $2  }
0x25: {  	_ =	sdelay $0x2  }
0x26: {  	s1 =	sshra.s32 s10, $0x2  }
0x27: {  	[tilespmem:s1+$0x4600] =	vst v0  }
0x28: {  	[tilespmem:s1+$0x4610] =	vst v0  }
0x29: {  	[spmem:s8] =	stream.linear.scatter [tilespmem:s12], [sflag:$0x1], $0x1000, $0x38;
	[tilespmem:$0x1E600] =	vst v63  }
0x2a: {  	s0 =	rddreg [dreg:$0x3]  }
0x2b: {  	[spmem:s0] =	stream.linear.scatter [tilespmem:s12], [sflag:$0x1], $0x1000, $0x38;
	[tilespmem:$0x1E600] =	vst v63  }
0x2c: {  	s10 =	rddreg [dreg:$0x4]  }
0x2d: {  	[spmem:s10] =	stream.linear.scatter [tilespmem:s12], [sflag:$0x1], $0x1000, $0x38;
	[tilespmem:$0x1E600] =	vst v63  }
0x2e: {  	s31 =	rddreg [dreg:$0x5]  }
0x2f: {  	[spmem:s31] =	stream.linear.scatter [tilespmem:s12], [sflag:$0x1], $0x1000, $0x38;
	[tilespmem:$0x1E600] =	vst v63  }
0x30: {  	s1 =	rddreg [dreg:$0x6]  }
0x31: {  	[spmem:s1] =	stream.linear.scatter [tilespmem:s12], [sflag:$0x1], $0x1000, $0x38;
	[tilespmem:$0x1E600] =	vst v63  }
0x32: {  	s10 =	rddreg [dreg:$0x7]  }
0x33: {  	[spmem:s10] =	stream.linear.scatter [tilespmem:s12], [sflag:$0x1], $0x1000, $0x38;
	[tilespmem:$0x1E600] =	vst v63  }
0x34: {  	s31 =	rddreg [dreg:$0x8]  }
0x35: {  	[spmem:s31] =	stream.linear.scatter [tilespmem:s12], [sflag:$0x1], $0x1000, $0x38;
	[tilespmem:$0x1E600] =	vst v63  }
0x36: {  	s1 =	rddreg [dreg:$0x9]  }
0x37: {  	[spmem:s1] =	stream.linear.scatter [tilespmem:s12], [sflag:$0x1], $0x1000, $0x38;
	[tilespmem:$0x1E600] =	vst v63  }
0x38: {  	s10 =	rddreg [dreg:$0xa]  }
0x39: {  	[spmem:s10] =	stream.linear.scatter [tilespmem:s12], [sflag:$0x1], $0x1000, $0x38;
	[tilespmem:$0x1E600] =	vst v63  }
0x3a: {  	s31 =	rddreg [dreg:$0xb]  }
0x3b: {  	[spmem:s31] =	stream.linear.scatter [tilespmem:s12], [sflag:$0x1], $0x1000, $0x38;
	[tilespmem:$0x1E600] =	vst v63  }
0x3c: {  	s1 =	rddreg [dreg:$0xc]  }
0x3d: {  	[spmem:s1] =	stream.linear.scatter [tilespmem:s12], [sflag:$0x1], $0x1000, $0x38;
	[tilespmem:$0x1E600] =	vst v63  }
0x3e: {  	s10 =	rddreg [dreg:$0xd]  }
0x3f: {  	[spmem:s10] =	stream.linear.scatter [tilespmem:s12], [sflag:$0x1], $0x1000, $0x38;
	[tilespmem:$0x1E600] =	vst v63  }
0x40: {  	s31 =	rddreg [dreg:$0xe]  }
0x41: {  	[spmem:s31] =	stream.linear.scatter [tilespmem:s12], [sflag:$0x1], $0x1000, $0x38;
	[tilespmem:$0x1E600] =	vst v63  }
0x42: {  	s1 =	rddreg [dreg:$0xf]  }
0x43: {  	[spmem:s1] =	stream.linear.scatter [tilespmem:s12], [sflag:$0x1], $0x1000, $0x38;
	[tilespmem:$0x1E600] =	vst v63  }
0x44: {  	s10 =	rddreg [dreg:$0x10]  }
0x45: {  	[spmem:s10] =	stream.linear.scatter [tilespmem:s12], [sflag:$0x1], $0x1000, $0x38;
	[tilespmem:$0x1E600] =	vst v63  }
0x46: {  	s31 =	rddreg [dreg:$0x11]  }
0x47: {  	[spmem:s31] =	stream.linear.scatter [tilespmem:s12], [sflag:$0x1], $0x1000, $0x38;
	[tilespmem:$0x1E600] =	vst v63  }
0x48: {  	s1 =	rddreg [dreg:$0x12]  }
0x49: {  	[spmem:s1] =	stream.linear.scatter [tilespmem:s12], [sflag:$0x1], $0x1000, $0x38;
	[tilespmem:$0x1E600] =	vst v63  }
0x4a: {  	s10 =	rddreg [dreg:$0x13]  }
0x4b: {  	[spmem:s10] =	stream.linear.scatter [tilespmem:s12], [sflag:$0x1], $0x1000, $0x38;
	[tilespmem:$0x1E600] =	vst v63  }
0x4c: {  	s31 =	rddreg [dreg:$0x14]  }
0x4d: {  	[spmem:s31] =	stream.linear.scatter [tilespmem:s12], [sflag:$0x1], $0x1000, $0x38;
	[tilespmem:$0x1E600] =	vst v63  }
0x4e: {  	s1 =	rddreg [dreg:$0x15]  }
0x4f: {  	[spmem:s1] =	stream.linear.scatter [tilespmem:s12], [sflag:$0x1], $0x1000, $0x38;
	[tilespmem:$0x1E600] =	vst v63  }
0x50: {  	s10 =	rddreg [dreg:$0x16]  }
0x51: {  	[spmem:s10] =	stream.linear.scatter [tilespmem:s12], [sflag:$0x1], $0x1000, $0x38;
	[tilespmem:$0x1E600] =	vst v63  }
0x52: {  	s31 =	rddreg [dreg:$0x17]  }
0x53: {  	[spmem:s31] =	stream.linear.scatter [tilespmem:s12], [sflag:$0x1], $0x1000, $0x38;
	[tilespmem:$0x1E600] =	vst v63  }
0x54: {  	s1 =	rddreg [dreg:$0x18]  }
0x55: {  	[spmem:s1] =	stream.linear.scatter [tilespmem:s12], [sflag:$0x1], $0x1000, $0x38;
	[tilespmem:$0x1E600] =	vst v63  }
0x56: {  	s10 =	rddreg [dreg:$0x19]  }
0x57: {  	[spmem:s10] =	stream.linear.scatter [tilespmem:s12], [sflag:$0x1], $0x1000, $0x38;
	[tilespmem:$0x1E600] =	vst v63  }
0x58: {  	s31 =	rddreg [dreg:$0x1a]  }
0x59: {  	[spmem:s31] =	stream.linear.scatter [tilespmem:s12], [sflag:$0x1], $0x1000, $0x38;
	[tilespmem:$0x1E600] =	vst v63  }
0x5a: {  	_ =	swait.ge [sflag:s13], $0x1000  }
0x5b: {  	[sflag:s13] =	ssyncset.done $0x0  }
0x5c: {  	[sflag:s13] =	ssyncadd.s32 $0xFFFFF000  }
0x5d: {  	_ =	swait.ge [sflag:s13], $0x1000  }
0x5e: {  	[sflag:s13] =	ssyncset.done $0x0  }
0x5f: {  	[sflag:s13] =	ssyncadd.s32 $0xFFFFF000  }
0x60: {  	_ =	swait.ge [sflag:s13], $0x1000  }
0x61: {  	[sflag:s13] =	ssyncset.done $0x0  }
0x62: {  	[sflag:s13] =	ssyncadd.s32 $0xFFFFF000  }
0x63: {  	_ =	swait.ge [sflag:s13], $0x1000  }
0x64: {  	[sflag:s13] =	ssyncset.done $0x0  }
0x65: {  	[sflag:s13] =	ssyncadd.s32 $0xFFFFF000  }
0x66: {  	_ =	swait.ge [sflag:s13], $0x1000  }
0x67: {  	[sflag:s13] =	ssyncset.done $0x0  }
0x68: {  	[sflag:s13] =	ssyncadd.s32 $0xFFFFF000  }
0x69: {  	_ =	swait.ge [sflag:s13], $0x1000  }
0x6a: {  	[sflag:s13] =	ssyncset.done $0x0  }
0x6b: {  	[sflag:s13] =	ssyncadd.s32 $0xFFFFF000  }
0x6c: {  	_ =	swait.ge [sflag:s13], $0x1000  }
0x6d: {  	[sflag:s13] =	ssyncset.done $0x0  }
0x6e: {  	[sflag:s13] =	ssyncadd.s32 $0xFFFFF000  }
0x6f: {  	_ =	swait.ge [sflag:s13], $0x1000  }
0x70: {  	[sflag:s13] =	ssyncset.done $0x0  }
0x71: {  	[sflag:s13] =	ssyncadd.s32 $0xFFFFF000  }
0x72: {  	_ =	swait.ge [sflag:s13], $0x1000  }
0x73: {  	[sflag:s13] =	ssyncset.done $0x0  }
0x74: {  	[sflag:s13] =	ssyncadd.s32 $0xFFFFF000  }
0x75: {  	_ =	swait.ge [sflag:s13], $0x1000  }
0x76: {  	[sflag:s13] =	ssyncset.done $0x0  }
0x77: {  	[sflag:s13] =	ssyncadd.s32 $0xFFFFF000  }
0x78: {  	_ =	swait.ge [sflag:s13], $0x1000  }
0x79: {  	[sflag:s13] =	ssyncset.done $0x0  }
0x7a: {  	[sflag:s13] =	ssyncadd.s32 $0xFFFFF000  }
0x7b: {  	_ =	swait.ge [sflag:s13], $0x1000  }
0x7c: {  	[sflag:s13] =	ssyncset.done $0x0  }
0x7d: {  	[sflag:s13] =	ssyncadd.s32 $0xFFFFF000  }
0x7e: {  	_ =	swait.ge [sflag:s13], $0x1000  }
0x7f: {  	[sflag:s13] =	ssyncset.done $0x0  }
0x80: {  	[sflag:s13] =	ssyncadd.s32 $0xFFFFF000  }
0x81: {  	_ =	swait.ge [sflag:s13], $0x1000  }
0x82: {  	[sflag:s13] =	ssyncset.done $0x0  }
0x83: {  	[sflag:s13] =	ssyncadd.s32 $0xFFFFF000  }
0x84: {  	_ =	swait.ge [sflag:s13], $0x1000  }
0x85: {  	[sflag:s13] =	ssyncset.done $0x0  }
0x86: {  	[sflag:s13] =	ssyncadd.s32 $0xFFFFF000  }
0x87: {  	_ =	swait.ge [sflag:s13], $0x1000  }
0x88: {  	[sflag:s13] =	ssyncset.done $0x0  }
0x89: {  	[sflag:s13] =	ssyncadd.s32 $0xFFFFF000  }
0x8a: {  	_ =	swait.ge [sflag:s13], $0x1000  }
0x8b: {  	[sflag:s13] =	ssyncset.done $0x0  }
0x8c: {  	[sflag:s13] =	ssyncadd.s32 $0xFFFFF000  }
0x8d: {  	_ =	swait.ge [sflag:s13], $0x1000  }
0x8e: {  	[sflag:s13] =	ssyncset.done $0x0  }
0x8f: {  	[sflag:s13] =	ssyncadd.s32 $0xFFFFF000  }
0x90: {  	_ =	swait.ge [sflag:s13], $0x1000  }
0x91: {  	[sflag:s13] =	ssyncset.done $0x0  }
0x92: {  	[sflag:s13] =	ssyncadd.s32 $0xFFFFF000  }
0x93: {  	_ =	swait.ge [sflag:s13], $0x1000  }
0x94: {  	[sflag:s13] =	ssyncset.done $0x0  }
0x95: {  	[sflag:s13] =	ssyncadd.s32 $0xFFFFF000  }
0x96: {  	_ =	swait.ge [sflag:s13], $0x1000  }
0x97: {  	[sflag:s13] =	ssyncset.done $0x0  }
0x98: {  	[sflag:s13] =	ssyncadd.s32 $0xFFFFF000  }
0x99: {  	_ =	swait.ge [sflag:s13], $0x1000  }
0x9a: {  	[sflag:s13] =	ssyncset.done $0x0  }
0x9b: {  	[sflag:s13] =	ssyncadd.s32 $0xFFFFF000  }
0x9c: {  	_ =	swait.ge [sflag:s13], $0x1000  }
0x9d: {  	[sflag:s13] =	ssyncset.done $0x0  }
0x9e: {  	[sflag:s13] =	ssyncadd.s32 $0xFFFFF000  }
0x9f: {  	_ =	swait.ge [sflag:s13], $0x1000  }
0xa0: {  	[sflag:s13] =	ssyncset.done $0x0  }
0xa1: {  	[sflag:s13] =	ssyncadd.s32 $0xFFFFF000  }
0xa2: {  	_ =	swait.ge [sflag:s13], $0x1000  }
0xa3: {  	[sflag:s13] =	ssyncset.done $0x0  }
0xa4: {  	[sflag:s13] =	ssyncadd.s32 $0xFFFFF000  }
0xa5: {  	s30 =	simm.s32 $0x0;
	[bflag:$0x0] =	sbarrier.arrive $0xFFFF  }
.LBB2_4:
0xa6: {  	s0 =	sshll.u32 s30, $0x9  }
0xa7: {  	s0 =	sadd.s32 s9, s0  }
0xa8: {  	s0 =	sshrl.u32 s0, $0x3  }
0xa9: {  	s1 =	sadd.s32 s4, s0  }
0xaa: {  	[tilespmem:s29], [sflag:$0x2] =	stream.linear.gather [hbm4b:s1+s29], $0x200, $0x38;
	[tilespmem:$0x1E600] =	vst v63  }
0xab: {  	s10 =	sadd.s32 s5, s0  }
0xac: {  	[tilespmem:s14], [sflag:$0x2] =	stream.linear.gather [hbm4b:s10+s29], $0x200, $0x38;
	[tilespmem:$0x1E600] =	vst v63  }
0xad: {  	s0 =	sadd.s32 s6, s0  }
0xae: {  	[tilespmem:s15], [sflag:$0x2] =	stream.linear.gather [hbm4b:s0+s29], $0x200, $0x38;
	[tilespmem:$0x1E600] =	vst v63  }
0xaf: {  	_ =	swait.ge [sflag:s16], $0x200  }
0xb0: {  	[sflag:s16] =	ssyncset.done $0x0  }
0xb1: {  	[sflag:s16] =	ssyncadd.s32 $0xFFFFFE00  }
0xb2: {  	_ =	swait.ge [sflag:s16], $0x200  }
0xb3: {  	[sflag:s16] =	ssyncset.done $0x0  }
0xb4: {  	[sflag:s16] =	ssyncadd.s32 $0xFFFFFE00  }
0xb5: {  	_ =	swait.ge [sflag:s16], $0x200  }
0xb6: {  	[sflag:s16] =	ssyncset.done $0x0  }
0xb7: {  	[sflag:s16] =	ssyncadd.s32 $0xFFFFFE00  }
0xb8: {  	[tilespmem:s18], [sflag:$0x1] =	stream.indirect.gather [hbm4b:s7+s17], $0x20, s29, s17, $0xb8;
	[tilespmem:$0x1E600] =	vst v63  }
0xb9: {  	_ = 	snop  }
0xba: {  	[tilespmem:s19], [sflag:$0x1] =	stream.indirect.gather [hbm4b:s7+s17], $0x20, s17, s17, $0xb8;
	[tilespmem:$0x1E600] =	vst v63  }
0xbb: {  	_ = 	snop  }
0xbc: {  	[tilespmem:s21], [sflag:$0x1] =	stream.indirect.gather [hbm4b:s7+s17], $0x20, s20, s17, $0xb8;
	[tilespmem:$0x1E600] =	vst v63  }
0xbd: {  	_ = 	snop  }
0xbe: {  	[tilespmem:s23], [sflag:$0x1] =	stream.indirect.gather [hbm4b:s7+s17], $0x20, s22, s17, $0xb8;
	[tilespmem:$0x1E600] =	vst v63  }
0xbf: {  	_ =	swait.ge [sflag:s13], $0x1000  }
0xc0: {  	[sflag:s13] =	ssyncset.done $0x0  }
0xc1: {  	s31 =	simm.s32 $0x700;
	[sflag:s13] =	ssyncadd.s32 $0xFFFFF000  }
0xc2: {  	v6 =	vld [tilespmem:s31+$0xFFFFFFA0]  }
0xc3: {  	v4 =	vld [tilespmem:s31+$0xFFFFFFF0]  }
0xc4: {  	v1 =	vld [tilespmem:s31+$0xFFFFFF60]  }
0xc5: {  	v7 =	vld [tilespmem:s31+$0xFFFFFFD0]  }
0xc6: {  	v8 =	vld [tilespmem:s31+$0x80]  }
0xc7: {  	v11 =	vld [tilespmem:s31+$0xFFFFFF10]  }
0xc8: {  	s10 =	simm.s32 $0x0;
	v15 =	vld [tilespmem:s31+$0xE0]  }
0xc9: {  	v3 =	vld [tilespmem:s10+$0x400]  }
0xca: {  	v10 =	vld [tilespmem:s31+$0xFFFFFF40]  }
0xcb: {  	v2 =	vld [tilespmem:s31+$0xFFFFFF90]  }
0xcc: {  	v9 =	vld [tilespmem:s31+$0xFFFFFFC0]  }
0xcd: {  	v12 =	vld [tilespmem:s31+$0xFFFFFF00]  }
0xce: {  	v13 =	vld [tilespmem:s31+$0xD0];
	v3 =	vadd.f32 $0.0e+00, v3  }
0xcf: {  	v22 =	vld [tilespmem:s31+$0xC0]  }
0xd0: {  	v20 =	vld [tilespmem:s31+$0x90];
	v18 =	vbroadcast v3, $0x0;
	v5 =	vbroadcast v3, $0xF  }
0xd1: {  	v21 =	vld [tilespmem:s31+$0xFFFFFF50];
	v19 =	vbroadcast v3, $0x2;
	v16 =	vbroadcast v3, $0xE  }
0xd2: {  	v17 =	vld [tilespmem:s31+$0xB0];
	v14 =	vbroadcast v3, $0xC;
	v24 =	vmul.f32 v18, v12  }
0xd3: {  	s1 =	simm.s32 $0x700;
	s0 =	simm.s32 $0x40;
	v12 =	vbroadcast v3, $0xD;
	v23 =	vmul.f32 v10, v19;
	v10 =	vld [tilespmem:s31+$0x60]  }
.LBB2_5:
0xd4: {  	p0 =	sne.s32 s0, $0x1C0  }
0xd5: {  	[tilespmem:s31+$0xFFFFFF00] =	vst v24;
	v24 =	vld [tilespmem:s31+$0xFFFFFFB0];
	v22 =	vmul.f32 v22, v16;
	v15 =	vmul.f32 v15, v5;
	s1 =	sadd.s32 $0x200, s1;
	s10 =	smov.u32 s0;
	s0 =	sadd.s32 $0x40, s0  }
0xd6: {  	[tilespmem:s31+$0xFFFFFF40] =	vst v23;
	v23 =	vbroadcast v3, $0xA;
	v20 =	vmul.f32 v20, v14;
	v25 =	vld [tilespmem:s31+$0xA0]  }
0xd7: {  	v11 =	vmul.f32 v11, v18;
	v18 =	vmul.f32 v21, v19;
	v19 =	vld [tilespmem:s31+$0x70];
	[tilespmem:s31+$0xE0] =	vst v15  }
0xd8: {  	v15 =	vbroadcast v3, $0x5;
	v21 =	vld [tilespmem:s31+$0xFFFFFFE0];
	v17 =	vmul.f32 v17, v12;
	[tilespmem:s31+$0xC0] =	vst v22  }
0xd9: {  	v13 =	vmul.f32 v13, v16;
	v22 =	vbroadcast v3, $0x6;
	[tilespmem:s31+$0xFFFFFF10] =	vst v11;
	v11 =	vld [tilespmem:s31+$0xFFFFFF20]  }
0xda: {  	v26 =	vbroadcast v3, $0xB;
	v6 =	vmul.f32 v6, v15;
	v16 =	vld [tilespmem:s31+$0x40];
	[tilespmem:s31+$0x90] =	vst v20  }
0xdb: {  	[tilespmem:s31+$0xFFFFFF50] =	vst v18;
	v18 =	vbroadcast v3, $0x9;
	v20 =	vld [tilespmem:s31+$0x20];
	v12 =	vmul.f32 v25, v12  }
0xdc: {  	v15 =	vmul.f32 v24, v15;
	v24 =	vld [tilespmem:s31+$0x50];
	v19 =	vmul.f32 v19, v26;
	[tilespmem:s31+$0xD0] =	vst v13  }
0xdd: {  	v8 =	vmul.f32 v8, v14;
	v13 =	vbroadcast v3, $0x7;
	v25 =	vld [tilespmem:s31+$0x30];
	[tilespmem:s31+$0xA0] =	vst v12  }
0xde: {  	v9 =	vmul.f32 v9, v22;
	v12 =	vbroadcast v3, $0x3;
	v14 =	vld [tilespmem:s31+$0x0];
	[tilespmem:s31+$0x70] =	vst v19  }
0xdf: {  	v10 =	vmul.f32 v10, v26;
	v7 =	vmul.f32 v7, v22;
	v19 =	vld [tilespmem:s31+$0x10];
	[tilespmem:s31+$0x80] =	vst v8  }
0xe0: {  	v22 =	vbroadcast v3, $0x8;
	v16 =	vmul.f32 v16, v23;
	v8 =	vld [tilespmem:s31+$0xFFFFFF30];
	[tilespmem:s31+$0xB0] =	vst v17  }
0xe1: {  	v17 =	vbroadcast v3, $0x1;
	v26 =	vld [tilespmem:s31+$0xFFFFFF70];
	[tilespmem:s31+$0xFFFFFFD0] =	vst v7;
	v23 =	vmul.f32 v24, v23  }
0xe2: {  	v4 =	vmul.f32 v4, v13;
	v7 =	vmul.f32 v21, v13;
	[tilespmem:s31+$0xFFFFFFC0] =	vst v9;
	v9 =	vld [tilespmem:s31+$0xF0]  }
0xe3: {  	v21 =	vmul.f32 v25, v18;
	v13 =	vld [tilespmem:s31+$0xFFFFFF80];
	[tilespmem:s31+$0xFFFFFFA0] =	vst v6;
	v14 =	vmul.f32 v14, v22  }
0xe4: {  	v6 =	vld [tilespmem:s1+$0xFFFFFFA0];
	[tilespmem:s31+$0xFFFFFFF0] =	vst v4;
	v19 =	vmul.f32 v19, v22;
	v4 =	vmul.f32 v20, v18  }
0xe5: {  	v11 =	vmul.f32 v11, v17;
	v17 =	vmul.f32 v8, v17;
	[tilespmem:s31+$0x60] =	vst v10  }
0xe6: {  	v1 =	vmul.f32 v1, v12;
	v8 =	vmul.f32 v26, v12;
	[tilespmem:s31+$0xFFFFFFB0] =	vst v15  }
0xe7: {  	v3 =	vbroadcast v3, $0x4;
	[tilespmem:s31+$0xFFFFFF20] =	vst v11;
	v5 =	vmul.f32 v9, v5  }
0xe8: {  	[tilespmem:s31+$0xFFFFFF60] =	vst v1  }
0xe9: {  	v9 =	vmul.f32 v13, v3;
	v1 =	vmul.f32 v2, v3;
	[tilespmem:s31+$0x40] =	vst v16  }
0xea: {  	[tilespmem:s31+$0xFFFFFFE0] =	vst v7  }
0xeb: {  	[tilespmem:s31+$0xF0] =	vst v5  }
0xec: {  	[tilespmem:s31+$0xFFFFFF90] =	vst v1  }
0xed: {  	[tilespmem:s31+$0xFFFFFF70] =	vst v8  }
0xee: {  	[tilespmem:s31+$0x20] =	vst v4  }
0xef: {  	v4 =	vld [tilespmem:s1+$0xFFFFFFF0];
	[tilespmem:s31+$0x30] =	vst v21  }
0xf0: {  	v1 =	vld [tilespmem:s1+$0xFFFFFF60];
	[tilespmem:s31+$0xFFFFFF80] =	vst v9  }
0xf1: {  	v7 =	vld [tilespmem:s1+$0xFFFFFFD0];
	[tilespmem:s31+$0x50] =	vst v23  }
0xf2: {  	v8 =	vld [tilespmem:s1+$0x80];
	[tilespmem:s31+$0x0] =	vst v14  }
0xf3: {  	v11 =	vld [tilespmem:s1+$0xFFFFFF10];
	[tilespmem:s31+$0xFFFFFF30] =	vst v17  }
0xf4: {  	s10 =	sshra.s32 s10, $0x2;
	v15 =	vld [tilespmem:s1+$0xE0];
	[tilespmem:s31+$0x10] =	vst v19;
	s31 =	smov.u32 s1  }
0xf5: {  	v3 =	vld [tilespmem:s10+$0x400]  }
0xf6: {  	v10 =	vld [tilespmem:s1+$0xFFFFFF40]  }
0xf7: {  	v2 =	vld [tilespmem:s1+$0xFFFFFF90]  }
0xf8: {  	v9 =	vld [tilespmem:s1+$0xFFFFFFC0]  }
0xf9: {  	v12 =	vld [tilespmem:s1+$0xFFFFFF00]  }
0xfa: {  	v3 =	vadd.f32 $0.0e+00, v3;
	v13 =	vld [tilespmem:s1+$0xD0]  }
.Ltmp1:
0xfb: {  	v22 =	vld [tilespmem:s1+$0xC0];
	(pc) =	sbr.rel @p0 .LBB2_5-.Ltmp1, $4  }
0xfc: {  	v18 =	vbroadcast v3, $0x0;
	v20 =	vld [tilespmem:s1+$0x90];
	v5 =	vbroadcast v3, $0xF  }
0xfd: {  	v19 =	vbroadcast v3, $0x2;
	v16 =	vbroadcast v3, $0xE;
	v21 =	vld [tilespmem:s1+$0xFFFFFF50]  }
0xfe: {  	v24 =	vmul.f32 v18, v12;
	v12 =	vbroadcast v3, $0xD;
	v17 =	vld [tilespmem:s1+$0xB0]  }
0xff: {  	v14 =	vbroadcast v3, $0xC;
	v23 =	vmul.f32 v10, v19;
	v10 =	vld [tilespmem:s1+$0x60]  }
0x100: {  	[tilespmem:s31+$0xFFFFFF00] =	vst v24;
	v15 =	vmul.f32 v15, v5  }
0x101: {  	v22 =	vmul.f32 v22, v16;
	[tilespmem:s31+$0xFFFFFF40] =	vst v23  }
0x102: {  	v11 =	vmul.f32 v11, v18;
	[tilespmem:s31+$0xE0] =	vst v15  }
0x103: {  	v13 =	vmul.f32 v13, v16;
	[tilespmem:s31+$0xC0] =	vst v22  }
0x104: {  	v8 =	vmul.f32 v8, v14;
	[tilespmem:s31+$0xFFFFFF10] =	vst v11  }
0x105: {  	v18 =	vld [tilespmem:s31+$0x70];
	v15 =	vmul.f32 v20, v14;
	[tilespmem:s31+$0xD0] =	vst v13;
	v13 =	vbroadcast v3, $0x6  }
0x106: {  	v19 =	vmul.f32 v21, v19;
	[tilespmem:s31+$0x80] =	vst v8  }
0x107: {  	v16 =	vbroadcast v3, $0xB;
	v23 =	vld [tilespmem:s31+$0xA0];
	[tilespmem:s31+$0x90] =	vst v15;
	v7 =	vmul.f32 v7, v13  }
0x108: {  	[tilespmem:s31+$0xFFFFFF50] =	vst v19;
	v9 =	vmul.f32 v9, v13  }
0x109: {  	v11 =	vld [tilespmem:s31+$0xFFFFFF20];
	v8 =	vbroadcast v3, $0x7;
	v10 =	vmul.f32 v10, v16;
	[tilespmem:s31+$0xFFFFFFD0] =	vst v7  }
0x10a: {  	v18 =	vmul.f32 v18, v16;
	[tilespmem:s31+$0xFFFFFFC0] =	vst v9  }
0x10b: {  	v15 =	vld [tilespmem:s31+$0xFFFFFFE0];
	v4 =	vmul.f32 v4, v8;
	[tilespmem:s31+$0x60] =	vst v10  }
0x10c: {  	v20 =	vld [tilespmem:s31+$0xFFFFFFB0];
	v16 =	vbroadcast v3, $0x1;
	v19 =	vmul.f32 v23, v12;
	[tilespmem:s31+$0x70] =	vst v18  }
0x10d: {  	v12 =	vmul.f32 v17, v12;
	v17 =	vbroadcast v3, $0x5;
	[tilespmem:s31+$0xFFFFFFF0] =	vst v4  }
0x10e: {  	v11 =	vmul.f32 v11, v16;
	[tilespmem:s31+$0xA0] =	vst v19  }
0x10f: {  	v21 =	vld [tilespmem:s31+$0x40];
	[tilespmem:s31+$0xB0] =	vst v12;
	v6 =	vmul.f32 v6, v17  }
0x110: {  	v19 =	vld [tilespmem:s31+$0xF0];
	[tilespmem:s31+$0xFFFFFF20] =	vst v11;
	v8 =	vmul.f32 v15, v8;
	v11 =	vbroadcast v3, $0x4  }
0x111: {  	v12 =	vld [tilespmem:s31+$0xFFFFFF70];
	[tilespmem:s31+$0xFFFFFFA0] =	vst v6;
	v6 =	vmul.f32 v20, v17;
	v17 =	vbroadcast v3, $0x3  }
0x112: {  	v14 =	vld [tilespmem:s31+$0x20];
	v4 =	vbroadcast v3, $0xA;
	v2 =	vmul.f32 v2, v11;
	[tilespmem:s31+$0xFFFFFFE0] =	vst v8  }
0x113: {  	v18 =	vld [tilespmem:s31+$0x30];
	v1 =	vmul.f32 v1, v17;
	[tilespmem:s31+$0xFFFFFFB0] =	vst v6  }
0x114: {  	v7 =	vld [tilespmem:s31+$0xFFFFFF80];
	v6 =	vmul.f32 v21, v4;
	[tilespmem:s31+$0xFFFFFF90] =	vst v2  }
0x115: {  	v22 =	vld [tilespmem:s31+$0x50];
	[tilespmem:s31+$0xFFFFFF60] =	vst v1;
	v1 =	vmul.f32 v19, v5;
	v5 =	vbroadcast v3, $0x9  }
0x116: {  	v13 =	vld [tilespmem:s31+$0x0];
	[tilespmem:s31+$0x40] =	vst v6;
	v6 =	vmul.f32 v12, v17  }
0x117: {  	v10 =	vld [tilespmem:s31+$0xFFFFFF30];
	[tilespmem:s31+$0xF0] =	vst v1;
	v1 =	vmul.f32 v14, v5  }
0x118: {  	v9 =	vld [tilespmem:s31+$0x10];
	v2 =	vmul.f32 v18, v5;
	[tilespmem:s31+$0xFFFFFF70] =	vst v6  }
0x119: {  	v3 =	vbroadcast v3, $0x8;
	v5 =	vmul.f32 v7, v11;
	[tilespmem:s31+$0x20] =	vst v1  }
0x11a: {  	v1 =	vmul.f32 v22, v4;
	[tilespmem:s31+$0x30] =	vst v2  }
0x11b: {  	v2 =	vmul.f32 v13, v3;
	[tilespmem:s31+$0xFFFFFF80] =	vst v5  }
0x11c: {  	v4 =	vmul.f32 v10, v16;
	[tilespmem:s31+$0x50] =	vst v1  }
0x11d: {  	v1 =	vmul.f32 v9, v3;
	[tilespmem:s31+$0x0] =	vst v2  }
0x11e: {  	[tilespmem:s31+$0xFFFFFF30] =	vst v4  }
0x11f: {  	[tilespmem:s31+$0x10] =	vst v1  }
0x120: {  	[spmem:s2] =	stream.indirect.scatter.add.f32 [tilespmem:s18], [sflag:$0x2], $0x20, s14, s17, $0xb8;
	[tilespmem:$0x1E600] =	vst v63  }
0x121: {  	_ =	swait.ge [sflag:s13], $0x1000  }
0x122: {  	[sflag:s13] =	ssyncset.done $0x0  }
0x123: {  	s31 =	simm.s32 $0x17F0;
	[sflag:s13] =	ssyncadd.s32 $0xFFFFF000  }
0x124: {  	v6 =	vld [tilespmem:s31+$0xFFFFFEB0]  }
0x125: {  	v11 =	vld [tilespmem:s31+$0xFFFFFFF0]  }
0x126: {  	v1 =	vld [tilespmem:s31+$0xFFFFFE70]  }
0x127: {  	v4 =	vld [tilespmem:s31+$0xFFFFFF00]  }
0x128: {  	v7 =	vld [tilespmem:s31+$0xFFFFFEE0]  }
0x129: {  	v8 =	vld [tilespmem:s31+$0xFFFFFF90]  }
0x12a: {  	s0 =	simm.s32 $0x0;
	v13 =	vld [tilespmem:s31+$0xFFFFFE20]  }
0x12b: {  	v3 =	vld [tilespmem:s0+$0x480]  }
0x12c: {  	v10 =	vld [tilespmem:s31+$0xFFFFFE50]  }
0x12d: {  	v2 =	vld [tilespmem:s31+$0xFFFFFEA0]  }
0x12e: {  	v9 =	vld [tilespmem:s31+$0xFFFFFED0]  }
0x12f: {  	v12 =	vld [tilespmem:s31+$0xFFFFFE10]  }
0x130: {  	v14 =	vld [tilespmem:s31+$0xFFFFFFE0];
	v3 =	vadd.f32 $0.0e+00, v3  }
0x131: {  	v22 =	vld [tilespmem:s31+$0xFFFFFFD0]  }
0x132: {  	v20 =	vld [tilespmem:s31+$0xFFFFFFA0];
	v18 =	vbroadcast v3, $0x0;
	v5 =	vbroadcast v3, $0xF  }
0x133: {  	v21 =	vld [tilespmem:s31+$0xFFFFFE60];
	v19 =	vbroadcast v3, $0x2;
	v16 =	vbroadcast v3, $0xE  }
0x134: {  	v17 =	vld [tilespmem:s31+$0xFFFFFFC0];
	v15 =	vbroadcast v3, $0xC;
	v24 =	vmul.f32 v18, v12  }
0x135: {  	s1 =	simm.s32 $0x17F0;
	s0 =	simm.s32 $0x40;
	v12 =	vbroadcast v3, $0xD;
	v23 =	vmul.f32 v10, v19;
	v10 =	vld [tilespmem:s31+$0xFFFFFF70]  }
.LBB2_7:
0x136: {  	p0 =	sne.s32 s0, $0x1C0  }
0x137: {  	[tilespmem:s31+$0xFFFFFE10] =	vst v24;
	v24 =	vld [tilespmem:s31+$0xFFFFFEC0];
	v22 =	vmul.f32 v22, v16;
	v11 =	vmul.f32 v11, v5;
	s1 =	sadd.s32 $0x200, s1;
	s10 =	smov.u32 s0;
	s0 =	sadd.s32 $0x40, s0  }
0x138: {  	[tilespmem:s31+$0xFFFFFE50] =	vst v23;
	v23 =	vbroadcast v3, $0xA;
	v20 =	vmul.f32 v20, v15;
	v25 =	vld [tilespmem:s31+$0xFFFFFFB0]  }
0x139: {  	v13 =	vmul.f32 v13, v18;
	v18 =	vmul.f32 v21, v19;
	v19 =	vld [tilespmem:s31+$0xFFFFFF80];
	[tilespmem:s31+$0xFFFFFFF0] =	vst v11  }
0x13a: {  	v11 =	vbroadcast v3, $0x5;
	v21 =	vld [tilespmem:s31+$0xFFFFFEF0];
	v17 =	vmul.f32 v17, v12;
	[tilespmem:s31+$0xFFFFFFD0] =	vst v22  }
0x13b: {  	v14 =	vmul.f32 v14, v16;
	v22 =	vbroadcast v3, $0x6;
	[tilespmem:s31+$0xFFFFFE20] =	vst v13;
	v13 =	vld [tilespmem:s31+$0xFFFFFE30]  }
0x13c: {  	v26 =	vbroadcast v3, $0xB;
	v6 =	vmul.f32 v6, v11;
	v16 =	vld [tilespmem:s31+$0xFFFFFF50];
	[tilespmem:s31+$0xFFFFFFA0] =	vst v20  }
0x13d: {  	[tilespmem:s31+$0xFFFFFE60] =	vst v18;
	v18 =	vbroadcast v3, $0x9;
	v20 =	vld [tilespmem:s31+$0xFFFFFF30];
	v12 =	vmul.f32 v25, v12  }
0x13e: {  	v11 =	vmul.f32 v24, v11;
	v24 =	vld [tilespmem:s31+$0xFFFFFF60];
	v19 =	vmul.f32 v19, v26;
	[tilespmem:s31+$0xFFFFFFE0] =	vst v14  }
0x13f: {  	v8 =	vmul.f32 v8, v15;
	v14 =	vbroadcast v3, $0x7;
	v25 =	vld [tilespmem:s31+$0xFFFFFF40];
	[tilespmem:s31+$0xFFFFFFB0] =	vst v12  }
0x140: {  	v9 =	vmul.f32 v9, v22;
	v12 =	vbroadcast v3, $0x3;
	v15 =	vld [tilespmem:s31+$0xFFFFFF10];
	[tilespmem:s31+$0xFFFFFF80] =	vst v19  }
0x141: {  	v10 =	vmul.f32 v10, v26;
	v7 =	vmul.f32 v7, v22;
	v19 =	vld [tilespmem:s31+$0xFFFFFF20];
	[tilespmem:s31+$0xFFFFFF90] =	vst v8  }
0x142: {  	v22 =	vbroadcast v3, $0x8;
	v16 =	vmul.f32 v16, v23;
	v8 =	vld [tilespmem:s31+$0xFFFFFE40];
	[tilespmem:s31+$0xFFFFFFC0] =	vst v17  }
0x143: {  	v17 =	vbroadcast v3, $0x1;
	v26 =	vld [tilespmem:s31+$0xFFFFFE80];
	[tilespmem:s31+$0xFFFFFEE0] =	vst v7;
	v7 =	vmul.f32 v24, v23  }
0x144: {  	v4 =	vmul.f32 v4, v14;
	[tilespmem:s31+$0xFFFFFED0] =	vst v9;
	v9 =	vmul.f32 v21, v14;
	v14 =	vld [tilespmem:s31+$0x0]  }
0x145: {  	v23 =	vmul.f32 v25, v18;
	v21 =	vld [tilespmem:s31+$0xFFFFFE90];
	[tilespmem:s31+$0xFFFFFEB0] =	vst v6;
	v15 =	vmul.f32 v15, v22  }
0x146: {  	v6 =	vld [tilespmem:s1+$0xFFFFFEB0];
	[tilespmem:s31+$0xFFFFFF00] =	vst v4;
	v19 =	vmul.f32 v19, v22;
	v4 =	vmul.f32 v20, v18  }
0x147: {  	v13 =	vmul.f32 v13, v17;
	v17 =	vmul.f32 v8, v17;
	[tilespmem:s31+$0xFFFFFF70] =	vst v10  }
0x148: {  	v1 =	vmul.f32 v1, v12;
	v8 =	vmul.f32 v26, v12;
	[tilespmem:s31+$0xFFFFFEC0] =	vst v11  }
0x149: {  	v3 =	vbroadcast v3, $0x4;
	[tilespmem:s31+$0xFFFFFE30] =	vst v13;
	v5 =	vmul.f32 v14, v5  }
0x14a: {  	[tilespmem:s31+$0xFFFFFE70] =	vst v1  }
0x14b: {  	v10 =	vmul.f32 v21, v3;
	v1 =	vmul.f32 v2, v3;
	[tilespmem:s31+$0xFFFFFF50] =	vst v16  }
0x14c: {  	[tilespmem:s31+$0xFFFFFEF0] =	vst v9  }
0x14d: {  	[tilespmem:s31+$0x0] =	vst v5  }
0x14e: {  	[tilespmem:s31+$0xFFFFFEA0] =	vst v1  }
0x14f: {  	[tilespmem:s31+$0xFFFFFE80] =	vst v8  }
0x150: {  	[tilespmem:s31+$0xFFFFFF30] =	vst v4  }
0x151: {  	v11 =	vld [tilespmem:s1+$0xFFFFFFF0];
	[tilespmem:s31+$0xFFFFFF40] =	vst v23  }
0x152: {  	v1 =	vld [tilespmem:s1+$0xFFFFFE70];
	[tilespmem:s31+$0xFFFFFE90] =	vst v10  }
0x153: {  	v4 =	vld [tilespmem:s1+$0xFFFFFF00];
	[tilespmem:s31+$0xFFFFFF60] =	vst v7  }
0x154: {  	v7 =	vld [tilespmem:s1+$0xFFFFFEE0];
	[tilespmem:s31+$0xFFFFFF10] =	vst v15  }
0x155: {  	v8 =	vld [tilespmem:s1+$0xFFFFFF90];
	[tilespmem:s31+$0xFFFFFE40] =	vst v17  }
0x156: {  	s10 =	sshra.s32 s10, $0x2;
	v13 =	vld [tilespmem:s1+$0xFFFFFE20];
	[tilespmem:s31+$0xFFFFFF20] =	vst v19;
	s31 =	smov.u32 s1  }
0x157: {  	v3 =	vld [tilespmem:s10+$0x480]  }
0x158: {  	v10 =	vld [tilespmem:s1+$0xFFFFFE50]  }
0x159: {  	v2 =	vld [tilespmem:s1+$0xFFFFFEA0]  }
0x15a: {  	v9 =	vld [tilespmem:s1+$0xFFFFFED0]  }
0x15b: {  	v12 =	vld [tilespmem:s1+$0xFFFFFE10]  }
0x15c: {  	v3 =	vadd.f32 $0.0e+00, v3;
	v14 =	vld [tilespmem:s1+$0xFFFFFFE0]  }
.Ltmp2:
0x15d: {  	v22 =	vld [tilespmem:s1+$0xFFFFFFD0];
	(pc) =	sbr.rel @p0 .LBB2_7-.Ltmp2, $4  }
0x15e: {  	v18 =	vbroadcast v3, $0x0;
	v20 =	vld [tilespmem:s1+$0xFFFFFFA0];
	v5 =	vbroadcast v3, $0xF  }
0x15f: {  	v19 =	vbroadcast v3, $0x2;
	v16 =	vbroadcast v3, $0xE;
	v21 =	vld [tilespmem:s1+$0xFFFFFE60]  }
0x160: {  	v24 =	vmul.f32 v18, v12;
	v12 =	vbroadcast v3, $0xD;
	v17 =	vld [tilespmem:s1+$0xFFFFFFC0]  }
0x161: {  	v15 =	vbroadcast v3, $0xC;
	v23 =	vmul.f32 v10, v19;
	v10 =	vld [tilespmem:s1+$0xFFFFFF70]  }
0x162: {  	[tilespmem:s31+$0xFFFFFE10] =	vst v24;
	v11 =	vmul.f32 v11, v5  }
0x163: {  	v22 =	vmul.f32 v22, v16;
	[tilespmem:s31+$0xFFFFFE50] =	vst v23  }
0x164: {  	v13 =	vmul.f32 v13, v18;
	[tilespmem:s31+$0xFFFFFFF0] =	vst v11  }
0x165: {  	v14 =	vmul.f32 v14, v16;
	[tilespmem:s31+$0xFFFFFFD0] =	vst v22  }
0x166: {  	v8 =	vmul.f32 v8, v15;
	[tilespmem:s31+$0xFFFFFE20] =	vst v13  }
0x167: {  	v18 =	vld [tilespmem:s31+$0xFFFFFF80];
	v11 =	vmul.f32 v20, v15;
	[tilespmem:s31+$0xFFFFFFE0] =	vst v14;
	v14 =	vbroadcast v3, $0x6  }
0x168: {  	v19 =	vmul.f32 v21, v19;
	[tilespmem:s31+$0xFFFFFF90] =	vst v8  }
0x169: {  	v16 =	vbroadcast v3, $0xB;
	v23 =	vld [tilespmem:s31+$0xFFFFFFB0];
	[tilespmem:s31+$0xFFFFFFA0] =	vst v11;
	v7 =	vmul.f32 v7, v14  }
0x16a: {  	[tilespmem:s31+$0xFFFFFE60] =	vst v19;
	v9 =	vmul.f32 v9, v14  }
0x16b: {  	v13 =	vld [tilespmem:s31+$0xFFFFFE30];
	v8 =	vbroadcast v3, $0x7;
	v10 =	vmul.f32 v10, v16;
	[tilespmem:s31+$0xFFFFFEE0] =	vst v7  }
0x16c: {  	v18 =	vmul.f32 v18, v16;
	[tilespmem:s31+$0xFFFFFED0] =	vst v9  }
0x16d: {  	v11 =	vld [tilespmem:s31+$0xFFFFFEF0];
	v4 =	vmul.f32 v4, v8;
	[tilespmem:s31+$0xFFFFFF70] =	vst v10  }
0x16e: {  	v20 =	vld [tilespmem:s31+$0xFFFFFEC0];
	v16 =	vbroadcast v3, $0x1;
	v19 =	vmul.f32 v23, v12;
	[tilespmem:s31+$0xFFFFFF80] =	vst v18  }
0x16f: {  	v12 =	vmul.f32 v17, v12;
	v17 =	vbroadcast v3, $0x5;
	[tilespmem:s31+$0xFFFFFF00] =	vst v4  }
0x170: {  	v13 =	vmul.f32 v13, v16;
	[tilespmem:s31+$0xFFFFFFB0] =	vst v19  }
0x171: {  	v21 =	vld [tilespmem:s31+$0xFFFFFF50];
	[tilespmem:s31+$0xFFFFFFC0] =	vst v12;
	v6 =	vmul.f32 v6, v17  }
0x172: {  	v19 =	vld [tilespmem:s31+$0x0];
	[tilespmem:s31+$0xFFFFFE30] =	vst v13;
	v8 =	vmul.f32 v11, v8;
	v11 =	vbroadcast v3, $0x4  }
0x173: {  	v12 =	vld [tilespmem:s31+$0xFFFFFE80];
	[tilespmem:s31+$0xFFFFFEB0] =	vst v6;
	v6 =	vmul.f32 v20, v17;
	v17 =	vbroadcast v3, $0x3  }
0x174: {  	v15 =	vld [tilespmem:s31+$0xFFFFFF30];
	v4 =	vbroadcast v3, $0xA;
	v2 =	vmul.f32 v2, v11;
	[tilespmem:s31+$0xFFFFFEF0] =	vst v8  }
0x175: {  	v18 =	vld [tilespmem:s31+$0xFFFFFF40];
	v1 =	vmul.f32 v1, v17;
	[tilespmem:s31+$0xFFFFFEC0] =	vst v6  }
0x176: {  	v7 =	vld [tilespmem:s31+$0xFFFFFE90];
	v6 =	vmul.f32 v21, v4;
	[tilespmem:s31+$0xFFFFFEA0] =	vst v2  }
0x177: {  	v22 =	vld [tilespmem:s31+$0xFFFFFF60];
	[tilespmem:s31+$0xFFFFFE70] =	vst v1;
	v1 =	vmul.f32 v19, v5;
	v5 =	vbroadcast v3, $0x9  }
0x178: {  	v14 =	vld [tilespmem:s31+$0xFFFFFF10];
	[tilespmem:s31+$0xFFFFFF50] =	vst v6;
	v6 =	vmul.f32 v12, v17  }
0x179: {  	v10 =	vld [tilespmem:s31+$0xFFFFFE40];
	[tilespmem:s31+$0x0] =	vst v1;
	v1 =	vmul.f32 v15, v5  }
0x17a: {  	v9 =	vld [tilespmem:s31+$0xFFFFFF20];
	v2 =	vmul.f32 v18, v5;
	[tilespmem:s31+$0xFFFFFE80] =	vst v6  }
0x17b: {  	v3 =	vbroadcast v3, $0x8;
	v5 =	vmul.f32 v7, v11;
	[tilespmem:s31+$0xFFFFFF30] =	vst v1  }
0x17c: {  	v1 =	vmul.f32 v22, v4;
	[tilespmem:s31+$0xFFFFFF40] =	vst v2  }
0x17d: {  	v2 =	vmul.f32 v14, v3;
	[tilespmem:s31+$0xFFFFFE90] =	vst v5  }
0x17e: {  	v4 =	vmul.f32 v10, v16;
	[tilespmem:s31+$0xFFFFFF60] =	vst v1  }
0x17f: {  	v1 =	vmul.f32 v9, v3;
	[tilespmem:s31+$0xFFFFFF10] =	vst v2  }
0x180: {  	[tilespmem:s31+$0xFFFFFE40] =	vst v4  }
0x181: {  	[tilespmem:s31+$0xFFFFFF20] =	vst v1  }
0x182: {  	[spmem:s2] =	stream.indirect.scatter.add.f32 [tilespmem:s19], [sflag:$0x2], $0x20, s24, s17, $0xb8;
	[tilespmem:$0x1E600] =	vst v63  }
0x183: {  	_ =	swait.ge [sflag:s13], $0x1000  }
0x184: {  	[sflag:s13] =	ssyncset.done $0x0  }
0x185: {  	s31 =	simm.s32 $0x27F0;
	[sflag:s13] =	ssyncadd.s32 $0xFFFFF000  }
0x186: {  	v6 =	vld [tilespmem:s31+$0xFFFFFEB0]  }
0x187: {  	v11 =	vld [tilespmem:s31+$0xFFFFFFF0]  }
0x188: {  	v1 =	vld [tilespmem:s31+$0xFFFFFE70]  }
0x189: {  	v4 =	vld [tilespmem:s31+$0xFFFFFF00]  }
0x18a: {  	v7 =	vld [tilespmem:s31+$0xFFFFFEE0]  }
0x18b: {  	v8 =	vld [tilespmem:s31+$0xFFFFFF90]  }
0x18c: {  	s0 =	simm.s32 $0x0;
	v13 =	vld [tilespmem:s31+$0xFFFFFE20]  }
0x18d: {  	v3 =	vld [tilespmem:s0+$0x500]  }
0x18e: {  	v10 =	vld [tilespmem:s31+$0xFFFFFE50]  }
0x18f: {  	v2 =	vld [tilespmem:s31+$0xFFFFFEA0]  }
0x190: {  	v9 =	vld [tilespmem:s31+$0xFFFFFED0]  }
0x191: {  	v12 =	vld [tilespmem:s31+$0xFFFFFE10]  }
0x192: {  	v14 =	vld [tilespmem:s31+$0xFFFFFFE0];
	v3 =	vadd.f32 $0.0e+00, v3  }
0x193: {  	v22 =	vld [tilespmem:s31+$0xFFFFFFD0]  }
0x194: {  	v20 =	vld [tilespmem:s31+$0xFFFFFFA0];
	v18 =	vbroadcast v3, $0x0;
	v5 =	vbroadcast v3, $0xF  }
0x195: {  	v21 =	vld [tilespmem:s31+$0xFFFFFE60];
	v19 =	vbroadcast v3, $0x2;
	v16 =	vbroadcast v3, $0xE  }
0x196: {  	v17 =	vld [tilespmem:s31+$0xFFFFFFC0];
	v15 =	vbroadcast v3, $0xC;
	v24 =	vmul.f32 v18, v12  }
0x197: {  	s1 =	simm.s32 $0x27F0;
	s0 =	simm.s32 $0x40;
	v12 =	vbroadcast v3, $0xD;
	v23 =	vmul.f32 v10, v19;
	v10 =	vld [tilespmem:s31+$0xFFFFFF70]  }
.LBB2_9:
0x198: {  	p0 =	sne.s32 s0, $0x1C0  }
0x199: {  	[tilespmem:s31+$0xFFFFFE10] =	vst v24;
	v24 =	vld [tilespmem:s31+$0xFFFFFEC0];
	v22 =	vmul.f32 v22, v16;
	v11 =	vmul.f32 v11, v5;
	s1 =	sadd.s32 $0x200, s1;
	s10 =	smov.u32 s0;
	s0 =	sadd.s32 $0x40, s0  }
0x19a: {  	[tilespmem:s31+$0xFFFFFE50] =	vst v23;
	v23 =	vbroadcast v3, $0xA;
	v20 =	vmul.f32 v20, v15;
	v25 =	vld [tilespmem:s31+$0xFFFFFFB0]  }
0x19b: {  	v13 =	vmul.f32 v13, v18;
	v18 =	vmul.f32 v21, v19;
	v19 =	vld [tilespmem:s31+$0xFFFFFF80];
	[tilespmem:s31+$0xFFFFFFF0] =	vst v11  }
0x19c: {  	v11 =	vbroadcast v3, $0x5;
	v21 =	vld [tilespmem:s31+$0xFFFFFEF0];
	v17 =	vmul.f32 v17, v12;
	[tilespmem:s31+$0xFFFFFFD0] =	vst v22  }
0x19d: {  	v14 =	vmul.f32 v14, v16;
	v22 =	vbroadcast v3, $0x6;
	[tilespmem:s31+$0xFFFFFE20] =	vst v13;
	v13 =	vld [tilespmem:s31+$0xFFFFFE30]  }
0x19e: {  	v26 =	vbroadcast v3, $0xB;
	v6 =	vmul.f32 v6, v11;
	v16 =	vld [tilespmem:s31+$0xFFFFFF50];
	[tilespmem:s31+$0xFFFFFFA0] =	vst v20  }
0x19f: {  	[tilespmem:s31+$0xFFFFFE60] =	vst v18;
	v18 =	vbroadcast v3, $0x9;
	v20 =	vld [tilespmem:s31+$0xFFFFFF30];
	v12 =	vmul.f32 v25, v12  }
0x1a0: {  	v11 =	vmul.f32 v24, v11;
	v24 =	vld [tilespmem:s31+$0xFFFFFF60];
	v19 =	vmul.f32 v19, v26;
	[tilespmem:s31+$0xFFFFFFE0] =	vst v14  }
0x1a1: {  	v8 =	vmul.f32 v8, v15;
	v14 =	vbroadcast v3, $0x7;
	v25 =	vld [tilespmem:s31+$0xFFFFFF40];
	[tilespmem:s31+$0xFFFFFFB0] =	vst v12  }
0x1a2: {  	v9 =	vmul.f32 v9, v22;
	v12 =	vbroadcast v3, $0x3;
	v15 =	vld [tilespmem:s31+$0xFFFFFF10];
	[tilespmem:s31+$0xFFFFFF80] =	vst v19  }
0x1a3: {  	v10 =	vmul.f32 v10, v26;
	v7 =	vmul.f32 v7, v22;
	v19 =	vld [tilespmem:s31+$0xFFFFFF20];
	[tilespmem:s31+$0xFFFFFF90] =	vst v8  }
0x1a4: {  	v22 =	vbroadcast v3, $0x8;
	v16 =	vmul.f32 v16, v23;
	v8 =	vld [tilespmem:s31+$0xFFFFFE40];
	[tilespmem:s31+$0xFFFFFFC0] =	vst v17  }
0x1a5: {  	v17 =	vbroadcast v3, $0x1;
	v26 =	vld [tilespmem:s31+$0xFFFFFE80];
	[tilespmem:s31+$0xFFFFFEE0] =	vst v7;
	v7 =	vmul.f32 v24, v23  }
0x1a6: {  	v4 =	vmul.f32 v4, v14;
	[tilespmem:s31+$0xFFFFFED0] =	vst v9;
	v9 =	vmul.f32 v21, v14;
	v14 =	vld [tilespmem:s31+$0x0]  }
0x1a7: {  	v23 =	vmul.f32 v25, v18;
	v21 =	vld [tilespmem:s31+$0xFFFFFE90];
	[tilespmem:s31+$0xFFFFFEB0] =	vst v6;
	v15 =	vmul.f32 v15, v22  }
0x1a8: {  	v6 =	vld [tilespmem:s1+$0xFFFFFEB0];
	[tilespmem:s31+$0xFFFFFF00] =	vst v4;
	v19 =	vmul.f32 v19, v22;
	v4 =	vmul.f32 v20, v18  }
0x1a9: {  	v13 =	vmul.f32 v13, v17;
	v17 =	vmul.f32 v8, v17;
	[tilespmem:s31+$0xFFFFFF70] =	vst v10  }
0x1aa: {  	v1 =	vmul.f32 v1, v12;
	v8 =	vmul.f32 v26, v12;
	[tilespmem:s31+$0xFFFFFEC0] =	vst v11  }
0x1ab: {  	v3 =	vbroadcast v3, $0x4;
	[tilespmem:s31+$0xFFFFFE30] =	vst v13;
	v5 =	vmul.f32 v14, v5  }
0x1ac: {  	[tilespmem:s31+$0xFFFFFE70] =	vst v1  }
0x1ad: {  	v10 =	vmul.f32 v21, v3;
	v1 =	vmul.f32 v2, v3;
	[tilespmem:s31+$0xFFFFFF50] =	vst v16  }
0x1ae: {  	[tilespmem:s31+$0xFFFFFEF0] =	vst v9  }
0x1af: {  	[tilespmem:s31+$0x0] =	vst v5  }
0x1b0: {  	[tilespmem:s31+$0xFFFFFEA0] =	vst v1  }
0x1b1: {  	[tilespmem:s31+$0xFFFFFE80] =	vst v8  }
0x1b2: {  	[tilespmem:s31+$0xFFFFFF30] =	vst v4  }
0x1b3: {  	v11 =	vld [tilespmem:s1+$0xFFFFFFF0];
	[tilespmem:s31+$0xFFFFFF40] =	vst v23  }
0x1b4: {  	v1 =	vld [tilespmem:s1+$0xFFFFFE70];
	[tilespmem:s31+$0xFFFFFE90] =	vst v10  }
0x1b5: {  	v4 =	vld [tilespmem:s1+$0xFFFFFF00];
	[tilespmem:s31+$0xFFFFFF60] =	vst v7  }
0x1b6: {  	v7 =	vld [tilespmem:s1+$0xFFFFFEE0];
	[tilespmem:s31+$0xFFFFFF10] =	vst v15  }
0x1b7: {  	v8 =	vld [tilespmem:s1+$0xFFFFFF90];
	[tilespmem:s31+$0xFFFFFE40] =	vst v17  }
0x1b8: {  	s10 =	sshra.s32 s10, $0x2;
	v13 =	vld [tilespmem:s1+$0xFFFFFE20];
	[tilespmem:s31+$0xFFFFFF20] =	vst v19;
	s31 =	smov.u32 s1  }
0x1b9: {  	v3 =	vld [tilespmem:s10+$0x500]  }
0x1ba: {  	v10 =	vld [tilespmem:s1+$0xFFFFFE50]  }
0x1bb: {  	v2 =	vld [tilespmem:s1+$0xFFFFFEA0]  }
0x1bc: {  	v9 =	vld [tilespmem:s1+$0xFFFFFED0]  }
0x1bd: {  	v12 =	vld [tilespmem:s1+$0xFFFFFE10]  }
0x1be: {  	v3 =	vadd.f32 $0.0e+00, v3;
	v14 =	vld [tilespmem:s1+$0xFFFFFFE0]  }
.Ltmp3:
0x1bf: {  	v22 =	vld [tilespmem:s1+$0xFFFFFFD0];
	(pc) =	sbr.rel @p0 .LBB2_9-.Ltmp3, $4  }
0x1c0: {  	v18 =	vbroadcast v3, $0x0;
	v20 =	vld [tilespmem:s1+$0xFFFFFFA0];
	v5 =	vbroadcast v3, $0xF  }
0x1c1: {  	v19 =	vbroadcast v3, $0x2;
	v16 =	vbroadcast v3, $0xE;
	v21 =	vld [tilespmem:s1+$0xFFFFFE60]  }
0x1c2: {  	v24 =	vmul.f32 v18, v12;
	v12 =	vbroadcast v3, $0xD;
	v17 =	vld [tilespmem:s1+$0xFFFFFFC0]  }
0x1c3: {  	v15 =	vbroadcast v3, $0xC;
	v23 =	vmul.f32 v10, v19;
	v10 =	vld [tilespmem:s1+$0xFFFFFF70]  }
0x1c4: {  	[tilespmem:s31+$0xFFFFFE10] =	vst v24;
	v11 =	vmul.f32 v11, v5  }
0x1c5: {  	v22 =	vmul.f32 v22, v16;
	[tilespmem:s31+$0xFFFFFE50] =	vst v23  }
0x1c6: {  	v13 =	vmul.f32 v13, v18;
	[tilespmem:s31+$0xFFFFFFF0] =	vst v11  }
0x1c7: {  	v14 =	vmul.f32 v14, v16;
	[tilespmem:s31+$0xFFFFFFD0] =	vst v22  }
0x1c8: {  	v8 =	vmul.f32 v8, v15;
	[tilespmem:s31+$0xFFFFFE20] =	vst v13  }
0x1c9: {  	v18 =	vld [tilespmem:s31+$0xFFFFFF80];
	v11 =	vmul.f32 v20, v15;
	[tilespmem:s31+$0xFFFFFFE0] =	vst v14;
	v14 =	vbroadcast v3, $0x6  }
0x1ca: {  	v19 =	vmul.f32 v21, v19;
	[tilespmem:s31+$0xFFFFFF90] =	vst v8  }
0x1cb: {  	v16 =	vbroadcast v3, $0xB;
	v23 =	vld [tilespmem:s31+$0xFFFFFFB0];
	[tilespmem:s31+$0xFFFFFFA0] =	vst v11;
	v7 =	vmul.f32 v7, v14  }
0x1cc: {  	[tilespmem:s31+$0xFFFFFE60] =	vst v19;
	v9 =	vmul.f32 v9, v14  }
0x1cd: {  	v13 =	vld [tilespmem:s31+$0xFFFFFE30];
	v8 =	vbroadcast v3, $0x7;
	v10 =	vmul.f32 v10, v16;
	[tilespmem:s31+$0xFFFFFEE0] =	vst v7  }
0x1ce: {  	v18 =	vmul.f32 v18, v16;
	[tilespmem:s31+$0xFFFFFED0] =	vst v9  }
0x1cf: {  	v11 =	vld [tilespmem:s31+$0xFFFFFEF0];
	v4 =	vmul.f32 v4, v8;
	[tilespmem:s31+$0xFFFFFF70] =	vst v10  }
0x1d0: {  	v20 =	vld [tilespmem:s31+$0xFFFFFEC0];
	v16 =	vbroadcast v3, $0x1;
	v19 =	vmul.f32 v23, v12;
	[tilespmem:s31+$0xFFFFFF80] =	vst v18  }
0x1d1: {  	v12 =	vmul.f32 v17, v12;
	v17 =	vbroadcast v3, $0x5;
	[tilespmem:s31+$0xFFFFFF00] =	vst v4  }
0x1d2: {  	v13 =	vmul.f32 v13, v16;
	[tilespmem:s31+$0xFFFFFFB0] =	vst v19  }
0x1d3: {  	v21 =	vld [tilespmem:s31+$0xFFFFFF50];
	[tilespmem:s31+$0xFFFFFFC0] =	vst v12;
	v6 =	vmul.f32 v6, v17  }
0x1d4: {  	v19 =	vld [tilespmem:s31+$0x0];
	[tilespmem:s31+$0xFFFFFE30] =	vst v13;
	v8 =	vmul.f32 v11, v8;
	v11 =	vbroadcast v3, $0x4  }
0x1d5: {  	v12 =	vld [tilespmem:s31+$0xFFFFFE80];
	[tilespmem:s31+$0xFFFFFEB0] =	vst v6;
	v6 =	vmul.f32 v20, v17;
	v17 =	vbroadcast v3, $0x3  }
0x1d6: {  	v15 =	vld [tilespmem:s31+$0xFFFFFF30];
	v4 =	vbroadcast v3, $0xA;
	v2 =	vmul.f32 v2, v11;
	[tilespmem:s31+$0xFFFFFEF0] =	vst v8  }
0x1d7: {  	v18 =	vld [tilespmem:s31+$0xFFFFFF40];
	v1 =	vmul.f32 v1, v17;
	[tilespmem:s31+$0xFFFFFEC0] =	vst v6  }
0x1d8: {  	v7 =	vld [tilespmem:s31+$0xFFFFFE90];
	v6 =	vmul.f32 v21, v4;
	[tilespmem:s31+$0xFFFFFEA0] =	vst v2  }
0x1d9: {  	v22 =	vld [tilespmem:s31+$0xFFFFFF60];
	[tilespmem:s31+$0xFFFFFE70] =	vst v1;
	v1 =	vmul.f32 v19, v5;
	v5 =	vbroadcast v3, $0x9  }
0x1da: {  	v14 =	vld [tilespmem:s31+$0xFFFFFF10];
	[tilespmem:s31+$0xFFFFFF50] =	vst v6;
	v6 =	vmul.f32 v12, v17  }
0x1db: {  	v10 =	vld [tilespmem:s31+$0xFFFFFE40];
	[tilespmem:s31+$0x0] =	vst v1;
	v1 =	vmul.f32 v15, v5  }
0x1dc: {  	v9 =	vld [tilespmem:s31+$0xFFFFFF20];
	v2 =	vmul.f32 v18, v5;
	[tilespmem:s31+$0xFFFFFE80] =	vst v6  }
0x1dd: {  	v3 =	vbroadcast v3, $0x8;
	v5 =	vmul.f32 v7, v11;
	[tilespmem:s31+$0xFFFFFF30] =	vst v1  }
0x1de: {  	v1 =	vmul.f32 v22, v4;
	[tilespmem:s31+$0xFFFFFF40] =	vst v2  }
0x1df: {  	v2 =	vmul.f32 v14, v3;
	[tilespmem:s31+$0xFFFFFE90] =	vst v5  }
0x1e0: {  	v4 =	vmul.f32 v10, v16;
	[tilespmem:s31+$0xFFFFFF60] =	vst v1  }
0x1e1: {  	v1 =	vmul.f32 v9, v3;
	[tilespmem:s31+$0xFFFFFF10] =	vst v2  }
0x1e2: {  	[tilespmem:s31+$0xFFFFFE40] =	vst v4  }
0x1e3: {  	[tilespmem:s31+$0xFFFFFF20] =	vst v1  }
0x1e4: {  	[spmem:s2] =	stream.indirect.scatter.add.f32 [tilespmem:s21], [sflag:$0x2], $0x20, s25, s17, $0xb8;
	[tilespmem:$0x1E600] =	vst v63  }
0x1e5: {  	_ =	swait.ge [sflag:s13], $0x1000  }
0x1e6: {  	[sflag:s13] =	ssyncset.done $0x0  }
0x1e7: {  	s31 =	simm.s32 $0x37F0;
	[sflag:s13] =	ssyncadd.s32 $0xFFFFF000  }
0x1e8: {  	v6 =	vld [tilespmem:s31+$0xFFFFFEB0]  }
0x1e9: {  	v11 =	vld [tilespmem:s31+$0xFFFFFFF0]  }
0x1ea: {  	v1 =	vld [tilespmem:s31+$0xFFFFFE70]  }
0x1eb: {  	v4 =	vld [tilespmem:s31+$0xFFFFFF00]  }
0x1ec: {  	v7 =	vld [tilespmem:s31+$0xFFFFFEE0]  }
0x1ed: {  	v8 =	vld [tilespmem:s31+$0xFFFFFF90]  }
0x1ee: {  	s0 =	simm.s32 $0x0;
	v13 =	vld [tilespmem:s31+$0xFFFFFE20]  }
0x1ef: {  	v3 =	vld [tilespmem:s0+$0x580]  }
0x1f0: {  	v10 =	vld [tilespmem:s31+$0xFFFFFE50]  }
0x1f1: {  	v2 =	vld [tilespmem:s31+$0xFFFFFEA0]  }
0x1f2: {  	v9 =	vld [tilespmem:s31+$0xFFFFFED0]  }
0x1f3: {  	v12 =	vld [tilespmem:s31+$0xFFFFFE10]  }
0x1f4: {  	v14 =	vld [tilespmem:s31+$0xFFFFFFE0];
	v3 =	vadd.f32 $0.0e+00, v3  }
0x1f5: {  	v22 =	vld [tilespmem:s31+$0xFFFFFFD0]  }
0x1f6: {  	v20 =	vld [tilespmem:s31+$0xFFFFFFA0];
	v18 =	vbroadcast v3, $0x0;
	v5 =	vbroadcast v3, $0xF  }
0x1f7: {  	v21 =	vld [tilespmem:s31+$0xFFFFFE60];
	v19 =	vbroadcast v3, $0x2;
	v16 =	vbroadcast v3, $0xE  }
0x1f8: {  	v17 =	vld [tilespmem:s31+$0xFFFFFFC0];
	v15 =	vbroadcast v3, $0xC;
	v24 =	vmul.f32 v18, v12  }
0x1f9: {  	s1 =	simm.s32 $0x37F0;
	s0 =	simm.s32 $0x40;
	v12 =	vbroadcast v3, $0xD;
	v23 =	vmul.f32 v10, v19;
	v10 =	vld [tilespmem:s31+$0xFFFFFF70]  }
.LBB2_11:
0x1fa: {  	p0 =	sne.s32 s0, $0x1C0  }
0x1fb: {  	[tilespmem:s31+$0xFFFFFE10] =	vst v24;
	v24 =	vld [tilespmem:s31+$0xFFFFFEC0];
	v22 =	vmul.f32 v22, v16;
	v11 =	vmul.f32 v11, v5;
	s1 =	sadd.s32 $0x200, s1;
	s10 =	smov.u32 s0;
	s0 =	sadd.s32 $0x40, s0  }
0x1fc: {  	[tilespmem:s31+$0xFFFFFE50] =	vst v23;
	v23 =	vbroadcast v3, $0xA;
	v20 =	vmul.f32 v20, v15;
	v25 =	vld [tilespmem:s31+$0xFFFFFFB0]  }
0x1fd: {  	v13 =	vmul.f32 v13, v18;
	v18 =	vmul.f32 v21, v19;
	v19 =	vld [tilespmem:s31+$0xFFFFFF80];
	[tilespmem:s31+$0xFFFFFFF0] =	vst v11  }
0x1fe: {  	v11 =	vbroadcast v3, $0x5;
	v21 =	vld [tilespmem:s31+$0xFFFFFEF0];
	v17 =	vmul.f32 v17, v12;
	[tilespmem:s31+$0xFFFFFFD0] =	vst v22  }
0x1ff: {  	v14 =	vmul.f32 v14, v16;
	v22 =	vbroadcast v3, $0x6;
	[tilespmem:s31+$0xFFFFFE20] =	vst v13;
	v13 =	vld [tilespmem:s31+$0xFFFFFE30]  }
0x200: {  	v26 =	vbroadcast v3, $0xB;
	v6 =	vmul.f32 v6, v11;
	v16 =	vld [tilespmem:s31+$0xFFFFFF50];
	[tilespmem:s31+$0xFFFFFFA0] =	vst v20  }
0x201: {  	[tilespmem:s31+$0xFFFFFE60] =	vst v18;
	v18 =	vbroadcast v3, $0x9;
	v20 =	vld [tilespmem:s31+$0xFFFFFF30];
	v12 =	vmul.f32 v25, v12  }
0x202: {  	v11 =	vmul.f32 v24, v11;
	v24 =	vld [tilespmem:s31+$0xFFFFFF60];
	v19 =	vmul.f32 v19, v26;
	[tilespmem:s31+$0xFFFFFFE0] =	vst v14  }
0x203: {  	v8 =	vmul.f32 v8, v15;
	v14 =	vbroadcast v3, $0x7;
	v25 =	vld [tilespmem:s31+$0xFFFFFF40];
	[tilespmem:s31+$0xFFFFFFB0] =	vst v12  }
0x204: {  	v9 =	vmul.f32 v9, v22;
	v12 =	vbroadcast v3, $0x3;
	v15 =	vld [tilespmem:s31+$0xFFFFFF10];
	[tilespmem:s31+$0xFFFFFF80] =	vst v19  }
0x205: {  	v10 =	vmul.f32 v10, v26;
	v7 =	vmul.f32 v7, v22;
	v19 =	vld [tilespmem:s31+$0xFFFFFF20];
	[tilespmem:s31+$0xFFFFFF90] =	vst v8  }
0x206: {  	v22 =	vbroadcast v3, $0x8;
	v16 =	vmul.f32 v16, v23;
	v8 =	vld [tilespmem:s31+$0xFFFFFE40];
	[tilespmem:s31+$0xFFFFFFC0] =	vst v17  }
0x207: {  	v17 =	vbroadcast v3, $0x1;
	v26 =	vld [tilespmem:s31+$0xFFFFFE80];
	[tilespmem:s31+$0xFFFFFEE0] =	vst v7;
	v7 =	vmul.f32 v24, v23  }
0x208: {  	v4 =	vmul.f32 v4, v14;
	[tilespmem:s31+$0xFFFFFED0] =	vst v9;
	v9 =	vmul.f32 v21, v14;
	v14 =	vld [tilespmem:s31+$0x0]  }
0x209: {  	v23 =	vmul.f32 v25, v18;
	v21 =	vld [tilespmem:s31+$0xFFFFFE90];
	[tilespmem:s31+$0xFFFFFEB0] =	vst v6;
	v15 =	vmul.f32 v15, v22  }
0x20a: {  	v6 =	vld [tilespmem:s1+$0xFFFFFEB0];
	[tilespmem:s31+$0xFFFFFF00] =	vst v4;
	v19 =	vmul.f32 v19, v22;
	v4 =	vmul.f32 v20, v18  }
0x20b: {  	v13 =	vmul.f32 v13, v17;
	v17 =	vmul.f32 v8, v17;
	[tilespmem:s31+$0xFFFFFF70] =	vst v10  }
0x20c: {  	v1 =	vmul.f32 v1, v12;
	v8 =	vmul.f32 v26, v12;
	[tilespmem:s31+$0xFFFFFEC0] =	vst v11  }
0x20d: {  	v3 =	vbroadcast v3, $0x4;
	[tilespmem:s31+$0xFFFFFE30] =	vst v13;
	v5 =	vmul.f32 v14, v5  }
0x20e: {  	[tilespmem:s31+$0xFFFFFE70] =	vst v1  }
0x20f: {  	v10 =	vmul.f32 v21, v3;
	v1 =	vmul.f32 v2, v3;
	[tilespmem:s31+$0xFFFFFF50] =	vst v16  }
0x210: {  	[tilespmem:s31+$0xFFFFFEF0] =	vst v9  }
0x211: {  	[tilespmem:s31+$0x0] =	vst v5  }
0x212: {  	[tilespmem:s31+$0xFFFFFEA0] =	vst v1  }
0x213: {  	[tilespmem:s31+$0xFFFFFE80] =	vst v8  }
0x214: {  	[tilespmem:s31+$0xFFFFFF30] =	vst v4  }
0x215: {  	v11 =	vld [tilespmem:s1+$0xFFFFFFF0];
	[tilespmem:s31+$0xFFFFFF40] =	vst v23  }
0x216: {  	v1 =	vld [tilespmem:s1+$0xFFFFFE70];
	[tilespmem:s31+$0xFFFFFE90] =	vst v10  }
0x217: {  	v4 =	vld [tilespmem:s1+$0xFFFFFF00];
	[tilespmem:s31+$0xFFFFFF60] =	vst v7  }
0x218: {  	v7 =	vld [tilespmem:s1+$0xFFFFFEE0];
	[tilespmem:s31+$0xFFFFFF10] =	vst v15  }
0x219: {  	v8 =	vld [tilespmem:s1+$0xFFFFFF90];
	[tilespmem:s31+$0xFFFFFE40] =	vst v17  }
0x21a: {  	s10 =	sshra.s32 s10, $0x2;
	v13 =	vld [tilespmem:s1+$0xFFFFFE20];
	[tilespmem:s31+$0xFFFFFF20] =	vst v19;
	s31 =	smov.u32 s1  }
0x21b: {  	v3 =	vld [tilespmem:s10+$0x580]  }
0x21c: {  	v10 =	vld [tilespmem:s1+$0xFFFFFE50]  }
0x21d: {  	v2 =	vld [tilespmem:s1+$0xFFFFFEA0]  }
0x21e: {  	v9 =	vld [tilespmem:s1+$0xFFFFFED0]  }
0x21f: {  	v12 =	vld [tilespmem:s1+$0xFFFFFE10]  }
0x220: {  	v3 =	vadd.f32 $0.0e+00, v3;
	v14 =	vld [tilespmem:s1+$0xFFFFFFE0]  }
.Ltmp4:
0x221: {  	v22 =	vld [tilespmem:s1+$0xFFFFFFD0];
	(pc) =	sbr.rel @p0 .LBB2_11-.Ltmp4, $4  }
0x222: {  	v18 =	vbroadcast v3, $0x0;
	v20 =	vld [tilespmem:s1+$0xFFFFFFA0];
	v5 =	vbroadcast v3, $0xF  }
0x223: {  	v19 =	vbroadcast v3, $0x2;
	v16 =	vbroadcast v3, $0xE;
	v21 =	vld [tilespmem:s1+$0xFFFFFE60]  }
0x224: {  	v24 =	vmul.f32 v18, v12;
	v12 =	vbroadcast v3, $0xD;
	v17 =	vld [tilespmem:s1+$0xFFFFFFC0]  }
0x225: {  	v15 =	vbroadcast v3, $0xC;
	v23 =	vmul.f32 v10, v19;
	v10 =	vld [tilespmem:s1+$0xFFFFFF70]  }
0x226: {  	[tilespmem:s31+$0xFFFFFE10] =	vst v24;
	v11 =	vmul.f32 v11, v5  }
0x227: {  	v22 =	vmul.f32 v22, v16;
	[tilespmem:s31+$0xFFFFFE50] =	vst v23  }
0x228: {  	v13 =	vmul.f32 v13, v18;
	[tilespmem:s31+$0xFFFFFFF0] =	vst v11  }
0x229: {  	v14 =	vmul.f32 v14, v16;
	[tilespmem:s31+$0xFFFFFFD0] =	vst v22  }
0x22a: {  	v34 =	vmul.f32 v20, v15;
	[tilespmem:s31+$0xFFFFFE20] =	vst v13  }
0x22b: {  	v41 =	vbroadcast v3, $0x6;
	v8 =	vmul.f32 v8, v15;
	[tilespmem:s31+$0xFFFFFFE0] =	vst v14  }
0x22c: {  	v19 =	vmul.f32 v21, v19;
	[tilespmem:s31+$0xFFFFFFA0] =	vst v34  }
0x22d: {  	v45 =	vbroadcast v3, $0x5;
	v7 =	vmul.f32 v7, v41;
	[tilespmem:s31+$0xFFFFFF90] =	vst v8  }
0x22e: {  	v47 =	vbroadcast v3, $0x7;
	v9 =	vmul.f32 v9, v41;
	[tilespmem:s31+$0xFFFFFE60] =	vst v19  }
0x22f: {  	v54 =	vbroadcast v3, $0x3;
	v6 =	vmul.f32 v6, v45;
	[tilespmem:s31+$0xFFFFFEE0] =	vst v7  }
0x230: {  	v32 =	vld [tilespmem:s31+$0xFFFFFFB0];
	v59 =	vbroadcast v3, $0x4;
	v4 =	vmul.f32 v4, v47;
	[tilespmem:s31+$0xFFFFFED0] =	vst v9  }
0x231: {  	v33 =	vld [tilespmem:s31+$0xFFFFFF80];
	v1 =	vmul.f32 v1, v54;
	[tilespmem:s31+$0xFFFFFEB0] =	vst v6  }
0x232: {  	v35 =	vld [tilespmem:s31+$0xFFFFFEC0];
	v37 =	vbroadcast v3, $0xB;
	v2 =	vmul.f32 v2, v59;
	[tilespmem:s31+$0xFFFFFF00] =	vst v4  }
0x233: {  	v36 =	vld [tilespmem:s31+$0xFFFFFE30];
	v43 =	vmul.f32 v17, v12;
	[tilespmem:s31+$0xFFFFFE70] =	vst v1  }
0x234: {  	v40 =	vld [tilespmem:s31+$0xFFFFFF50];
	v10 =	vmul.f32 v10, v37;
	[tilespmem:s31+$0xFFFFFEA0] =	vst v2  }
0x235: {  	v38 =	vld [tilespmem:s31+$0xFFFFFEF0];
	v39 =	vmul.f32 v32, v12;
	[tilespmem:s31+$0xFFFFFFC0] =	vst v43  }
0x236: {  	v52 =	vbroadcast v3, $0x1;
	v55 =	vld [tilespmem:s31+$0x0];
	v18 =	vmul.f32 v33, v37;
	[tilespmem:s31+$0xFFFFFF70] =	vst v10  }
0x237: {  	v49 =	vld [tilespmem:s31+$0xFFFFFE80];
	v56 =	vbroadcast v3, $0xA;
	v53 =	vmul.f32 v35, v45;
	[tilespmem:s31+$0xFFFFFFB0] =	vst v39  }
0x238: {  	v46 =	vld [tilespmem:s31+$0xFFFFFF40];
	v13 =	vmul.f32 v36, v52;
	[tilespmem:s31+$0xFFFFFF80] =	vst v18  }
0x239: {  	v50 =	vld [tilespmem:s31+$0xFFFFFE90];
	v58 =	vmul.f32 v40, v56;
	[tilespmem:s31+$0xFFFFFEC0] =	vst v53  }
0x23a: {  	v44 =	vld [tilespmem:s31+$0xFFFFFF30];
	v8 =	vmul.f32 v38, v47;
	[tilespmem:s31+$0xFFFFFE30] =	vst v13  }
0x23b: {  	v57 =	vld [tilespmem:s31+$0xFFFFFE40];
	v60 =	vbroadcast v3, $0x9;
	v1 =	vmul.f32 v55, v5;
	[tilespmem:s31+$0xFFFFFF50] =	vst v58  }
0x23c: {  	v42 =	vld [tilespmem:s31+$0xFFFFFF60];
	v61 =	vmul.f32 v49, v54;
	[tilespmem:s31+$0xFFFFFEF0] =	vst v8  }
0x23d: {  	v48 =	vld [tilespmem:s31+$0xFFFFFF10];
	v2 =	vmul.f32 v46, v60;
	[tilespmem:s31+$0x0] =	vst v1  }
0x23e: {  	v51 =	vld [tilespmem:s31+$0xFFFFFF20];
	v62 =	vmul.f32 v50, v59;
	[tilespmem:s31+$0xFFFFFE80] =	vst v61  }
0x23f: {  	v1 =	vmul.f32 v44, v60;
	[tilespmem:s31+$0xFFFFFF40] =	vst v2  }
0x240: {  	v3 =	vbroadcast v3, $0x8;
	v63 =	vmul.f32 v57, v52;
	[tilespmem:s31+$0xFFFFFE90] =	vst v62  }
0x241: {  	[tilespmem:s31+$0xFFFFFF30] =	vst v1;
	v1 =	vmul.f32 v42, v56  }
0x242: {  	v2 =	vmul.f32 v48, v3;
	[tilespmem:s31+$0xFFFFFE40] =	vst v63  }
0x243: {  	[tilespmem:s31+$0xFFFFFF60] =	vst v1;
	v1 =	vmul.f32 v51, v3  }
0x244: {  	[tilespmem:s31+$0xFFFFFF10] =	vst v2  }
0x245: {  	[tilespmem:s31+$0xFFFFFF20] =	vst v1  }
0x246: {  	[spmem:s2] =	stream.indirect.scatter.add.f32 [tilespmem:s23], [sflag:$0x2], $0x20, s26, s17, $0xb8;
	[tilespmem:$0x1E600] =	vst v63  }
0x247: {  	_ =	swait.ge [sflag:s16], $0x1000  }
0x248: {  	[sflag:s16] =	ssyncset.done $0x0  }
0x249: {  	[sflag:s16] =	ssyncadd.s32 $0xFFFFF000  }
0x24a: {  	_ =	swait.ge [sflag:s16], $0x1000  }
0x24b: {  	[sflag:s16] =	ssyncset.done $0x0  }
0x24c: {  	s30 =	sadd.s32 $0x1, s30;
	[sflag:s16] =	ssyncadd.s32 $0xFFFFF000  }
0x24d: {  	p0 =	sne.s32 s30, $0x62;
	_ =	swait.ge [sflag:s16], $0x1000  }
.Ltmp5:
0x24e: {  	[sflag:s16] =	ssyncset.done $0x0;
	(pc) =	sbr.rel @p0 .LBB2_4-.Ltmp5, $4  }
0x24f: {  	[sflag:s16] =	ssyncadd.s32 $0xFFFFF000  }
0x250: {  	_ =	swait.ge [sflag:s16], $0x1000  }
0x251: {  	[sflag:s16] =	ssyncset.done $0x0  }
0x252: {  	[sflag:s16] =	ssyncadd.s32 $0xFFFFF000  }
0x253: {  	s0 =	stileid.u32;
	[bflag:$0x0] =	sbarrier.arrive $0xFFFF;
	s3 =	sadd.s32 $0x1, s3  }
0x254: {  	s1 =	sshrl.u32 s8, $0x3;
	s0 =	sshll.u32 s0, $0x6;
	p0 =	sne.s32 s3, s11  }
.Ltmp6:
0x255: {  	s10 =	rddreg [dreg:$0x1b];
	s0 =	sor.u32 $0x1C03, s0;
	(pc) =	sbr.rel @p0 .LBB2_1-.Ltmp6, $4  }
0x256: {  	[hbm:s10], [sflag:s0] =	dma.local [spmem:s1], $0x3200  }
0x257: {  	_ =	swait.ge [sflag:s28], $0x3200  }
0x258: {  	[sflag:s28] =	ssyncset.done $0x0  }
0x259: {  	[sflag:s28] =	ssyncadd.s32 $0xFFFFCE00  }
0x25a: {  	_ =	sfence.sel $0x180000  }
0x25b: {  	[bflag:$0x0] =	sbarrier.arrive $0xFFFF  }
0x25c: {  	_ =	strace $0x9000004A  }
0x25d: {  	s0 =	stileid.u32;
	[bflag:$0x2] =	sbarrier.arrive $0xFFFF  }
0x25e: {  	p0 =	sne.s32 s0, $0x0;
	s0 =	rddreg [dreg:$0x2]  }
0x25f: {  	s0 =	sadd.s32 @!p0 $0x100000, s0  }
0x260: {  	[sflag:s0] =	ssyncadd.tile.s32 @!p0 $0x1;
	_ =	shalt  }
.Lfunc_end2:
_tile_overlayer_lowered:
.L_overlay_start_2:
0x261: {  	(tag) =	ssettag $0x2  }
0x262: {  	s0 =	rddreg [dreg:$0x0];
	s2 =	stileid.u32  }
0x263: {  	s1 =	rddreg [dreg:$0x1];
	p0 =	sne.s32 s2, $0x0  }
0x264: {  	s3 =	rddreg [dreg:$0x2];
	[bflag:$0x3] =	sbarrier.arrive $0xFFFF;
	s2 =	simm.s32 @!p0 $0x1C03  }
0x265: {  	[timem:s3], [sflag:s2] =	dma.local @!p0 [hbm:s0], s1  }
0x266: {  	s0 =	simm.s32 @!p0 $0x3  }
0x267: {  	_ =	swait.ge @!p0 [sflag:s0], s1  }
0x268: {  	s1 =	ssub.s32 @!p0 $0x0, s1;
	[sflag:s0] =	ssyncset.done @!p0 $0x0  }
0x269: {  	[sflag:s0] =	ssyncadd.s32 @!p0 s1  }
0x26a: {  	[bflag:$0x3] =	sbarrier.arrive $0xFFFF  }
0x26b: {  	_ =	shalt  }

</sc_bundles>
